<compile_context>
chip_gen: v7x
topology: tpu7x:2x2x1
jax: 0.10.2.dev20260603
libtpu: 0.0.44.dev20260713+nightly
codegen_flags: <defaults>
</compile_context>

<pallas_src>
import functools

import jax
import jax.numpy as jnp
from jax import lax
from jax.experimental import pallas as pl
from jax.experimental.pallas import tpu as pltpu
from jax.experimental.pallas import tpu_sc as plsc

B, C, H, W = 2, 64, 184, 180
HW = H * W
D = B * C
DW = D // 2
NPTS = 16384
NV = 32

_info = plsc.get_sparse_core_info()
NC, NS, L = _info.num_cores, _info.num_subcores, _info.num_lanes
NW = NC * NS
PW = NPTS // NW
NPC = 4
NCHUNK = PW // NPC
IDX_PER_CHUNK = NPC * NV
WG = DW // L


def _sc_gather_mean(table, idx):
    mesh = plsc.VectorSubcoreMesh(core_axis_name="c", subcore_axis_name="s")

    @functools.partial(
        pl.kernel,
        mesh=mesh,
        out_type=jax.ShapeDtypeStruct((D, NPTS), jnp.float32),
        compiler_params=pltpu.CompilerParams(
            needs_layout_passes=False, use_tc_tiling_on_sc=False),
        scratch_types=[
            pltpu.VMEM((NCHUNK * IDX_PER_CHUNK,), jnp.int32),
            pltpu.VMEM((2, IDX_PER_CHUNK, DW), jnp.int32),
            pltpu.VMEM((D, PW), jnp.float32),
            pltpu.SemaphoreType.DMA,
            pltpu.SemaphoreType.DMA,
        ],
    )
    def k(table_hbm, idx_hbm, out_hbm, idx_v, rows_v, outst_v, sem0, sem1):
        wid = lax.axis_index("s") * NC + lax.axis_index("c")
        pltpu.sync_copy(
            idx_hbm.at[pl.ds(wid * (PW * NV), PW * NV)], idx_v)
        sems = (sem0, sem1)
        himask = jnp.full((L,), -65536, jnp.int32)
        row16 = lax.iota(jnp.int32, L)
        lo_rows = [wg * L + row16 for wg in range(WG)]
        hi_rows = [DW + wg * L + row16 for wg in range(WG)]

        def gather(ci, b, sem):
            return pltpu.make_async_copy(
                table_hbm.at[idx_v.at[pl.ds(ci * IDX_PER_CHUNK, IDX_PER_CHUNK)]],
                rows_v.at[b], sem)

        gather(0, 0, sem0).start()
        gather(1, 1, sem1).start()

        def pair_body(g, _):
            for b in range(2):
                ci = g * 2 + b
                gather(ci, b, sems[b]).wait()

                def pt_body(j, _):
                    base = j * NV
                    pcol = jnp.full((L,), ci * NPC + j, jnp.int32)
                    for wg in range(WG):
                        col = wg * L
                        w = rows_v[b, base, pl.ds(col, L)]
                        lo = plsc.bitcast(lax.shift_left(w, 16), jnp.float32)
                        hi = plsc.bitcast(lax.bitwise_and(w, himask), jnp.float32)
                        for r in range(1, NV):
                            w = rows_v[b, base + r, pl.ds(col, L)]
                            lo = lo + plsc.bitcast(
                                lax.shift_left(w, 16), jnp.float32)
                            hi = hi + plsc.bitcast(
                                lax.bitwise_and(w, himask), jnp.float32)
                        plsc.store_scatter(outst_v, [lo_rows[wg], pcol], lo)
                        plsc.store_scatter(outst_v, [hi_rows[wg], pcol], hi)
                    return 0

                lax.fori_loop(0, NPC, pt_body, 0)

                @pl.when(ci + 2 < NCHUNK)
                def _():
                    gather(ci + 2, b, sems[b]).start()

            return 0

        lax.fori_loop(0, NCHUNK // 2, pair_body, 0)
        pltpu.sync_copy(outst_v, out_hbm.at[:, pl.ds(wid * PW, PW)])

    return k(table, idx)


def kernel(feats, mapping):
    scaled = ((feats * (1.0 / NV)).astype(jnp.bfloat16)
              .reshape(B, C, HW))
    u = jax.lax.bitcast_convert_type(scaled, jnp.uint16)
    words = u[0].astype(jnp.uint32) | (u[1].astype(jnp.uint32) << 16)
    tab_i32 = jnp.transpose(
        jax.lax.bitcast_convert_type(words, jnp.int32))
    out_t = _sc_gather_mean(tab_i32, mapping.reshape(-1))
    return out_t.reshape(B, C, NPTS, 1)

# --- scband reference (transcript-rebuilt; emitter-appended) ---
"""Pipeline reference for scband-ht2-sphere-41875931136702 (READ-ONLY COPY).

The authoritative reference and input builder live on the scoring server;
editing this copy changes nothing except your own understanding.
"""

import jax, jax.numpy as jnp
import numpy as np


def setup_inputs(seed: int = 0) -> dict:
    key = jax.random.key(seed)
    k1, k2 = jax.random.split(key)
    # Hough-transform feature map: B=2, C=64, H=184 (rho bins), W=180 (theta bins)
    feats = jax.random.normal(k1, (2, 64, 184, 180), dtype=jnp.float32)
    # Gaussian-sphere vote mapping: for each of 16384 sphere points, 32 flat
    # indices into the H*W HT space (values in [0, H*W)).
    mapping = jax.random.randint(k2, (1, 16384, 32, 1), 0, 184 * 180, dtype=jnp.int32)
    return {"feats": feats, "mapping": mapping}


def reference(feats, mapping):
    # Faithful translation of HT2SPHERE: for every sphere point p, gather the
    # HT feature values at its num_votes flat indices and average them
    # (segment/vote reduction). Output: [B, C, num_pts, 1].
    B, C, H, W = feats.shape
    _, num_pts, num_votes, _ = mapping.shape
    flat = feats.reshape(B, C, H * W)
    idx = mapping.reshape(num_pts * num_votes)
    gathered = jnp.take(flat, idx, axis=2).reshape(B, C, num_pts, num_votes)
    out = jnp.mean(gathered, axis=3, keepdims=True)
    return out

if __name__ == "__main__":
    import jax
    _d = setup_inputs()
    print(jax.jit(kernel)(*tuple(_d.values())))

</pallas_src>

<mosaic_0001>
#map = affine_map<(d0, d1) -> (0, 0)>
#map1 = affine_map<(d0, d1) -> (0)>
module attributes {stable_mosaic.version = 14 : i64} {
  func.func @k(%arg0: i32, %arg1: i32, %arg2: memref<33120x64xi32, #tpu.memory_space<hbm>>, %arg3: memref<524288xi32, #tpu.memory_space<hbm>>, %arg4: memref<128x16384xf32, #tpu.memory_space<hbm>>, %arg5: memref<16384xi32, #tpu.memory_space<vmem>>, %arg6: memref<2x128x64xi32, #tpu.memory_space<vmem>>, %arg7: memref<128x512xf32, #tpu.memory_space<vmem>>, %arg8: memref<!tpu.dma_semaphore, #tpu.memory_space<semaphore_mem>>, %arg9: memref<!tpu.dma_semaphore, #tpu.memory_space<semaphore_mem>>) attributes {dimension_semantics = [#tpu.dimension_semantics<core_parallel>, #tpu.dimension_semantics<subcore_parallel>], iteration_bounds = array<i64: 2, 16>, scalar_prefetch = 0 : i64, scratch_operands = 5 : i64, tpu.core_type = #tpu.core_type<sc_vector_subcore>, window_params = [{transform_indices = #map}, {transform_indices = #map1}, {transform_indices = #map}]} {
    %mul3A = arith.constant 2 : i32
    %mul3A_0 = arith.muli %arg1, %mul3A : i32
    %add3A = arith.addi %mul3A_0, %arg0 : i32
    %mul3A_1 = arith.constant 16384 : i32
    %mul3A_2 = arith.muli %add3A, %mul3A_1 : i32
    "tpu.region"() ({
      %run_scoped3A = tpu.sem_alloc : memref<!tpu.dma_semaphore, #tpu.memory_space<semaphore_mem>>
      %dma_start3A_55 = tpu.memref_slice %arg3[%mul3A_2] : memref<524288xi32, #tpu.memory_space<hbm>> -> memref<16384xi32, #tpu.memory_space<hbm>>
      %dma_start3A_56 = tpu.memref_slice %arg3[%mul3A_2] : memref<524288xi32, #tpu.memory_space<hbm>> -> memref<16384xi32, #tpu.memory_space<hbm>>
      tpu.enqueue_dma source(%dma_start3A_56 : memref<16384xi32, #tpu.memory_space<hbm>>) target(%arg5 : memref<16384xi32, #tpu.memory_space<vmem>>) target_semaphore(%run_scoped3A : memref<!tpu.dma_semaphore, #tpu.memory_space<semaphore_mem>>)
      %dma_wait3A = tpu.memref_slice %arg3[%mul3A_2] : memref<524288xi32, #tpu.memory_space<hbm>> -> memref<16384xi32, #tpu.memory_space<hbm>>
      %dma_wait3A_57 = tpu.memref_slice %arg3[%mul3A_2] : memref<524288xi32, #tpu.memory_space<hbm>> -> memref<16384xi32, #tpu.memory_space<hbm>>
      tpu.wait_dma2 semaphore(%run_scoped3A : memref<!tpu.dma_semaphore, #tpu.memory_space<semaphore_mem>>) src(%dma_wait3A_57 : memref<16384xi32, #tpu.memory_space<hbm>>) dst(%arg5 : memref<16384xi32, #tpu.memory_space<vmem>>)
      tpu.yield
    }) : () -> ()
    %broadcast_in_dim3A = arith.constant -65536 : i32
    %broadcast_in_dim3A_3 = vector.broadcast %broadcast_in_dim3A : i32 to vector<16xi32>
    %iota3A = tpu.iota {dimensions = array<i32: 0>} : vector<16xi32>
    %add3A_4 = arith.constant 0 : i32
    %add3A_5 = vector.broadcast %add3A_4 : i32 to vector<16xi32>
    %add3A_6 = arith.addi %add3A_5, %iota3A : vector<16xi32>
    %add3A_7 = arith.constant 16 : i32
    %add3A_8 = vector.broadcast %add3A_7 : i32 to vector<16xi32>
    %add3A_9 = arith.addi %add3A_8, %iota3A : vector<16xi32>
    %add3A_10 = arith.constant 32 : i32
    %add3A_11 = vector.broadcast %add3A_10 : i32 to vector<16xi32>
    %add3A_12 = arith.addi %add3A_11, %iota3A : vector<16xi32>
    %add3A_13 = arith.constant 48 : i32
    %add3A_14 = vector.broadcast %add3A_13 : i32 to vector<16xi32>
    %add3A_15 = arith.addi %add3A_14, %iota3A : vector<16xi32>
    %add3A_16 = arith.constant 64 : i32
    %add3A_17 = vector.broadcast %add3A_16 : i32 to vector<16xi32>
    %add3A_18 = arith.addi %add3A_17, %iota3A : vector<16xi32>
    %add3A_19 = arith.constant 80 : i32
    %add3A_20 = vector.broadcast %add3A_19 : i32 to vector<16xi32>
    %add3A_21 = arith.addi %add3A_20, %iota3A : vector<16xi32>
    %add3A_22 = arith.constant 96 : i32
    %add3A_23 = vector.broadcast %add3A_22 : i32 to vector<16xi32>
    %add3A_24 = arith.addi %add3A_23, %iota3A : vector<16xi32>
    %add3A_25 = arith.constant 112 : i32
    %add3A_26 = vector.broadcast %add3A_25 : i32 to vector<16xi32>
    %add3A_27 = arith.addi %add3A_26, %iota3A : vector<16xi32>
    %dma_start3A = arith.constant 0 : i32
    %dma_start3A_28 = arith.constant 0 : i32
    %dma_start3A_29 = arith.constant 0 : i32
    %dma_start3A_30 = tpu.memref_slice %arg6[%dma_start3A, %dma_start3A_28, %dma_start3A_29] : memref<2x128x64xi32, #tpu.memory_space<vmem>> -> memref<1x128x64xi32, #tpu.memory_space<vmem>>
    %dma_start3A_31 = tpu.memref_squeeze %dma_start3A_30 : memref<1x128x64xi32, #tpu.memory_space<vmem>> -> memref<128x64xi32, #tpu.memory_space<vmem>>
    %dma_start3A_32 = arith.constant 0 : i32
    %dma_start3A_33 = tpu.memref_slice %arg5[%dma_start3A_32] : memref<16384xi32, #tpu.memory_space<vmem>> -> memref<128xi32, #tpu.memory_space<vmem>>
    %dma_start3A_34 = arith.constant 0 : i32
    %dma_start3A_35 = arith.constant 0 : i32
    %dma_start3A_36 = tpu.memref_slice %arg2[%dma_start3A_34, %dma_start3A_35] : memref<33120x64xi32, #tpu.memory_space<hbm>> -> memref<33120x64xi32, #tpu.memory_space<hbm>>
    tpu.enqueue_indirect_dma source(%dma_start3A_36 : memref<33120x64xi32, #tpu.memory_space<hbm>>) target(%dma_start3A_31 : memref<128x64xi32, #tpu.memory_space<vmem>>) offsets(%dma_start3A_33 : memref<128xi32, #tpu.memory_space<vmem>>) semaphore(%arg8 : memref<!tpu.dma_semaphore, #tpu.memory_space<semaphore_mem>>)
    %dma_start3A_37 = arith.constant 1 : i32
    %dma_start3A_38 = arith.constant 0 : i32
    %dma_start3A_39 = arith.constant 0 : i32
    %dma_start3A_40 = tpu.memref_slice %arg6[%dma_start3A_37, %dma_start3A_38, %dma_start3A_39] : memref<2x128x64xi32, #tpu.memory_space<vmem>> -> memref<1x128x64xi32, #tpu.memory_space<vmem>>
    %dma_start3A_41 = tpu.memref_squeeze %dma_start3A_40 : memref<1x128x64xi32, #tpu.memory_space<vmem>> -> memref<128x64xi32, #tpu.memory_space<vmem>>
    %dma_start3A_42 = arith.constant 128 : i32
    %dma_start3A_43 = tpu.memref_slice %arg5[%dma_start3A_42] : memref<16384xi32, #tpu.memory_space<vmem>> -> memref<128xi32, #tpu.memory_space<vmem>>
    %dma_start3A_44 = arith.constant 0 : i32
    %dma_start3A_45 = arith.constant 0 : i32
    %dma_start3A_46 = tpu.memref_slice %arg2[%dma_start3A_44, %dma_start3A_45] : memref<33120x64xi32, #tpu.memory_space<hbm>> -> memref<33120x64xi32, #tpu.memory_space<hbm>>
    tpu.enqueue_indirect_dma source(%dma_start3A_46 : memref<33120x64xi32, #tpu.memory_space<hbm>>) target(%dma_start3A_41 : memref<128x64xi32, #tpu.memory_space<vmem>>) offsets(%dma_start3A_43 : memref<128xi32, #tpu.memory_space<vmem>>) semaphore(%arg9 : memref<!tpu.dma_semaphore, #tpu.memory_space<semaphore_mem>>)
    %scan3A = arith.constant 0 : i32
    %scan3A_47 = arith.constant 0 : i32
    %scan3A_48 = arith.constant 64 : i32
    %scan3A_49 = arith.addi %scan3A_47, %scan3A_48 : i32
    %scan3A_50 = arith.constant 1 : i32
    %scan3A_51 = scf.for %scan3A_55 = %scan3A_47 to %scan3A_49 step %scan3A_50 iter_args(%scan3A_56 = %scan3A) -> (i32)  : i32 {
      %mul3A_57 = arith.constant 2 : i32
      %mul3A_58 = arith.muli %scan3A_55, %mul3A_57 : i32
      %add3A_59 = arith.constant 0 : i32
      %add3A_60 = arith.addi %mul3A_58, %add3A_59 : i32
      %mul3A_61 = arith.constant 128 : i32
      %mul3A_62 = arith.muli %add3A_60, %mul3A_61 : i32
      %dma_wait3A = arith.constant 0 : i32
      %dma_wait3A_63 = arith.constant 0 : i32
      %dma_wait3A_64 = arith.constant 0 : i32
      %dma_wait3A_65 = tpu.memref_slice %arg6[%dma_wait3A, %dma_wait3A_63, %dma_wait3A_64] : memref<2x128x64xi32, #tpu.memory_space<vmem>> -> memref<1x128x64xi32, #tpu.memory_space<vmem>>
      %dma_wait3A_66 = tpu.memref_squeeze %dma_wait3A_65 : memref<1x128x64xi32, #tpu.memory_space<vmem>> -> memref<128x64xi32, #tpu.memory_space<vmem>>
      %dma_wait3A_67 = tpu.memref_slice %arg5[%mul3A_62] : memref<16384xi32, #tpu.memory_space<vmem>> -> memref<128xi32, #tpu.memory_space<vmem>>
      %dma_wait3A_68 = arith.constant 0 : i32
      %dma_wait3A_69 = arith.constant 0 : i32
      %dma_wait3A_70 = tpu.memref_slice %arg2[%dma_wait3A_68, %dma_wait3A_69] : memref<33120x64xi32, #tpu.memory_space<hbm>> -> memref<33120x64xi32, #tpu.memory_space<hbm>>
      tpu.wait_indirect_dma semaphore(%arg8 : memref<!tpu.dma_semaphore, #tpu.memory_space<semaphore_mem>>) src(%dma_wait3A_70 : memref<33120x64xi32, #tpu.memory_space<hbm>>) dst(%dma_wait3A_66 : memref<128x64xi32, #tpu.memory_space<vmem>>)
      %scan3A_71 = arith.constant 0 : i32
      %scan3A_72 = arith.constant 0 : i32
      %scan3A_73 = arith.constant 4 : i32
      %scan3A_74 = arith.addi %scan3A_72, %scan3A_73 : i32
      %scan3A_75 = arith.constant 1 : i32
      %scan3A_76 = scf.for %scan3A_112 = %scan3A_72 to %scan3A_74 step %scan3A_75 iter_args(%scan3A_113 = %scan3A_71) -> (i32)  : i32 {
        %mul3A_114 = arith.constant 32 : i32
        %mul3A_115 = arith.muli %scan3A_112, %mul3A_114 : i32
        %mul3A_116 = arith.constant 4 : i32
        %mul3A_117 = arith.muli %add3A_60, %mul3A_116 : i32
        %add3A_118 = arith.addi %mul3A_117, %scan3A_112 : i32
        %broadcast_in_dim3A_119 = vector.broadcast %add3A_118 : i32 to vector<16xi32>
        %get3A = arith.constant 0 : i32
        %get3A_120 = arith.index_cast %get3A : i32 to index
        %get3A_121 = arith.index_cast %mul3A_115 : i32 to index
        %get3A_122 = arith.constant 0 : index
        %get3A_123 = tpu.vector_load %arg6[%get3A_120, %get3A_121, %get3A_122] {strides = array<i32>} : memref<2x128x64xi32, #tpu.memory_space<vmem>>, vector<16xi32>,
        %shift_left3A = arith.constant 16 : i32
        %shift_left3A_124 = vector.broadcast %shift_left3A : i32 to vector<16xi32>
        %shift_left3A_125 = arith.shli %get3A_123, %shift_left3A_124 : vector<16xi32>
        %bitcast3A = vector.bitcast %shift_left3A_125 : vector<16xi32> to vector<16xf32>
        %and3A = arith.andi %get3A_123, %broadcast_in_dim3A_3 : vector<16xi32>
        %bitcast3A_126 = vector.bitcast %and3A : vector<16xi32> to vector<16xf32>
        %add3A_127 = arith.constant 1 : i32
        %add3A_128 = arith.addi %mul3A_115, %add3A_127 : i32
        %get3A_129 = arith.constant 0 : i32
        %get3A_130 = arith.index_cast %get3A_129 : i32 to index
        %get3A_131 = arith.index_cast %add3A_128 : i32 to index
        %get3A_132 = arith.constant 0 : index
        %get3A_133 = tpu.vector_load %arg6[%get3A_130, %get3A_131, %get3A_132] {strides = array<i32>} : memref<2x128x64xi32, #tpu.memory_space<vmem>>, vector<16xi32>,
        %shift_left3A_134 = arith.constant 16 : i32
        %shift_left3A_135 = vector.broadcast %shift_left3A_134 : i32 to vector<16xi32>
        %shift_left3A_136 = arith.shli %get3A_133, %shift_left3A_135 : vector<16xi32>
        %bitcast3A_137 = vector.bitcast %shift_left3A_136 : vector<16xi32> to vector<16xf32>
        %add3A_138 = arith.addf %bitcast3A, %bitcast3A_137 : vector<16xf32>
        %and3A_139 = arith.andi %get3A_133, %broadcast_in_dim3A_3 : vector<16xi32>
        %bitcast3A_140 = vector.bitcast %and3A_139 : vector<16xi32> to vector<16xf32>
        %add3A_141 = arith.addf %bitcast3A_126, %bitcast3A_140 : vector<16xf32>
        %add3A_142 = arith.constant 2 : i32
        %add3A_143 = arith.addi %mul3A_115, %add3A_142 : i32
        %get3A_144 = arith.constant 0 : i32
        %get3A_145 = arith.index_cast %get3A_144 : i32 to index
        %get3A_146 = arith.index_cast %add3A_143 : i32 to index
        %get3A_147 = arith.constant 0 : index
        %get3A_148 = tpu.vector_load %arg6[%get3A_145, %get3A_146, %get3A_147] {strides = array<i32>} : memref<2x128x64xi32, #tpu.memory_space<vmem>>, vector<16xi32>,
        %shift_left3A_149 = arith.constant 16 : i32
        %shift_left3A_150 = vector.broadcast %shift_left3A_149 : i32 to vector<16xi32>
        %shift_left3A_151 = arith.shli %get3A_148, %shift_left3A_150 : vector<16xi32>
        %bitcast3A_152 = vector.bitcast %shift_left3A_151 : vector<16xi32> to vector<16xf32>
        %add3A_153 = arith.addf %add3A_138, %bitcast3A_152 : vector<16xf32>
        %and3A_154 = arith.andi %get3A_148, %broadcast_in_dim3A_3 : vector<16xi32>
        %bitcast3A_155 = vector.bitcast %and3A_154 : vector<16xi32> to vector<16xf32>
        %add3A_156 = arith.addf %add3A_141, %bitcast3A_155 : vector<16xf32>
        %add3A_157 = arith.constant 3 : i32
        %add3A_158 = arith.addi %mul3A_115, %add3A_157 : i32
        %get3A_159 = arith.constant 0 : i32
        %get3A_160 = arith.index_cast %get3A_159 : i32 to index
        %get3A_161 = arith.index_cast %add3A_158 : i32 to index
        %get3A_162 = arith.constant 0 : index
        %get3A_163 = tpu.vector_load %arg6[%get3A_160, %get3A_161, %get3A_162] {strides = array<i32>} : memref<2x128x64xi32, #tpu.memory_space<vmem>>, vector<16xi32>,
        %shift_left3A_164 = arith.constant 16 : i32
        %shift_left3A_165 = vector.broadcast %shift_left3A_164 : i32 to vector<16xi32>
        %shift_left3A_166 = arith.shli %get3A_163, %shift_left3A_165 : vector<16xi32>
        %bitcast3A_167 = vector.bitcast %shift_left3A_166 : vector<16xi32> to vector<16xf32>
        %add3A_168 = arith.addf %add3A_153, %bitcast3A_167 : vector<16xf32>
        %and3A_169 = arith.andi %get3A_163, %broadcast_in_dim3A_3 : vector<16xi32>
        %bitcast3A_170 = vector.bitcast %and3A_169 : vector<16xi32> to vector<16xf32>
        %add3A_171 = arith.addf %add3A_156, %bitcast3A_170 : vector<16xf32>
        %add3A_172 = arith.constant 4 : i32
        %add3A_173 = arith.addi %mul3A_115, %add3A_172 : i32
        %get3A_174 = arith.constant 0 : i32
        %get3A_175 = arith.index_cast %get3A_174 : i32 to index
        %get3A_176 = arith.index_cast %add3A_173 : i32 to index
        %get3A_177 = arith.constant 0 : index
        %get3A_178 = tpu.vector_load %arg6[%get3A_175, %get3A_176, %get3A_177] {strides = array<i32>} : memref<2x128x64xi32, #tpu.memory_space<vmem>>, vector<16xi32>,
        %shift_left3A_179 = arith.constant 16 : i32
        %shift_left3A_180 = vector.broadcast %shift_left3A_179 : i32 to vector<16xi32>
        %shift_left3A_181 = arith.shli %get3A_178, %shift_left3A_180 : vector<16xi32>
        %bitcast3A_182 = vector.bitcast %shift_left3A_181 : vector<16xi32> to vector<16xf32>
        %add3A_183 = arith.addf %add3A_168, %bitcast3A_182 : vector<16xf32>
        %and3A_184 = arith.andi %get3A_178, %broadcast_in_dim3A_3 : vector<16xi32>
        %bitcast3A_185 = vector.bitcast %and3A_184 : vector<16xi32> to vector<16xf32>
        %add3A_186 = arith.addf %add3A_171, %bitcast3A_185 : vector<16xf32>
        %add3A_187 = arith.constant 5 : i32
        %add3A_188 = arith.addi %mul3A_115, %add3A_187 : i32
        %get3A_189 = arith.constant 0 : i32
        %get3A_190 = arith.index_cast %get3A_189 : i32 to index
        %get3A_191 = arith.index_cast %add3A_188 : i32 to index
        %get3A_192 = arith.constant 0 : index
        %get3A_193 = tpu.vector_load %arg6[%get3A_190, %get3A_191, %get3A_192] {strides = array<i32>} : memref<2x128x64xi32, #tpu.memory_space<vmem>>, vector<16xi32>,
        %shift_left3A_194 = arith.constant 16 : i32
        %shift_left3A_195 = vector.broadcast %shift_left3A_194 : i32 to vector<16xi32>
        %shift_left3A_196 = arith.shli %get3A_193, %shift_left3A_195 : vector<16xi32>
        %bitcast3A_197 = vector.bitcast %shift_left3A_196 : vector<16xi32> to vector<16xf32>
        %add3A_198 = arith.addf %add3A_183, %bitcast3A_197 : vector<16xf32>
        %and3A_199 = arith.andi %get3A_193, %broadcast_in_dim3A_3 : vector<16xi32>
        %bitcast3A_200 = vector.bitcast %and3A_199 : vector<16xi32> to vector<16xf32>
        %add3A_201 = arith.addf %add3A_186, %bitcast3A_200 : vector<16xf32>
        %add3A_202 = arith.constant 6 : i32
        %add3A_203 = arith.addi %mul3A_115, %add3A_202 : i32
        %get3A_204 = arith.constant 0 : i32
        %get3A_205 = arith.index_cast %get3A_204 : i32 to index
        %get3A_206 = arith.index_cast %add3A_203 : i32 to index
        %get3A_207 = arith.constant 0 : index
        %get3A_208 = tpu.vector_load %arg6[%get3A_205, %get3A_206, %get3A_207] {strides = array<i32>} : memref<2x128x64xi32, #tpu.memory_space<vmem>>, vector<16xi32>,
        %shift_left3A_209 = arith.constant 16 : i32
        %shift_left3A_210 = vector.broadcast %shift_left3A_209 : i32 to vector<16xi32>
        %shift_left3A_211 = arith.shli %get3A_208, %shift_left3A_210 : vector<16xi32>
        %bitcast3A_212 = vector.bitcast %shift_left3A_211 : vector<16xi32> to vector<16xf32>
        %add3A_213 = arith.addf %add3A_198, %bitcast3A_212 : vector<16xf32>
        %and3A_214 = arith.andi %get3A_208, %broadcast_in_dim3A_3 : vector<16xi32>
        %bitcast3A_215 = vector.bitcast %and3A_214 : vector<16xi32> to vector<16xf32>
        %add3A_216 = arith.addf %add3A_201, %bitcast3A_215 : vector<16xf32>
        %add3A_217 = arith.constant 7 : i32
        %add3A_218 = arith.addi %mul3A_115, %add3A_217 : i32
        %get3A_219 = arith.constant 0 : i32
        %get3A_220 = arith.index_cast %get3A_219 : i32 to index
        %get3A_221 = arith.index_cast %add3A_218 : i32 to index
        %get3A_222 = arith.constant 0 : index
        %get3A_223 = tpu.vector_load %arg6[%get3A_220, %get3A_221, %get3A_222] {strides = array<i32>} : memref<2x128x64xi32, #tpu.memory_space<vmem>>, vector<16xi32>,
        %shift_left3A_224 = arith.constant 16 : i32
        %shift_left3A_225 = vector.broadcast %shift_left3A_224 : i32 to vector<16xi32>
        %shift_left3A_226 = arith.shli %get3A_223, %shift_left3A_225 : vector<16xi32>
        %bitcast3A_227 = vector.bitcast %shift_left3A_226 : vector<16xi32> to vector<16xf32>
        %add3A_228 = arith.addf %add3A_213, %bitcast3A_227 : vector<16xf32>
        %and3A_229 = arith.andi %get3A_223, %broadcast_in_dim3A_3 : vector<16xi32>
        %bitcast3A_230 = vector.bitcast %and3A_229 : vector<16xi32> to vector<16xf32>
        %add3A_231 = arith.addf %add3A_216, %bitcast3A_230 : vector<16xf32>
        %add3A_232 = arith.constant 8 : i32
        %add3A_233 = arith.addi %mul3A_115, %add3A_232 : i32
        %get3A_234 = arith.constant 0 : i32
        %get3A_235 = arith.index_cast %get3A_234 : i32 to index
        %get3A_236 = arith.index_cast %add3A_233 : i32 to index
        %get3A_237 = arith.constant 0 : index
        %get3A_238 = tpu.vector_load %arg6[%get3A_235, %get3A_236, %get3A_237] {strides = array<i32>} : memref<2x128x64xi32, #tpu.memory_space<vmem>>, vector<16xi32>,
        %shift_left3A_239 = arith.constant 16 : i32
        %shift_left3A_240 = vector.broadcast %shift_left3A_239 : i32 to vector<16xi32>
        %shift_left3A_241 = arith.shli %get3A_238, %shift_left3A_240 : vector<16xi32>
        %bitcast3A_242 = vector.bitcast %shift_left3A_241 : vector<16xi32> to vector<16xf32>
        %add3A_243 = arith.addf %add3A_228, %bitcast3A_242 : vector<16xf32>
        %and3A_244 = arith.andi %get3A_238, %broadcast_in_dim3A_3 : vector<16xi32>
        %bitcast3A_245 = vector.bitcast %and3A_244 : vector<16xi32> to vector<16xf32>
        %add3A_246 = arith.addf %add3A_231, %bitcast3A_245 : vector<16xf32>
        %add3A_247 = arith.constant 9 : i32
        %add3A_248 = arith.addi %mul3A_115, %add3A_247 : i32
        %get3A_249 = arith.constant 0 : i32
        %get3A_250 = arith.index_cast %get3A_249 : i32 to index
        %get3A_251 = arith.index_cast %add3A_248 : i32 to index
        %get3A_252 = arith.constant 0 : index
        %get3A_253 = tpu.vector_load %arg6[%get3A_250, %get3A_251, %get3A_252] {strides = array<i32>} : memref<2x128x64xi32, #tpu.memory_space<vmem>>, vector<16xi32>,
        %shift_left3A_254 = arith.constant 16 : i32
        %shift_left3A_255 = vector.broadcast %shift_left3A_254 : i32 to vector<16xi32>
        %shift_left3A_256 = arith.shli %get3A_253, %shift_left3A_255 : vector<16xi32>
        %bitcast3A_257 = vector.bitcast %shift_left3A_256 : vector<16xi32> to vector<16xf32>
        %add3A_258 = arith.addf %add3A_243, %bitcast3A_257 : vector<16xf32>
        %and3A_259 = arith.andi %get3A_253, %broadcast_in_dim3A_3 : vector<16xi32>
        %bitcast3A_260 = vector.bitcast %and3A_259 : vector<16xi32> to vector<16xf32>
        %add3A_261 = arith.addf %add3A_246, %bitcast3A_260 : vector<16xf32>
        %add3A_262 = arith.constant 10 : i32
        %add3A_263 = arith.addi %mul3A_115, %add3A_262 : i32
        %get3A_264 = arith.constant 0 : i32
        %get3A_265 = arith.index_cast %get3A_264 : i32 to index
        %get3A_266 = arith.index_cast %add3A_263 : i32 to index
        %get3A_267 = arith.constant 0 : index
        %get3A_268 = tpu.vector_load %arg6[%get3A_265, %get3A_266, %get3A_267] {strides = array<i32>} : memref<2x128x64xi32, #tpu.memory_space<vmem>>, vector<16xi32>,
        %shift_left3A_269 = arith.constant 16 : i32
        %shift_left3A_270 = vector.broadcast %shift_left3A_269 : i32 to vector<16xi32>
        %shift_left3A_271 = arith.shli %get3A_268, %shift_left3A_270 : vector<16xi32>
        %bitcast3A_272 = vector.bitcast %shift_left3A_271 : vector<16xi32> to vector<16xf32>
        %add3A_273 = arith.addf %add3A_258, %bitcast3A_272 : vector<16xf32>
        %and3A_274 = arith.andi %get3A_268, %broadcast_in_dim3A_3 : vector<16xi32>
        %bitcast3A_275 = vector.bitcast %and3A_274 : vector<16xi32> to vector<16xf32>
        %add3A_276 = arith.addf %add3A_261, %bitcast3A_275 : vector<16xf32>
        %add3A_277 = arith.constant 11 : i32
        %add3A_278 = arith.addi %mul3A_115, %add3A_277 : i32
        %get3A_279 = arith.constant 0 : i32
        %get3A_280 = arith.index_cast %get3A_279 : i32 to index
        %get3A_281 = arith.index_cast %add3A_278 : i32 to index
        %get3A_282 = arith.constant 0 : index
        %get3A_283 = tpu.vector_load %arg6[%get3A_280, %get3A_281, %get3A_282] {strides = array<i32>} : memref<2x128x64xi32, #tpu.memory_space<vmem>>, vector<16xi32>,
        %shift_left3A_284 = arith.constant 16 : i32
        %shift_left3A_285 = vector.broadcast %shift_left3A_284 : i32 to vector<16xi32>
        %shift_left3A_286 = arith.shli %get3A_283, %shift_left3A_285 : vector<16xi32>
        %bitcast3A_287 = vector.bitcast %shift_left3A_286 : vector<16xi32> to vector<16xf32>
        %add3A_288 = arith.addf %add3A_273, %bitcast3A_287 : vector<16xf32>
        %and3A_289 = arith.andi %get3A_283, %broadcast_in_dim3A_3 : vector<16xi32>
        %bitcast3A_290 = vector.bitcast %and3A_289 : vector<16xi32> to vector<16xf32>
        %add3A_291 = arith.addf %add3A_276, %bitcast3A_290 : vector<16xf32>
        %add3A_292 = arith.constant 12 : i32
        %add3A_293 = arith.addi %mul3A_115, %add3A_292 : i32
        %get3A_294 = arith.constant 0 : i32
        %get3A_295 = arith.index_cast %get3A_294 : i32 to index
        %get3A_296 = arith.index_cast %add3A_293 : i32 to index
        %get3A_297 = arith.constant 0 : index
        %get3A_298 = tpu.vector_load %arg6[%get3A_295, %get3A_296, %get3A_297] {strides = array<i32>} : memref<2x128x64xi32, #tpu.memory_space<vmem>>, vector<16xi32>,
        %shift_left3A_299 = arith.constant 16 : i32
        %shift_left3A_300 = vector.broadcast %shift_left3A_299 : i32 to vector<16xi32>
        %shift_left3A_301 = arith.shli %get3A_298, %shift_left3A_300 : vector<16xi32>
        %bitcast3A_302 = vector.bitcast %shift_left3A_301 : vector<16xi32> to vector<16xf32>
        %add3A_303 = arith.addf %add3A_288, %bitcast3A_302 : vector<16xf32>
        %and3A_304 = arith.andi %get3A_298, %broadcast_in_dim3A_3 : vector<16xi32>
        %bitcast3A_305 = vector.bitcast %and3A_304 : vector<16xi32> to vector<16xf32>
        %add3A_306 = arith.addf %add3A_291, %bitcast3A_305 : vector<16xf32>
        %add3A_307 = arith.constant 13 : i32
        %add3A_308 = arith.addi %mul3A_115, %add3A_307 : i32
        %get3A_309 = arith.constant 0 : i32
        %get3A_310 = arith.index_cast %get3A_309 : i32 to index
        %get3A_311 = arith.index_cast %add3A_308 : i32 to index
        %get3A_312 = arith.constant 0 : index
        %get3A_313 = tpu.vector_load %arg6[%get3A_310, %get3A_311, %get3A_312] {strides = array<i32>} : memref<2x128x64xi32, #tpu.memory_space<vmem>>, vector<16xi32>,
        %shift_left3A_314 = arith.constant 16 : i32
        %shift_left3A_315 = vector.broadcast %shift_left3A_314 : i32 to vector<16xi32>
        %shift_left3A_316 = arith.shli %get3A_313, %shift_left3A_315 : vector<16xi32>
        %bitcast3A_317 = vector.bitcast %shift_left3A_316 : vector<16xi32> to vector<16xf32>
        %add3A_318 = arith.addf %add3A_303, %bitcast3A_317 : vector<16xf32>
        %and3A_319 = arith.andi %get3A_313, %broadcast_in_dim3A_3 : vector<16xi32>
        %bitcast3A_320 = vector.bitcast %and3A_319 : vector<16xi32> to vector<16xf32>
        %add3A_321 = arith.addf %add3A_306, %bitcast3A_320 : vector<16xf32>
        %add3A_322 = arith.constant 14 : i32
        %add3A_323 = arith.addi %mul3A_115, %add3A_322 : i32
        %get3A_324 = arith.constant 0 : i32
        %get3A_325 = arith.index_cast %get3A_324 : i32 to index
        %get3A_326 = arith.index_cast %add3A_323 : i32 to index
        %get3A_327 = arith.constant 0 : index
        %get3A_328 = tpu.vector_load %arg6[%get3A_325, %get3A_326, %get3A_327] {strides = array<i32>} : memref<2x128x64xi32, #tpu.memory_space<vmem>>, vector<16xi32>,
        %shift_left3A_329 = arith.constant 16 : i32
        %shift_left3A_330 = vector.broadcast %shift_left3A_329 : i32 to vector<16xi32>
        %shift_left3A_331 = arith.shli %get3A_328, %shift_left3A_330 : vector<16xi32>
        %bitcast3A_332 = vector.bitcast %shift_left3A_331 : vector<16xi32> to vector<16xf32>
        %add3A_333 = arith.addf %add3A_318, %bitcast3A_332 : vector<16xf32>
        %and3A_334 = arith.andi %get3A_328, %broadcast_in_dim3A_3 : vector<16xi32>
        %bitcast3A_335 = vector.bitcast %and3A_334 : vector<16xi32> to vector<16xf32>
        %add3A_336 = arith.addf %add3A_321, %bitcast3A_335 : vector<16xf32>
        %add3A_337 = arith.constant 15 : i32
        %add3A_338 = arith.addi %mul3A_115, %add3A_337 : i32
        %get3A_339 = arith.constant 0 : i32
        %get3A_340 = arith.index_cast %get3A_339 : i32 to index
        %get3A_341 = arith.index_cast %add3A_338 : i32 to index
        %get3A_342 = arith.constant 0 : index
        %get3A_343 = tpu.vector_load %arg6[%get3A_340, %get3A_341, %get3A_342] {strides = array<i32>} : memref<2x128x64xi32, #tpu.memory_space<vmem>>, vector<16xi32>,
        %shift_left3A_344 = arith.constant 16 : i32
        %shift_left3A_345 = vector.broadcast %shift_left3A_344 : i32 to vector<16xi32>
        %shift_left3A_346 = arith.shli %get3A_343, %shift_left3A_345 : vector<16xi32>
        %bitcast3A_347 = vector.bitcast %shift_left3A_346 : vector<16xi32> to vector<16xf32>
        %add3A_348 = arith.addf %add3A_333, %bitcast3A_347 : vector<16xf32>
        %and3A_349 = arith.andi %get3A_343, %broadcast_in_dim3A_3 : vector<16xi32>
        %bitcast3A_350 = vector.bitcast %and3A_349 : vector<16xi32> to vector<16xf32>
        %add3A_351 = arith.addf %add3A_336, %bitcast3A_350 : vector<16xf32>
        %add3A_352 = arith.constant 16 : i32
        %add3A_353 = arith.addi %mul3A_115, %add3A_352 : i32
        %get3A_354 = arith.constant 0 : i32
        %get3A_355 = arith.index_cast %get3A_354 : i32 to index
        %get3A_356 = arith.index_cast %add3A_353 : i32 to index
        %get3A_357 = arith.constant 0 : index
        %get3A_358 = tpu.vector_load %arg6[%get3A_355, %get3A_356, %get3A_357] {strides = array<i32>} : memref<2x128x64xi32, #tpu.memory_space<vmem>>, vector<16xi32>,
        %shift_left3A_359 = arith.constant 16 : i32
        %shift_left3A_360 = vector.broadcast %shift_left3A_359 : i32 to vector<16xi32>
        %shift_left3A_361 = arith.shli %get3A_358, %shift_left3A_360 : vector<16xi32>
        %bitcast3A_362 = vector.bitcast %shift_left3A_361 : vector<16xi32> to vector<16xf32>
        %add3A_363 = arith.addf %add3A_348, %bitcast3A_362 : vector<16xf32>
        %and3A_364 = arith.andi %get3A_358, %broadcast_in_dim3A_3 : vector<16xi32>
        %bitcast3A_365 = vector.bitcast %and3A_364 : vector<16xi32> to vector<16xf32>
        %add3A_366 = arith.addf %add3A_351, %bitcast3A_365 : vector<16xf32>
        %add3A_367 = arith.constant 17 : i32
        %add3A_368 = arith.addi %mul3A_115, %add3A_367 : i32
        %get3A_369 = arith.constant 0 : i32
        %get3A_370 = arith.index_cast %get3A_369 : i32 to index
        %get3A_371 = arith.index_cast %add3A_368 : i32 to index
        %get3A_372 = arith.constant 0 : index
        %get3A_373 = tpu.vector_load %arg6[%get3A_370, %get3A_371, %get3A_372] {strides = array<i32>} : memref<2x128x64xi32, #tpu.memory_space<vmem>>, vector<16xi32>,
        %shift_left3A_374 = arith.constant 16 : i32
        %shift_left3A_375 = vector.broadcast %shift_left3A_374 : i32 to vector<16xi32>
        %shift_left3A_376 = arith.shli %get3A_373, %shift_left3A_375 : vector<16xi32>
        %bitcast3A_377 = vector.bitcast %shift_left3A_376 : vector<16xi32> to vector<16xf32>
        %add3A_378 = arith.addf %add3A_363, %bitcast3A_377 : vector<16xf32>
        %and3A_379 = arith.andi %get3A_373, %broadcast_in_dim3A_3 : vector<16xi32>
        %bitcast3A_380 = vector.bitcast %and3A_379 : vector<16xi32> to vector<16xf32>
        %add3A_381 = arith.addf %add3A_366, %bitcast3A_380 : vector<16xf32>
        %add3A_382 = arith.constant 18 : i32
        %add3A_383 = arith.addi %mul3A_115, %add3A_382 : i32
        %get3A_384 = arith.constant 0 : i32
        %get3A_385 = arith.index_cast %get3A_384 : i32 to index
        %get3A_386 = arith.index_cast %add3A_383 : i32 to index
        %get3A_387 = arith.constant 0 : index
        %get3A_388 = tpu.vector_load %arg6[%get3A_385, %get3A_386, %get3A_387] {strides = array<i32>} : memref<2x128x64xi32, #tpu.memory_space<vmem>>, vector<16xi32>,
        %shift_left3A_389 = arith.constant 16 : i32
        %shift_left3A_390 = vector.broadcast %shift_left3A_389 : i32 to vector<16xi32>
        %shift_left3A_391 = arith.shli %get3A_388, %shift_left3A_390 : vector<16xi32>
        %bitcast3A_392 = vector.bitcast %shift_left3A_391 : vector<16xi32> to vector<16xf32>
        %add3A_393 = arith.addf %add3A_378, %bitcast3A_392 : vector<16xf32>
        %and3A_394 = arith.andi %get3A_388, %broadcast_in_dim3A_3 : vector<16xi32>
        %bitcast3A_395 = vector.bitcast %and3A_394 : vector<16xi32> to vector<16xf32>
        %add3A_396 = arith.addf %add3A_381, %bitcast3A_395 : vector<16xf32>
        %add3A_397 = arith.constant 19 : i32
        %add3A_398 = arith.addi %mul3A_115, %add3A_397 : i32
        %get3A_399 = arith.constant 0 : i32
        %get3A_400 = arith.index_cast %get3A_399 : i32 to index
        %get3A_401 = arith.index_cast %add3A_398 : i32 to index
        %get3A_402 = arith.constant 0 : index
        %get3A_403 = tpu.vector_load %arg6[%get3A_400, %get3A_401, %get3A_402] {strides = array<i32>} : memref<2x128x64xi32, #tpu.memory_space<vmem>>, vector<16xi32>,
        %shift_left3A_404 = arith.constant 16 : i32
        %shift_left3A_405 = vector.broadcast %shift_left3A_404 : i32 to vector<16xi32>
        %shift_left3A_406 = arith.shli %get3A_403, %shift_left3A_405 : vector<16xi32>
        %bitcast3A_407 = vector.bitcast %shift_left3A_406 : vector<16xi32> to vector<16xf32>
        %add3A_408 = arith.addf %add3A_393, %bitcast3A_407 : vector<16xf32>
        %and3A_409 = arith.andi %get3A_403, %broadcast_in_dim3A_3 : vector<16xi32>
        %bitcast3A_410 = vector.bitcast %and3A_409 : vector<16xi32> to vector<16xf32>
        %add3A_411 = arith.addf %add3A_396, %bitcast3A_410 : vector<16xf32>
        %add3A_412 = arith.constant 20 : i32
        %add3A_413 = arith.addi %mul3A_115, %add3A_412 : i32
        %get3A_414 = arith.constant 0 : i32
        %get3A_415 = arith.index_cast %get3A_414 : i32 to index
        %get3A_416 = arith.index_cast %add3A_413 : i32 to index
        %get3A_417 = arith.constant 0 : index
        %get3A_418 = tpu.vector_load %arg6[%get3A_415, %get3A_416, %get3A_417] {strides = array<i32>} : memref<2x128x64xi32, #tpu.memory_space<vmem>>, vector<16xi32>,
        %shift_left3A_419 = arith.constant 16 : i32
        %shift_left3A_420 = vector.broadcast %shift_left3A_419 : i32 to vector<16xi32>
        %shift_left3A_421 = arith.shli %get3A_418, %shift_left3A_420 : vector<16xi32>
        %bitcast3A_422 = vector.bitcast %shift_left3A_421 : vector<16xi32> to vector<16xf32>
        %add3A_423 = arith.addf %add3A_408, %bitcast3A_422 : vector<16xf32>
        %and3A_424 = arith.andi %get3A_418, %broadcast_in_dim3A_3 : vector<16xi32>
        %bitcast3A_425 = vector.bitcast %and3A_424 : vector<16xi32> to vector<16xf32>
        %add3A_426 = arith.addf %add3A_411, %bitcast3A_425 : vector<16xf32>
        %add3A_427 = arith.constant 21 : i32
        %add3A_428 = arith.addi %mul3A_115, %add3A_427 : i32
        %get3A_429 = arith.constant 0 : i32
        %get3A_430 = arith.index_cast %get3A_429 : i32 to index
        %get3A_431 = arith.index_cast %add3A_428 : i32 to index
        %get3A_432 = arith.constant 0 : index
        %get3A_433 = tpu.vector_load %arg6[%get3A_430, %get3A_431, %get3A_432] {strides = array<i32>} : memref<2x128x64xi32, #tpu.memory_space<vmem>>, vector<16xi32>,
        %shift_left3A_434 = arith.constant 16 : i32
        %shift_left3A_435 = vector.broadcast %shift_left3A_434 : i32 to vector<16xi32>
        %shift_left3A_436 = arith.shli %get3A_433, %shift_left3A_435 : vector<16xi32>
        %bitcast3A_437 = vector.bitcast %shift_left3A_436 : vector<16xi32> to vector<16xf32>
        %add3A_438 = arith.addf %add3A_423, %bitcast3A_437 : vector<16xf32>
        %and3A_439 = arith.andi %get3A_433, %broadcast_in_dim3A_3 : vector<16xi32>
        %bitcast3A_440 = vector.bitcast %and3A_439 : vector<16xi32> to vector<16xf32>
        %add3A_441 = arith.addf %add3A_426, %bitcast3A_440 : vector<16xf32>
        %add3A_442 = arith.constant 22 : i32
        %add3A_443 = arith.addi %mul3A_115, %add3A_442 : i32
        %get3A_444 = arith.constant 0 : i32
        %get3A_445 = arith.index_cast %get3A_444 : i32 to index
        %get3A_446 = arith.index_cast %add3A_443 : i32 to index
        %get3A_447 = arith.constant 0 : index
        %get3A_448 = tpu.vector_load %arg6[%get3A_445, %get3A_446, %get3A_447] {strides = array<i32>} : memref<2x128x64xi32, #tpu.memory_space<vmem>>, vector<16xi32>,
        %shift_left3A_449 = arith.constant 16 : i32
        %shift_left3A_450 = vector.broadcast %shift_left3A_449 : i32 to vector<16xi32>
        %shift_left3A_451 = arith.shli %get3A_448, %shift_left3A_450 : vector<16xi32>
        %bitcast3A_452 = vector.bitcast %shift_left3A_451 : vector<16xi32> to vector<16xf32>
        %add3A_453 = arith.addf %add3A_438, %bitcast3A_452 : vector<16xf32>
        %and3A_454 = arith.andi %get3A_448, %broadcast_in_dim3A_3 : vector<16xi32>
        %bitcast3A_455 = vector.bitcast %and3A_454 : vector<16xi32> to vector<16xf32>
        %add3A_456 = arith.addf %add3A_441, %bitcast3A_455 : vector<16xf32>
        %add3A_457 = arith.constant 23 : i32
        %add3A_458 = arith.addi %mul3A_115, %add3A_457 : i32
        %get3A_459 = arith.constant 0 : i32
        %get3A_460 = arith.index_cast %get3A_459 : i32 to index
        %get3A_461 = arith.index_cast %add3A_458 : i32 to index
        %get3A_462 = arith.constant 0 : index
        %get3A_463 = tpu.vector_load %arg6[%get3A_460, %get3A_461, %get3A_462] {strides = array<i32>} : memref<2x128x64xi32, #tpu.memory_space<vmem>>, vector<16xi32>,
        %shift_left3A_464 = arith.constant 16 : i32
        %shift_left3A_465 = vector.broadcast %shift_left3A_464 : i32 to vector<16xi32>
        %shift_left3A_466 = arith.shli %get3A_463, %shift_left3A_465 : vector<16xi32>
        %bitcast3A_467 = vector.bitcast %shift_left3A_466 : vector<16xi32> to vector<16xf32>
        %add3A_468 = arith.addf %add3A_453, %bitcast3A_467 : vector<16xf32>
        %and3A_469 = arith.andi %get3A_463, %broadcast_in_dim3A_3 : vector<16xi32>
        %bitcast3A_470 = vector.bitcast %and3A_469 : vector<16xi32> to vector<16xf32>
        %add3A_471 = arith.addf %add3A_456, %bitcast3A_470 : vector<16xf32>
        %add3A_472 = arith.constant 24 : i32
        %add3A_473 = arith.addi %mul3A_115, %add3A_472 : i32
        %get3A_474 = arith.constant 0 : i32
        %get3A_475 = arith.index_cast %get3A_474 : i32 to index
        %get3A_476 = arith.index_cast %add3A_473 : i32 to index
        %get3A_477 = arith.constant 0 : index
        %get3A_478 = tpu.vector_load %arg6[%get3A_475, %get3A_476, %get3A_477] {strides = array<i32>} : memref<2x128x64xi32, #tpu.memory_space<vmem>>, vector<16xi32>,
        %shift_left3A_479 = arith.constant 16 : i32
        %shift_left3A_480 = vector.broadcast %shift_left3A_479 : i32 to vector<16xi32>
        %shift_left3A_481 = arith.shli %get3A_478, %shift_left3A_480 : vector<16xi32>
        %bitcast3A_482 = vector.bitcast %shift_left3A_481 : vector<16xi32> to vector<16xf32>
        %add3A_483 = arith.addf %add3A_468, %bitcast3A_482 : vector<16xf32>
        %and3A_484 = arith.andi %get3A_478, %broadcast_in_dim3A_3 : vector<16xi32>
        %bitcast3A_485 = vector.bitcast %and3A_484 : vector<16xi32> to vector<16xf32>
        %add3A_486 = arith.addf %add3A_471, %bitcast3A_485 : vector<16xf32>
        %add3A_487 = arith.constant 25 : i32
        %add3A_488 = arith.addi %mul3A_115, %add3A_487 : i32
        %get3A_489 = arith.constant 0 : i32
        %get3A_490 = arith.index_cast %get3A_489 : i32 to index
        %get3A_491 = arith.index_cast %add3A_488 : i32 to index
        %get3A_492 = arith.constant 0 : index
        %get3A_493 = tpu.vector_load %arg6[%get3A_490, %get3A_491, %get3A_492] {strides = array<i32>} : memref<2x128x64xi32, #tpu.memory_space<vmem>>, vector<16xi32>,
        %shift_left3A_494 = arith.constant 16 : i32
        %shift_left3A_495 = vector.broadcast %shift_left3A_494 : i32 to vector<16xi32>
        %shift_left3A_496 = arith.shli %get3A_493, %shift_left3A_495 : vector<16xi32>
        %bitcast3A_497 = vector.bitcast %shift_left3A_496 : vector<16xi32> to vector<16xf32>
        %add3A_498 = arith.addf %add3A_483, %bitcast3A_497 : vector<16xf32>
        %and3A_499 = arith.andi %get3A_493, %broadcast_in_dim3A_3 : vector<16xi32>
        %bitcast3A_500 = vector.bitcast %and3A_499 : vector<16xi32> to vector<16xf32>
        %add3A_501 = arith.addf %add3A_486, %bitcast3A_500 : vector<16xf32>
        %add3A_502 = arith.constant 26 : i32
        %add3A_503 = arith.addi %mul3A_115, %add3A_502 : i32
        %get3A_504 = arith.constant 0 : i32
        %get3A_505 = arith.index_cast %get3A_504 : i32 to index
        %get3A_506 = arith.index_cast %add3A_503 : i32 to index
        %get3A_507 = arith.constant 0 : index
        %get3A_508 = tpu.vector_load %arg6[%get3A_505, %get3A_506, %get3A_507] {strides = array<i32>} : memref<2x128x64xi32, #tpu.memory_space<vmem>>, vector<16xi32>,
        %shift_left3A_509 = arith.constant 16 : i32
        %shift_left3A_510 = vector.broadcast %shift_left3A_509 : i32 to vector<16xi32>
        %shift_left3A_511 = arith.shli %get3A_508, %shift_left3A_510 : vector<16xi32>
        %bitcast3A_512 = vector.bitcast %shift_left3A_511 : vector<16xi32> to vector<16xf32>
        %add3A_513 = arith.addf %add3A_498, %bitcast3A_512 : vector<16xf32>
        %and3A_514 = arith.andi %get3A_508, %broadcast_in_dim3A_3 : vector<16xi32>
        %bitcast3A_515 = vector.bitcast %and3A_514 : vector<16xi32> to vector<16xf32>
        %add3A_516 = arith.addf %add3A_501, %bitcast3A_515 : vector<16xf32>
        %add3A_517 = arith.constant 27 : i32
        %add3A_518 = arith.addi %mul3A_115, %add3A_517 : i32
        %get3A_519 = arith.constant 0 : i32
        %get3A_520 = arith.index_cast %get3A_519 : i32 to index
        %get3A_521 = arith.index_cast %add3A_518 : i32 to index
        %get3A_522 = arith.constant 0 : index
        %get3A_523 = tpu.vector_load %arg6[%get3A_520, %get3A_521, %get3A_522] {strides = array<i32>} : memref<2x128x64xi32, #tpu.memory_space<vmem>>, vector<16xi32>,
        %shift_left3A_524 = arith.constant 16 : i32
        %shift_left3A_525 = vector.broadcast %shift_left3A_524 : i32 to vector<16xi32>
        %shift_left3A_526 = arith.shli %get3A_523, %shift_left3A_525 : vector<16xi32>
        %bitcast3A_527 = vector.bitcast %shift_left3A_526 : vector<16xi32> to vector<16xf32>
        %add3A_528 = arith.addf %add3A_513, %bitcast3A_527 : vector<16xf32>
        %and3A_529 = arith.andi %get3A_523, %broadcast_in_dim3A_3 : vector<16xi32>
        %bitcast3A_530 = vector.bitcast %and3A_529 : vector<16xi32> to vector<16xf32>
        %add3A_531 = arith.addf %add3A_516, %bitcast3A_530 : vector<16xf32>
        %add3A_532 = arith.constant 28 : i32
        %add3A_533 = arith.addi %mul3A_115, %add3A_532 : i32
        %get3A_534 = arith.constant 0 : i32
        %get3A_535 = arith.index_cast %get3A_534 : i32 to index
        %get3A_536 = arith.index_cast %add3A_533 : i32 to index
        %get3A_537 = arith.constant 0 : index
        %get3A_538 = tpu.vector_load %arg6[%get3A_535, %get3A_536, %get3A_537] {strides = array<i32>} : memref<2x128x64xi32, #tpu.memory_space<vmem>>, vector<16xi32>,
        %shift_left3A_539 = arith.constant 16 : i32
        %shift_left3A_540 = vector.broadcast %shift_left3A_539 : i32 to vector<16xi32>
        %shift_left3A_541 = arith.shli %get3A_538, %shift_left3A_540 : vector<16xi32>
        %bitcast3A_542 = vector.bitcast %shift_left3A_541 : vector<16xi32> to vector<16xf32>
        %add3A_543 = arith.addf %add3A_528, %bitcast3A_542 : vector<16xf32>
        %and3A_544 = arith.andi %get3A_538, %broadcast_in_dim3A_3 : vector<16xi32>
        %bitcast3A_545 = vector.bitcast %and3A_544 : vector<16xi32> to vector<16xf32>
        %add3A_546 = arith.addf %add3A_531, %bitcast3A_545 : vector<16xf32>
        %add3A_547 = arith.constant 29 : i32
        %add3A_548 = arith.addi %mul3A_115, %add3A_547 : i32
        %get3A_549 = arith.constant 0 : i32
        %get3A_550 = arith.index_cast %get3A_549 : i32 to index
        %get3A_551 = arith.index_cast %add3A_548 : i32 to index
        %get3A_552 = arith.constant 0 : index
        %get3A_553 = tpu.vector_load %arg6[%get3A_550, %get3A_551, %get3A_552] {strides = array<i32>} : memref<2x128x64xi32, #tpu.memory_space<vmem>>, vector<16xi32>,
        %shift_left3A_554 = arith.constant 16 : i32
        %shift_left3A_555 = vector.broadcast %shift_left3A_554 : i32 to vector<16xi32>
        %shift_left3A_556 = arith.shli %get3A_553, %shift_left3A_555 : vector<16xi32>
        %bitcast3A_557 = vector.bitcast %shift_left3A_556 : vector<16xi32> to vector<16xf32>
        %add3A_558 = arith.addf %add3A_543, %bitcast3A_557 : vector<16xf32>
        %and3A_559 = arith.andi %get3A_553, %broadcast_in_dim3A_3 : vector<16xi32>
        %bitcast3A_560 = vector.bitcast %and3A_559 : vector<16xi32> to vector<16xf32>
        %add3A_561 = arith.addf %add3A_546, %bitcast3A_560 : vector<16xf32>
        %add3A_562 = arith.constant 30 : i32
        %add3A_563 = arith.addi %mul3A_115, %add3A_562 : i32
        %get3A_564 = arith.constant 0 : i32
        %get3A_565 = arith.index_cast %get3A_564 : i32 to index
        %get3A_566 = arith.index_cast %add3A_563 : i32 to index
        %get3A_567 = arith.constant 0 : index
        %get3A_568 = tpu.vector_load %arg6[%get3A_565, %get3A_566, %get3A_567] {strides = array<i32>} : memref<2x128x64xi32, #tpu.memory_space<vmem>>, vector<16xi32>,
        %shift_left3A_569 = arith.constant 16 : i32
        %shift_left3A_570 = vector.broadcast %shift_left3A_569 : i32 to vector<16xi32>
        %shift_left3A_571 = arith.shli %get3A_568, %shift_left3A_570 : vector<16xi32>
        %bitcast3A_572 = vector.bitcast %shift_left3A_571 : vector<16xi32> to vector<16xf32>
        %add3A_573 = arith.addf %add3A_558, %bitcast3A_572 : vector<16xf32>
        %and3A_574 = arith.andi %get3A_568, %broadcast_in_dim3A_3 : vector<16xi32>
        %bitcast3A_575 = vector.bitcast %and3A_574 : vector<16xi32> to vector<16xf32>
        %add3A_576 = arith.addf %add3A_561, %bitcast3A_575 : vector<16xf32>
        %add3A_577 = arith.constant 31 : i32
        %add3A_578 = arith.addi %mul3A_115, %add3A_577 : i32
        %get3A_579 = arith.constant 0 : i32
        %get3A_580 = arith.index_cast %get3A_579 : i32 to index
        %get3A_581 = arith.index_cast %add3A_578 : i32 to index
        %get3A_582 = arith.constant 0 : index
        %get3A_583 = tpu.vector_load %arg6[%get3A_580, %get3A_581, %get3A_582] {strides = array<i32>} : memref<2x128x64xi32, #tpu.memory_space<vmem>>, vector<16xi32>,
        %shift_left3A_584 = arith.constant 16 : i32
        %shift_left3A_585 = vector.broadcast %shift_left3A_584 : i32 to vector<16xi32>
        %shift_left3A_586 = arith.shli %get3A_583, %shift_left3A_585 : vector<16xi32>
        %bitcast3A_587 = vector.bitcast %shift_left3A_586 : vector<16xi32> to vector<16xf32>
        %add3A_588 = arith.addf %add3A_573, %bitcast3A_587 : vector<16xf32>
        %and3A_589 = arith.andi %get3A_583, %broadcast_in_dim3A_3 : vector<16xi32>
        %bitcast3A_590 = vector.bitcast %and3A_589 : vector<16xi32> to vector<16xf32>
        %add3A_591 = arith.addf %add3A_576, %bitcast3A_590 : vector<16xf32>
        tpu.vector_store_idx %arg7[%add3A_6, %broadcast_in_dim3A_119], %add3A_588 : memref<128x512xf32, #tpu.memory_space<vmem>>[vector<16xi32>, vector<16xi32>], vector<16xf32>,
        tpu.vector_store_idx %arg7[%add3A_18, %broadcast_in_dim3A_119], %add3A_591 : memref<128x512xf32, #tpu.memory_space<vmem>>[vector<16xi32>, vector<16xi32>], vector<16xf32>,
        %get3A_592 = arith.constant 0 : i32
        %get3A_593 = arith.index_cast %get3A_592 : i32 to index
        %get3A_594 = arith.index_cast %mul3A_115 : i32 to index
        %get3A_595 = arith.constant 16 : index
        %get3A_596 = tpu.vector_load %arg6[%get3A_593, %get3A_594, %get3A_595] {strides = array<i32>} : memref<2x128x64xi32, #tpu.memory_space<vmem>>, vector<16xi32>,
        %shift_left3A_597 = arith.constant 16 : i32
        %shift_left3A_598 = vector.broadcast %shift_left3A_597 : i32 to vector<16xi32>
        %shift_left3A_599 = arith.shli %get3A_596, %shift_left3A_598 : vector<16xi32>
        %bitcast3A_600 = vector.bitcast %shift_left3A_599 : vector<16xi32> to vector<16xf32>
        %and3A_601 = arith.andi %get3A_596, %broadcast_in_dim3A_3 : vector<16xi32>
        %bitcast3A_602 = vector.bitcast %and3A_601 : vector<16xi32> to vector<16xf32>
        %add3A_603 = arith.constant 1 : i32
        %add3A_604 = arith.addi %mul3A_115, %add3A_603 : i32
        %get3A_605 = arith.constant 0 : i32
        %get3A_606 = arith.index_cast %get3A_605 : i32 to index
        %get3A_607 = arith.index_cast %add3A_604 : i32 to index
        %get3A_608 = arith.constant 16 : index
        %get3A_609 = tpu.vector_load %arg6[%get3A_606, %get3A_607, %get3A_608] {strides = array<i32>} : memref<2x128x64xi32, #tpu.memory_space<vmem>>, vector<16xi32>,
        %shift_left3A_610 = arith.constant 16 : i32
        %shift_left3A_611 = vector.broadcast %shift_left3A_610 : i32 to vector<16xi32>
        %shift_left3A_612 = arith.shli %get3A_609, %shift_left3A_611 : vector<16xi32>
        %bitcast3A_613 = vector.bitcast %shift_left3A_612 : vector<16xi32> to vector<16xf32>
        %add3A_614 = arith.addf %bitcast3A_600, %bitcast3A_613 : vector<16xf32>
        %and3A_615 = arith.andi %get3A_609, %broadcast_in_dim3A_3 : vector<16xi32>
        %bitcast3A_616 = vector.bitcast %and3A_615 : vector<16xi32> to vector<16xf32>
        %add3A_617 = arith.addf %bitcast3A_602, %bitcast3A_616 : vector<16xf32>
        %add3A_618 = arith.constant 2 : i32
        %add3A_619 = arith.addi %mul3A_115, %add3A_618 : i32
        %get3A_620 = arith.constant 0 : i32
        %get3A_621 = arith.index_cast %get3A_620 : i32 to index
        %get3A_622 = arith.index_cast %add3A_619 : i32 to index
        %get3A_623 = arith.constant 16 : index
        %get3A_624 = tpu.vector_load %arg6[%get3A_621, %get3A_622, %get3A_623] {strides = array<i32>} : memref<2x128x64xi32, #tpu.memory_space<vmem>>, vector<16xi32>,
        %shift_left3A_625 = arith.constant 16 : i32
        %shift_left3A_626 = vector.broadcast %shift_left3A_625 : i32 to vector<16xi32>
        %shift_left3A_627 = arith.shli %get3A_624, %shift_left3A_626 : vector<16xi32>
        %bitcast3A_628 = vector.bitcast %shift_left3A_627 : vector<16xi32> to vector<16xf32>
        %add3A_629 = arith.addf %add3A_614, %bitcast3A_628 : vector<16xf32>
        %and3A_630 = arith.andi %get3A_624, %broadcast_in_dim3A_3 : vector<16xi32>
        %bitcast3A_631 = vector.bitcast %and3A_630 : vector<16xi32> to vector<16xf32>
        %add3A_632 = arith.addf %add3A_617, %bitcast3A_631 : vector<16xf32>
        %add3A_633 = arith.constant 3 : i32
        %add3A_634 = arith.addi %mul3A_115, %add3A_633 : i32
        %get3A_635 = arith.constant 0 : i32
        %get3A_636 = arith.index_cast %get3A_635 : i32 to index
        %get3A_637 = arith.index_cast %add3A_634 : i32 to index
        %get3A_638 = arith.constant 16 : index
        %get3A_639 = tpu.vector_load %arg6[%get3A_636, %get3A_637, %get3A_638] {strides = array<i32>} : memref<2x128x64xi32, #tpu.memory_space<vmem>>, vector<16xi32>,
        %shift_left3A_640 = arith.constant 16 : i32
        %shift_left3A_641 = vector.broadcast %shift_left3A_640 : i32 to vector<16xi32>
        %shift_left3A_642 = arith.shli %get3A_639, %shift_left3A_641 : vector<16xi32>
        %bitcast3A_643 = vector.bitcast %shift_left3A_642 : vector<16xi32> to vector<16xf32>
        %add3A_644 = arith.addf %add3A_629, %bitcast3A_643 : vector<16xf32>
        %and3A_645 = arith.andi %get3A_639, %broadcast_in_dim3A_3 : vector<16xi32>
        %bitcast3A_646 = vector.bitcast %and3A_645 : vector<16xi32> to vector<16xf32>
        %add3A_647 = arith.addf %add3A_632, %bitcast3A_646 : vector<16xf32>
        %add3A_648 = arith.constant 4 : i32
        %add3A_649 = arith.addi %mul3A_115, %add3A_648 : i32
        %get3A_650 = arith.constant 0 : i32
        %get3A_651 = arith.index_cast %get3A_650 : i32 to index
        %get3A_652 = arith.index_cast %add3A_649 : i32 to index
        %get3A_653 = arith.constant 16 : index
        %get3A_654 = tpu.vector_load %arg6[%get3A_651, %get3A_652, %get3A_653] {strides = array<i32>} : memref<2x128x64xi32, #tpu.memory_space<vmem>>, vector<16xi32>,
        %shift_left3A_655 = arith.constant 16 : i32
        %shift_left3A_656 = vector.broadcast %shift_left3A_655 : i32 to vector<16xi32>
        %shift_left3A_657 = arith.shli %get3A_654, %shift_left3A_656 : vector<16xi32>
        %bitcast3A_658 = vector.bitcast %shift_left3A_657 : vector<16xi32> to vector<16xf32>
        %add3A_659 = arith.addf %add3A_644, %bitcast3A_658 : vector<16xf32>
        %and3A_660 = arith.andi %get3A_654, %broadcast_in_dim3A_3 : vector<16xi32>
        %bitcast3A_661 = vector.bitcast %and3A_660 : vector<16xi32> to vector<16xf32>
        %add3A_662 = arith.addf %add3A_647, %bitcast3A_661 : vector<16xf32>
        %add3A_663 = arith.constant 5 : i32
        %add3A_664 = arith.addi %mul3A_115, %add3A_663 : i32
        %get3A_665 = arith.constant 0 : i32
        %get3A_666 = arith.index_cast %get3A_665 : i32 to index
        %get3A_667 = arith.index_cast %add3A_664 : i32 to index
        %get3A_668 = arith.constant 16 : index
        %get3A_669 = tpu.vector_load %arg6[%get3A_666, %get3A_667, %get3A_668] {strides = array<i32>} : memref<2x128x64xi32, #tpu.memory_space<vmem>>, vector<16xi32>,
        %shift_left3A_670 = arith.constant 16 : i32
        %shift_left3A_671 = vector.broadcast %shift_left3A_670 : i32 to vector<16xi32>
        %shift_left3A_672 = arith.shli %get3A_669, %shift_left3A_671 : vector<16xi32>
        %bitcast3A_673 = vector.bitcast %shift_left3A_672 : vector<16xi32> to vector<16xf32>
        %add3A_674 = arith.addf %add3A_659, %bitcast3A_673 : vector<16xf32>
        %and3A_675 = arith.andi %get3A_669, %broadcast_in_dim3A_3 : vector<16xi32>
        %bitcast3A_676 = vector.bitcast %and3A_675 : vector<16xi32> to vector<16xf32>
        %add3A_677 = arith.addf %add3A_662, %bitcast3A_676 : vector<16xf32>
        %add3A_678 = arith.constant 6 : i32
        %add3A_679 = arith.addi %mul3A_115, %add3A_678 : i32
        %get3A_680 = arith.constant 0 : i32
        %get3A_681 = arith.index_cast %get3A_680 : i32 to index
        %get3A_682 = arith.index_cast %add3A_679 : i32 to index
        %get3A_683 = arith.constant 16 : index
        %get3A_684 = tpu.vector_load %arg6[%get3A_681, %get3A_682, %get3A_683] {strides = array<i32>} : memref<2x128x64xi32, #tpu.memory_space<vmem>>, vector<16xi32>,
        %shift_left3A_685 = arith.constant 16 : i32
        %shift_left3A_686 = vector.broadcast %shift_left3A_685 : i32 to vector<16xi32>
        %shift_left3A_687 = arith.shli %get3A_684, %shift_left3A_686 : vector<16xi32>
        %bitcast3A_688 = vector.bitcast %shift_left3A_687 : vector<16xi32> to vector<16xf32>
        %add3A_689 = arith.addf %add3A_674, %bitcast3A_688 : vector<16xf32>
        %and3A_690 = arith.andi %get3A_684, %broadcast_in_dim3A_3 : vector<16xi32>
        %bitcast3A_691 = vector.bitcast %and3A_690 : vector<16xi32> to vector<16xf32>
        %add3A_692 = arith.addf %add3A_677, %bitcast3A_691 : vector<16xf32>
        %add3A_693 = arith.constant 7 : i32
        %add3A_694 = arith.addi %mul3A_115, %add3A_693 : i32
        %get3A_695 = arith.constant 0 : i32
        %get3A_696 = arith.index_cast %get3A_695 : i32 to index
        %get3A_697 = arith.index_cast %add3A_694 : i32 to index
        %get3A_698 = arith.constant 16 : index
        %get3A_699 = tpu.vector_load %arg6[%get3A_696, %get3A_697, %get3A_698] {strides = array<i32>} : memref<2x128x64xi32, #tpu.memory_space<vmem>>, vector<16xi32>,
        %shift_left3A_700 = arith.constant 16 : i32
        %shift_left3A_701 = vector.broadcast %shift_left3A_700 : i32 to vector<16xi32>
        %shift_left3A_702 = arith.shli %get3A_699, %shift_left3A_701 : vector<16xi32>
        %bitcast3A_703 = vector.bitcast %shift_left3A_702 : vector<16xi32> to vector<16xf32>
        %add3A_704 = arith.addf %add3A_689, %bitcast3A_703 : vector<16xf32>
        %and3A_705 = arith.andi %get3A_699, %broadcast_in_dim3A_3 : vector<16xi32>
        %bitcast3A_706 = vector.bitcast %and3A_705 : vector<16xi32> to vector<16xf32>
        %add3A_707 = arith.addf %add3A_692, %bitcast3A_706 : vector<16xf32>
        %add3A_708 = arith.constant 8 : i32
        %add3A_709 = arith.addi %mul3A_115, %add3A_708 : i32
        %get3A_710 = arith.constant 0 : i32
        %get3A_711 = arith.index_cast %get3A_710 : i32 to index
        %get3A_712 = arith.index_cast %add3A_709 : i32 to index
        %get3A_713 = arith.constant 16 : index
        %get3A_714 = tpu.vector_load %arg6[%get3A_711, %get3A_712, %get3A_713] {strides = array<i32>} : memref<2x128x64xi32, #tpu.memory_space<vmem>>, vector<16xi32>,
        %shift_left3A_715 = arith.constant 16 : i32
        %shift_left3A_716 = vector.broadcast %shift_left3A_715 : i32 to vector<16xi32>
        %shift_left3A_717 = arith.shli %get3A_714, %shift_left3A_716 : vector<16xi32>
        %bitcast3A_718 = vector.bitcast %shift_left3A_717 : vector<16xi32> to vector<16xf32>
        %add3A_719 = arith.addf %add3A_704, %bitcast3A_718 : vector<16xf32>
        %and3A_720 = arith.andi %get3A_714, %broadcast_in_dim3A_3 : vector<16xi32>
        %bitcast3A_721 = vector.bitcast %and3A_720 : vector<16xi32> to vector<16xf32>
        %add3A_722 = arith.addf %add3A_707, %bitcast3A_721 : vector<16xf32>
        %add3A_723 = arith.constant 9 : i32
        %add3A_724 = arith.addi %mul3A_115, %add3A_723 : i32
        %get3A_725 = arith.constant 0 : i32
        %get3A_726 = arith.index_cast %get3A_725 : i32 to index
        %get3A_727 = arith.index_cast %add3A_724 : i32 to index
        %get3A_728 = arith.constant 16 : index
        %get3A_729 = tpu.vector_load %arg6[%get3A_726, %get3A_727, %get3A_728] {strides = array<i32>} : memref<2x128x64xi32, #tpu.memory_space<vmem>>, vector<16xi32>,
        %shift_left3A_730 = arith.constant 16 : i32
        %shift_left3A_731 = vector.broadcast %shift_left3A_730 : i32 to vector<16xi32>
        %shift_left3A_732 = arith.shli %get3A_729, %shift_left3A_731 : vector<16xi32>
        %bitcast3A_733 = vector.bitcast %shift_left3A_732 : vector<16xi32> to vector<16xf32>
        %add3A_734 = arith.addf %add3A_719, %bitcast3A_733 : vector<16xf32>
        %and3A_735 = arith.andi %get3A_729, %broadcast_in_dim3A_3 : vector<16xi32>
        %bitcast3A_736 = vector.bitcast %and3A_735 : vector<16xi32> to vector<16xf32>
        %add3A_737 = arith.addf %add3A_722, %bitcast3A_736 : vector<16xf32>
        %add3A_738 = arith.constant 10 : i32
        %add3A_739 = arith.addi %mul3A_115, %add3A_738 : i32
        %get3A_740 = arith.constant 0 : i32
        %get3A_741 = arith.index_cast %get3A_740 : i32 to index
        %get3A_742 = arith.index_cast %add3A_739 : i32 to index
        %get3A_743 = arith.constant 16 : index
        %get3A_744 = tpu.vector_load %arg6[%get3A_741, %get3A_742, %get3A_743] {strides = array<i32>} : memref<2x128x64xi32, #tpu.memory_space<vmem>>, vector<16xi32>,
        %shift_left3A_745 = arith.constant 16 : i32
        %shift_left3A_746 = vector.broadcast %shift_left3A_745 : i32 to vector<16xi32>
        %shift_left3A_747 = arith.shli %get3A_744, %shift_left3A_746 : vector<16xi32>
        %bitcast3A_748 = vector.bitcast %shift_left3A_747 : vector<16xi32> to vector<16xf32>
        %add3A_749 = arith.addf %add3A_734, %bitcast3A_748 : vector<16xf32>
        %and3A_750 = arith.andi %get3A_744, %broadcast_in_dim3A_3 : vector<16xi32>
        %bitcast3A_751 = vector.bitcast %and3A_750 : vector<16xi32> to vector<16xf32>
        %add3A_752 = arith.addf %add3A_737, %bitcast3A_751 : vector<16xf32>
        %add3A_753 = arith.constant 11 : i32
        %add3A_754 = arith.addi %mul3A_115, %add3A_753 : i32
        %get3A_755 = arith.constant 0 : i32
        %get3A_756 = arith.index_cast %get3A_755 : i32 to index
        %get3A_757 = arith.index_cast %add3A_754 : i32 to index
        %get3A_758 = arith.constant 16 : index
        %get3A_759 = tpu.vector_load %arg6[%get3A_756, %get3A_757, %get3A_758] {strides = array<i32>} : memref<2x128x64xi32, #tpu.memory_space<vmem>>, vector<16xi32>,
        %shift_left3A_760 = arith.constant 16 : i32
        %shift_left3A_761 = vector.broadcast %shift_left3A_760 : i32 to vector<16xi32>
        %shift_left3A_762 = arith.shli %get3A_759, %shift_left3A_761 : vector<16xi32>
        %bitcast3A_763 = vector.bitcast %shift_left3A_762 : vector<16xi32> to vector<16xf32>
        %add3A_764 = arith.addf %add3A_749, %bitcast3A_763 : vector<16xf32>
        %and3A_765 = arith.andi %get3A_759, %broadcast_in_dim3A_3 : vector<16xi32>
        %bitcast3A_766 = vector.bitcast %and3A_765 : vector<16xi32> to vector<16xf32>
        %add3A_767 = arith.addf %add3A_752, %bitcast3A_766 : vector<16xf32>
        %add3A_768 = arith.constant 12 : i32
        %add3A_769 = arith.addi %mul3A_115, %add3A_768 : i32
        %get3A_770 = arith.constant 0 : i32
        %get3A_771 = arith.index_cast %get3A_770 : i32 to index
        %get3A_772 = arith.index_cast %add3A_769 : i32 to index
        %get3A_773 = arith.constant 16 : index
        %get3A_774 = tpu.vector_load %arg6[%get3A_771, %get3A_772, %get3A_773] {strides = array<i32>} : memref<2x128x64xi32, #tpu.memory_space<vmem>>, vector<16xi32>,
        %shift_left3A_775 = arith.constant 16 : i32
        %shift_left3A_776 = vector.broadcast %shift_left3A_775 : i32 to vector<16xi32>
        %shift_left3A_777 = arith.shli %get3A_774, %shift_left3A_776 : vector<16xi32>
        %bitcast3A_778 = vector.bitcast %shift_left3A_777 : vector<16xi32> to vector<16xf32>
        %add3A_779 = arith.addf %add3A_764, %bitcast3A_778 : vector<16xf32>
        %and3A_780 = arith.andi %get3A_774, %broadcast_in_dim3A_3 : vector<16xi32>
        %bitcast3A_781 = vector.bitcast %and3A_780 : vector<16xi32> to vector<16xf32>
        %add3A_782 = arith.addf %add3A_767, %bitcast3A_781 : vector<16xf32>
        %add3A_783 = arith.constant 13 : i32
        %add3A_784 = arith.addi %mul3A_115, %add3A_783 : i32
        %get3A_785 = arith.constant 0 : i32
        %get3A_786 = arith.index_cast %get3A_785 : i32 to index
        %get3A_787 = arith.index_cast %add3A_784 : i32 to index
        %get3A_788 = arith.constant 16 : index
        %get3A_789 = tpu.vector_load %arg6[%get3A_786, %get3A_787, %get3A_788] {strides = array<i32>} : memref<2x128x64xi32, #tpu.memory_space<vmem>>, vector<16xi32>,
        %shift_left3A_790 = arith.constant 16 : i32
        %shift_left3A_791 = vector.broadcast %shift_left3A_790 : i32 to vector<16xi32>
        %shift_left3A_792 = arith.shli %get3A_789, %shift_left3A_791 : vector<16xi32>
        %bitcast3A_793 = vector.bitcast %shift_left3A_792 : vector<16xi32> to vector<16xf32>
        %add3A_794 = arith.addf %add3A_779, %bitcast3A_793 : vector<16xf32>
        %and3A_795 = arith.andi %get3A_789, %broadcast_in_dim3A_3 : vector<16xi32>
        %bitcast3A_796 = vector.bitcast %and3A_795 : vector<16xi32> to vector<16xf32>
        %add3A_797 = arith.addf %add3A_782, %bitcast3A_796 : vector<16xf32>
        %add3A_798 = arith.constant 14 : i32
        %add3A_799 = arith.addi %mul3A_115, %add3A_798 : i32
        %get3A_800 = arith.constant 0 : i32
        %get3A_801 = arith.index_cast %get3A_800 : i32 to index
        %get3A_802 = arith.index_cast %add3A_799 : i32 to index
        %get3A_803 = arith.constant 16 : index
        %get3A_804 = tpu.vector_load %arg6[%get3A_801, %get3A_802, %get3A_803] {strides = array<i32>} : memref<2x128x64xi32, #tpu.memory_space<vmem>>, vector<16xi32>,
        %shift_left3A_805 = arith.constant 16 : i32
        %shift_left3A_806 = vector.broadcast %shift_left3A_805 : i32 to vector<16xi32>
        %shift_left3A_807 = arith.shli %get3A_804, %shift_left3A_806 : vector<16xi32>
        %bitcast3A_808 = vector.bitcast %shift_left3A_807 : vector<16xi32> to vector<16xf32>
        %add3A_809 = arith.addf %add3A_794, %bitcast3A_808 : vector<16xf32>
        %and3A_810 = arith.andi %get3A_804, %broadcast_in_dim3A_3 : vector<16xi32>
        %bitcast3A_811 = vector.bitcast %and3A_810 : vector<16xi32> to vector<16xf32>
        %add3A_812 = arith.addf %add3A_797, %bitcast3A_811 : vector<16xf32>
        %add3A_813 = arith.constant 15 : i32
        %add3A_814 = arith.addi %mul3A_115, %add3A_813 : i32
        %get3A_815 = arith.constant 0 : i32
        %get3A_816 = arith.index_cast %get3A_815 : i32 to index
        %get3A_817 = arith.index_cast %add3A_814 : i32 to index
        %get3A_818 = arith.constant 16 : index
        %get3A_819 = tpu.vector_load %arg6[%get3A_816, %get3A_817, %get3A_818] {strides = array<i32>} : memref<2x128x64xi32, #tpu.memory_space<vmem>>, vector<16xi32>,
        %shift_left3A_820 = arith.constant 16 : i32
        %shift_left3A_821 = vector.broadcast %shift_left3A_820 : i32 to vector<16xi32>
        %shift_left3A_822 = arith.shli %get3A_819, %shift_left3A_821 : vector<16xi32>
        %bitcast3A_823 = vector.bitcast %shift_left3A_822 : vector<16xi32> to vector<16xf32>
        %add3A_824 = arith.addf %add3A_809, %bitcast3A_823 : vector<16xf32>
        %and3A_825 = arith.andi %get3A_819, %broadcast_in_dim3A_3 : vector<16xi32>
        %bitcast3A_826 = vector.bitcast %and3A_825 : vector<16xi32> to vector<16xf32>
        %add3A_827 = arith.addf %add3A_812, %bitcast3A_826 : vector<16xf32>
        %add3A_828 = arith.constant 16 : i32
        %add3A_829 = arith.addi %mul3A_115, %add3A_828 : i32
        %get3A_830 = arith.constant 0 : i32
        %get3A_831 = arith.index_cast %get3A_830 : i32 to index
        %get3A_832 = arith.index_cast %add3A_829 : i32 to index
        %get3A_833 = arith.constant 16 : index
        %get3A_834 = tpu.vector_load %arg6[%get3A_831, %get3A_832, %get3A_833] {strides = array<i32>} : memref<2x128x64xi32, #tpu.memory_space<vmem>>, vector<16xi32>,
        %shift_left3A_835 = arith.constant 16 : i32
        %shift_left3A_836 = vector.broadcast %shift_left3A_835 : i32 to vector<16xi32>
        %shift_left3A_837 = arith.shli %get3A_834, %shift_left3A_836 : vector<16xi32>
        %bitcast3A_838 = vector.bitcast %shift_left3A_837 : vector<16xi32> to vector<16xf32>
        %add3A_839 = arith.addf %add3A_824, %bitcast3A_838 : vector<16xf32>
        %and3A_840 = arith.andi %get3A_834, %broadcast_in_dim3A_3 : vector<16xi32>
        %bitcast3A_841 = vector.bitcast %and3A_840 : vector<16xi32> to vector<16xf32>
        %add3A_842 = arith.addf %add3A_827, %bitcast3A_841 : vector<16xf32>
        %add3A_843 = arith.constant 17 : i32
        %add3A_844 = arith.addi %mul3A_115, %add3A_843 : i32
        %get3A_845 = arith.constant 0 : i32
        %get3A_846 = arith.index_cast %get3A_845 : i32 to index
        %get3A_847 = arith.index_cast %add3A_844 : i32 to index
        %get3A_848 = arith.constant 16 : index
        %get3A_849 = tpu.vector_load %arg6[%get3A_846, %get3A_847, %get3A_848] {strides = array<i32>} : memref<2x128x64xi32, #tpu.memory_space<vmem>>, vector<16xi32>,
        %shift_left3A_850 = arith.constant 16 : i32
        %shift_left3A_851 = vector.broadcast %shift_left3A_850 : i32 to vector<16xi32>
        %shift_left3A_852 = arith.shli %get3A_849, %shift_left3A_851 : vector<16xi32>
        %bitcast3A_853 = vector.bitcast %shift_left3A_852 : vector<16xi32> to vector<16xf32>
        %add3A_854 = arith.addf %add3A_839, %bitcast3A_853 : vector<16xf32>
        %and3A_855 = arith.andi %get3A_849, %broadcast_in_dim3A_3 : vector<16xi32>
        %bitcast3A_856 = vector.bitcast %and3A_855 : vector<16xi32> to vector<16xf32>
        %add3A_857 = arith.addf %add3A_842, %bitcast3A_856 : vector<16xf32>
        %add3A_858 = arith.constant 18 : i32
        %add3A_859 = arith.addi %mul3A_115, %add3A_858 : i32
        %get3A_860 = arith.constant 0 : i32
        %get3A_861 = arith.index_cast %get3A_860 : i32 to index
        %get3A_862 = arith.index_cast %add3A_859 : i32 to index
        %get3A_863 = arith.constant 16 : index
        %get3A_864 = tpu.vector_load %arg6[%get3A_861, %get3A_862, %get3A_863] {strides = array<i32>} : memref<2x128x64xi32, #tpu.memory_space<vmem>>, vector<16xi32>,
        %shift_left3A_865 = arith.constant 16 : i32
        %shift_left3A_866 = vector.broadcast %shift_left3A_865 : i32 to vector<16xi32>
        %shift_left3A_867 = arith.shli %get3A_864, %shift_left3A_866 : vector<16xi32>
        %bitcast3A_868 = vector.bitcast %shift_left3A_867 : vector<16xi32> to vector<16xf32>
        %add3A_869 = arith.addf %add3A_854, %bitcast3A_868 : vector<16xf32>
        %and3A_870 = arith.andi %get3A_864, %broadcast_in_dim3A_3 : vector<16xi32>
        %bitcast3A_871 = vector.bitcast %and3A_870 : vector<16xi32> to vector<16xf32>
        %add3A_872 = arith.addf %add3A_857, %bitcast3A_871 : vector<16xf32>
        %add3A_873 = arith.constant 19 : i32
        %add3A_874 = arith.addi %mul3A_115, %add3A_873 : i32
        %get3A_875 = arith.constant 0 : i32
        %get3A_876 = arith.index_cast %get3A_875 : i32 to index
        %get3A_877 = arith.index_cast %add3A_874 : i32 to index
        %get3A_878 = arith.constant 16 : index
        %get3A_879 = tpu.vector_load %arg6[%get3A_876, %get3A_877, %get3A_878] {strides = array<i32>} : memref<2x128x64xi32, #tpu.memory_space<vmem>>, vector<16xi32>,
        %shift_left3A_880 = arith.constant 16 : i32
        %shift_left3A_881 = vector.broadcast %shift_left3A_880 : i32 to vector<16xi32>
        %shift_left3A_882 = arith.shli %get3A_879, %shift_left3A_881 : vector<16xi32>
        %bitcast3A_883 = vector.bitcast %shift_left3A_882 : vector<16xi32> to vector<16xf32>
        %add3A_884 = arith.addf %add3A_869, %bitcast3A_883 : vector<16xf32>
        %and3A_885 = arith.andi %get3A_879, %broadcast_in_dim3A_3 : vector<16xi32>
        %bitcast3A_886 = vector.bitcast %and3A_885 : vector<16xi32> to vector<16xf32>
        %add3A_887 = arith.addf %add3A_872, %bitcast3A_886 : vector<16xf32>
        %add3A_888 = arith.constant 20 : i32
        %add3A_889 = arith.addi %mul3A_115, %add3A_888 : i32
        %get3A_890 = arith.constant 0 : i32
        %get3A_891 = arith.index_cast %get3A_890 : i32 to index
        %get3A_892 = arith.index_cast %add3A_889 : i32 to index
        %get3A_893 = arith.constant 16 : index
        %get3A_894 = tpu.vector_load %arg6[%get3A_891, %get3A_892, %get3A_893] {strides = array<i32>} : memref<2x128x64xi32, #tpu.memory_space<vmem>>, vector<16xi32>,
        %shift_left3A_895 = arith.constant 16 : i32
        %shift_left3A_896 = vector.broadcast %shift_left3A_895 : i32 to vector<16xi32>
        %shift_left3A_897 = arith.shli %get3A_894, %shift_left3A_896 : vector<16xi32>
        %bitcast3A_898 = vector.bitcast %shift_left3A_897 : vector<16xi32> to vector<16xf32>
        %add3A_899 = arith.addf %add3A_884, %bitcast3A_898 : vector<16xf32>
        %and3A_900 = arith.andi %get3A_894, %broadcast_in_dim3A_3 : vector<16xi32>
        %bitcast3A_901 = vector.bitcast %and3A_900 : vector<16xi32> to vector<16xf32>
        %add3A_902 = arith.addf %add3A_887, %bitcast3A_901 : vector<16xf32>
        %add3A_903 = arith.constant 21 : i32
        %add3A_904 = arith.addi %mul3A_115, %add3A_903 : i32
        %get3A_905 = arith.constant 0 : i32
        %get3A_906 = arith.index_cast %get3A_905 : i32 to index
        %get3A_907 = arith.index_cast %add3A_904 : i32 to index
        %get3A_908 = arith.constant 16 : index
        %get3A_909 = tpu.vector_load %arg6[%get3A_906, %get3A_907, %get3A_908] {strides = array<i32>} : memref<2x128x64xi32, #tpu.memory_space<vmem>>, vector<16xi32>,
        %shift_left3A_910 = arith.constant 16 : i32
        %shift_left3A_911 = vector.broadcast %shift_left3A_910 : i32 to vector<16xi32>
        %shift_left3A_912 = arith.shli %get3A_909, %shift_left3A_911 : vector<16xi32>
        %bitcast3A_913 = vector.bitcast %shift_left3A_912 : vector<16xi32> to vector<16xf32>
        %add3A_914 = arith.addf %add3A_899, %bitcast3A_913 : vector<16xf32>
        %and3A_915 = arith.andi %get3A_909, %broadcast_in_dim3A_3 : vector<16xi32>
        %bitcast3A_916 = vector.bitcast %and3A_915 : vector<16xi32> to vector<16xf32>
        %add3A_917 = arith.addf %add3A_902, %bitcast3A_916 : vector<16xf32>
        %add3A_918 = arith.constant 22 : i32
        %add3A_919 = arith.addi %mul3A_115, %add3A_918 : i32
        %get3A_920 = arith.constant 0 : i32
        %get3A_921 = arith.index_cast %get3A_920 : i32 to index
        %get3A_922 = arith.index_cast %add3A_919 : i32 to index
        %get3A_923 = arith.constant 16 : index
        %get3A_924 = tpu.vector_load %arg6[%get3A_921, %get3A_922, %get3A_923] {strides = array<i32>} : memref<2x128x64xi32, #tpu.memory_space<vmem>>, vector<16xi32>,
        %shift_left3A_925 = arith.constant 16 : i32
        %shift_left3A_926 = vector.broadcast %shift_left3A_925 : i32 to vector<16xi32>
        %shift_left3A_927 = arith.shli %get3A_924, %shift_left3A_926 : vector<16xi32>
        %bitcast3A_928 = vector.bitcast %shift_left3A_927 : vector<16xi32> to vector<16xf32>
        %add3A_929 = arith.addf %add3A_914, %bitcast3A_928 : vector<16xf32>
        %and3A_930 = arith.andi %get3A_924, %broadcast_in_dim3A_3 : vector<16xi32>
        %bitcast3A_931 = vector.bitcast %and3A_930 : vector<16xi32> to vector<16xf32>
        %add3A_932 = arith.addf %add3A_917, %bitcast3A_931 : vector<16xf32>
        %add3A_933 = arith.constant 23 : i32
        %add3A_934 = arith.addi %mul3A_115, %add3A_933 : i32
        %get3A_935 = arith.constant 0 : i32
        %get3A_936 = arith.index_cast %get3A_935 : i32 to index
        %get3A_937 = arith.index_cast %add3A_934 : i32 to index
        %get3A_938 = arith.constant 16 : index
        %get3A_939 = tpu.vector_load %arg6[%get3A_936, %get3A_937, %get3A_938] {strides = array<i32>} : memref<2x128x64xi32, #tpu.memory_space<vmem>>, vector<16xi32>,
        %shift_left3A_940 = arith.constant 16 : i32
        %shift_left3A_941 = vector.broadcast %shift_left3A_940 : i32 to vector<16xi32>
        %shift_left3A_942 = arith.shli %get3A_939, %shift_left3A_941 : vector<16xi32>
        %bitcast3A_943 = vector.bitcast %shift_left3A_942 : vector<16xi32> to vector<16xf32>
        %add3A_944 = arith.addf %add3A_929, %bitcast3A_943 : vector<16xf32>
        %and3A_945 = arith.andi %get3A_939, %broadcast_in_dim3A_3 : vector<16xi32>
        %bitcast3A_946 = vector.bitcast %and3A_945 : vector<16xi32> to vector<16xf32>
        %add3A_947 = arith.addf %add3A_932, %bitcast3A_946 : vector<16xf32>
        %add3A_948 = arith.constant 24 : i32
        %add3A_949 = arith.addi %mul3A_115, %add3A_948 : i32
        %get3A_950 = arith.constant 0 : i32
        %get3A_951 = arith.index_cast %get3A_950 : i32 to index
        %get3A_952 = arith.index_cast %add3A_949 : i32 to index
        %get3A_953 = arith.constant 16 : index
        %get3A_954 = tpu.vector_load %arg6[%get3A_951, %get3A_952, %get3A_953] {strides = array<i32>} : memref<2x128x64xi32, #tpu.memory_space<vmem>>, vector<16xi32>,
        %shift_left3A_955 = arith.constant 16 : i32
        %shift_left3A_956 = vector.broadcast %shift_left3A_955 : i32 to vector<16xi32>
        %shift_left3A_957 = arith.shli %get3A_954, %shift_left3A_956 : vector<16xi32>
        %bitcast3A_958 = vector.bitcast %shift_left3A_957 : vector<16xi32> to vector<16xf32>
        %add3A_959 = arith.addf %add3A_944, %bitcast3A_958 : vector<16xf32>
        %and3A_960 = arith.andi %get3A_954, %broadcast_in_dim3A_3 : vector<16xi32>
        %bitcast3A_961 = vector.bitcast %and3A_960 : vector<16xi32> to vector<16xf32>
        %add3A_962 = arith.addf %add3A_947, %bitcast3A_961 : vector<16xf32>
        %add3A_963 = arith.constant 25 : i32
        %add3A_964 = arith.addi %mul3A_115, %add3A_963 : i32
        %get3A_965 = arith.constant 0 : i32
        %get3A_966 = arith.index_cast %get3A_965 : i32 to index
        %get3A_967 = arith.index_cast %add3A_964 : i32 to index
        %get3A_968 = arith.constant 16 : index
        %get3A_969 = tpu.vector_load %arg6[%get3A_966, %get3A_967, %get3A_968] {strides = array<i32>} : memref<2x128x64xi32, #tpu.memory_space<vmem>>, vector<16xi32>,
        %shift_left3A_970 = arith.constant 16 : i32
        %shift_left3A_971 = vector.broadcast %shift_left3A_970 : i32 to vector<16xi32>
        %shift_left3A_972 = arith.shli %get3A_969, %shift_left3A_971 : vector<16xi32>
        %bitcast3A_973 = vector.bitcast %shift_left3A_972 : vector<16xi32> to vector<16xf32>
        %add3A_974 = arith.addf %add3A_959, %bitcast3A_973 : vector<16xf32>
        %and3A_975 = arith.andi %get3A_969, %broadcast_in_dim3A_3 : vector<16xi32>
        %bitcast3A_976 = vector.bitcast %and3A_975 : vector<16xi32> to vector<16xf32>
        %add3A_977 = arith.addf %add3A_962, %bitcast3A_976 : vector<16xf32>
        %add3A_978 = arith.constant 26 : i32
        %add3A_979 = arith.addi %mul3A_115, %add3A_978 : i32
        %get3A_980 = arith.constant 0 : i32
        %get3A_981 = arith.index_cast %get3A_980 : i32 to index
        %get3A_982 = arith.index_cast %add3A_979 : i32 to index
        %get3A_983 = arith.constant 16 : index
        %get3A_984 = tpu.vector_load %arg6[%get3A_981, %get3A_982, %get3A_983] {strides = array<i32>} : memref<2x128x64xi32, #tpu.memory_space<vmem>>, vector<16xi32>,
        %shift_left3A_985 = arith.constant 16 : i32
        %shift_left3A_986 = vector.broadcast %shift_left3A_985 : i32 to vector<16xi32>
        %shift_left3A_987 = arith.shli %get3A_984, %shift_left3A_986 : vector<16xi32>
        %bitcast3A_988 = vector.bitcast %shift_left3A_987 : vector<16xi32> to vector<16xf32>
        %add3A_989 = arith.addf %add3A_974, %bitcast3A_988 : vector<16xf32>
        %and3A_990 = arith.andi %get3A_984, %broadcast_in_dim3A_3 : vector<16xi32>
        %bitcast3A_991 = vector.bitcast %and3A_990 : vector<16xi32> to vector<16xf32>
        %add3A_992 = arith.addf %add3A_977, %bitcast3A_991 : vector<16xf32>
        %add3A_993 = arith.constant 27 : i32
        %add3A_994 = arith.addi %mul3A_115, %add3A_993 : i32
        %get3A_995 = arith.constant 0 : i32
        %get3A_996 = arith.index_cast %get3A_995 : i32 to index
        %get3A_997 = arith.index_cast %add3A_994 : i32 to index
        %get3A_998 = arith.constant 16 : index
        %get3A_999 = tpu.vector_load %arg6[%get3A_996, %get3A_997, %get3A_998] {strides = array<i32>} : memref<2x128x64xi32, #tpu.memory_space<vmem>>, vector<16xi32>,
        %shift_left3A_1000 = arith.constant 16 : i32
        %shift_left3A_1001 = vector.broadcast %shift_left3A_1000 : i32 to vector<16xi32>
        %shift_left3A_1002 = arith.shli %get3A_999, %shift_left3A_1001 : vector<16xi32>
        %bitcast3A_1003 = vector.bitcast %shift_left3A_1002 : vector<16xi32> to vector<16xf32>
        %add3A_1004 = arith.addf %add3A_989, %bitcast3A_1003 : vector<16xf32>
        %and3A_1005 = arith.andi %get3A_999, %broadcast_in_dim3A_3 : vector<16xi32>
        %bitcast3A_1006 = vector.bitcast %and3A_1005 : vector<16xi32> to vector<16xf32>
        %add3A_1007 = arith.addf %add3A_992, %bitcast3A_1006 : vector<16xf32>
        %add3A_1008 = arith.constant 28 : i32
        %add3A_1009 = arith.addi %mul3A_115, %add3A_1008 : i32
        %get3A_1010 = arith.constant 0 : i32
        %get3A_1011 = arith.index_cast %get3A_1010 : i32 to index
        %get3A_1012 = arith.index_cast %add3A_1009 : i32 to index
        %get3A_1013 = arith.constant 16 : index
        %get3A_1014 = tpu.vector_load %arg6[%get3A_1011, %get3A_1012, %get3A_1013] {strides = array<i32>} : memref<2x128x64xi32, #tpu.memory_space<vmem>>, vector<16xi32>,
        %shift_left3A_1015 = arith.constant 16 : i32
        %shift_left3A_1016 = vector.broadcast %shift_left3A_1015 : i32 to vector<16xi32>
        %shift_left3A_1017 = arith.shli %get3A_1014, %shift_left3A_1016 : vector<16xi32>
        %bitcast3A_1018 = vector.bitcast %shift_left3A_1017 : vector<16xi32> to vector<16xf32>
        %add3A_1019 = arith.addf %add3A_1004, %bitcast3A_1018 : vector<16xf32>
        %and3A_1020 = arith.andi %get3A_1014, %broadcast_in_dim3A_3 : vector<16xi32>
        %bitcast3A_1021 = vector.bitcast %and3A_1020 : vector<16xi32> to vector<16xf32>
        %add3A_1022 = arith.addf %add3A_1007, %bitcast3A_1021 : vector<16xf32>
        %add3A_1023 = arith.constant 29 : i32
        %add3A_1024 = arith.addi %mul3A_115, %add3A_1023 : i32
        %get3A_1025 = arith.constant 0 : i32
        %get3A_1026 = arith.index_cast %get3A_1025 : i32 to index
        %get3A_1027 = arith.index_cast %add3A_1024 : i32 to index
        %get3A_1028 = arith.constant 16 : index
        %get3A_1029 = tpu.vector_load %arg6[%get3A_1026, %get3A_1027, %get3A_1028] {strides = array<i32>} : memref<2x128x64xi32, #tpu.memory_space<vmem>>, vector<16xi32>,
        %shift_left3A_1030 = arith.constant 16 : i32
        %shift_left3A_1031 = vector.broadcast %shift_left3A_1030 : i32 to vector<16xi32>
        %shift_left3A_1032 = arith.shli %get3A_1029, %shift_left3A_1031 : vector<16xi32>
        %bitcast3A_1033 = vector.bitcast %shift_left3A_1032 : vector<16xi32> to vector<16xf32>
        %add3A_1034 = arith.addf %add3A_1019, %bitcast3A_1033 : vector<16xf32>
        %and3A_1035 = arith.andi %get3A_1029, %broadcast_in_dim3A_3 : vector<16xi32>
        %bitcast3A_1036 = vector.bitcast %and3A_1035 : vector<16xi32> to vector<16xf32>
        %add3A_1037 = arith.addf %add3A_1022, %bitcast3A_1036 : vector<16xf32>
        %add3A_1038 = arith.constant 30 : i32
        %add3A_1039 = arith.addi %mul3A_115, %add3A_1038 : i32
        %get3A_1040 = arith.constant 0 : i32
        %get3A_1041 = arith.index_cast %get3A_1040 : i32 to index
        %get3A_1042 = arith.index_cast %add3A_1039 : i32 to index
        %get3A_1043 = arith.constant 16 : index
        %get3A_1044 = tpu.vector_load %arg6[%get3A_1041, %get3A_1042, %get3A_1043] {strides = array<i32>} : memref<2x128x64xi32, #tpu.memory_space<vmem>>, vector<16xi32>,
        %shift_left3A_1045 = arith.constant 16 : i32
        %shift_left3A_1046 = vector.broadcast %shift_left3A_1045 : i32 to vector<16xi32>
        %shift_left3A_1047 = arith.shli %get3A_1044, %shift_left3A_1046 : vector<16xi32>
        %bitcast3A_1048 = vector.bitcast %shift_left3A_1047 : vector<16xi32> to vector<16xf32>
        %add3A_1049 = arith.addf %add3A_1034, %bitcast3A_1048 : vector<16xf32>
        %and3A_1050 = arith.andi %get3A_1044, %broadcast_in_dim3A_3 : vector<16xi32>
        %bitcast3A_1051 = vector.bitcast %and3A_1050 : vector<16xi32> to vector<16xf32>
        %add3A_1052 = arith.addf %add3A_1037, %bitcast3A_1051 : vector<16xf32>
        %add3A_1053 = arith.constant 31 : i32
        %add3A_1054 = arith.addi %mul3A_115, %add3A_1053 : i32
        %get3A_1055 = arith.constant 0 : i32
        %get3A_1056 = arith.index_cast %get3A_1055 : i32 to index
        %get3A_1057 = arith.index_cast %add3A_1054 : i32 to index
        %get3A_1058 = arith.constant 16 : index
        %get3A_1059 = tpu.vector_load %arg6[%get3A_1056, %get3A_1057, %get3A_1058] {strides = array<i32>} : memref<2x128x64xi32, #tpu.memory_space<vmem>>, vector<16xi32>,
        %shift_left3A_1060 = arith.constant 16 : i32
        %shift_left3A_1061 = vector.broadcast %shift_left3A_1060 : i32 to vector<16xi32>
        %shift_left3A_1062 = arith.shli %get3A_1059, %shift_left3A_1061 : vector<16xi32>
        %bitcast3A_1063 = vector.bitcast %shift_left3A_1062 : vector<16xi32> to vector<16xf32>
        %add3A_1064 = arith.addf %add3A_1049, %bitcast3A_1063 : vector<16xf32>
        %and3A_1065 = arith.andi %get3A_1059, %broadcast_in_dim3A_3 : vector<16xi32>
        %bitcast3A_1066 = vector.bitcast %and3A_1065 : vector<16xi32> to vector<16xf32>
        %add3A_1067 = arith.addf %add3A_1052, %bitcast3A_1066 : vector<16xf32>
        tpu.vector_store_idx %arg7[%add3A_9, %broadcast_in_dim3A_119], %add3A_1064 : memref<128x512xf32, #tpu.memory_space<vmem>>[vector<16xi32>, vector<16xi32>], vector<16xf32>,
        tpu.vector_store_idx %arg7[%add3A_21, %broadcast_in_dim3A_119], %add3A_1067 : memref<128x512xf32, #tpu.memory_space<vmem>>[vector<16xi32>, vector<16xi32>], vector<16xf32>,
        %get3A_1068 = arith.constant 0 : i32
        %get3A_1069 = arith.index_cast %get3A_1068 : i32 to index
        %get3A_1070 = arith.index_cast %mul3A_115 : i32 to index
        %get3A_1071 = arith.constant 32 : index
        %get3A_1072 = tpu.vector_load %arg6[%get3A_1069, %get3A_1070, %get3A_1071] {strides = array<i32>} : memref<2x128x64xi32, #tpu.memory_space<vmem>>, vector<16xi32>,
        %shift_left3A_1073 = arith.constant 16 : i32
        %shift_left3A_1074 = vector.broadcast %shift_left3A_1073 : i32 to vector<16xi32>
        %shift_left3A_1075 = arith.shli %get3A_1072, %shift_left3A_1074 : vector<16xi32>
        %bitcast3A_1076 = vector.bitcast %shift_left3A_1075 : vector<16xi32> to vector<16xf32>
        %and3A_1077 = arith.andi %get3A_1072, %broadcast_in_dim3A_3 : vector<16xi32>
        %bitcast3A_1078 = vector.bitcast %and3A_1077 : vector<16xi32> to vector<16xf32>
        %add3A_1079 = arith.constant 1 : i32
        %add3A_1080 = arith.addi %mul3A_115, %add3A_1079 : i32
        %get3A_1081 = arith.constant 0 : i32
        %get3A_1082 = arith.index_cast %get3A_1081 : i32 to index
        %get3A_1083 = arith.index_cast %add3A_1080 : i32 to index
        %get3A_1084 = arith.constant 32 : index
        %get3A_1085 = tpu.vector_load %arg6[%get3A_1082, %get3A_1083, %get3A_1084] {strides = array<i32>} : memref<2x128x64xi32, #tpu.memory_space<vmem>>, vector<16xi32>,
        %shift_left3A_1086 = arith.constant 16 : i32
        %shift_left3A_1087 = vector.broadcast %shift_left3A_1086 : i32 to vector<16xi32>
        %shift_left3A_1088 = arith.shli %get3A_1085, %shift_left3A_1087 : vector<16xi32>
        %bitcast3A_1089 = vector.bitcast %shift_left3A_1088 : vector<16xi32> to vector<16xf32>
        %add3A_1090 = arith.addf %bitcast3A_1076, %bitcast3A_1089 : vector<16xf32>
        %and3A_1091 = arith.andi %get3A_1085, %broadcast_in_dim3A_3 : vector<16xi32>
        %bitcast3A_1092 = vector.bitcast %and3A_1091 : vector<16xi32> to vector<16xf32>
        %add3A_1093 = arith.addf %bitcast3A_1078, %bitcast3A_1092 : vector<16xf32>
        %add3A_1094 = arith.constant 2 : i32
        %add3A_1095 = arith.addi %mul3A_115, %add3A_1094 : i32
        %get3A_1096 = arith.constant 0 : i32
        %get3A_1097 = arith.index_cast %get3A_1096 : i32 to index
        %get3A_1098 = arith.index_cast %add3A_1095 : i32 to index
        %get3A_1099 = arith.constant 32 : index
        %get3A_1100 = tpu.vector_load %arg6[%get3A_1097, %get3A_1098, %get3A_1099] {strides = array<i32>} : memref<2x128x64xi32, #tpu.memory_space<vmem>>, vector<16xi32>,
        %shift_left3A_1101 = arith.constant 16 : i32
        %shift_left3A_1102 = vector.broadcast %shift_left3A_1101 : i32 to vector<16xi32>
        %shift_left3A_1103 = arith.shli %get3A_1100, %shift_left3A_1102 : vector<16xi32>
        %bitcast3A_1104 = vector.bitcast %shift_left3A_1103 : vector<16xi32> to vector<16xf32>
        %add3A_1105 = arith.addf %add3A_1090, %bitcast3A_1104 : vector<16xf32>
        %and3A_1106 = arith.andi %get3A_1100, %broadcast_in_dim3A_3 : vector<16xi32>
        %bitcast3A_1107 = vector.bitcast %and3A_1106 : vector<16xi32> to vector<16xf32>
        %add3A_1108 = arith.addf %add3A_1093, %bitcast3A_1107 : vector<16xf32>
        %add3A_1109 = arith.constant 3 : i32
        %add3A_1110 = arith.addi %mul3A_115, %add3A_1109 : i32
        %get3A_1111 = arith.constant 0 : i32
        %get3A_1112 = arith.index_cast %get3A_1111 : i32 to index
        %get3A_1113 = arith.index_cast %add3A_1110 : i32 to index
        %get3A_1114 = arith.constant 32 : index
        %get3A_1115 = tpu.vector_load %arg6[%get3A_1112, %get3A_1113, %get3A_1114] {strides = array<i32>} : memref<2x128x64xi32, #tpu.memory_space<vmem>>, vector<16xi32>,
        %shift_left3A_1116 = arith.constant 16 : i32
        %shift_left3A_1117 = vector.broadcast %shift_left3A_1116 : i32 to vector<16xi32>
        %shift_left3A_1118 = arith.shli %get3A_1115, %shift_left3A_1117 : vector<16xi32>
        %bitcast3A_1119 = vector.bitcast %shift_left3A_1118 : vector<16xi32> to vector<16xf32>
        %add3A_1120 = arith.addf %add3A_1105, %bitcast3A_1119 : vector<16xf32>
        %and3A_1121 = arith.andi %get3A_1115, %broadcast_in_dim3A_3 : vector<16xi32>
        %bitcast3A_1122 = vector.bitcast %and3A_1121 : vector<16xi32> to vector<16xf32>
        %add3A_1123 = arith.addf %add3A_1108, %bitcast3A_1122 : vector<16xf32>
        %add3A_1124 = arith.constant 4 : i32
        %add3A_1125 = arith.addi %mul3A_115, %add3A_1124 : i32
        %get3A_1126 = arith.constant 0 : i32
        %get3A_1127 = arith.index_cast %get3A_1126 : i32 to index
        %get3A_1128 = arith.index_cast %add3A_1125 : i32 to index
        %get3A_1129 = arith.constant 32 : index
        %get3A_1130 = tpu.vector_load %arg6[%get3A_1127, %get3A_1128, %get3A_1129] {strides = array<i32>} : memref<2x128x64xi32, #tpu.memory_space<vmem>>, vector<16xi32>,
        %shift_left3A_1131 = arith.constant 16 : i32
        %shift_left3A_1132 = vector.broadcast %shift_left3A_1131 : i32 to vector<16xi32>
        %shift_left3A_1133 = arith.shli %get3A_1130, %shift_left3A_1132 : vector<16xi32>
        %bitcast3A_1134 = vector.bitcast %shift_left3A_1133 : vector<16xi32> to vector<16xf32>
        %add3A_1135 = arith.addf %add3A_1120, %bitcast3A_1134 : vector<16xf32>
        %and3A_1136 = arith.andi %get3A_1130, %broadcast_in_dim3A_3 : vector<16xi32>
        %bitcast3A_1137 = vector.bitcast %and3A_1136 : vector<16xi32> to vector<16xf32>
        %add3A_1138 = arith.addf %add3A_1123, %bitcast3A_1137 : vector<16xf32>
        %add3A_1139 = arith.constant 5 : i32
        %add3A_1140 = arith.addi %mul3A_115, %add3A_1139 : i32
        %get3A_1141 = arith.constant 0 : i32
        %get3A_1142 = arith.index_cast %get3A_1141 : i32 to index
        %get3A_1143 = arith.index_cast %add3A_1140 : i32 to index
        %get3A_1144 = arith.constant 32 : index
        %get3A_1145 = tpu.vector_load %arg6[%get3A_1142, %get3A_1143, %get3A_1144] {strides = array<i32>} : memref<2x128x64xi32, #tpu.memory_space<vmem>>, vector<16xi32>,
        %shift_left3A_1146 = arith.constant 16 : i32
        %shift_left3A_1147 = vector.broadcast %shift_left3A_1146 : i32 to vector<16xi32>
        %shift_left3A_1148 = arith.shli %get3A_1145, %shift_left3A_1147 : vector<16xi32>
        %bitcast3A_1149 = vector.bitcast %shift_left3A_1148 : vector<16xi32> to vector<16xf32>
        %add3A_1150 = arith.addf %add3A_1135, %bitcast3A_1149 : vector<16xf32>
        %and3A_1151 = arith.andi %get3A_1145, %broadcast_in_dim3A_3 : vector<16xi32>
        %bitcast3A_1152 = vector.bitcast %and3A_1151 : vector<16xi32> to vector<16xf32>
        %add3A_1153 = arith.addf %add3A_1138, %bitcast3A_1152 : vector<16xf32>
        %add3A_1154 = arith.constant 6 : i32
        %add3A_1155 = arith.addi %mul3A_115, %add3A_1154 : i32
        %get3A_1156 = arith.constant 0 : i32
        %get3A_1157 = arith.index_cast %get3A_1156 : i32 to index
        %get3A_1158 = arith.index_cast %add3A_1155 : i32 to index
        %get3A_1159 = arith.constant 32 : index
        %get3A_1160 = tpu.vector_load %arg6[%get3A_1157, %get3A_1158, %get3A_1159] {strides = array<i32>} : memref<2x128x64xi32, #tpu.memory_space<vmem>>, vector<16xi32>,
        %shift_left3A_1161 = arith.constant 16 : i32
        %shift_left3A_1162 = vector.broadcast %shift_left3A_1161 : i32 to vector<16xi32>
        %shift_left3A_1163 = arith.shli %get3A_1160, %shift_left3A_1162 : vector<16xi32>
        %bitcast3A_1164 = vector.bitcast %shift_left3A_1163 : vector<16xi32> to vector<16xf32>
        %add3A_1165 = arith.addf %add3A_1150, %bitcast3A_1164 : vector<16xf32>
        %and3A_1166 = arith.andi %get3A_1160, %broadcast_in_dim3A_3 : vector<16xi32>
        %bitcast3A_1167 = vector.bitcast %and3A_1166 : vector<16xi32> to vector<16xf32>
        %add3A_1168 = arith.addf %add3A_1153, %bitcast3A_1167 : vector<16xf32>
        %add3A_1169 = arith.constant 7 : i32
        %add3A_1170 = arith.addi %mul3A_115, %add3A_1169 : i32
        %get3A_1171 = arith.constant 0 : i32
        %get3A_1172 = arith.index_cast %get3A_1171 : i32 to index
        %get3A_1173 = arith.index_cast %add3A_1170 : i32 to index
        %get3A_1174 = arith.constant 32 : index
        %get3A_1175 = tpu.vector_load %arg6[%get3A_1172, %get3A_1173, %get3A_1174] {strides = array<i32>} : memref<2x128x64xi32, #tpu.memory_space<vmem>>, vector<16xi32>,
        %shift_left3A_1176 = arith.constant 16 : i32
        %shift_left3A_1177 = vector.broadcast %shift_left3A_1176 : i32 to vector<16xi32>
        %shift_left3A_1178 = arith.shli %get3A_1175, %shift_left3A_1177 : vector<16xi32>
        %bitcast3A_1179 = vector.bitcast %shift_left3A_1178 : vector<16xi32> to vector<16xf32>
        %add3A_1180 = arith.addf %add3A_1165, %bitcast3A_1179 : vector<16xf32>
        %and3A_1181 = arith.andi %get3A_1175, %broadcast_in_dim3A_3 : vector<16xi32>
        %bitcast3A_1182 = vector.bitcast %and3A_1181 : vector<16xi32> to vector<16xf32>
        %add3A_1183 = arith.addf %add3A_1168, %bitcast3A_1182 : vector<16xf32>
        %add3A_1184 = arith.constant 8 : i32
        %add3A_1185 = arith.addi %mul3A_115, %add3A_1184 : i32
        %get3A_1186 = arith.constant 0 : i32
        %get3A_1187 = arith.index_cast %get3A_1186 : i32 to index
        %get3A_1188 = arith.index_cast %add3A_1185 : i32 to index
        %get3A_1189 = arith.constant 32 : index
        %get3A_1190 = tpu.vector_load %arg6[%get3A_1187, %get3A_1188, %get3A_1189] {strides = array<i32>} : memref<2x128x64xi32, #tpu.memory_space<vmem>>, vector<16xi32>,
        %shift_left3A_1191 = arith.constant 16 : i32
        %shift_left3A_1192 = vector.broadcast %shift_left3A_1191 : i32 to vector<16xi32>
        %shift_left3A_1193 = arith.shli %get3A_1190, %shift_left3A_1192 : vector<16xi32>
        %bitcast3A_1194 = vector.bitcast %shift_left3A_1193 : vector<16xi32> to vector<16xf32>
        %add3A_1195 = arith.addf %add3A_1180, %bitcast3A_1194 : vector<16xf32>
        %and3A_1196 = arith.andi %get3A_1190, %broadcast_in_dim3A_3 : vector<16xi32>
        %bitcast3A_1197 = vector.bitcast %and3A_1196 : vector<16xi32> to vector<16xf32>
        %add3A_1198 = arith.addf %add3A_1183, %bitcast3A_1197 : vector<16xf32>
        %add3A_1199 = arith.constant 9 : i32
        %add3A_1200 = arith.addi %mul3A_115, %add3A_1199 : i32
        %get3A_1201 = arith.constant 0 : i32
        %get3A_1202 = arith.index_cast %get3A_1201 : i32 to index
        %get3A_1203 = arith.index_cast %add3A_1200 : i32 to index
        %get3A_1204 = arith.constant 32 : index
        %get3A_1205 = tpu.vector_load %arg6[%get3A_1202, %get3A_1203, %get3A_1204] {strides = array<i32>} : memref<2x128x64xi32, #tpu.memory_space<vmem>>, vector<16xi32>,
        %shift_left3A_1206 = arith.constant 16 : i32
        %shift_left3A_1207 = vector.broadcast %shift_left3A_1206 : i32 to vector<16xi32>
        %shift_left3A_1208 = arith.shli %get3A_1205, %shift_left3A_1207 : vector<16xi32>
        %bitcast3A_1209 = vector.bitcast %shift_left3A_1208 : vector<16xi32> to vector<16xf32>
        %add3A_1210 = arith.addf %add3A_1195, %bitcast3A_1209 : vector<16xf32>
        %and3A_1211 = arith.andi %get3A_1205, %broadcast_in_dim3A_3 : vector<16xi32>
        %bitcast3A_1212 = vector.bitcast %and3A_1211 : vector<16xi32> to vector<16xf32>
        %add3A_1213 = arith.addf %add3A_1198, %bitcast3A_1212 : vector<16xf32>
        %add3A_1214 = arith.constant 10 : i32
        %add3A_1215 = arith.addi %mul3A_115, %add3A_1214 : i32
        %get3A_1216 = arith.constant 0 : i32
        %get3A_1217 = arith.index_cast %get3A_1216 : i32 to index
        %get3A_1218 = arith.index_cast %add3A_1215 : i32 to index
        %get3A_1219 = arith.constant 32 : index
        %get3A_1220 = tpu.vector_load %arg6[%get3A_1217, %get3A_1218, %get3A_1219] {strides = array<i32>} : memref<2x128x64xi32, #tpu.memory_space<vmem>>, vector<16xi32>,
        %shift_left3A_1221 = arith.constant 16 : i32
        %shift_left3A_1222 = vector.broadcast %shift_left3A_1221 : i32 to vector<16xi32>
        %shift_left3A_1223 = arith.shli %get3A_1220, %shift_left3A_1222 : vector<16xi32>
        %bitcast3A_1224 = vector.bitcast %shift_left3A_1223 : vector<16xi32> to vector<16xf32>
        %add3A_1225 = arith.addf %add3A_1210, %bitcast3A_1224 : vector<16xf32>
        %and3A_1226 = arith.andi %get3A_1220, %broadcast_in_dim3A_3 : vector<16xi32>
        %bitcast3A_1227 = vector.bitcast %and3A_1226 : vector<16xi32> to vector<16xf32>
        %add3A_1228 = arith.addf %add3A_1213, %bitcast3A_1227 : vector<16xf32>
        %add3A_1229 = arith.constant 11 : i32
        %add3A_1230 = arith.addi %mul3A_115, %add3A_1229 : i32
        %get3A_1231 = arith.constant 0 : i32
        %get3A_1232 = arith.index_cast %get3A_1231 : i32 to index
        %get3A_1233 = arith.index_cast %add3A_1230 : i32 to index
        %get3A_1234 = arith.constant 32 : index
        %get3A_1235 = tpu.vector_load %arg6[%get3A_1232, %get3A_1233, %get3A_1234] {strides = array<i32>} : memref<2x128x64xi32, #tpu.memory_space<vmem>>, vector<16xi32>,
        %shift_left3A_1236 = arith.constant 16 : i32
        %shift_left3A_1237 = vector.broadcast %shift_left3A_1236 : i32 to vector<16xi32>
        %shift_left3A_1238 = arith.shli %get3A_1235, %shift_left3A_1237 : vector<16xi32>
        %bitcast3A_1239 = vector.bitcast %shift_left3A_1238 : vector<16xi32> to vector<16xf32>
        %add3A_1240 = arith.addf %add3A_1225, %bitcast3A_1239 : vector<16xf32>
        %and3A_1241 = arith.andi %get3A_1235, %broadcast_in_dim3A_3 : vector<16xi32>
        %bitcast3A_1242 = vector.bitcast %and3A_1241 : vector<16xi32> to vector<16xf32>
        %add3A_1243 = arith.addf %add3A_1228, %bitcast3A_1242 : vector<16xf32>
        %add3A_1244 = arith.constant 12 : i32
        %add3A_1245 = arith.addi %mul3A_115, %add3A_1244 : i32
        %get3A_1246 = arith.constant 0 : i32
        %get3A_1247 = arith.index_cast %get3A_1246 : i32 to index
        %get3A_1248 = arith.index_cast %add3A_1245 : i32 to index
        %get3A_1249 = arith.constant 32 : index
        %get3A_1250 = tpu.vector_load %arg6[%get3A_1247, %get3A_1248, %get3A_1249] {strides = array<i32>} : memref<2x128x64xi32, #tpu.memory_space<vmem>>, vector<16xi32>,
        %shift_left3A_1251 = arith.constant 16 : i32
        %shift_left3A_1252 = vector.broadcast %shift_left3A_1251 : i32 to vector<16xi32>
        %shift_left3A_1253 = arith.shli %get3A_1250, %shift_left3A_1252 : vector<16xi32>
        %bitcast3A_1254 = vector.bitcast %shift_left3A_1253 : vector<16xi32> to vector<16xf32>
        %add3A_1255 = arith.addf %add3A_1240, %bitcast3A_1254 : vector<16xf32>
        %and3A_1256 = arith.andi %get3A_1250, %broadcast_in_dim3A_3 : vector<16xi32>
        %bitcast3A_1257 = vector.bitcast %and3A_1256 : vector<16xi32> to vector<16xf32>
        %add3A_1258 = arith.addf %add3A_1243, %bitcast3A_1257 : vector<16xf32>
        %add3A_1259 = arith.constant 13 : i32
        %add3A_1260 = arith.addi %mul3A_115, %add3A_1259 : i32
        %get3A_1261 = arith.constant 0 : i32
        %get3A_1262 = arith.index_cast %get3A_1261 : i32 to index
        %get3A_1263 = arith.index_cast %add3A_1260 : i32 to index
        %get3A_1264 = arith.constant 32 : index
        %get3A_1265 = tpu.vector_load %arg6[%get3A_1262, %get3A_1263, %get3A_1264] {strides = array<i32>} : memref<2x128x64xi32, #tpu.memory_space<vmem>>, vector<16xi32>,
        %shift_left3A_1266 = arith.constant 16 : i32
        %shift_left3A_1267 = vector.broadcast %shift_left3A_1266 : i32 to vector<16xi32>
        %shift_left3A_1268 = arith.shli %get3A_1265, %shift_left3A_1267 : vector<16xi32>
        %bitcast3A_1269 = vector.bitcast %shift_left3A_1268 : vector<16xi32> to vector<16xf32>
        %add3A_1270 = arith.addf %add3A_1255, %bitcast3A_1269 : vector<16xf32>
        %and3A_1271 = arith.andi %get3A_1265, %broadcast_in_dim3A_3 : vector<16xi32>
        %bitcast3A_1272 = vector.bitcast %and3A_1271 : vector<16xi32> to vector<16xf32>
        %add3A_1273 = arith.addf %add3A_1258, %bitcast3A_1272 : vector<16xf32>
        %add3A_1274 = arith.constant 14 : i32
        %add3A_1275 = arith.addi %mul3A_115, %add3A_1274 : i32
        %get3A_1276 = arith.constant 0 : i32
        %get3A_1277 = arith.index_cast %get3A_1276 : i32 to index
        %get3A_1278 = arith.index_cast %add3A_1275 : i32 to index
        %get3A_1279 = arith.constant 32 : index
        %get3A_1280 = tpu.vector_load %arg6[%get3A_1277, %get3A_1278, %get3A_1279] {strides = array<i32>} : memref<2x128x64xi32, #tpu.memory_space<vmem>>, vector<16xi32>,
        %shift_left3A_1281 = arith.constant 16 : i32
        %shift_left3A_1282 = vector.broadcast %shift_left3A_1281 : i32 to vector<16xi32>
        %shift_left3A_1283 = arith.shli %get3A_1280, %shift_left3A_1282 : vector<16xi32>
        %bitcast3A_1284 = vector.bitcast %shift_left3A_1283 : vector<16xi32> to vector<16xf32>
        %add3A_1285 = arith.addf %add3A_1270, %bitcast3A_1284 : vector<16xf32>
        %and3A_1286 = arith.andi %get3A_1280, %broadcast_in_dim3A_3 : vector<16xi32>
        %bitcast3A_1287 = vector.bitcast %and3A_1286 : vector<16xi32> to vector<16xf32>
        %add3A_1288 = arith.addf %add3A_1273, %bitcast3A_1287 : vector<16xf32>
        %add3A_1289 = arith.constant 15 : i32
        %add3A_1290 = arith.addi %mul3A_115, %add3A_1289 : i32
        %get3A_1291 = arith.constant 0 : i32
        %get3A_1292 = arith.index_cast %get3A_1291 : i32 to index
        %get3A_1293 = arith.index_cast %add3A_1290 : i32 to index
        %get3A_1294 = arith.constant 32 : index
        %get3A_1295 = tpu.vector_load %arg6[%get3A_1292, %get3A_1293, %get3A_1294] {strides = array<i32>} : memref<2x128x64xi32, #tpu.memory_space<vmem>>, vector<16xi32>,
        %shift_left3A_1296 = arith.constant 16 : i32
        %shift_left3A_1297 = vector.broadcast %shift_left3A_1296 : i32 to vector<16xi32>
        %shift_left3A_1298 = arith.shli %get3A_1295, %shift_left3A_1297 : vector<16xi32>
        %bitcast3A_1299 = vector.bitcast %shift_left3A_1298 : vector<16xi32> to vector<16xf32>
        %add3A_1300 = arith.addf %add3A_1285, %bitcast3A_1299 : vector<16xf32>
        %and3A_1301 = arith.andi %get3A_1295, %broadcast_in_dim3A_3 : vector<16xi32>
        %bitcast3A_1302 = vector.bitcast %and3A_1301 : vector<16xi32> to vector<16xf32>
        %add3A_1303 = arith.addf %add3A_1288, %bitcast3A_1302 : vector<16xf32>
        %add3A_1304 = arith.constant 16 : i32
        %add3A_1305 = arith.addi %mul3A_115, %add3A_1304 : i32
        %get3A_1306 = arith.constant 0 : i32
        %get3A_1307 = arith.index_cast %get3A_1306 : i32 to index
        %get3A_1308 = arith.index_cast %add3A_1305 : i32 to index
        %get3A_1309 = arith.constant 32 : index
        %get3A_1310 = tpu.vector_load %arg6[%get3A_1307, %get3A_1308, %get3A_1309] {strides = array<i32>} : memref<2x128x64xi32, #tpu.memory_space<vmem>>, vector<16xi32>,
        %shift_left3A_1311 = arith.constant 16 : i32
        %shift_left3A_1312 = vector.broadcast %shift_left3A_1311 : i32 to vector<16xi32>
        %shift_left3A_1313 = arith.shli %get3A_1310, %shift_left3A_1312 : vector<16xi32>
        %bitcast3A_1314 = vector.bitcast %shift_left3A_1313 : vector<16xi32> to vector<16xf32>
        %add3A_1315 = arith.addf %add3A_1300, %bitcast3A_1314 : vector<16xf32>
        %and3A_1316 = arith.andi %get3A_1310, %broadcast_in_dim3A_3 : vector<16xi32>
        %bitcast3A_1317 = vector.bitcast %and3A_1316 : vector<16xi32> to vector<16xf32>
        %add3A_1318 = arith.addf %add3A_1303, %bitcast3A_1317 : vector<16xf32>
        %add3A_1319 = arith.constant 17 : i32
        %add3A_1320 = arith.addi %mul3A_115, %add3A_1319 : i32
        %get3A_1321 = arith.constant 0 : i32
        %get3A_1322 = arith.index_cast %get3A_1321 : i32 to index
        %get3A_1323 = arith.index_cast %add3A_1320 : i32 to index
        %get3A_1324 = arith.constant 32 : index
        %get3A_1325 = tpu.vector_load %arg6[%get3A_1322, %get3A_1323, %get3A_1324] {strides = array<i32>} : memref<2x128x64xi32, #tpu.memory_space<vmem>>, vector<16xi32>,
        %shift_left3A_1326 = arith.constant 16 : i32
        %shift_left3A_1327 = vector.broadcast %shift_left3A_1326 : i32 to vector<16xi32>
        %shift_left3A_1328 = arith.shli %get3A_1325, %shift_left3A_1327 : vector<16xi32>
        %bitcast3A_1329 = vector.bitcast %shift_left3A_1328 : vector<16xi32> to vector<16xf32>
        %add3A_1330 = arith.addf %add3A_1315, %bitcast3A_1329 : vector<16xf32>
        %and3A_1331 = arith.andi %get3A_1325, %broadcast_in_dim3A_3 : vector<16xi32>
        %bitcast3A_1332 = vector.bitcast %and3A_1331 : vector<16xi32> to vector<16xf32>
        %add3A_1333 = arith.addf %add3A_1318, %bitcast3A_1332 : vector<16xf32>
        %add3A_1334 = arith.constant 18 : i32
        %add3A_1335 = arith.addi %mul3A_115, %add3A_1334 : i32
        %get3A_1336 = arith.constant 0 : i32
        %get3A_1337 = arith.index_cast %get3A_1336 : i32 to index
        %get3A_1338 = arith.index_cast %add3A_1335 : i32 to index
        %get3A_1339 = arith.constant 32 : index
        %get3A_1340 = tpu.vector_load %arg6[%get3A_1337, %get3A_1338, %get3A_1339] {strides = array<i32>} : memref<2x128x64xi32, #tpu.memory_space<vmem>>, vector<16xi32>,
        %shift_left3A_1341 = arith.constant 16 : i32
        %shift_left3A_1342 = vector.broadcast %shift_left3A_1341 : i32 to vector<16xi32>
        %shift_left3A_1343 = arith.shli %get3A_1340, %shift_left3A_1342 : vector<16xi32>
        %bitcast3A_1344 = vector.bitcast %shift_left3A_1343 : vector<16xi32> to vector<16xf32>
        %add3A_1345 = arith.addf %add3A_1330, %bitcast3A_1344 : vector<16xf32>
        %and3A_1346 = arith.andi %get3A_1340, %broadcast_in_dim3A_3 : vector<16xi32>
        %bitcast3A_1347 = vector.bitcast %and3A_1346 : vector<16xi32> to vector<16xf32>
        %add3A_1348 = arith.addf %add3A_1333, %bitcast3A_1347 : vector<16xf32>
        %add3A_1349 = arith.constant 19 : i32
        %add3A_1350 = arith.addi %mul3A_115, %add3A_1349 : i32
        %get3A_1351 = arith.constant 0 : i32
        %get3A_1352 = arith.index_cast %get3A_1351 : i32 to index
        %get3A_1353 = arith.index_cast %add3A_1350 : i32 to index
        %get3A_1354 = arith.constant 32 : index
        %get3A_1355 = tpu.vector_load %arg6[%get3A_1352, %get3A_1353, %get3A_1354] {strides = array<i32>} : memref<2x128x64xi32, #tpu.memory_space<vmem>>, vector<16xi32>,
        %shift_left3A_1356 = arith.constant 16 : i32
        %shift_left3A_1357 = vector.broadcast %shift_left3A_1356 : i32 to vector<16xi32>
        %shift_left3A_1358 = arith.shli %get3A_1355, %shift_left3A_1357 : vector<16xi32>
        %bitcast3A_1359 = vector.bitcast %shift_left3A_1358 : vector<16xi32> to vector<16xf32>
        %add3A_1360 = arith.addf %add3A_1345, %bitcast3A_1359 : vector<16xf32>
        %and3A_1361 = arith.andi %get3A_1355, %broadcast_in_dim3A_3 : vector<16xi32>
        %bitcast3A_1362 = vector.bitcast %and3A_1361 : vector<16xi32> to vector<16xf32>
        %add3A_1363 = arith.addf %add3A_1348, %bitcast3A_1362 : vector<16xf32>
        %add3A_1364 = arith.constant 20 : i32
        %add3A_1365 = arith.addi %mul3A_115, %add3A_1364 : i32
        %get3A_1366 = arith.constant 0 : i32
        %get3A_1367 = arith.index_cast %get3A_1366 : i32 to index
        %get3A_1368 = arith.index_cast %add3A_1365 : i32 to index
        %get3A_1369 = arith.constant 32 : index
        %get3A_1370 = tpu.vector_load %arg6[%get3A_1367, %get3A_1368, %get3A_1369] {strides = array<i32>} : memref<2x128x64xi32, #tpu.memory_space<vmem>>, vector<16xi32>,
        %shift_left3A_1371 = arith.constant 16 : i32
        %shift_left3A_1372 = vector.broadcast %shift_left3A_1371 : i32 to vector<16xi32>
        %shift_left3A_1373 = arith.shli %get3A_1370, %shift_left3A_1372 : vector<16xi32>
        %bitcast3A_1374 = vector.bitcast %shift_left3A_1373 : vector<16xi32> to vector<16xf32>
        %add3A_1375 = arith.addf %add3A_1360, %bitcast3A_1374 : vector<16xf32>
        %and3A_1376 = arith.andi %get3A_1370, %broadcast_in_dim3A_3 : vector<16xi32>
        %bitcast3A_1377 = vector.bitcast %and3A_1376 : vector<16xi32> to vector<16xf32>
        %add3A_1378 = arith.addf %add3A_1363, %bitcast3A_1377 : vector<16xf32>
        %add3A_1379 = arith.constant 21 : i32
        %add3A_1380 = arith.addi %mul3A_115, %add3A_1379 : i32
        %get3A_1381 = arith.constant 0 : i32
        %get3A_1382 = arith.index_cast %get3A_1381 : i32 to index
        %get3A_1383 = arith.index_cast %add3A_1380 : i32 to index
        %get3A_1384 = arith.constant 32 : index
        %get3A_1385 = tpu.vector_load %arg6[%get3A_1382, %get3A_1383, %get3A_1384] {strides = array<i32>} : memref<2x128x64xi32, #tpu.memory_space<vmem>>, vector<16xi32>,
        %shift_left3A_1386 = arith.constant 16 : i32
        %shift_left3A_1387 = vector.broadcast %shift_left3A_1386 : i32 to vector<16xi32>
        %shift_left3A_1388 = arith.shli %get3A_1385, %shift_left3A_1387 : vector<16xi32>
        %bitcast3A_1389 = vector.bitcast %shift_left3A_1388 : vector<16xi32> to vector<16xf32>
        %add3A_1390 = arith.addf %add3A_1375, %bitcast3A_1389 : vector<16xf32>
        %and3A_1391 = arith.andi %get3A_1385, %broadcast_in_dim3A_3 : vector<16xi32>
        %bitcast3A_1392 = vector.bitcast %and3A_1391 : vector<16xi32> to vector<16xf32>
        %add3A_1393 = arith.addf %add3A_1378, %bitcast3A_1392 : vector<16xf32>
        %add3A_1394 = arith.constant 22 : i32
        %add3A_1395 = arith.addi %mul3A_115, %add3A_1394 : i32
        %get3A_1396 = arith.constant 0 : i32
        %get3A_1397 = arith.index_cast %get3A_1396 : i32 to index
        %get3A_1398 = arith.index_cast %add3A_1395 : i32 to index
        %get3A_1399 = arith.constant 32 : index
        %get3A_1400 = tpu.vector_load %arg6[%get3A_1397, %get3A_1398, %get3A_1399] {strides = array<i32>} : memref<2x128x64xi32, #tpu.memory_space<vmem>>, vector<16xi32>,
        %shift_left3A_1401 = arith.constant 16 : i32
        %shift_left3A_1402 = vector.broadcast %shift_left3A_1401 : i32 to vector<16xi32>
        %shift_left3A_1403 = arith.shli %get3A_1400, %shift_left3A_1402 : vector<16xi32>
        %bitcast3A_1404 = vector.bitcast %shift_left3A_1403 : vector<16xi32> to vector<16xf32>
        %add3A_1405 = arith.addf %add3A_1390, %bitcast3A_1404 : vector<16xf32>
        %and3A_1406 = arith.andi %get3A_1400, %broadcast_in_dim3A_3 : vector<16xi32>
        %bitcast3A_1407 = vector.bitcast %and3A_1406 : vector<16xi32> to vector<16xf32>
        %add3A_1408 = arith.addf %add3A_1393, %bitcast3A_1407 : vector<16xf32>
        %add3A_1409 = arith.constant 23 : i32
        %add3A_1410 = arith.addi %mul3A_115, %add3A_1409 : i32
        %get3A_1411 = arith.constant 0 : i32
        %get3A_1412 = arith.index_cast %get3A_1411 : i32 to index
        %get3A_1413 = arith.index_cast %add3A_1410 : i32 to index
        %get3A_1414 = arith.constant 32 : index
        %get3A_1415 = tpu.vector_load %arg6[%get3A_1412, %get3A_1413, %get3A_1414] {strides = array<i32>} : memref<2x128x64xi32, #tpu.memory_space<vmem>>, vector<16xi32>,
        %shift_left3A_1416 = arith.constant 16 : i32
        %shift_left3A_1417 = vector.broadcast %shift_left3A_1416 : i32 to vector<16xi32>
        %shift_left3A_1418 = arith.shli %get3A_1415, %shift_left3A_1417 : vector<16xi32>
        %bitcast3A_1419 = vector.bitcast %shift_left3A_1418 : vector<16xi32> to vector<16xf32>
        %add3A_1420 = arith.addf %add3A_1405, %bitcast3A_1419 : vector<16xf32>
        %and3A_1421 = arith.andi %get3A_1415, %broadcast_in_dim3A_3 : vector<16xi32>
        %bitcast3A_1422 = vector.bitcast %and3A_1421 : vector<16xi32> to vector<16xf32>
        %add3A_1423 = arith.addf %add3A_1408, %bitcast3A_1422 : vector<16xf32>
        %add3A_1424 = arith.constant 24 : i32
        %add3A_1425 = arith.addi %mul3A_115, %add3A_1424 : i32
        %get3A_1426 = arith.constant 0 : i32
        %get3A_1427 = arith.index_cast %get3A_1426 : i32 to index
        %get3A_1428 = arith.index_cast %add3A_1425 : i32 to index
        %get3A_1429 = arith.constant 32 : index
        %get3A_1430 = tpu.vector_load %arg6[%get3A_1427, %get3A_1428, %get3A_1429] {strides = array<i32>} : memref<2x128x64xi32, #tpu.memory_space<vmem>>, vector<16xi32>,
        %shift_left3A_1431 = arith.constant 16 : i32
        %shift_left3A_1432 = vector.broadcast %shift_left3A_1431 : i32 to vector<16xi32>
        %shift_left3A_1433 = arith.shli %get3A_1430, %shift_left3A_1432 : vector<16xi32>
        %bitcast3A_1434 = vector.bitcast %shift_left3A_1433 : vector<16xi32> to vector<16xf32>
        %add3A_1435 = arith.addf %add3A_1420, %bitcast3A_1434 : vector<16xf32>
        %and3A_1436 = arith.andi %get3A_1430, %broadcast_in_dim3A_3 : vector<16xi32>
        %bitcast3A_1437 = vector.bitcast %and3A_1436 : vector<16xi32> to vector<16xf32>
        %add3A_1438 = arith.addf %add3A_1423, %bitcast3A_1437 : vector<16xf32>
        %add3A_1439 = arith.constant 25 : i32
        %add3A_1440 = arith.addi %mul3A_115, %add3A_1439 : i32
        %get3A_1441 = arith.constant 0 : i32
        %get3A_1442 = arith.index_cast %get3A_1441 : i32 to index
        %get3A_1443 = arith.index_cast %add3A_1440 : i32 to index
        %get3A_1444 = arith.constant 32 : index
        %get3A_1445 = tpu.vector_load %arg6[%get3A_1442, %get3A_1443, %get3A_1444] {strides = array<i32>} : memref<2x128x64xi32, #tpu.memory_space<vmem>>, vector<16xi32>,
        %shift_left3A_1446 = arith.constant 16 : i32
        %shift_left3A_1447 = vector.broadcast %shift_left3A_1446 : i32 to vector<16xi32>
        %shift_left3A_1448 = arith.shli %get3A_1445, %shift_left3A_1447 : vector<16xi32>
        %bitcast3A_1449 = vector.bitcast %shift_left3A_1448 : vector<16xi32> to vector<16xf32>
        %add3A_1450 = arith.addf %add3A_1435, %bitcast3A_1449 : vector<16xf32>
        %and3A_1451 = arith.andi %get3A_1445, %broadcast_in_dim3A_3 : vector<16xi32>
        %bitcast3A_1452 = vector.bitcast %and3A_1451 : vector<16xi32> to vector<16xf32>
        %add3A_1453 = arith.addf %add3A_1438, %bitcast3A_1452 : vector<16xf32>
        %add3A_1454 = arith.constant 26 : i32
        %add3A_1455 = arith.addi %mul3A_115, %add3A_1454 : i32
        %get3A_1456 = arith.constant 0 : i32
        %get3A_1457 = arith.index_cast %get3A_1456 : i32 to index
        %get3A_1458 = arith.index_cast %add3A_1455 : i32 to index
        %get3A_1459 = arith.constant 32 : index
        %get3A_1460 = tpu.vector_load %arg6[%get3A_1457, %get3A_1458, %get3A_1459] {strides = array<i32>} : memref<2x128x64xi32, #tpu.memory_space<vmem>>, vector<16xi32>,
        %shift_left3A_1461 = arith.constant 16 : i32
        %shift_left3A_1462 = vector.broadcast %shift_left3A_1461 : i32 to vector<16xi32>
        %shift_left3A_1463 = arith.shli %get3A_1460, %shift_left3A_1462 : vector<16xi32>
        %bitcast3A_1464 = vector.bitcast %shift_left3A_1463 : vector<16xi32> to vector<16xf32>
        %add3A_1465 = arith.addf %add3A_1450, %bitcast3A_1464 : vector<16xf32>
        %and3A_1466 = arith.andi %get3A_1460, %broadcast_in_dim3A_3 : vector<16xi32>
        %bitcast3A_1467 = vector.bitcast %and3A_1466 : vector<16xi32> to vector<16xf32>
        %add3A_1468 = arith.addf %add3A_1453, %bitcast3A_1467 : vector<16xf32>
        %add3A_1469 = arith.constant 27 : i32
        %add3A_1470 = arith.addi %mul3A_115, %add3A_1469 : i32
        %get3A_1471 = arith.constant 0 : i32
        %get3A_1472 = arith.index_cast %get3A_1471 : i32 to index
        %get3A_1473 = arith.index_cast %add3A_1470 : i32 to index
        %get3A_1474 = arith.constant 32 : index
        %get3A_1475 = tpu.vector_load %arg6[%get3A_1472, %get3A_1473, %get3A_1474] {strides = array<i32>} : memref<2x128x64xi32, #tpu.memory_space<vmem>>, vector<16xi32>,
        %shift_left3A_1476 = arith.constant 16 : i32
        %shift_left3A_1477 = vector.broadcast %shift_left3A_1476 : i32 to vector<16xi32>
        %shift_left3A_1478 = arith.shli %get3A_1475, %shift_left3A_1477 : vector<16xi32>
        %bitcast3A_1479 = vector.bitcast %shift_left3A_1478 : vector<16xi32> to vector<16xf32>
        %add3A_1480 = arith.addf %add3A_1465, %bitcast3A_1479 : vector<16xf32>
        %and3A_1481 = arith.andi %get3A_1475, %broadcast_in_dim3A_3 : vector<16xi32>
        %bitcast3A_1482 = vector.bitcast %and3A_1481 : vector<16xi32> to vector<16xf32>
        %add3A_1483 = arith.addf %add3A_1468, %bitcast3A_1482 : vector<16xf32>
        %add3A_1484 = arith.constant 28 : i32
        %add3A_1485 = arith.addi %mul3A_115, %add3A_1484 : i32
        %get3A_1486 = arith.constant 0 : i32
        %get3A_1487 = arith.index_cast %get3A_1486 : i32 to index
        %get3A_1488 = arith.index_cast %add3A_1485 : i32 to index
        %get3A_1489 = arith.constant 32 : index
        %get3A_1490 = tpu.vector_load %arg6[%get3A_1487, %get3A_1488, %get3A_1489] {strides = array<i32>} : memref<2x128x64xi32, #tpu.memory_space<vmem>>, vector<16xi32>,
        %shift_left3A_1491 = arith.constant 16 : i32
        %shift_left3A_1492 = vector.broadcast %shift_left3A_1491 : i32 to vector<16xi32>
        %shift_left3A_1493 = arith.shli %get3A_1490, %shift_left3A_1492 : vector<16xi32>
        %bitcast3A_1494 = vector.bitcast %shift_left3A_1493 : vector<16xi32> to vector<16xf32>
        %add3A_1495 = arith.addf %add3A_1480, %bitcast3A_1494 : vector<16xf32>
        %and3A_1496 = arith.andi %get3A_1490, %broadcast_in_dim3A_3 : vector<16xi32>
        %bitcast3A_1497 = vector.bitcast %and3A_1496 : vector<16xi32> to vector<16xf32>
        %add3A_1498 = arith.addf %add3A_1483, %bitcast3A_1497 : vector<16xf32>
        %add3A_1499 = arith.constant 29 : i32
        %add3A_1500 = arith.addi %mul3A_115, %add3A_1499 : i32
        %get3A_1501 = arith.constant 0 : i32
        %get3A_1502 = arith.index_cast %get3A_1501 : i32 to index
        %get3A_1503 = arith.index_cast %add3A_1500 : i32 to index
        %get3A_1504 = arith.constant 32 : index
        %get3A_1505 = tpu.vector_load %arg6[%get3A_1502, %get3A_1503, %get3A_1504] {strides = array<i32>} : memref<2x128x64xi32, #tpu.memory_space<vmem>>, vector<16xi32>,
        %shift_left3A_1506 = arith.constant 16 : i32
        %shift_left3A_1507 = vector.broadcast %shift_left3A_1506 : i32 to vector<16xi32>
        %shift_left3A_1508 = arith.shli %get3A_1505, %shift_left3A_1507 : vector<16xi32>
        %bitcast3A_1509 = vector.bitcast %shift_left3A_1508 : vector<16xi32> to vector<16xf32>
        %add3A_1510 = arith.addf %add3A_1495, %bitcast3A_1509 : vector<16xf32>
        %and3A_1511 = arith.andi %get3A_1505, %broadcast_in_dim3A_3 : vector<16xi32>
        %bitcast3A_1512 = vector.bitcast %and3A_1511 : vector<16xi32> to vector<16xf32>
        %add3A_1513 = arith.addf %add3A_1498, %bitcast3A_1512 : vector<16xf32>
        %add3A_1514 = arith.constant 30 : i32
        %add3A_1515 = arith.addi %mul3A_115, %add3A_1514 : i32
        %get3A_1516 = arith.constant 0 : i32
        %get3A_1517 = arith.index_cast %get3A_1516 : i32 to index
        %get3A_1518 = arith.index_cast %add3A_1515 : i32 to index
        %get3A_1519 = arith.constant 32 : index
        %get3A_1520 = tpu.vector_load %arg6[%get3A_1517, %get3A_1518, %get3A_1519] {strides = array<i32>} : memref<2x128x64xi32, #tpu.memory_space<vmem>>, vector<16xi32>,
        %shift_left3A_1521 = arith.constant 16 : i32
        %shift_left3A_1522 = vector.broadcast %shift_left3A_1521 : i32 to vector<16xi32>
        %shift_left3A_1523 = arith.shli %get3A_1520, %shift_left3A_1522 : vector<16xi32>
        %bitcast3A_1524 = vector.bitcast %shift_left3A_1523 : vector<16xi32> to vector<16xf32>
        %add3A_1525 = arith.addf %add3A_1510, %bitcast3A_1524 : vector<16xf32>
        %and3A_1526 = arith.andi %get3A_1520, %broadcast_in_dim3A_3 : vector<16xi32>
        %bitcast3A_1527 = vector.bitcast %and3A_1526 : vector<16xi32> to vector<16xf32>
        %add3A_1528 = arith.addf %add3A_1513, %bitcast3A_1527 : vector<16xf32>
        %add3A_1529 = arith.constant 31 : i32
        %add3A_1530 = arith.addi %mul3A_115, %add3A_1529 : i32
        %get3A_1531 = arith.constant 0 : i32
        %get3A_1532 = arith.index_cast %get3A_1531 : i32 to index
        %get3A_1533 = arith.index_cast %add3A_1530 : i32 to index
        %get3A_1534 = arith.constant 32 : index
        %get3A_1535 = tpu.vector_load %arg6[%get3A_1532, %get3A_1533, %get3A_1534] {strides = array<i32>} : memref<2x128x64xi32, #tpu.memory_space<vmem>>, vector<16xi32>,
        %shift_left3A_1536 = arith.constant 16 : i32
        %shift_left3A_1537 = vector.broadcast %shift_left3A_1536 : i32 to vector<16xi32>
        %shift_left3A_1538 = arith.shli %get3A_1535, %shift_left3A_1537 : vector<16xi32>
        %bitcast3A_1539 = vector.bitcast %shift_left3A_1538 : vector<16xi32> to vector<16xf32>
        %add3A_1540 = arith.addf %add3A_1525, %bitcast3A_1539 : vector<16xf32>
        %and3A_1541 = arith.andi %get3A_1535, %broadcast_in_dim3A_3 : vector<16xi32>
        %bitcast3A_1542 = vector.bitcast %and3A_1541 : vector<16xi32> to vector<16xf32>
        %add3A_1543 = arith.addf %add3A_1528, %bitcast3A_1542 : vector<16xf32>
        tpu.vector_store_idx %arg7[%add3A_12, %broadcast_in_dim3A_119], %add3A_1540 : memref<128x512xf32, #tpu.memory_space<vmem>>[vector<16xi32>, vector<16xi32>], vector<16xf32>,
        tpu.vector_store_idx %arg7[%add3A_24, %broadcast_in_dim3A_119], %add3A_1543 : memref<128x512xf32, #tpu.memory_space<vmem>>[vector<16xi32>, vector<16xi32>], vector<16xf32>,
        %get3A_1544 = arith.constant 0 : i32
        %get3A_1545 = arith.index_cast %get3A_1544 : i32 to index
        %get3A_1546 = arith.index_cast %mul3A_115 : i32 to index
        %get3A_1547 = arith.constant 48 : index
        %get3A_1548 = tpu.vector_load %arg6[%get3A_1545, %get3A_1546, %get3A_1547] {strides = array<i32>} : memref<2x128x64xi32, #tpu.memory_space<vmem>>, vector<16xi32>,
        %shift_left3A_1549 = arith.constant 16 : i32
        %shift_left3A_1550 = vector.broadcast %shift_left3A_1549 : i32 to vector<16xi32>
        %shift_left3A_1551 = arith.shli %get3A_1548, %shift_left3A_1550 : vector<16xi32>
        %bitcast3A_1552 = vector.bitcast %shift_left3A_1551 : vector<16xi32> to vector<16xf32>
        %and3A_1553 = arith.andi %get3A_1548, %broadcast_in_dim3A_3 : vector<16xi32>
        %bitcast3A_1554 = vector.bitcast %and3A_1553 : vector<16xi32> to vector<16xf32>
        %add3A_1555 = arith.constant 1 : i32
        %add3A_1556 = arith.addi %mul3A_115, %add3A_1555 : i32
        %get3A_1557 = arith.constant 0 : i32
        %get3A_1558 = arith.index_cast %get3A_1557 : i32 to index
        %get3A_1559 = arith.index_cast %add3A_1556 : i32 to index
        %get3A_1560 = arith.constant 48 : index
        %get3A_1561 = tpu.vector_load %arg6[%get3A_1558, %get3A_1559, %get3A_1560] {strides = array<i32>} : memref<2x128x64xi32, #tpu.memory_space<vmem>>, vector<16xi32>,
        %shift_left3A_1562 = arith.constant 16 : i32
        %shift_left3A_1563 = vector.broadcast %shift_left3A_1562 : i32 to vector<16xi32>
        %shift_left3A_1564 = arith.shli %get3A_1561, %shift_left3A_1563 : vector<16xi32>
        %bitcast3A_1565 = vector.bitcast %shift_left3A_1564 : vector<16xi32> to vector<16xf32>
        %add3A_1566 = arith.addf %bitcast3A_1552, %bitcast3A_1565 : vector<16xf32>
        %and3A_1567 = arith.andi %get3A_1561, %broadcast_in_dim3A_3 : vector<16xi32>
        %bitcast3A_1568 = vector.bitcast %and3A_1567 : vector<16xi32> to vector<16xf32>
        %add3A_1569 = arith.addf %bitcast3A_1554, %bitcast3A_1568 : vector<16xf32>
        %add3A_1570 = arith.constant 2 : i32
        %add3A_1571 = arith.addi %mul3A_115, %add3A_1570 : i32
        %get3A_1572 = arith.constant 0 : i32
        %get3A_1573 = arith.index_cast %get3A_1572 : i32 to index
        %get3A_1574 = arith.index_cast %add3A_1571 : i32 to index
        %get3A_1575 = arith.constant 48 : index
        %get3A_1576 = tpu.vector_load %arg6[%get3A_1573, %get3A_1574, %get3A_1575] {strides = array<i32>} : memref<2x128x64xi32, #tpu.memory_space<vmem>>, vector<16xi32>,
        %shift_left3A_1577 = arith.constant 16 : i32
        %shift_left3A_1578 = vector.broadcast %shift_left3A_1577 : i32 to vector<16xi32>
        %shift_left3A_1579 = arith.shli %get3A_1576, %shift_left3A_1578 : vector<16xi32>
        %bitcast3A_1580 = vector.bitcast %shift_left3A_1579 : vector<16xi32> to vector<16xf32>
        %add3A_1581 = arith.addf %add3A_1566, %bitcast3A_1580 : vector<16xf32>
        %and3A_1582 = arith.andi %get3A_1576, %broadcast_in_dim3A_3 : vector<16xi32>
        %bitcast3A_1583 = vector.bitcast %and3A_1582 : vector<16xi32> to vector<16xf32>
        %add3A_1584 = arith.addf %add3A_1569, %bitcast3A_1583 : vector<16xf32>
        %add3A_1585 = arith.constant 3 : i32
        %add3A_1586 = arith.addi %mul3A_115, %add3A_1585 : i32
        %get3A_1587 = arith.constant 0 : i32
        %get3A_1588 = arith.index_cast %get3A_1587 : i32 to index
        %get3A_1589 = arith.index_cast %add3A_1586 : i32 to index
        %get3A_1590 = arith.constant 48 : index
        %get3A_1591 = tpu.vector_load %arg6[%get3A_1588, %get3A_1589, %get3A_1590] {strides = array<i32>} : memref<2x128x64xi32, #tpu.memory_space<vmem>>, vector<16xi32>,
        %shift_left3A_1592 = arith.constant 16 : i32
        %shift_left3A_1593 = vector.broadcast %shift_left3A_1592 : i32 to vector<16xi32>
        %shift_left3A_1594 = arith.shli %get3A_1591, %shift_left3A_1593 : vector<16xi32>
        %bitcast3A_1595 = vector.bitcast %shift_left3A_1594 : vector<16xi32> to vector<16xf32>
        %add3A_1596 = arith.addf %add3A_1581, %bitcast3A_1595 : vector<16xf32>
        %and3A_1597 = arith.andi %get3A_1591, %broadcast_in_dim3A_3 : vector<16xi32>
        %bitcast3A_1598 = vector.bitcast %and3A_1597 : vector<16xi32> to vector<16xf32>
        %add3A_1599 = arith.addf %add3A_1584, %bitcast3A_1598 : vector<16xf32>
        %add3A_1600 = arith.constant 4 : i32
        %add3A_1601 = arith.addi %mul3A_115, %add3A_1600 : i32
        %get3A_1602 = arith.constant 0 : i32
        %get3A_1603 = arith.index_cast %get3A_1602 : i32 to index
        %get3A_1604 = arith.index_cast %add3A_1601 : i32 to index
        %get3A_1605 = arith.constant 48 : index
        %get3A_1606 = tpu.vector_load %arg6[%get3A_1603, %get3A_1604, %get3A_1605] {strides = array<i32>} : memref<2x128x64xi32, #tpu.memory_space<vmem>>, vector<16xi32>,
        %shift_left3A_1607 = arith.constant 16 : i32
        %shift_left3A_1608 = vector.broadcast %shift_left3A_1607 : i32 to vector<16xi32>
        %shift_left3A_1609 = arith.shli %get3A_1606, %shift_left3A_1608 : vector<16xi32>
        %bitcast3A_1610 = vector.bitcast %shift_left3A_1609 : vector<16xi32> to vector<16xf32>
        %add3A_1611 = arith.addf %add3A_1596, %bitcast3A_1610 : vector<16xf32>
        %and3A_1612 = arith.andi %get3A_1606, %broadcast_in_dim3A_3 : vector<16xi32>
        %bitcast3A_1613 = vector.bitcast %and3A_1612 : vector<16xi32> to vector<16xf32>
        %add3A_1614 = arith.addf %add3A_1599, %bitcast3A_1613 : vector<16xf32>
        %add3A_1615 = arith.constant 5 : i32
        %add3A_1616 = arith.addi %mul3A_115, %add3A_1615 : i32
        %get3A_1617 = arith.constant 0 : i32
        %get3A_1618 = arith.index_cast %get3A_1617 : i32 to index
        %get3A_1619 = arith.index_cast %add3A_1616 : i32 to index
        %get3A_1620 = arith.constant 48 : index
        %get3A_1621 = tpu.vector_load %arg6[%get3A_1618, %get3A_1619, %get3A_1620] {strides = array<i32>} : memref<2x128x64xi32, #tpu.memory_space<vmem>>, vector<16xi32>,
        %shift_left3A_1622 = arith.constant 16 : i32
        %shift_left3A_1623 = vector.broadcast %shift_left3A_1622 : i32 to vector<16xi32>
        %shift_left3A_1624 = arith.shli %get3A_1621, %shift_left3A_1623 : vector<16xi32>
        %bitcast3A_1625 = vector.bitcast %shift_left3A_1624 : vector<16xi32> to vector<16xf32>
        %add3A_1626 = arith.addf %add3A_1611, %bitcast3A_1625 : vector<16xf32>
        %and3A_1627 = arith.andi %get3A_1621, %broadcast_in_dim3A_3 : vector<16xi32>
        %bitcast3A_1628 = vector.bitcast %and3A_1627 : vector<16xi32> to vector<16xf32>
        %add3A_1629 = arith.addf %add3A_1614, %bitcast3A_1628 : vector<16xf32>
        %add3A_1630 = arith.constant 6 : i32
        %add3A_1631 = arith.addi %mul3A_115, %add3A_1630 : i32
        %get3A_1632 = arith.constant 0 : i32
        %get3A_1633 = arith.index_cast %get3A_1632 : i32 to index
        %get3A_1634 = arith.index_cast %add3A_1631 : i32 to index
        %get3A_1635 = arith.constant 48 : index
        %get3A_1636 = tpu.vector_load %arg6[%get3A_1633, %get3A_1634, %get3A_1635] {strides = array<i32>} : memref<2x128x64xi32, #tpu.memory_space<vmem>>, vector<16xi32>,
        %shift_left3A_1637 = arith.constant 16 : i32
        %shift_left3A_1638 = vector.broadcast %shift_left3A_1637 : i32 to vector<16xi32>
        %shift_left3A_1639 = arith.shli %get3A_1636, %shift_left3A_1638 : vector<16xi32>
        %bitcast3A_1640 = vector.bitcast %shift_left3A_1639 : vector<16xi32> to vector<16xf32>
        %add3A_1641 = arith.addf %add3A_1626, %bitcast3A_1640 : vector<16xf32>
        %and3A_1642 = arith.andi %get3A_1636, %broadcast_in_dim3A_3 : vector<16xi32>
        %bitcast3A_1643 = vector.bitcast %and3A_1642 : vector<16xi32> to vector<16xf32>
        %add3A_1644 = arith.addf %add3A_1629, %bitcast3A_1643 : vector<16xf32>
        %add3A_1645 = arith.constant 7 : i32
        %add3A_1646 = arith.addi %mul3A_115, %add3A_1645 : i32
        %get3A_1647 = arith.constant 0 : i32
        %get3A_1648 = arith.index_cast %get3A_1647 : i32 to index
        %get3A_1649 = arith.index_cast %add3A_1646 : i32 to index
        %get3A_1650 = arith.constant 48 : index
        %get3A_1651 = tpu.vector_load %arg6[%get3A_1648, %get3A_1649, %get3A_1650] {strides = array<i32>} : memref<2x128x64xi32, #tpu.memory_space<vmem>>, vector<16xi32>,
        %shift_left3A_1652 = arith.constant 16 : i32
        %shift_left3A_1653 = vector.broadcast %shift_left3A_1652 : i32 to vector<16xi32>
        %shift_left3A_1654 = arith.shli %get3A_1651, %shift_left3A_1653 : vector<16xi32>
        %bitcast3A_1655 = vector.bitcast %shift_left3A_1654 : vector<16xi32> to vector<16xf32>
        %add3A_1656 = arith.addf %add3A_1641, %bitcast3A_1655 : vector<16xf32>
        %and3A_1657 = arith.andi %get3A_1651, %broadcast_in_dim3A_3 : vector<16xi32>
        %bitcast3A_1658 = vector.bitcast %and3A_1657 : vector<16xi32> to vector<16xf32>
        %add3A_1659 = arith.addf %add3A_1644, %bitcast3A_1658 : vector<16xf32>
        %add3A_1660 = arith.constant 8 : i32
        %add3A_1661 = arith.addi %mul3A_115, %add3A_1660 : i32
        %get3A_1662 = arith.constant 0 : i32
        %get3A_1663 = arith.index_cast %get3A_1662 : i32 to index
        %get3A_1664 = arith.index_cast %add3A_1661 : i32 to index
        %get3A_1665 = arith.constant 48 : index
        %get3A_1666 = tpu.vector_load %arg6[%get3A_1663, %get3A_1664, %get3A_1665] {strides = array<i32>} : memref<2x128x64xi32, #tpu.memory_space<vmem>>, vector<16xi32>,
        %shift_left3A_1667 = arith.constant 16 : i32
        %shift_left3A_1668 = vector.broadcast %shift_left3A_1667 : i32 to vector<16xi32>
        %shift_left3A_1669 = arith.shli %get3A_1666, %shift_left3A_1668 : vector<16xi32>
        %bitcast3A_1670 = vector.bitcast %shift_left3A_1669 : vector<16xi32> to vector<16xf32>
        %add3A_1671 = arith.addf %add3A_1656, %bitcast3A_1670 : vector<16xf32>
        %and3A_1672 = arith.andi %get3A_1666, %broadcast_in_dim3A_3 : vector<16xi32>
        %bitcast3A_1673 = vector.bitcast %and3A_1672 : vector<16xi32> to vector<16xf32>
        %add3A_1674 = arith.addf %add3A_1659, %bitcast3A_1673 : vector<16xf32>
        %add3A_1675 = arith.constant 9 : i32
        %add3A_1676 = arith.addi %mul3A_115, %add3A_1675 : i32
        %get3A_1677 = arith.constant 0 : i32
        %get3A_1678 = arith.index_cast %get3A_1677 : i32 to index
        %get3A_1679 = arith.index_cast %add3A_1676 : i32 to index
        %get3A_1680 = arith.constant 48 : index
        %get3A_1681 = tpu.vector_load %arg6[%get3A_1678, %get3A_1679, %get3A_1680] {strides = array<i32>} : memref<2x128x64xi32, #tpu.memory_space<vmem>>, vector<16xi32>,
        %shift_left3A_1682 = arith.constant 16 : i32
        %shift_left3A_1683 = vector.broadcast %shift_left3A_1682 : i32 to vector<16xi32>
        %shift_left3A_1684 = arith.shli %get3A_1681, %shift_left3A_1683 : vector<16xi32>
        %bitcast3A_1685 = vector.bitcast %shift_left3A_1684 : vector<16xi32> to vector<16xf32>
        %add3A_1686 = arith.addf %add3A_1671, %bitcast3A_1685 : vector<16xf32>
        %and3A_1687 = arith.andi %get3A_1681, %broadcast_in_dim3A_3 : vector<16xi32>
        %bitcast3A_1688 = vector.bitcast %and3A_1687 : vector<16xi32> to vector<16xf32>
        %add3A_1689 = arith.addf %add3A_1674, %bitcast3A_1688 : vector<16xf32>
        %add3A_1690 = arith.constant 10 : i32
        %add3A_1691 = arith.addi %mul3A_115, %add3A_1690 : i32
        %get3A_1692 = arith.constant 0 : i32
        %get3A_1693 = arith.index_cast %get3A_1692 : i32 to index
        %get3A_1694 = arith.index_cast %add3A_1691 : i32 to index
        %get3A_1695 = arith.constant 48 : index
        %get3A_1696 = tpu.vector_load %arg6[%get3A_1693, %get3A_1694, %get3A_1695] {strides = array<i32>} : memref<2x128x64xi32, #tpu.memory_space<vmem>>, vector<16xi32>,
        %shift_left3A_1697 = arith.constant 16 : i32
        %shift_left3A_1698 = vector.broadcast %shift_left3A_1697 : i32 to vector<16xi32>
        %shift_left3A_1699 = arith.shli %get3A_1696, %shift_left3A_1698 : vector<16xi32>
        %bitcast3A_1700 = vector.bitcast %shift_left3A_1699 : vector<16xi32> to vector<16xf32>
        %add3A_1701 = arith.addf %add3A_1686, %bitcast3A_1700 : vector<16xf32>
        %and3A_1702 = arith.andi %get3A_1696, %broadcast_in_dim3A_3 : vector<16xi32>
        %bitcast3A_1703 = vector.bitcast %and3A_1702 : vector<16xi32> to vector<16xf32>
        %add3A_1704 = arith.addf %add3A_1689, %bitcast3A_1703 : vector<16xf32>
        %add3A_1705 = arith.constant 11 : i32
        %add3A_1706 = arith.addi %mul3A_115, %add3A_1705 : i32
        %get3A_1707 = arith.constant 0 : i32
        %get3A_1708 = arith.index_cast %get3A_1707 : i32 to index
        %get3A_1709 = arith.index_cast %add3A_1706 : i32 to index
        %get3A_1710 = arith.constant 48 : index
        %get3A_1711 = tpu.vector_load %arg6[%get3A_1708, %get3A_1709, %get3A_1710] {strides = array<i32>} : memref<2x128x64xi32, #tpu.memory_space<vmem>>, vector<16xi32>,
        %shift_left3A_1712 = arith.constant 16 : i32
        %shift_left3A_1713 = vector.broadcast %shift_left3A_1712 : i32 to vector<16xi32>
        %shift_left3A_1714 = arith.shli %get3A_1711, %shift_left3A_1713 : vector<16xi32>
        %bitcast3A_1715 = vector.bitcast %shift_left3A_1714 : vector<16xi32> to vector<16xf32>
        %add3A_1716 = arith.addf %add3A_1701, %bitcast3A_1715 : vector<16xf32>
        %and3A_1717 = arith.andi %get3A_1711, %broadcast_in_dim3A_3 : vector<16xi32>
        %bitcast3A_1718 = vector.bitcast %and3A_1717 : vector<16xi32> to vector<16xf32>
        %add3A_1719 = arith.addf %add3A_1704, %bitcast3A_1718 : vector<16xf32>
        %add3A_1720 = arith.constant 12 : i32
        %add3A_1721 = arith.addi %mul3A_115, %add3A_1720 : i32
        %get3A_1722 = arith.constant 0 : i32
        %get3A_1723 = arith.index_cast %get3A_1722 : i32 to index
        %get3A_1724 = arith.index_cast %add3A_1721 : i32 to index
        %get3A_1725 = arith.constant 48 : index
        %get3A_1726 = tpu.vector_load %arg6[%get3A_1723, %get3A_1724, %get3A_1725] {strides = array<i32>} : memref<2x128x64xi32, #tpu.memory_space<vmem>>, vector<16xi32>,
        %shift_left3A_1727 = arith.constant 16 : i32
        %shift_left3A_1728 = vector.broadcast %shift_left3A_1727 : i32 to vector<16xi32>
        %shift_left3A_1729 = arith.shli %get3A_1726, %shift_left3A_1728 : vector<16xi32>
        %bitcast3A_1730 = vector.bitcast %shift_left3A_1729 : vector<16xi32> to vector<16xf32>
        %add3A_1731 = arith.addf %add3A_1716, %bitcast3A_1730 : vector<16xf32>
        %and3A_1732 = arith.andi %get3A_1726, %broadcast_in_dim3A_3 : vector<16xi32>
        %bitcast3A_1733 = vector.bitcast %and3A_1732 : vector<16xi32> to vector<16xf32>
        %add3A_1734 = arith.addf %add3A_1719, %bitcast3A_1733 : vector<16xf32>
        %add3A_1735 = arith.constant 13 : i32
        %add3A_1736 = arith.addi %mul3A_115, %add3A_1735 : i32
        %get3A_1737 = arith.constant 0 : i32
        %get3A_1738 = arith.index_cast %get3A_1737 : i32 to index
        %get3A_1739 = arith.index_cast %add3A_1736 : i32 to index
        %get3A_1740 = arith.constant 48 : index
        %get3A_1741 = tpu.vector_load %arg6[%get3A_1738, %get3A_1739, %get3A_1740] {strides = array<i32>} : memref<2x128x64xi32, #tpu.memory_space<vmem>>, vector<16xi32>,
        %shift_left3A_1742 = arith.constant 16 : i32
        %shift_left3A_1743 = vector.broadcast %shift_left3A_1742 : i32 to vector<16xi32>
        %shift_left3A_1744 = arith.shli %get3A_1741, %shift_left3A_1743 : vector<16xi32>
        %bitcast3A_1745 = vector.bitcast %shift_left3A_1744 : vector<16xi32> to vector<16xf32>
        %add3A_1746 = arith.addf %add3A_1731, %bitcast3A_1745 : vector<16xf32>
        %and3A_1747 = arith.andi %get3A_1741, %broadcast_in_dim3A_3 : vector<16xi32>
        %bitcast3A_1748 = vector.bitcast %and3A_1747 : vector<16xi32> to vector<16xf32>
        %add3A_1749 = arith.addf %add3A_1734, %bitcast3A_1748 : vector<16xf32>
        %add3A_1750 = arith.constant 14 : i32
        %add3A_1751 = arith.addi %mul3A_115, %add3A_1750 : i32
        %get3A_1752 = arith.constant 0 : i32
        %get3A_1753 = arith.index_cast %get3A_1752 : i32 to index
        %get3A_1754 = arith.index_cast %add3A_1751 : i32 to index
        %get3A_1755 = arith.constant 48 : index
        %get3A_1756 = tpu.vector_load %arg6[%get3A_1753, %get3A_1754, %get3A_1755] {strides = array<i32>} : memref<2x128x64xi32, #tpu.memory_space<vmem>>, vector<16xi32>,
        %shift_left3A_1757 = arith.constant 16 : i32
        %shift_left3A_1758 = vector.broadcast %shift_left3A_1757 : i32 to vector<16xi32>
        %shift_left3A_1759 = arith.shli %get3A_1756, %shift_left3A_1758 : vector<16xi32>
        %bitcast3A_1760 = vector.bitcast %shift_left3A_1759 : vector<16xi32> to vector<16xf32>
        %add3A_1761 = arith.addf %add3A_1746, %bitcast3A_1760 : vector<16xf32>
        %and3A_1762 = arith.andi %get3A_1756, %broadcast_in_dim3A_3 : vector<16xi32>
        %bitcast3A_1763 = vector.bitcast %and3A_1762 : vector<16xi32> to vector<16xf32>
        %add3A_1764 = arith.addf %add3A_1749, %bitcast3A_1763 : vector<16xf32>
        %add3A_1765 = arith.constant 15 : i32
        %add3A_1766 = arith.addi %mul3A_115, %add3A_1765 : i32
        %get3A_1767 = arith.constant 0 : i32
        %get3A_1768 = arith.index_cast %get3A_1767 : i32 to index
        %get3A_1769 = arith.index_cast %add3A_1766 : i32 to index
        %get3A_1770 = arith.constant 48 : index
        %get3A_1771 = tpu.vector_load %arg6[%get3A_1768, %get3A_1769, %get3A_1770] {strides = array<i32>} : memref<2x128x64xi32, #tpu.memory_space<vmem>>, vector<16xi32>,
        %shift_left3A_1772 = arith.constant 16 : i32
        %shift_left3A_1773 = vector.broadcast %shift_left3A_1772 : i32 to vector<16xi32>
        %shift_left3A_1774 = arith.shli %get3A_1771, %shift_left3A_1773 : vector<16xi32>
        %bitcast3A_1775 = vector.bitcast %shift_left3A_1774 : vector<16xi32> to vector<16xf32>
        %add3A_1776 = arith.addf %add3A_1761, %bitcast3A_1775 : vector<16xf32>
        %and3A_1777 = arith.andi %get3A_1771, %broadcast_in_dim3A_3 : vector<16xi32>
        %bitcast3A_1778 = vector.bitcast %and3A_1777 : vector<16xi32> to vector<16xf32>
        %add3A_1779 = arith.addf %add3A_1764, %bitcast3A_1778 : vector<16xf32>
        %add3A_1780 = arith.constant 16 : i32
        %add3A_1781 = arith.addi %mul3A_115, %add3A_1780 : i32
        %get3A_1782 = arith.constant 0 : i32
        %get3A_1783 = arith.index_cast %get3A_1782 : i32 to index
        %get3A_1784 = arith.index_cast %add3A_1781 : i32 to index
        %get3A_1785 = arith.constant 48 : index
        %get3A_1786 = tpu.vector_load %arg6[%get3A_1783, %get3A_1784, %get3A_1785] {strides = array<i32>} : memref<2x128x64xi32, #tpu.memory_space<vmem>>, vector<16xi32>,
        %shift_left3A_1787 = arith.constant 16 : i32
        %shift_left3A_1788 = vector.broadcast %shift_left3A_1787 : i32 to vector<16xi32>
        %shift_left3A_1789 = arith.shli %get3A_1786, %shift_left3A_1788 : vector<16xi32>
        %bitcast3A_1790 = vector.bitcast %shift_left3A_1789 : vector<16xi32> to vector<16xf32>
        %add3A_1791 = arith.addf %add3A_1776, %bitcast3A_1790 : vector<16xf32>
        %and3A_1792 = arith.andi %get3A_1786, %broadcast_in_dim3A_3 : vector<16xi32>
        %bitcast3A_1793 = vector.bitcast %and3A_1792 : vector<16xi32> to vector<16xf32>
        %add3A_1794 = arith.addf %add3A_1779, %bitcast3A_1793 : vector<16xf32>
        %add3A_1795 = arith.constant 17 : i32
        %add3A_1796 = arith.addi %mul3A_115, %add3A_1795 : i32
        %get3A_1797 = arith.constant 0 : i32
        %get3A_1798 = arith.index_cast %get3A_1797 : i32 to index
        %get3A_1799 = arith.index_cast %add3A_1796 : i32 to index
        %get3A_1800 = arith.constant 48 : index
        %get3A_1801 = tpu.vector_load %arg6[%get3A_1798, %get3A_1799, %get3A_1800] {strides = array<i32>} : memref<2x128x64xi32, #tpu.memory_space<vmem>>, vector<16xi32>,
        %shift_left3A_1802 = arith.constant 16 : i32
        %shift_left3A_1803 = vector.broadcast %shift_left3A_1802 : i32 to vector<16xi32>
        %shift_left3A_1804 = arith.shli %get3A_1801, %shift_left3A_1803 : vector<16xi32>
        %bitcast3A_1805 = vector.bitcast %shift_left3A_1804 : vector<16xi32> to vector<16xf32>
        %add3A_1806 = arith.addf %add3A_1791, %bitcast3A_1805 : vector<16xf32>
        %and3A_1807 = arith.andi %get3A_1801, %broadcast_in_dim3A_3 : vector<16xi32>
        %bitcast3A_1808 = vector.bitcast %and3A_1807 : vector<16xi32> to vector<16xf32>
        %add3A_1809 = arith.addf %add3A_1794, %bitcast3A_1808 : vector<16xf32>
        %add3A_1810 = arith.constant 18 : i32
        %add3A_1811 = arith.addi %mul3A_115, %add3A_1810 : i32
        %get3A_1812 = arith.constant 0 : i32
        %get3A_1813 = arith.index_cast %get3A_1812 : i32 to index
        %get3A_1814 = arith.index_cast %add3A_1811 : i32 to index
        %get3A_1815 = arith.constant 48 : index
        %get3A_1816 = tpu.vector_load %arg6[%get3A_1813, %get3A_1814, %get3A_1815] {strides = array<i32>} : memref<2x128x64xi32, #tpu.memory_space<vmem>>, vector<16xi32>,
        %shift_left3A_1817 = arith.constant 16 : i32
        %shift_left3A_1818 = vector.broadcast %shift_left3A_1817 : i32 to vector<16xi32>
        %shift_left3A_1819 = arith.shli %get3A_1816, %shift_left3A_1818 : vector<16xi32>
        %bitcast3A_1820 = vector.bitcast %shift_left3A_1819 : vector<16xi32> to vector<16xf32>
        %add3A_1821 = arith.addf %add3A_1806, %bitcast3A_1820 : vector<16xf32>
        %and3A_1822 = arith.andi %get3A_1816, %broadcast_in_dim3A_3 : vector<16xi32>
        %bitcast3A_1823 = vector.bitcast %and3A_1822 : vector<16xi32> to vector<16xf32>
        %add3A_1824 = arith.addf %add3A_1809, %bitcast3A_1823 : vector<16xf32>
        %add3A_1825 = arith.constant 19 : i32
        %add3A_1826 = arith.addi %mul3A_115, %add3A_1825 : i32
        %get3A_1827 = arith.constant 0 : i32
        %get3A_1828 = arith.index_cast %get3A_1827 : i32 to index
        %get3A_1829 = arith.index_cast %add3A_1826 : i32 to index
        %get3A_1830 = arith.constant 48 : index
        %get3A_1831 = tpu.vector_load %arg6[%get3A_1828, %get3A_1829, %get3A_1830] {strides = array<i32>} : memref<2x128x64xi32, #tpu.memory_space<vmem>>, vector<16xi32>,
        %shift_left3A_1832 = arith.constant 16 : i32
        %shift_left3A_1833 = vector.broadcast %shift_left3A_1832 : i32 to vector<16xi32>
        %shift_left3A_1834 = arith.shli %get3A_1831, %shift_left3A_1833 : vector<16xi32>
        %bitcast3A_1835 = vector.bitcast %shift_left3A_1834 : vector<16xi32> to vector<16xf32>
        %add3A_1836 = arith.addf %add3A_1821, %bitcast3A_1835 : vector<16xf32>
        %and3A_1837 = arith.andi %get3A_1831, %broadcast_in_dim3A_3 : vector<16xi32>
        %bitcast3A_1838 = vector.bitcast %and3A_1837 : vector<16xi32> to vector<16xf32>
        %add3A_1839 = arith.addf %add3A_1824, %bitcast3A_1838 : vector<16xf32>
        %add3A_1840 = arith.constant 20 : i32
        %add3A_1841 = arith.addi %mul3A_115, %add3A_1840 : i32
        %get3A_1842 = arith.constant 0 : i32
        %get3A_1843 = arith.index_cast %get3A_1842 : i32 to index
        %get3A_1844 = arith.index_cast %add3A_1841 : i32 to index
        %get3A_1845 = arith.constant 48 : index
        %get3A_1846 = tpu.vector_load %arg6[%get3A_1843, %get3A_1844, %get3A_1845] {strides = array<i32>} : memref<2x128x64xi32, #tpu.memory_space<vmem>>, vector<16xi32>,
        %shift_left3A_1847 = arith.constant 16 : i32
        %shift_left3A_1848 = vector.broadcast %shift_left3A_1847 : i32 to vector<16xi32>
        %shift_left3A_1849 = arith.shli %get3A_1846, %shift_left3A_1848 : vector<16xi32>
        %bitcast3A_1850 = vector.bitcast %shift_left3A_1849 : vector<16xi32> to vector<16xf32>
        %add3A_1851 = arith.addf %add3A_1836, %bitcast3A_1850 : vector<16xf32>
        %and3A_1852 = arith.andi %get3A_1846, %broadcast_in_dim3A_3 : vector<16xi32>
        %bitcast3A_1853 = vector.bitcast %and3A_1852 : vector<16xi32> to vector<16xf32>
        %add3A_1854 = arith.addf %add3A_1839, %bitcast3A_1853 : vector<16xf32>
        %add3A_1855 = arith.constant 21 : i32
        %add3A_1856 = arith.addi %mul3A_115, %add3A_1855 : i32
        %get3A_1857 = arith.constant 0 : i32
        %get3A_1858 = arith.index_cast %get3A_1857 : i32 to index
        %get3A_1859 = arith.index_cast %add3A_1856 : i32 to index
        %get3A_1860 = arith.constant 48 : index
        %get3A_1861 = tpu.vector_load %arg6[%get3A_1858, %get3A_1859, %get3A_1860] {strides = array<i32>} : memref<2x128x64xi32, #tpu.memory_space<vmem>>, vector<16xi32>,
        %shift_left3A_1862 = arith.constant 16 : i32
        %shift_left3A_1863 = vector.broadcast %shift_left3A_1862 : i32 to vector<16xi32>
        %shift_left3A_1864 = arith.shli %get3A_1861, %shift_left3A_1863 : vector<16xi32>
        %bitcast3A_1865 = vector.bitcast %shift_left3A_1864 : vector<16xi32> to vector<16xf32>
        %add3A_1866 = arith.addf %add3A_1851, %bitcast3A_1865 : vector<16xf32>
        %and3A_1867 = arith.andi %get3A_1861, %broadcast_in_dim3A_3 : vector<16xi32>
        %bitcast3A_1868 = vector.bitcast %and3A_1867 : vector<16xi32> to vector<16xf32>
        %add3A_1869 = arith.addf %add3A_1854, %bitcast3A_1868 : vector<16xf32>
        %add3A_1870 = arith.constant 22 : i32
        %add3A_1871 = arith.addi %mul3A_115, %add3A_1870 : i32
        %get3A_1872 = arith.constant 0 : i32
        %get3A_1873 = arith.index_cast %get3A_1872 : i32 to index
        %get3A_1874 = arith.index_cast %add3A_1871 : i32 to index
        %get3A_1875 = arith.constant 48 : index
        %get3A_1876 = tpu.vector_load %arg6[%get3A_1873, %get3A_1874, %get3A_1875] {strides = array<i32>} : memref<2x128x64xi32, #tpu.memory_space<vmem>>, vector<16xi32>,
        %shift_left3A_1877 = arith.constant 16 : i32
        %shift_left3A_1878 = vector.broadcast %shift_left3A_1877 : i32 to vector<16xi32>
        %shift_left3A_1879 = arith.shli %get3A_1876, %shift_left3A_1878 : vector<16xi32>
        %bitcast3A_1880 = vector.bitcast %shift_left3A_1879 : vector<16xi32> to vector<16xf32>
        %add3A_1881 = arith.addf %add3A_1866, %bitcast3A_1880 : vector<16xf32>
        %and3A_1882 = arith.andi %get3A_1876, %broadcast_in_dim3A_3 : vector<16xi32>
        %bitcast3A_1883 = vector.bitcast %and3A_1882 : vector<16xi32> to vector<16xf32>
        %add3A_1884 = arith.addf %add3A_1869, %bitcast3A_1883 : vector<16xf32>
        %add3A_1885 = arith.constant 23 : i32
        %add3A_1886 = arith.addi %mul3A_115, %add3A_1885 : i32
        %get3A_1887 = arith.constant 0 : i32
        %get3A_1888 = arith.index_cast %get3A_1887 : i32 to index
        %get3A_1889 = arith.index_cast %add3A_1886 : i32 to index
        %get3A_1890 = arith.constant 48 : index
        %get3A_1891 = tpu.vector_load %arg6[%get3A_1888, %get3A_1889, %get3A_1890] {strides = array<i32>} : memref<2x128x64xi32, #tpu.memory_space<vmem>>, vector<16xi32>,
        %shift_left3A_1892 = arith.constant 16 : i32
        %shift_left3A_1893 = vector.broadcast %shift_left3A_1892 : i32 to vector<16xi32>
        %shift_left3A_1894 = arith.shli %get3A_1891, %shift_left3A_1893 : vector<16xi32>
        %bitcast3A_1895 = vector.bitcast %shift_left3A_1894 : vector<16xi32> to vector<16xf32>
        %add3A_1896 = arith.addf %add3A_1881, %bitcast3A_1895 : vector<16xf32>
        %and3A_1897 = arith.andi %get3A_1891, %broadcast_in_dim3A_3 : vector<16xi32>
        %bitcast3A_1898 = vector.bitcast %and3A_1897 : vector<16xi32> to vector<16xf32>
        %add3A_1899 = arith.addf %add3A_1884, %bitcast3A_1898 : vector<16xf32>
        %add3A_1900 = arith.constant 24 : i32
        %add3A_1901 = arith.addi %mul3A_115, %add3A_1900 : i32
        %get3A_1902 = arith.constant 0 : i32
        %get3A_1903 = arith.index_cast %get3A_1902 : i32 to index
        %get3A_1904 = arith.index_cast %add3A_1901 : i32 to index
        %get3A_1905 = arith.constant 48 : index
        %get3A_1906 = tpu.vector_load %arg6[%get3A_1903, %get3A_1904, %get3A_1905] {strides = array<i32>} : memref<2x128x64xi32, #tpu.memory_space<vmem>>, vector<16xi32>,
        %shift_left3A_1907 = arith.constant 16 : i32
        %shift_left3A_1908 = vector.broadcast %shift_left3A_1907 : i32 to vector<16xi32>
        %shift_left3A_1909 = arith.shli %get3A_1906, %shift_left3A_1908 : vector<16xi32>
        %bitcast3A_1910 = vector.bitcast %shift_left3A_1909 : vector<16xi32> to vector<16xf32>
        %add3A_1911 = arith.addf %add3A_1896, %bitcast3A_1910 : vector<16xf32>
        %and3A_1912 = arith.andi %get3A_1906, %broadcast_in_dim3A_3 : vector<16xi32>
        %bitcast3A_1913 = vector.bitcast %and3A_1912 : vector<16xi32> to vector<16xf32>
        %add3A_1914 = arith.addf %add3A_1899, %bitcast3A_1913 : vector<16xf32>
        %add3A_1915 = arith.constant 25 : i32
        %add3A_1916 = arith.addi %mul3A_115, %add3A_1915 : i32
        %get3A_1917 = arith.constant 0 : i32
        %get3A_1918 = arith.index_cast %get3A_1917 : i32 to index
        %get3A_1919 = arith.index_cast %add3A_1916 : i32 to index
        %get3A_1920 = arith.constant 48 : index
        %get3A_1921 = tpu.vector_load %arg6[%get3A_1918, %get3A_1919, %get3A_1920] {strides = array<i32>} : memref<2x128x64xi32, #tpu.memory_space<vmem>>, vector<16xi32>,
        %shift_left3A_1922 = arith.constant 16 : i32
        %shift_left3A_1923 = vector.broadcast %shift_left3A_1922 : i32 to vector<16xi32>
        %shift_left3A_1924 = arith.shli %get3A_1921, %shift_left3A_1923 : vector<16xi32>
        %bitcast3A_1925 = vector.bitcast %shift_left3A_1924 : vector<16xi32> to vector<16xf32>
        %add3A_1926 = arith.addf %add3A_1911, %bitcast3A_1925 : vector<16xf32>
        %and3A_1927 = arith.andi %get3A_1921, %broadcast_in_dim3A_3 : vector<16xi32>
        %bitcast3A_1928 = vector.bitcast %and3A_1927 : vector<16xi32> to vector<16xf32>
        %add3A_1929 = arith.addf %add3A_1914, %bitcast3A_1928 : vector<16xf32>
        %add3A_1930 = arith.constant 26 : i32
        %add3A_1931 = arith.addi %mul3A_115, %add3A_1930 : i32
        %get3A_1932 = arith.constant 0 : i32
        %get3A_1933 = arith.index_cast %get3A_1932 : i32 to index
        %get3A_1934 = arith.index_cast %add3A_1931 : i32 to index
        %get3A_1935 = arith.constant 48 : index
        %get3A_1936 = tpu.vector_load %arg6[%get3A_1933, %get3A_1934, %get3A_1935] {strides = array<i32>} : memref<2x128x64xi32, #tpu.memory_space<vmem>>, vector<16xi32>,
        %shift_left3A_1937 = arith.constant 16 : i32
        %shift_left3A_1938 = vector.broadcast %shift_left3A_1937 : i32 to vector<16xi32>
        %shift_left3A_1939 = arith.shli %get3A_1936, %shift_left3A_1938 : vector<16xi32>
        %bitcast3A_1940 = vector.bitcast %shift_left3A_1939 : vector<16xi32> to vector<16xf32>
        %add3A_1941 = arith.addf %add3A_1926, %bitcast3A_1940 : vector<16xf32>
        %and3A_1942 = arith.andi %get3A_1936, %broadcast_in_dim3A_3 : vector<16xi32>
        %bitcast3A_1943 = vector.bitcast %and3A_1942 : vector<16xi32> to vector<16xf32>
        %add3A_1944 = arith.addf %add3A_1929, %bitcast3A_1943 : vector<16xf32>
        %add3A_1945 = arith.constant 27 : i32
        %add3A_1946 = arith.addi %mul3A_115, %add3A_1945 : i32
        %get3A_1947 = arith.constant 0 : i32
        %get3A_1948 = arith.index_cast %get3A_1947 : i32 to index
        %get3A_1949 = arith.index_cast %add3A_1946 : i32 to index
        %get3A_1950 = arith.constant 48 : index
        %get3A_1951 = tpu.vector_load %arg6[%get3A_1948, %get3A_1949, %get3A_1950] {strides = array<i32>} : memref<2x128x64xi32, #tpu.memory_space<vmem>>, vector<16xi32>,
        %shift_left3A_1952 = arith.constant 16 : i32
        %shift_left3A_1953 = vector.broadcast %shift_left3A_1952 : i32 to vector<16xi32>
        %shift_left3A_1954 = arith.shli %get3A_1951, %shift_left3A_1953 : vector<16xi32>
        %bitcast3A_1955 = vector.bitcast %shift_left3A_1954 : vector<16xi32> to vector<16xf32>
        %add3A_1956 = arith.addf %add3A_1941, %bitcast3A_1955 : vector<16xf32>
        %and3A_1957 = arith.andi %get3A_1951, %broadcast_in_dim3A_3 : vector<16xi32>
        %bitcast3A_1958 = vector.bitcast %and3A_1957 : vector<16xi32> to vector<16xf32>
        %add3A_1959 = arith.addf %add3A_1944, %bitcast3A_1958 : vector<16xf32>
        %add3A_1960 = arith.constant 28 : i32
        %add3A_1961 = arith.addi %mul3A_115, %add3A_1960 : i32
        %get3A_1962 = arith.constant 0 : i32
        %get3A_1963 = arith.index_cast %get3A_1962 : i32 to index
        %get3A_1964 = arith.index_cast %add3A_1961 : i32 to index
        %get3A_1965 = arith.constant 48 : index
        %get3A_1966 = tpu.vector_load %arg6[%get3A_1963, %get3A_1964, %get3A_1965] {strides = array<i32>} : memref<2x128x64xi32, #tpu.memory_space<vmem>>, vector<16xi32>,
        %shift_left3A_1967 = arith.constant 16 : i32
        %shift_left3A_1968 = vector.broadcast %shift_left3A_1967 : i32 to vector<16xi32>
        %shift_left3A_1969 = arith.shli %get3A_1966, %shift_left3A_1968 : vector<16xi32>
        %bitcast3A_1970 = vector.bitcast %shift_left3A_1969 : vector<16xi32> to vector<16xf32>
        %add3A_1971 = arith.addf %add3A_1956, %bitcast3A_1970 : vector<16xf32>
        %and3A_1972 = arith.andi %get3A_1966, %broadcast_in_dim3A_3 : vector<16xi32>
        %bitcast3A_1973 = vector.bitcast %and3A_1972 : vector<16xi32> to vector<16xf32>
        %add3A_1974 = arith.addf %add3A_1959, %bitcast3A_1973 : vector<16xf32>
        %add3A_1975 = arith.constant 29 : i32
        %add3A_1976 = arith.addi %mul3A_115, %add3A_1975 : i32
        %get3A_1977 = arith.constant 0 : i32
        %get3A_1978 = arith.index_cast %get3A_1977 : i32 to index
        %get3A_1979 = arith.index_cast %add3A_1976 : i32 to index
        %get3A_1980 = arith.constant 48 : index
        %get3A_1981 = tpu.vector_load %arg6[%get3A_1978, %get3A_1979, %get3A_1980] {strides = array<i32>} : memref<2x128x64xi32, #tpu.memory_space<vmem>>, vector<16xi32>,
        %shift_left3A_1982 = arith.constant 16 : i32
        %shift_left3A_1983 = vector.broadcast %shift_left3A_1982 : i32 to vector<16xi32>
        %shift_left3A_1984 = arith.shli %get3A_1981, %shift_left3A_1983 : vector<16xi32>
        %bitcast3A_1985 = vector.bitcast %shift_left3A_1984 : vector<16xi32> to vector<16xf32>
        %add3A_1986 = arith.addf %add3A_1971, %bitcast3A_1985 : vector<16xf32>
        %and3A_1987 = arith.andi %get3A_1981, %broadcast_in_dim3A_3 : vector<16xi32>
        %bitcast3A_1988 = vector.bitcast %and3A_1987 : vector<16xi32> to vector<16xf32>
        %add3A_1989 = arith.addf %add3A_1974, %bitcast3A_1988 : vector<16xf32>
        %add3A_1990 = arith.constant 30 : i32
        %add3A_1991 = arith.addi %mul3A_115, %add3A_1990 : i32
        %get3A_1992 = arith.constant 0 : i32
        %get3A_1993 = arith.index_cast %get3A_1992 : i32 to index
        %get3A_1994 = arith.index_cast %add3A_1991 : i32 to index
        %get3A_1995 = arith.constant 48 : index
        %get3A_1996 = tpu.vector_load %arg6[%get3A_1993, %get3A_1994, %get3A_1995] {strides = array<i32>} : memref<2x128x64xi32, #tpu.memory_space<vmem>>, vector<16xi32>,
        %shift_left3A_1997 = arith.constant 16 : i32
        %shift_left3A_1998 = vector.broadcast %shift_left3A_1997 : i32 to vector<16xi32>
        %shift_left3A_1999 = arith.shli %get3A_1996, %shift_left3A_1998 : vector<16xi32>
        %bitcast3A_2000 = vector.bitcast %shift_left3A_1999 : vector<16xi32> to vector<16xf32>
        %add3A_2001 = arith.addf %add3A_1986, %bitcast3A_2000 : vector<16xf32>
        %and3A_2002 = arith.andi %get3A_1996, %broadcast_in_dim3A_3 : vector<16xi32>
        %bitcast3A_2003 = vector.bitcast %and3A_2002 : vector<16xi32> to vector<16xf32>
        %add3A_2004 = arith.addf %add3A_1989, %bitcast3A_2003 : vector<16xf32>
        %add3A_2005 = arith.constant 31 : i32
        %add3A_2006 = arith.addi %mul3A_115, %add3A_2005 : i32
        %get3A_2007 = arith.constant 0 : i32
        %get3A_2008 = arith.index_cast %get3A_2007 : i32 to index
        %get3A_2009 = arith.index_cast %add3A_2006 : i32 to index
        %get3A_2010 = arith.constant 48 : index
        %get3A_2011 = tpu.vector_load %arg6[%get3A_2008, %get3A_2009, %get3A_2010] {strides = array<i32>} : memref<2x128x64xi32, #tpu.memory_space<vmem>>, vector<16xi32>,
        %shift_left3A_2012 = arith.constant 16 : i32
        %shift_left3A_2013 = vector.broadcast %shift_left3A_2012 : i32 to vector<16xi32>
        %shift_left3A_2014 = arith.shli %get3A_2011, %shift_left3A_2013 : vector<16xi32>
        %bitcast3A_2015 = vector.bitcast %shift_left3A_2014 : vector<16xi32> to vector<16xf32>
        %add3A_2016 = arith.addf %add3A_2001, %bitcast3A_2015 : vector<16xf32>
        %and3A_2017 = arith.andi %get3A_2011, %broadcast_in_dim3A_3 : vector<16xi32>
        %bitcast3A_2018 = vector.bitcast %and3A_2017 : vector<16xi32> to vector<16xf32>
        %add3A_2019 = arith.addf %add3A_2004, %bitcast3A_2018 : vector<16xf32>
        tpu.vector_store_idx %arg7[%add3A_15, %broadcast_in_dim3A_119], %add3A_2016 : memref<128x512xf32, #tpu.memory_space<vmem>>[vector<16xi32>, vector<16xi32>], vector<16xf32>,
        tpu.vector_store_idx %arg7[%add3A_27, %broadcast_in_dim3A_119], %add3A_2019 : memref<128x512xf32, #tpu.memory_space<vmem>>[vector<16xi32>, vector<16xi32>], vector<16xf32>,
        %scan3A_2020 = arith.constant 0 : i32
        scf.yield %scan3A_2020 : i32
      }
      %scan3A_77 = arith.constant 4 : i32
      %add3A_78 = arith.constant 2 : i32
      %add3A_79 = arith.addi %add3A_60, %add3A_78 : i32
      %lt3A = arith.constant 128 : i32
      %lt3A_80 = arith.cmpi slt, %add3A_79, %lt3A : i32
      %convert_element_type3A = arith.extui %lt3A_80 : i1 to i32
      %cond3A = arith.constant 0 : i32
      %cond3A_81 = arith.cmpi ne, %convert_element_type3A, %cond3A : i32
      scf.if %cond3A_81 {
        %add3A_112 = arith.constant 2 : i32
        %add3A_113 = arith.addi %add3A_60, %add3A_112 : i32
        %mul3A_114 = arith.constant 128 : i32
        %mul3A_115 = arith.muli %add3A_113, %mul3A_114 : i32
        %dma_start3A_116 = arith.constant 0 : i32
        %dma_start3A_117 = arith.constant 0 : i32
        %dma_start3A_118 = arith.constant 0 : i32
        %dma_start3A_119 = tpu.memref_slice %arg6[%dma_start3A_116, %dma_start3A_117, %dma_start3A_118] : memref<2x128x64xi32, #tpu.memory_space<vmem>> -> memref<1x128x64xi32, #tpu.memory_space<vmem>>
        %dma_start3A_120 = tpu.memref_squeeze %dma_start3A_119 : memref<1x128x64xi32, #tpu.memory_space<vmem>> -> memref<128x64xi32, #tpu.memory_space<vmem>>
        %dma_start3A_121 = tpu.memref_slice %arg5[%mul3A_115] : memref<16384xi32, #tpu.memory_space<vmem>> -> memref<128xi32, #tpu.memory_space<vmem>>
        %dma_start3A_122 = arith.constant 0 : i32
        %dma_start3A_123 = arith.constant 0 : i32
        %dma_start3A_124 = tpu.memref_slice %arg2[%dma_start3A_122, %dma_start3A_123] : memref<33120x64xi32, #tpu.memory_space<hbm>> -> memref<33120x64xi32, #tpu.memory_space<hbm>>
        tpu.enqueue_indirect_dma source(%dma_start3A_124 : memref<33120x64xi32, #tpu.memory_space<hbm>>) target(%dma_start3A_120 : memref<128x64xi32, #tpu.memory_space<vmem>>) offsets(%dma_start3A_121 : memref<128xi32, #tpu.memory_space<vmem>>) semaphore(%arg8 : memref<!tpu.dma_semaphore, #tpu.memory_space<semaphore_mem>>)
      } else {
      }
      %mul3A_82 = arith.constant 2 : i32
      %mul3A_83 = arith.muli %scan3A_55, %mul3A_82 : i32
      %add3A_84 = arith.constant 1 : i32
      %add3A_85 = arith.addi %mul3A_83, %add3A_84 : i32
      %mul3A_86 = arith.constant 128 : i32
      %mul3A_87 = arith.muli %add3A_85, %mul3A_86 : i32
      %dma_wait3A_88 = arith.constant 1 : i32
      %dma_wait3A_89 = arith.constant 0 : i32
      %dma_wait3A_90 = arith.constant 0 : i32
      %dma_wait3A_91 = tpu.memref_slice %arg6[%dma_wait3A_88, %dma_wait3A_89, %dma_wait3A_90] : memref<2x128x64xi32, #tpu.memory_space<vmem>> -> memref<1x128x64xi32, #tpu.memory_space<vmem>>
      %dma_wait3A_92 = tpu.memref_squeeze %dma_wait3A_91 : memref<1x128x64xi32, #tpu.memory_space<vmem>> -> memref<128x64xi32, #tpu.memory_space<vmem>>
      %dma_wait3A_93 = tpu.memref_slice %arg5[%mul3A_87] : memref<16384xi32, #tpu.memory_space<vmem>> -> memref<128xi32, #tpu.memory_space<vmem>>
      %dma_wait3A_94 = arith.constant 0 : i32
      %dma_wait3A_95 = arith.constant 0 : i32
      %dma_wait3A_96 = tpu.memref_slice %arg2[%dma_wait3A_94, %dma_wait3A_95] : memref<33120x64xi32, #tpu.memory_space<hbm>> -> memref<33120x64xi32, #tpu.memory_space<hbm>>
      tpu.wait_indirect_dma semaphore(%arg9 : memref<!tpu.dma_semaphore, #tpu.memory_space<semaphore_mem>>) src(%dma_wait3A_96 : memref<33120x64xi32, #tpu.memory_space<hbm>>) dst(%dma_wait3A_92 : memref<128x64xi32, #tpu.memory_space<vmem>>)
      %scan3A_97 = arith.constant 0 : i32
      %scan3A_98 = arith.constant 0 : i32
      %scan3A_99 = arith.constant 4 : i32
      %scan3A_100 = arith.addi %scan3A_98, %scan3A_99 : i32
      %scan3A_101 = arith.constant 1 : i32
      %scan3A_102 = scf.for %scan3A_112 = %scan3A_98 to %scan3A_100 step %scan3A_101 iter_args(%scan3A_113 = %scan3A_97) -> (i32)  : i32 {
        %mul3A_114 = arith.constant 32 : i32
        %mul3A_115 = arith.muli %scan3A_112, %mul3A_114 : i32
        %mul3A_116 = arith.constant 4 : i32
        %mul3A_117 = arith.muli %add3A_85, %mul3A_116 : i32
        %add3A_118 = arith.addi %mul3A_117, %scan3A_112 : i32
        %broadcast_in_dim3A_119 = vector.broadcast %add3A_118 : i32 to vector<16xi32>
        %get3A = arith.constant 1 : i32
        %get3A_120 = arith.index_cast %get3A : i32 to index
        %get3A_121 = arith.index_cast %mul3A_115 : i32 to index
        %get3A_122 = arith.constant 0 : index
        %get3A_123 = tpu.vector_load %arg6[%get3A_120, %get3A_121, %get3A_122] {strides = array<i32>} : memref<2x128x64xi32, #tpu.memory_space<vmem>>, vector<16xi32>,
        %shift_left3A = arith.constant 16 : i32
        %shift_left3A_124 = vector.broadcast %shift_left3A : i32 to vector<16xi32>
        %shift_left3A_125 = arith.shli %get3A_123, %shift_left3A_124 : vector<16xi32>
        %bitcast3A = vector.bitcast %shift_left3A_125 : vector<16xi32> to vector<16xf32>
        %and3A = arith.andi %get3A_123, %broadcast_in_dim3A_3 : vector<16xi32>
        %bitcast3A_126 = vector.bitcast %and3A : vector<16xi32> to vector<16xf32>
        %add3A_127 = arith.constant 1 : i32
        %add3A_128 = arith.addi %mul3A_115, %add3A_127 : i32
        %get3A_129 = arith.constant 1 : i32
        %get3A_130 = arith.index_cast %get3A_129 : i32 to index
        %get3A_131 = arith.index_cast %add3A_128 : i32 to index
        %get3A_132 = arith.constant 0 : index
        %get3A_133 = tpu.vector_load %arg6[%get3A_130, %get3A_131, %get3A_132] {strides = array<i32>} : memref<2x128x64xi32, #tpu.memory_space<vmem>>, vector<16xi32>,
        %shift_left3A_134 = arith.constant 16 : i32
        %shift_left3A_135 = vector.broadcast %shift_left3A_134 : i32 to vector<16xi32>
        %shift_left3A_136 = arith.shli %get3A_133, %shift_left3A_135 : vector<16xi32>
        %bitcast3A_137 = vector.bitcast %shift_left3A_136 : vector<16xi32> to vector<16xf32>
        %add3A_138 = arith.addf %bitcast3A, %bitcast3A_137 : vector<16xf32>
        %and3A_139 = arith.andi %get3A_133, %broadcast_in_dim3A_3 : vector<16xi32>
        %bitcast3A_140 = vector.bitcast %and3A_139 : vector<16xi32> to vector<16xf32>
        %add3A_141 = arith.addf %bitcast3A_126, %bitcast3A_140 : vector<16xf32>
        %add3A_142 = arith.constant 2 : i32
        %add3A_143 = arith.addi %mul3A_115, %add3A_142 : i32
        %get3A_144 = arith.constant 1 : i32
        %get3A_145 = arith.index_cast %get3A_144 : i32 to index
        %get3A_146 = arith.index_cast %add3A_143 : i32 to index
        %get3A_147 = arith.constant 0 : index
        %get3A_148 = tpu.vector_load %arg6[%get3A_145, %get3A_146, %get3A_147] {strides = array<i32>} : memref<2x128x64xi32, #tpu.memory_space<vmem>>, vector<16xi32>,
        %shift_left3A_149 = arith.constant 16 : i32
        %shift_left3A_150 = vector.broadcast %shift_left3A_149 : i32 to vector<16xi32>
        %shift_left3A_151 = arith.shli %get3A_148, %shift_left3A_150 : vector<16xi32>
        %bitcast3A_152 = vector.bitcast %shift_left3A_151 : vector<16xi32> to vector<16xf32>
        %add3A_153 = arith.addf %add3A_138, %bitcast3A_152 : vector<16xf32>
        %and3A_154 = arith.andi %get3A_148, %broadcast_in_dim3A_3 : vector<16xi32>
        %bitcast3A_155 = vector.bitcast %and3A_154 : vector<16xi32> to vector<16xf32>
        %add3A_156 = arith.addf %add3A_141, %bitcast3A_155 : vector<16xf32>
        %add3A_157 = arith.constant 3 : i32
        %add3A_158 = arith.addi %mul3A_115, %add3A_157 : i32
        %get3A_159 = arith.constant 1 : i32
        %get3A_160 = arith.index_cast %get3A_159 : i32 to index
        %get3A_161 = arith.index_cast %add3A_158 : i32 to index
        %get3A_162 = arith.constant 0 : index
        %get3A_163 = tpu.vector_load %arg6[%get3A_160, %get3A_161, %get3A_162] {strides = array<i32>} : memref<2x128x64xi32, #tpu.memory_space<vmem>>, vector<16xi32>,
        %shift_left3A_164 = arith.constant 16 : i32
        %shift_left3A_165 = vector.broadcast %shift_left3A_164 : i32 to vector<16xi32>
        %shift_left3A_166 = arith.shli %get3A_163, %shift_left3A_165 : vector<16xi32>
        %bitcast3A_167 = vector.bitcast %shift_left3A_166 : vector<16xi32> to vector<16xf32>
        %add3A_168 = arith.addf %add3A_153, %bitcast3A_167 : vector<16xf32>
        %and3A_169 = arith.andi %get3A_163, %broadcast_in_dim3A_3 : vector<16xi32>
        %bitcast3A_170 = vector.bitcast %and3A_169 : vector<16xi32> to vector<16xf32>
        %add3A_171 = arith.addf %add3A_156, %bitcast3A_170 : vector<16xf32>
        %add3A_172 = arith.constant 4 : i32
        %add3A_173 = arith.addi %mul3A_115, %add3A_172 : i32
        %get3A_174 = arith.constant 1 : i32
        %get3A_175 = arith.index_cast %get3A_174 : i32 to index
        %get3A_176 = arith.index_cast %add3A_173 : i32 to index
        %get3A_177 = arith.constant 0 : index
        %get3A_178 = tpu.vector_load %arg6[%get3A_175, %get3A_176, %get3A_177] {strides = array<i32>} : memref<2x128x64xi32, #tpu.memory_space<vmem>>, vector<16xi32>,
        %shift_left3A_179 = arith.constant 16 : i32
        %shift_left3A_180 = vector.broadcast %shift_left3A_179 : i32 to vector<16xi32>
        %shift_left3A_181 = arith.shli %get3A_178, %shift_left3A_180 : vector<16xi32>
        %bitcast3A_182 = vector.bitcast %shift_left3A_181 : vector<16xi32> to vector<16xf32>
        %add3A_183 = arith.addf %add3A_168, %bitcast3A_182 : vector<16xf32>
        %and3A_184 = arith.andi %get3A_178, %broadcast_in_dim3A_3 : vector<16xi32>
        %bitcast3A_185 = vector.bitcast %and3A_184 : vector<16xi32> to vector<16xf32>
        %add3A_186 = arith.addf %add3A_171, %bitcast3A_185 : vector<16xf32>
        %add3A_187 = arith.constant 5 : i32
        %add3A_188 = arith.addi %mul3A_115, %add3A_187 : i32
        %get3A_189 = arith.constant 1 : i32
        %get3A_190 = arith.index_cast %get3A_189 : i32 to index
        %get3A_191 = arith.index_cast %add3A_188 : i32 to index
        %get3A_192 = arith.constant 0 : index
        %get3A_193 = tpu.vector_load %arg6[%get3A_190, %get3A_191, %get3A_192] {strides = array<i32>} : memref<2x128x64xi32, #tpu.memory_space<vmem>>, vector<16xi32>,
        %shift_left3A_194 = arith.constant 16 : i32
        %shift_left3A_195 = vector.broadcast %shift_left3A_194 : i32 to vector<16xi32>
        %shift_left3A_196 = arith.shli %get3A_193, %shift_left3A_195 : vector<16xi32>
        %bitcast3A_197 = vector.bitcast %shift_left3A_196 : vector<16xi32> to vector<16xf32>
        %add3A_198 = arith.addf %add3A_183, %bitcast3A_197 : vector<16xf32>
        %and3A_199 = arith.andi %get3A_193, %broadcast_in_dim3A_3 : vector<16xi32>
        %bitcast3A_200 = vector.bitcast %and3A_199 : vector<16xi32> to vector<16xf32>
        %add3A_201 = arith.addf %add3A_186, %bitcast3A_200 : vector<16xf32>
        %add3A_202 = arith.constant 6 : i32
        %add3A_203 = arith.addi %mul3A_115, %add3A_202 : i32
        %get3A_204 = arith.constant 1 : i32
        %get3A_205 = arith.index_cast %get3A_204 : i32 to index
        %get3A_206 = arith.index_cast %add3A_203 : i32 to index
        %get3A_207 = arith.constant 0 : index
        %get3A_208 = tpu.vector_load %arg6[%get3A_205, %get3A_206, %get3A_207] {strides = array<i32>} : memref<2x128x64xi32, #tpu.memory_space<vmem>>, vector<16xi32>,
        %shift_left3A_209 = arith.constant 16 : i32
        %shift_left3A_210 = vector.broadcast %shift_left3A_209 : i32 to vector<16xi32>
        %shift_left3A_211 = arith.shli %get3A_208, %shift_left3A_210 : vector<16xi32>
        %bitcast3A_212 = vector.bitcast %shift_left3A_211 : vector<16xi32> to vector<16xf32>
        %add3A_213 = arith.addf %add3A_198, %bitcast3A_212 : vector<16xf32>
        %and3A_214 = arith.andi %get3A_208, %broadcast_in_dim3A_3 : vector<16xi32>
        %bitcast3A_215 = vector.bitcast %and3A_214 : vector<16xi32> to vector<16xf32>
        %add3A_216 = arith.addf %add3A_201, %bitcast3A_215 : vector<16xf32>
        %add3A_217 = arith.constant 7 : i32
        %add3A_218 = arith.addi %mul3A_115, %add3A_217 : i32
        %get3A_219 = arith.constant 1 : i32
        %get3A_220 = arith.index_cast %get3A_219 : i32 to index
        %get3A_221 = arith.index_cast %add3A_218 : i32 to index
        %get3A_222 = arith.constant 0 : index
        %get3A_223 = tpu.vector_load %arg6[%get3A_220, %get3A_221, %get3A_222] {strides = array<i32>} : memref<2x128x64xi32, #tpu.memory_space<vmem>>, vector<16xi32>,
        %shift_left3A_224 = arith.constant 16 : i32
        %shift_left3A_225 = vector.broadcast %shift_left3A_224 : i32 to vector<16xi32>
        %shift_left3A_226 = arith.shli %get3A_223, %shift_left3A_225 : vector<16xi32>
        %bitcast3A_227 = vector.bitcast %shift_left3A_226 : vector<16xi32> to vector<16xf32>
        %add3A_228 = arith.addf %add3A_213, %bitcast3A_227 : vector<16xf32>
        %and3A_229 = arith.andi %get3A_223, %broadcast_in_dim3A_3 : vector<16xi32>
        %bitcast3A_230 = vector.bitcast %and3A_229 : vector<16xi32> to vector<16xf32>
        %add3A_231 = arith.addf %add3A_216, %bitcast3A_230 : vector<16xf32>
        %add3A_232 = arith.constant 8 : i32
        %add3A_233 = arith.addi %mul3A_115, %add3A_232 : i32
        %get3A_234 = arith.constant 1 : i32
        %get3A_235 = arith.index_cast %get3A_234 : i32 to index
        %get3A_236 = arith.index_cast %add3A_233 : i32 to index
        %get3A_237 = arith.constant 0 : index
        %get3A_238 = tpu.vector_load %arg6[%get3A_235, %get3A_236, %get3A_237] {strides = array<i32>} : memref<2x128x64xi32, #tpu.memory_space<vmem>>, vector<16xi32>,
        %shift_left3A_239 = arith.constant 16 : i32
        %shift_left3A_240 = vector.broadcast %shift_left3A_239 : i32 to vector<16xi32>
        %shift_left3A_241 = arith.shli %get3A_238, %shift_left3A_240 : vector<16xi32>
        %bitcast3A_242 = vector.bitcast %shift_left3A_241 : vector<16xi32> to vector<16xf32>
        %add3A_243 = arith.addf %add3A_228, %bitcast3A_242 : vector<16xf32>
        %and3A_244 = arith.andi %get3A_238, %broadcast_in_dim3A_3 : vector<16xi32>
        %bitcast3A_245 = vector.bitcast %and3A_244 : vector<16xi32> to vector<16xf32>
        %add3A_246 = arith.addf %add3A_231, %bitcast3A_245 : vector<16xf32>
        %add3A_247 = arith.constant 9 : i32
        %add3A_248 = arith.addi %mul3A_115, %add3A_247 : i32
        %get3A_249 = arith.constant 1 : i32
        %get3A_250 = arith.index_cast %get3A_249 : i32 to index
        %get3A_251 = arith.index_cast %add3A_248 : i32 to index
        %get3A_252 = arith.constant 0 : index
        %get3A_253 = tpu.vector_load %arg6[%get3A_250, %get3A_251, %get3A_252] {strides = array<i32>} : memref<2x128x64xi32, #tpu.memory_space<vmem>>, vector<16xi32>,
        %shift_left3A_254 = arith.constant 16 : i32
        %shift_left3A_255 = vector.broadcast %shift_left3A_254 : i32 to vector<16xi32>
        %shift_left3A_256 = arith.shli %get3A_253, %shift_left3A_255 : vector<16xi32>
        %bitcast3A_257 = vector.bitcast %shift_left3A_256 : vector<16xi32> to vector<16xf32>
        %add3A_258 = arith.addf %add3A_243, %bitcast3A_257 : vector<16xf32>
        %and3A_259 = arith.andi %get3A_253, %broadcast_in_dim3A_3 : vector<16xi32>
        %bitcast3A_260 = vector.bitcast %and3A_259 : vector<16xi32> to vector<16xf32>
        %add3A_261 = arith.addf %add3A_246, %bitcast3A_260 : vector<16xf32>
        %add3A_262 = arith.constant 10 : i32
        %add3A_263 = arith.addi %mul3A_115, %add3A_262 : i32
        %get3A_264 = arith.constant 1 : i32
        %get3A_265 = arith.index_cast %get3A_264 : i32 to index
        %get3A_266 = arith.index_cast %add3A_263 : i32 to index
        %get3A_267 = arith.constant 0 : index
        %get3A_268 = tpu.vector_load %arg6[%get3A_265, %get3A_266, %get3A_267] {strides = array<i32>} : memref<2x128x64xi32, #tpu.memory_space<vmem>>, vector<16xi32>,
        %shift_left3A_269 = arith.constant 16 : i32
        %shift_left3A_270 = vector.broadcast %shift_left3A_269 : i32 to vector<16xi32>
        %shift_left3A_271 = arith.shli %get3A_268, %shift_left3A_270 : vector<16xi32>
        %bitcast3A_272 = vector.bitcast %shift_left3A_271 : vector<16xi32> to vector<16xf32>
        %add3A_273 = arith.addf %add3A_258, %bitcast3A_272 : vector<16xf32>
        %and3A_274 = arith.andi %get3A_268, %broadcast_in_dim3A_3 : vector<16xi32>
        %bitcast3A_275 = vector.bitcast %and3A_274 : vector<16xi32> to vector<16xf32>
        %add3A_276 = arith.addf %add3A_261, %bitcast3A_275 : vector<16xf32>
        %add3A_277 = arith.constant 11 : i32
        %add3A_278 = arith.addi %mul3A_115, %add3A_277 : i32
        %get3A_279 = arith.constant 1 : i32
        %get3A_280 = arith.index_cast %get3A_279 : i32 to index
        %get3A_281 = arith.index_cast %add3A_278 : i32 to index
        %get3A_282 = arith.constant 0 : index
        %get3A_283 = tpu.vector_load %arg6[%get3A_280, %get3A_281, %get3A_282] {strides = array<i32>} : memref<2x128x64xi32, #tpu.memory_space<vmem>>, vector<16xi32>,
        %shift_left3A_284 = arith.constant 16 : i32
        %shift_left3A_285 = vector.broadcast %shift_left3A_284 : i32 to vector<16xi32>
        %shift_left3A_286 = arith.shli %get3A_283, %shift_left3A_285 : vector<16xi32>
        %bitcast3A_287 = vector.bitcast %shift_left3A_286 : vector<16xi32> to vector<16xf32>
        %add3A_288 = arith.addf %add3A_273, %bitcast3A_287 : vector<16xf32>
        %and3A_289 = arith.andi %get3A_283, %broadcast_in_dim3A_3 : vector<16xi32>
        %bitcast3A_290 = vector.bitcast %and3A_289 : vector<16xi32> to vector<16xf32>
        %add3A_291 = arith.addf %add3A_276, %bitcast3A_290 : vector<16xf32>
        %add3A_292 = arith.constant 12 : i32
        %add3A_293 = arith.addi %mul3A_115, %add3A_292 : i32
        %get3A_294 = arith.constant 1 : i32
        %get3A_295 = arith.index_cast %get3A_294 : i32 to index
        %get3A_296 = arith.index_cast %add3A_293 : i32 to index
        %get3A_297 = arith.constant 0 : index
        %get3A_298 = tpu.vector_load %arg6[%get3A_295, %get3A_296, %get3A_297] {strides = array<i32>} : memref<2x128x64xi32, #tpu.memory_space<vmem>>, vector<16xi32>,
        %shift_left3A_299 = arith.constant 16 : i32
        %shift_left3A_300 = vector.broadcast %shift_left3A_299 : i32 to vector<16xi32>
        %shift_left3A_301 = arith.shli %get3A_298, %shift_left3A_300 : vector<16xi32>
        %bitcast3A_302 = vector.bitcast %shift_left3A_301 : vector<16xi32> to vector<16xf32>
        %add3A_303 = arith.addf %add3A_288, %bitcast3A_302 : vector<16xf32>
        %and3A_304 = arith.andi %get3A_298, %broadcast_in_dim3A_3 : vector<16xi32>
        %bitcast3A_305 = vector.bitcast %and3A_304 : vector<16xi32> to vector<16xf32>
        %add3A_306 = arith.addf %add3A_291, %bitcast3A_305 : vector<16xf32>
        %add3A_307 = arith.constant 13 : i32
        %add3A_308 = arith.addi %mul3A_115, %add3A_307 : i32
        %get3A_309 = arith.constant 1 : i32
        %get3A_310 = arith.index_cast %get3A_309 : i32 to index
        %get3A_311 = arith.index_cast %add3A_308 : i32 to index
        %get3A_312 = arith.constant 0 : index
        %get3A_313 = tpu.vector_load %arg6[%get3A_310, %get3A_311, %get3A_312] {strides = array<i32>} : memref<2x128x64xi32, #tpu.memory_space<vmem>>, vector<16xi32>,
        %shift_left3A_314 = arith.constant 16 : i32
        %shift_left3A_315 = vector.broadcast %shift_left3A_314 : i32 to vector<16xi32>
        %shift_left3A_316 = arith.shli %get3A_313, %shift_left3A_315 : vector<16xi32>
        %bitcast3A_317 = vector.bitcast %shift_left3A_316 : vector<16xi32> to vector<16xf32>
        %add3A_318 = arith.addf %add3A_303, %bitcast3A_317 : vector<16xf32>
        %and3A_319 = arith.andi %get3A_313, %broadcast_in_dim3A_3 : vector<16xi32>
        %bitcast3A_320 = vector.bitcast %and3A_319 : vector<16xi32> to vector<16xf32>
        %add3A_321 = arith.addf %add3A_306, %bitcast3A_320 : vector<16xf32>
        %add3A_322 = arith.constant 14 : i32
        %add3A_323 = arith.addi %mul3A_115, %add3A_322 : i32
        %get3A_324 = arith.constant 1 : i32
        %get3A_325 = arith.index_cast %get3A_324 : i32 to index
        %get3A_326 = arith.index_cast %add3A_323 : i32 to index
        %get3A_327 = arith.constant 0 : index
        %get3A_328 = tpu.vector_load %arg6[%get3A_325, %get3A_326, %get3A_327] {strides = array<i32>} : memref<2x128x64xi32, #tpu.memory_space<vmem>>, vector<16xi32>,
        %shift_left3A_329 = arith.constant 16 : i32
        %shift_left3A_330 = vector.broadcast %shift_left3A_329 : i32 to vector<16xi32>
        %shift_left3A_331 = arith.shli %get3A_328, %shift_left3A_330 : vector<16xi32>
        %bitcast3A_332 = vector.bitcast %shift_left3A_331 : vector<16xi32> to vector<16xf32>
        %add3A_333 = arith.addf %add3A_318, %bitcast3A_332 : vector<16xf32>
        %and3A_334 = arith.andi %get3A_328, %broadcast_in_dim3A_3 : vector<16xi32>
        %bitcast3A_335 = vector.bitcast %and3A_334 : vector<16xi32> to vector<16xf32>
        %add3A_336 = arith.addf %add3A_321, %bitcast3A_335 : vector<16xf32>
        %add3A_337 = arith.constant 15 : i32
        %add3A_338 = arith.addi %mul3A_115, %add3A_337 : i32
        %get3A_339 = arith.constant 1 : i32
        %get3A_340 = arith.index_cast %get3A_339 : i32 to index
        %get3A_341 = arith.index_cast %add3A_338 : i32 to index
        %get3A_342 = arith.constant 0 : index
        %get3A_343 = tpu.vector_load %arg6[%get3A_340, %get3A_341, %get3A_342] {strides = array<i32>} : memref<2x128x64xi32, #tpu.memory_space<vmem>>, vector<16xi32>,
        %shift_left3A_344 = arith.constant 16 : i32
        %shift_left3A_345 = vector.broadcast %shift_left3A_344 : i32 to vector<16xi32>
        %shift_left3A_346 = arith.shli %get3A_343, %shift_left3A_345 : vector<16xi32>
        %bitcast3A_347 = vector.bitcast %shift_left3A_346 : vector<16xi32> to vector<16xf32>
        %add3A_348 = arith.addf %add3A_333, %bitcast3A_347 : vector<16xf32>
        %and3A_349 = arith.andi %get3A_343, %broadcast_in_dim3A_3 : vector<16xi32>
        %bitcast3A_350 = vector.bitcast %and3A_349 : vector<16xi32> to vector<16xf32>
        %add3A_351 = arith.addf %add3A_336, %bitcast3A_350 : vector<16xf32>
        %add3A_352 = arith.constant 16 : i32
        %add3A_353 = arith.addi %mul3A_115, %add3A_352 : i32
        %get3A_354 = arith.constant 1 : i32
        %get3A_355 = arith.index_cast %get3A_354 : i32 to index
        %get3A_356 = arith.index_cast %add3A_353 : i32 to index
        %get3A_357 = arith.constant 0 : index
        %get3A_358 = tpu.vector_load %arg6[%get3A_355, %get3A_356, %get3A_357] {strides = array<i32>} : memref<2x128x64xi32, #tpu.memory_space<vmem>>, vector<16xi32>,
        %shift_left3A_359 = arith.constant 16 : i32
        %shift_left3A_360 = vector.broadcast %shift_left3A_359 : i32 to vector<16xi32>
        %shift_left3A_361 = arith.shli %get3A_358, %shift_left3A_360 : vector<16xi32>
        %bitcast3A_362 = vector.bitcast %shift_left3A_361 : vector<16xi32> to vector<16xf32>
        %add3A_363 = arith.addf %add3A_348, %bitcast3A_362 : vector<16xf32>
        %and3A_364 = arith.andi %get3A_358, %broadcast_in_dim3A_3 : vector<16xi32>
        %bitcast3A_365 = vector.bitcast %and3A_364 : vector<16xi32> to vector<16xf32>
        %add3A_366 = arith.addf %add3A_351, %bitcast3A_365 : vector<16xf32>
        %add3A_367 = arith.constant 17 : i32
        %add3A_368 = arith.addi %mul3A_115, %add3A_367 : i32
        %get3A_369 = arith.constant 1 : i32
        %get3A_370 = arith.index_cast %get3A_369 : i32 to index
        %get3A_371 = arith.index_cast %add3A_368 : i32 to index
        %get3A_372 = arith.constant 0 : index
        %get3A_373 = tpu.vector_load %arg6[%get3A_370, %get3A_371, %get3A_372] {strides = array<i32>} : memref<2x128x64xi32, #tpu.memory_space<vmem>>, vector<16xi32>,
        %shift_left3A_374 = arith.constant 16 : i32
        %shift_left3A_375 = vector.broadcast %shift_left3A_374 : i32 to vector<16xi32>
        %shift_left3A_376 = arith.shli %get3A_373, %shift_left3A_375 : vector<16xi32>
        %bitcast3A_377 = vector.bitcast %shift_left3A_376 : vector<16xi32> to vector<16xf32>
        %add3A_378 = arith.addf %add3A_363, %bitcast3A_377 : vector<16xf32>
        %and3A_379 = arith.andi %get3A_373, %broadcast_in_dim3A_3 : vector<16xi32>
        %bitcast3A_380 = vector.bitcast %and3A_379 : vector<16xi32> to vector<16xf32>
        %add3A_381 = arith.addf %add3A_366, %bitcast3A_380 : vector<16xf32>
        %add3A_382 = arith.constant 18 : i32
        %add3A_383 = arith.addi %mul3A_115, %add3A_382 : i32
        %get3A_384 = arith.constant 1 : i32
        %get3A_385 = arith.index_cast %get3A_384 : i32 to index
        %get3A_386 = arith.index_cast %add3A_383 : i32 to index
        %get3A_387 = arith.constant 0 : index
        %get3A_388 = tpu.vector_load %arg6[%get3A_385, %get3A_386, %get3A_387] {strides = array<i32>} : memref<2x128x64xi32, #tpu.memory_space<vmem>>, vector<16xi32>,
        %shift_left3A_389 = arith.constant 16 : i32
        %shift_left3A_390 = vector.broadcast %shift_left3A_389 : i32 to vector<16xi32>
        %shift_left3A_391 = arith.shli %get3A_388, %shift_left3A_390 : vector<16xi32>
        %bitcast3A_392 = vector.bitcast %shift_left3A_391 : vector<16xi32> to vector<16xf32>
        %add3A_393 = arith.addf %add3A_378, %bitcast3A_392 : vector<16xf32>
        %and3A_394 = arith.andi %get3A_388, %broadcast_in_dim3A_3 : vector<16xi32>
        %bitcast3A_395 = vector.bitcast %and3A_394 : vector<16xi32> to vector<16xf32>
        %add3A_396 = arith.addf %add3A_381, %bitcast3A_395 : vector<16xf32>
        %add3A_397 = arith.constant 19 : i32
        %add3A_398 = arith.addi %mul3A_115, %add3A_397 : i32
        %get3A_399 = arith.constant 1 : i32
        %get3A_400 = arith.index_cast %get3A_399 : i32 to index
        %get3A_401 = arith.index_cast %add3A_398 : i32 to index
        %get3A_402 = arith.constant 0 : index
        %get3A_403 = tpu.vector_load %arg6[%get3A_400, %get3A_401, %get3A_402] {strides = array<i32>} : memref<2x128x64xi32, #tpu.memory_space<vmem>>, vector<16xi32>,
        %shift_left3A_404 = arith.constant 16 : i32
        %shift_left3A_405 = vector.broadcast %shift_left3A_404 : i32 to vector<16xi32>
        %shift_left3A_406 = arith.shli %get3A_403, %shift_left3A_405 : vector<16xi32>
        %bitcast3A_407 = vector.bitcast %shift_left3A_406 : vector<16xi32> to vector<16xf32>
        %add3A_408 = arith.addf %add3A_393, %bitcast3A_407 : vector<16xf32>
        %and3A_409 = arith.andi %get3A_403, %broadcast_in_dim3A_3 : vector<16xi32>
        %bitcast3A_410 = vector.bitcast %and3A_409 : vector<16xi32> to vector<16xf32>
        %add3A_411 = arith.addf %add3A_396, %bitcast3A_410 : vector<16xf32>
        %add3A_412 = arith.constant 20 : i32
        %add3A_413 = arith.addi %mul3A_115, %add3A_412 : i32
        %get3A_414 = arith.constant 1 : i32
        %get3A_415 = arith.index_cast %get3A_414 : i32 to index
        %get3A_416 = arith.index_cast %add3A_413 : i32 to index
        %get3A_417 = arith.constant 0 : index
        %get3A_418 = tpu.vector_load %arg6[%get3A_415, %get3A_416, %get3A_417] {strides = array<i32>} : memref<2x128x64xi32, #tpu.memory_space<vmem>>, vector<16xi32>,
        %shift_left3A_419 = arith.constant 16 : i32
        %shift_left3A_420 = vector.broadcast %shift_left3A_419 : i32 to vector<16xi32>
        %shift_left3A_421 = arith.shli %get3A_418, %shift_left3A_420 : vector<16xi32>
        %bitcast3A_422 = vector.bitcast %shift_left3A_421 : vector<16xi32> to vector<16xf32>
        %add3A_423 = arith.addf %add3A_408, %bitcast3A_422 : vector<16xf32>
        %and3A_424 = arith.andi %get3A_418, %broadcast_in_dim3A_3 : vector<16xi32>
        %bitcast3A_425 = vector.bitcast %and3A_424 : vector<16xi32> to vector<16xf32>
        %add3A_426 = arith.addf %add3A_411, %bitcast3A_425 : vector<16xf32>
        %add3A_427 = arith.constant 21 : i32
        %add3A_428 = arith.addi %mul3A_115, %add3A_427 : i32
        %get3A_429 = arith.constant 1 : i32
        %get3A_430 = arith.index_cast %get3A_429 : i32 to index
        %get3A_431 = arith.index_cast %add3A_428 : i32 to index
        %get3A_432 = arith.constant 0 : index
        %get3A_433 = tpu.vector_load %arg6[%get3A_430, %get3A_431, %get3A_432] {strides = array<i32>} : memref<2x128x64xi32, #tpu.memory_space<vmem>>, vector<16xi32>,
        %shift_left3A_434 = arith.constant 16 : i32
        %shift_left3A_435 = vector.broadcast %shift_left3A_434 : i32 to vector<16xi32>
        %shift_left3A_436 = arith.shli %get3A_433, %shift_left3A_435 : vector<16xi32>
        %bitcast3A_437 = vector.bitcast %shift_left3A_436 : vector<16xi32> to vector<16xf32>
        %add3A_438 = arith.addf %add3A_423, %bitcast3A_437 : vector<16xf32>
        %and3A_439 = arith.andi %get3A_433, %broadcast_in_dim3A_3 : vector<16xi32>
        %bitcast3A_440 = vector.bitcast %and3A_439 : vector<16xi32> to vector<16xf32>
        %add3A_441 = arith.addf %add3A_426, %bitcast3A_440 : vector<16xf32>
        %add3A_442 = arith.constant 22 : i32
        %add3A_443 = arith.addi %mul3A_115, %add3A_442 : i32
        %get3A_444 = arith.constant 1 : i32
        %get3A_445 = arith.index_cast %get3A_444 : i32 to index
        %get3A_446 = arith.index_cast %add3A_443 : i32 to index
        %get3A_447 = arith.constant 0 : index
        %get3A_448 = tpu.vector_load %arg6[%get3A_445, %get3A_446, %get3A_447] {strides = array<i32>} : memref<2x128x64xi32, #tpu.memory_space<vmem>>, vector<16xi32>,
        %shift_left3A_449 = arith.constant 16 : i32
        %shift_left3A_450 = vector.broadcast %shift_left3A_449 : i32 to vector<16xi32>
        %shift_left3A_451 = arith.shli %get3A_448, %shift_left3A_450 : vector<16xi32>
        %bitcast3A_452 = vector.bitcast %shift_left3A_451 : vector<16xi32> to vector<16xf32>
        %add3A_453 = arith.addf %add3A_438, %bitcast3A_452 : vector<16xf32>
        %and3A_454 = arith.andi %get3A_448, %broadcast_in_dim3A_3 : vector<16xi32>
        %bitcast3A_455 = vector.bitcast %and3A_454 : vector<16xi32> to vector<16xf32>
        %add3A_456 = arith.addf %add3A_441, %bitcast3A_455 : vector<16xf32>
        %add3A_457 = arith.constant 23 : i32
        %add3A_458 = arith.addi %mul3A_115, %add3A_457 : i32
        %get3A_459 = arith.constant 1 : i32
        %get3A_460 = arith.index_cast %get3A_459 : i32 to index
        %get3A_461 = arith.index_cast %add3A_458 : i32 to index
        %get3A_462 = arith.constant 0 : index
        %get3A_463 = tpu.vector_load %arg6[%get3A_460, %get3A_461, %get3A_462] {strides = array<i32>} : memref<2x128x64xi32, #tpu.memory_space<vmem>>, vector<16xi32>,
        %shift_left3A_464 = arith.constant 16 : i32
        %shift_left3A_465 = vector.broadcast %shift_left3A_464 : i32 to vector<16xi32>
        %shift_left3A_466 = arith.shli %get3A_463, %shift_left3A_465 : vector<16xi32>
        %bitcast3A_467 = vector.bitcast %shift_left3A_466 : vector<16xi32> to vector<16xf32>
        %add3A_468 = arith.addf %add3A_453, %bitcast3A_467 : vector<16xf32>
        %and3A_469 = arith.andi %get3A_463, %broadcast_in_dim3A_3 : vector<16xi32>
        %bitcast3A_470 = vector.bitcast %and3A_469 : vector<16xi32> to vector<16xf32>
        %add3A_471 = arith.addf %add3A_456, %bitcast3A_470 : vector<16xf32>
        %add3A_472 = arith.constant 24 : i32
        %add3A_473 = arith.addi %mul3A_115, %add3A_472 : i32
        %get3A_474 = arith.constant 1 : i32
        %get3A_475 = arith.index_cast %get3A_474 : i32 to index
        %get3A_476 = arith.index_cast %add3A_473 : i32 to index
        %get3A_477 = arith.constant 0 : index
        %get3A_478 = tpu.vector_load %arg6[%get3A_475, %get3A_476, %get3A_477] {strides = array<i32>} : memref<2x128x64xi32, #tpu.memory_space<vmem>>, vector<16xi32>,
        %shift_left3A_479 = arith.constant 16 : i32
        %shift_left3A_480 = vector.broadcast %shift_left3A_479 : i32 to vector<16xi32>
        %shift_left3A_481 = arith.shli %get3A_478, %shift_left3A_480 : vector<16xi32>
        %bitcast3A_482 = vector.bitcast %shift_left3A_481 : vector<16xi32> to vector<16xf32>
        %add3A_483 = arith.addf %add3A_468, %bitcast3A_482 : vector<16xf32>
        %and3A_484 = arith.andi %get3A_478, %broadcast_in_dim3A_3 : vector<16xi32>
        %bitcast3A_485 = vector.bitcast %and3A_484 : vector<16xi32> to vector<16xf32>
        %add3A_486 = arith.addf %add3A_471, %bitcast3A_485 : vector<16xf32>
        %add3A_487 = arith.constant 25 : i32
        %add3A_488 = arith.addi %mul3A_115, %add3A_487 : i32
        %get3A_489 = arith.constant 1 : i32
        %get3A_490 = arith.index_cast %get3A_489 : i32 to index
        %get3A_491 = arith.index_cast %add3A_488 : i32 to index
        %get3A_492 = arith.constant 0 : index
        %get3A_493 = tpu.vector_load %arg6[%get3A_490, %get3A_491, %get3A_492] {strides = array<i32>} : memref<2x128x64xi32, #tpu.memory_space<vmem>>, vector<16xi32>,
        %shift_left3A_494 = arith.constant 16 : i32
        %shift_left3A_495 = vector.broadcast %shift_left3A_494 : i32 to vector<16xi32>
        %shift_left3A_496 = arith.shli %get3A_493, %shift_left3A_495 : vector<16xi32>
        %bitcast3A_497 = vector.bitcast %shift_left3A_496 : vector<16xi32> to vector<16xf32>
        %add3A_498 = arith.addf %add3A_483, %bitcast3A_497 : vector<16xf32>
        %and3A_499 = arith.andi %get3A_493, %broadcast_in_dim3A_3 : vector<16xi32>
        %bitcast3A_500 = vector.bitcast %and3A_499 : vector<16xi32> to vector<16xf32>
        %add3A_501 = arith.addf %add3A_486, %bitcast3A_500 : vector<16xf32>
        %add3A_502 = arith.constant 26 : i32
        %add3A_503 = arith.addi %mul3A_115, %add3A_502 : i32
        %get3A_504 = arith.constant 1 : i32
        %get3A_505 = arith.index_cast %get3A_504 : i32 to index
        %get3A_506 = arith.index_cast %add3A_503 : i32 to index
        %get3A_507 = arith.constant 0 : index
        %get3A_508 = tpu.vector_load %arg6[%get3A_505, %get3A_506, %get3A_507] {strides = array<i32>} : memref<2x128x64xi32, #tpu.memory_space<vmem>>, vector<16xi32>,
        %shift_left3A_509 = arith.constant 16 : i32
        %shift_left3A_510 = vector.broadcast %shift_left3A_509 : i32 to vector<16xi32>
        %shift_left3A_511 = arith.shli %get3A_508, %shift_left3A_510 : vector<16xi32>
        %bitcast3A_512 = vector.bitcast %shift_left3A_511 : vector<16xi32> to vector<16xf32>
        %add3A_513 = arith.addf %add3A_498, %bitcast3A_512 : vector<16xf32>
        %and3A_514 = arith.andi %get3A_508, %broadcast_in_dim3A_3 : vector<16xi32>
        %bitcast3A_515 = vector.bitcast %and3A_514 : vector<16xi32> to vector<16xf32>
        %add3A_516 = arith.addf %add3A_501, %bitcast3A_515 : vector<16xf32>
        %add3A_517 = arith.constant 27 : i32
        %add3A_518 = arith.addi %mul3A_115, %add3A_517 : i32
        %get3A_519 = arith.constant 1 : i32
        %get3A_520 = arith.index_cast %get3A_519 : i32 to index
        %get3A_521 = arith.index_cast %add3A_518 : i32 to index
        %get3A_522 = arith.constant 0 : index
        %get3A_523 = tpu.vector_load %arg6[%get3A_520, %get3A_521, %get3A_522] {strides = array<i32>} : memref<2x128x64xi32, #tpu.memory_space<vmem>>, vector<16xi32>,
        %shift_left3A_524 = arith.constant 16 : i32
        %shift_left3A_525 = vector.broadcast %shift_left3A_524 : i32 to vector<16xi32>
        %shift_left3A_526 = arith.shli %get3A_523, %shift_left3A_525 : vector<16xi32>
        %bitcast3A_527 = vector.bitcast %shift_left3A_526 : vector<16xi32> to vector<16xf32>
        %add3A_528 = arith.addf %add3A_513, %bitcast3A_527 : vector<16xf32>
        %and3A_529 = arith.andi %get3A_523, %broadcast_in_dim3A_3 : vector<16xi32>
        %bitcast3A_530 = vector.bitcast %and3A_529 : vector<16xi32> to vector<16xf32>
        %add3A_531 = arith.addf %add3A_516, %bitcast3A_530 : vector<16xf32>
        %add3A_532 = arith.constant 28 : i32
        %add3A_533 = arith.addi %mul3A_115, %add3A_532 : i32
        %get3A_534 = arith.constant 1 : i32
        %get3A_535 = arith.index_cast %get3A_534 : i32 to index
        %get3A_536 = arith.index_cast %add3A_533 : i32 to index
        %get3A_537 = arith.constant 0 : index
        %get3A_538 = tpu.vector_load %arg6[%get3A_535, %get3A_536, %get3A_537] {strides = array<i32>} : memref<2x128x64xi32, #tpu.memory_space<vmem>>, vector<16xi32>,
        %shift_left3A_539 = arith.constant 16 : i32
        %shift_left3A_540 = vector.broadcast %shift_left3A_539 : i32 to vector<16xi32>
        %shift_left3A_541 = arith.shli %get3A_538, %shift_left3A_540 : vector<16xi32>
        %bitcast3A_542 = vector.bitcast %shift_left3A_541 : vector<16xi32> to vector<16xf32>
        %add3A_543 = arith.addf %add3A_528, %bitcast3A_542 : vector<16xf32>
        %and3A_544 = arith.andi %get3A_538, %broadcast_in_dim3A_3 : vector<16xi32>
        %bitcast3A_545 = vector.bitcast %and3A_544 : vector<16xi32> to vector<16xf32>
        %add3A_546 = arith.addf %add3A_531, %bitcast3A_545 : vector<16xf32>
        %add3A_547 = arith.constant 29 : i32
        %add3A_548 = arith.addi %mul3A_115, %add3A_547 : i32
        %get3A_549 = arith.constant 1 : i32
        %get3A_550 = arith.index_cast %get3A_549 : i32 to index
        %get3A_551 = arith.index_cast %add3A_548 : i32 to index
        %get3A_552 = arith.constant 0 : index
        %get3A_553 = tpu.vector_load %arg6[%get3A_550, %get3A_551, %get3A_552] {strides = array<i32>} : memref<2x128x64xi32, #tpu.memory_space<vmem>>, vector<16xi32>,
        %shift_left3A_554 = arith.constant 16 : i32
        %shift_left3A_555 = vector.broadcast %shift_left3A_554 : i32 to vector<16xi32>
        %shift_left3A_556 = arith.shli %get3A_553, %shift_left3A_555 : vector<16xi32>
        %bitcast3A_557 = vector.bitcast %shift_left3A_556 : vector<16xi32> to vector<16xf32>
        %add3A_558 = arith.addf %add3A_543, %bitcast3A_557 : vector<16xf32>
        %and3A_559 = arith.andi %get3A_553, %broadcast_in_dim3A_3 : vector<16xi32>
        %bitcast3A_560 = vector.bitcast %and3A_559 : vector<16xi32> to vector<16xf32>
        %add3A_561 = arith.addf %add3A_546, %bitcast3A_560 : vector<16xf32>
        %add3A_562 = arith.constant 30 : i32
        %add3A_563 = arith.addi %mul3A_115, %add3A_562 : i32
        %get3A_564 = arith.constant 1 : i32
        %get3A_565 = arith.index_cast %get3A_564 : i32 to index
        %get3A_566 = arith.index_cast %add3A_563 : i32 to index
        %get3A_567 = arith.constant 0 : index
        %get3A_568 = tpu.vector_load %arg6[%get3A_565, %get3A_566, %get3A_567] {strides = array<i32>} : memref<2x128x64xi32, #tpu.memory_space<vmem>>, vector<16xi32>,
        %shift_left3A_569 = arith.constant 16 : i32
        %shift_left3A_570 = vector.broadcast %shift_left3A_569 : i32 to vector<16xi32>
        %shift_left3A_571 = arith.shli %get3A_568, %shift_left3A_570 : vector<16xi32>
        %bitcast3A_572 = vector.bitcast %shift_left3A_571 : vector<16xi32> to vector<16xf32>
        %add3A_573 = arith.addf %add3A_558, %bitcast3A_572 : vector<16xf32>
        %and3A_574 = arith.andi %get3A_568, %broadcast_in_dim3A_3 : vector<16xi32>
        %bitcast3A_575 = vector.bitcast %and3A_574 : vector<16xi32> to vector<16xf32>
        %add3A_576 = arith.addf %add3A_561, %bitcast3A_575 : vector<16xf32>
        %add3A_577 = arith.constant 31 : i32
        %add3A_578 = arith.addi %mul3A_115, %add3A_577 : i32
        %get3A_579 = arith.constant 1 : i32
        %get3A_580 = arith.index_cast %get3A_579 : i32 to index
        %get3A_581 = arith.index_cast %add3A_578 : i32 to index
        %get3A_582 = arith.constant 0 : index
        %get3A_583 = tpu.vector_load %arg6[%get3A_580, %get3A_581, %get3A_582] {strides = array<i32>} : memref<2x128x64xi32, #tpu.memory_space<vmem>>, vector<16xi32>,
        %shift_left3A_584 = arith.constant 16 : i32
        %shift_left3A_585 = vector.broadcast %shift_left3A_584 : i32 to vector<16xi32>
        %shift_left3A_586 = arith.shli %get3A_583, %shift_left3A_585 : vector<16xi32>
        %bitcast3A_587 = vector.bitcast %shift_left3A_586 : vector<16xi32> to vector<16xf32>
        %add3A_588 = arith.addf %add3A_573, %bitcast3A_587 : vector<16xf32>
        %and3A_589 = arith.andi %get3A_583, %broadcast_in_dim3A_3 : vector<16xi32>
        %bitcast3A_590 = vector.bitcast %and3A_589 : vector<16xi32> to vector<16xf32>
        %add3A_591 = arith.addf %add3A_576, %bitcast3A_590 : vector<16xf32>
        tpu.vector_store_idx %arg7[%add3A_6, %broadcast_in_dim3A_119], %add3A_588 : memref<128x512xf32, #tpu.memory_space<vmem>>[vector<16xi32>, vector<16xi32>], vector<16xf32>,
        tpu.vector_store_idx %arg7[%add3A_18, %broadcast_in_dim3A_119], %add3A_591 : memref<128x512xf32, #tpu.memory_space<vmem>>[vector<16xi32>, vector<16xi32>], vector<16xf32>,
        %get3A_592 = arith.constant 1 : i32
        %get3A_593 = arith.index_cast %get3A_592 : i32 to index
        %get3A_594 = arith.index_cast %mul3A_115 : i32 to index
        %get3A_595 = arith.constant 16 : index
        %get3A_596 = tpu.vector_load %arg6[%get3A_593, %get3A_594, %get3A_595] {strides = array<i32>} : memref<2x128x64xi32, #tpu.memory_space<vmem>>, vector<16xi32>,
        %shift_left3A_597 = arith.constant 16 : i32
        %shift_left3A_598 = vector.broadcast %shift_left3A_597 : i32 to vector<16xi32>
        %shift_left3A_599 = arith.shli %get3A_596, %shift_left3A_598 : vector<16xi32>
        %bitcast3A_600 = vector.bitcast %shift_left3A_599 : vector<16xi32> to vector<16xf32>
        %and3A_601 = arith.andi %get3A_596, %broadcast_in_dim3A_3 : vector<16xi32>
        %bitcast3A_602 = vector.bitcast %and3A_601 : vector<16xi32> to vector<16xf32>
        %add3A_603 = arith.constant 1 : i32
        %add3A_604 = arith.addi %mul3A_115, %add3A_603 : i32
        %get3A_605 = arith.constant 1 : i32
        %get3A_606 = arith.index_cast %get3A_605 : i32 to index
        %get3A_607 = arith.index_cast %add3A_604 : i32 to index
        %get3A_608 = arith.constant 16 : index
        %get3A_609 = tpu.vector_load %arg6[%get3A_606, %get3A_607, %get3A_608] {strides = array<i32>} : memref<2x128x64xi32, #tpu.memory_space<vmem>>, vector<16xi32>,
        %shift_left3A_610 = arith.constant 16 : i32
        %shift_left3A_611 = vector.broadcast %shift_left3A_610 : i32 to vector<16xi32>
        %shift_left3A_612 = arith.shli %get3A_609, %shift_left3A_611 : vector<16xi32>
        %bitcast3A_613 = vector.bitcast %shift_left3A_612 : vector<16xi32> to vector<16xf32>
        %add3A_614 = arith.addf %bitcast3A_600, %bitcast3A_613 : vector<16xf32>
        %and3A_615 = arith.andi %get3A_609, %broadcast_in_dim3A_3 : vector<16xi32>
        %bitcast3A_616 = vector.bitcast %and3A_615 : vector<16xi32> to vector<16xf32>
        %add3A_617 = arith.addf %bitcast3A_602, %bitcast3A_616 : vector<16xf32>
        %add3A_618 = arith.constant 2 : i32
        %add3A_619 = arith.addi %mul3A_115, %add3A_618 : i32
        %get3A_620 = arith.constant 1 : i32
        %get3A_621 = arith.index_cast %get3A_620 : i32 to index
        %get3A_622 = arith.index_cast %add3A_619 : i32 to index
        %get3A_623 = arith.constant 16 : index
        %get3A_624 = tpu.vector_load %arg6[%get3A_621, %get3A_622, %get3A_623] {strides = array<i32>} : memref<2x128x64xi32, #tpu.memory_space<vmem>>, vector<16xi32>,
        %shift_left3A_625 = arith.constant 16 : i32
        %shift_left3A_626 = vector.broadcast %shift_left3A_625 : i32 to vector<16xi32>
        %shift_left3A_627 = arith.shli %get3A_624, %shift_left3A_626 : vector<16xi32>
        %bitcast3A_628 = vector.bitcast %shift_left3A_627 : vector<16xi32> to vector<16xf32>
        %add3A_629 = arith.addf %add3A_614, %bitcast3A_628 : vector<16xf32>
        %and3A_630 = arith.andi %get3A_624, %broadcast_in_dim3A_3 : vector<16xi32>
        %bitcast3A_631 = vector.bitcast %and3A_630 : vector<16xi32> to vector<16xf32>
        %add3A_632 = arith.addf %add3A_617, %bitcast3A_631 : vector<16xf32>
        %add3A_633 = arith.constant 3 : i32
        %add3A_634 = arith.addi %mul3A_115, %add3A_633 : i32
        %get3A_635 = arith.constant 1 : i32
        %get3A_636 = arith.index_cast %get3A_635 : i32 to index
        %get3A_637 = arith.index_cast %add3A_634 : i32 to index
        %get3A_638 = arith.constant 16 : index
        %get3A_639 = tpu.vector_load %arg6[%get3A_636, %get3A_637, %get3A_638] {strides = array<i32>} : memref<2x128x64xi32, #tpu.memory_space<vmem>>, vector<16xi32>,
        %shift_left3A_640 = arith.constant 16 : i32
        %shift_left3A_641 = vector.broadcast %shift_left3A_640 : i32 to vector<16xi32>
        %shift_left3A_642 = arith.shli %get3A_639, %shift_left3A_641 : vector<16xi32>
        %bitcast3A_643 = vector.bitcast %shift_left3A_642 : vector<16xi32> to vector<16xf32>
        %add3A_644 = arith.addf %add3A_629, %bitcast3A_643 : vector<16xf32>
        %and3A_645 = arith.andi %get3A_639, %broadcast_in_dim3A_3 : vector<16xi32>
        %bitcast3A_646 = vector.bitcast %and3A_645 : vector<16xi32> to vector<16xf32>
        %add3A_647 = arith.addf %add3A_632, %bitcast3A_646 : vector<16xf32>
        %add3A_648 = arith.constant 4 : i32
        %add3A_649 = arith.addi %mul3A_115, %add3A_648 : i32
        %get3A_650 = arith.constant 1 : i32
        %get3A_651 = arith.index_cast %get3A_650 : i32 to index
        %get3A_652 = arith.index_cast %add3A_649 : i32 to index
        %get3A_653 = arith.constant 16 : index
        %get3A_654 = tpu.vector_load %arg6[%get3A_651, %get3A_652, %get3A_653] {strides = array<i32>} : memref<2x128x64xi32, #tpu.memory_space<vmem>>, vector<16xi32>,
        %shift_left3A_655 = arith.constant 16 : i32
        %shift_left3A_656 = vector.broadcast %shift_left3A_655 : i32 to vector<16xi32>
        %shift_left3A_657 = arith.shli %get3A_654, %shift_left3A_656 : vector<16xi32>
        %bitcast3A_658 = vector.bitcast %shift_left3A_657 : vector<16xi32> to vector<16xf32>
        %add3A_659 = arith.addf %add3A_644, %bitcast3A_658 : vector<16xf32>
        %and3A_660 = arith.andi %get3A_654, %broadcast_in_dim3A_3 : vector<16xi32>
        %bitcast3A_661 = vector.bitcast %and3A_660 : vector<16xi32> to vector<16xf32>
        %add3A_662 = arith.addf %add3A_647, %bitcast3A_661 : vector<16xf32>
        %add3A_663 = arith.constant 5 : i32
        %add3A_664 = arith.addi %mul3A_115, %add3A_663 : i32
        %get3A_665 = arith.constant 1 : i32
        %get3A_666 = arith.index_cast %get3A_665 : i32 to index
        %get3A_667 = arith.index_cast %add3A_664 : i32 to index
        %get3A_668 = arith.constant 16 : index
        %get3A_669 = tpu.vector_load %arg6[%get3A_666, %get3A_667, %get3A_668] {strides = array<i32>} : memref<2x128x64xi32, #tpu.memory_space<vmem>>, vector<16xi32>,
        %shift_left3A_670 = arith.constant 16 : i32
        %shift_left3A_671 = vector.broadcast %shift_left3A_670 : i32 to vector<16xi32>
        %shift_left3A_672 = arith.shli %get3A_669, %shift_left3A_671 : vector<16xi32>
        %bitcast3A_673 = vector.bitcast %shift_left3A_672 : vector<16xi32> to vector<16xf32>
        %add3A_674 = arith.addf %add3A_659, %bitcast3A_673 : vector<16xf32>
        %and3A_675 = arith.andi %get3A_669, %broadcast_in_dim3A_3 : vector<16xi32>
        %bitcast3A_676 = vector.bitcast %and3A_675 : vector<16xi32> to vector<16xf32>
        %add3A_677 = arith.addf %add3A_662, %bitcast3A_676 : vector<16xf32>
        %add3A_678 = arith.constant 6 : i32
        %add3A_679 = arith.addi %mul3A_115, %add3A_678 : i32
        %get3A_680 = arith.constant 1 : i32
        %get3A_681 = arith.index_cast %get3A_680 : i32 to index
        %get3A_682 = arith.index_cast %add3A_679 : i32 to index
        %get3A_683 = arith.constant 16 : index
        %get3A_684 = tpu.vector_load %arg6[%get3A_681, %get3A_682, %get3A_683] {strides = array<i32>} : memref<2x128x64xi32, #tpu.memory_space<vmem>>, vector<16xi32>,
        %shift_left3A_685 = arith.constant 16 : i32
        %shift_left3A_686 = vector.broadcast %shift_left3A_685 : i32 to vector<16xi32>
        %shift_left3A_687 = arith.shli %get3A_684, %shift_left3A_686 : vector<16xi32>
        %bitcast3A_688 = vector.bitcast %shift_left3A_687 : vector<16xi32> to vector<16xf32>
        %add3A_689 = arith.addf %add3A_674, %bitcast3A_688 : vector<16xf32>
        %and3A_690 = arith.andi %get3A_684, %broadcast_in_dim3A_3 : vector<16xi32>
        %bitcast3A_691 = vector.bitcast %and3A_690 : vector<16xi32> to vector<16xf32>
        %add3A_692 = arith.addf %add3A_677, %bitcast3A_691 : vector<16xf32>
        %add3A_693 = arith.constant 7 : i32
        %add3A_694 = arith.addi %mul3A_115, %add3A_693 : i32
        %get3A_695 = arith.constant 1 : i32
        %get3A_696 = arith.index_cast %get3A_695 : i32 to index
        %get3A_697 = arith.index_cast %add3A_694 : i32 to index
        %get3A_698 = arith.constant 16 : index
        %get3A_699 = tpu.vector_load %arg6[%get3A_696, %get3A_697, %get3A_698] {strides = array<i32>} : memref<2x128x64xi32, #tpu.memory_space<vmem>>, vector<16xi32>,
        %shift_left3A_700 = arith.constant 16 : i32
        %shift_left3A_701 = vector.broadcast %shift_left3A_700 : i32 to vector<16xi32>
        %shift_left3A_702 = arith.shli %get3A_699, %shift_left3A_701 : vector<16xi32>
        %bitcast3A_703 = vector.bitcast %shift_left3A_702 : vector<16xi32> to vector<16xf32>
        %add3A_704 = arith.addf %add3A_689, %bitcast3A_703 : vector<16xf32>
        %and3A_705 = arith.andi %get3A_699, %broadcast_in_dim3A_3 : vector<16xi32>
        %bitcast3A_706 = vector.bitcast %and3A_705 : vector<16xi32> to vector<16xf32>
        %add3A_707 = arith.addf %add3A_692, %bitcast3A_706 : vector<16xf32>
        %add3A_708 = arith.constant 8 : i32
        %add3A_709 = arith.addi %mul3A_115, %add3A_708 : i32
        %get3A_710 = arith.constant 1 : i32
        %get3A_711 = arith.index_cast %get3A_710 : i32 to index
        %get3A_712 = arith.index_cast %add3A_709 : i32 to index
        %get3A_713 = arith.constant 16 : index
        %get3A_714 = tpu.vector_load %arg6[%get3A_711, %get3A_712, %get3A_713] {strides = array<i32>} : memref<2x128x64xi32, #tpu.memory_space<vmem>>, vector<16xi32>,
        %shift_left3A_715 = arith.constant 16 : i32
        %shift_left3A_716 = vector.broadcast %shift_left3A_715 : i32 to vector<16xi32>
        %shift_left3A_717 = arith.shli %get3A_714, %shift_left3A_716 : vector<16xi32>
        %bitcast3A_718 = vector.bitcast %shift_left3A_717 : vector<16xi32> to vector<16xf32>
        %add3A_719 = arith.addf %add3A_704, %bitcast3A_718 : vector<16xf32>
        %and3A_720 = arith.andi %get3A_714, %broadcast_in_dim3A_3 : vector<16xi32>
        %bitcast3A_721 = vector.bitcast %and3A_720 : vector<16xi32> to vector<16xf32>
        %add3A_722 = arith.addf %add3A_707, %bitcast3A_721 : vector<16xf32>
        %add3A_723 = arith.constant 9 : i32
        %add3A_724 = arith.addi %mul3A_115, %add3A_723 : i32
        %get3A_725 = arith.constant 1 : i32
        %get3A_726 = arith.index_cast %get3A_725 : i32 to index
        %get3A_727 = arith.index_cast %add3A_724 : i32 to index
        %get3A_728 = arith.constant 16 : index
        %get3A_729 = tpu.vector_load %arg6[%get3A_726, %get3A_727, %get3A_728] {strides = array<i32>} : memref<2x128x64xi32, #tpu.memory_space<vmem>>, vector<16xi32>,
        %shift_left3A_730 = arith.constant 16 : i32
        %shift_left3A_731 = vector.broadcast %shift_left3A_730 : i32 to vector<16xi32>
        %shift_left3A_732 = arith.shli %get3A_729, %shift_left3A_731 : vector<16xi32>
        %bitcast3A_733 = vector.bitcast %shift_left3A_732 : vector<16xi32> to vector<16xf32>
        %add3A_734 = arith.addf %add3A_719, %bitcast3A_733 : vector<16xf32>
        %and3A_735 = arith.andi %get3A_729, %broadcast_in_dim3A_3 : vector<16xi32>
        %bitcast3A_736 = vector.bitcast %and3A_735 : vector<16xi32> to vector<16xf32>
        %add3A_737 = arith.addf %add3A_722, %bitcast3A_736 : vector<16xf32>
        %add3A_738 = arith.constant 10 : i32
        %add3A_739 = arith.addi %mul3A_115, %add3A_738 : i32
        %get3A_740 = arith.constant 1 : i32
        %get3A_741 = arith.index_cast %get3A_740 : i32 to index
        %get3A_742 = arith.index_cast %add3A_739 : i32 to index
        %get3A_743 = arith.constant 16 : index
        %get3A_744 = tpu.vector_load %arg6[%get3A_741, %get3A_742, %get3A_743] {strides = array<i32>} : memref<2x128x64xi32, #tpu.memory_space<vmem>>, vector<16xi32>,
        %shift_left3A_745 = arith.constant 16 : i32
        %shift_left3A_746 = vector.broadcast %shift_left3A_745 : i32 to vector<16xi32>
        %shift_left3A_747 = arith.shli %get3A_744, %shift_left3A_746 : vector<16xi32>
        %bitcast3A_748 = vector.bitcast %shift_left3A_747 : vector<16xi32> to vector<16xf32>
        %add3A_749 = arith.addf %add3A_734, %bitcast3A_748 : vector<16xf32>
        %and3A_750 = arith.andi %get3A_744, %broadcast_in_dim3A_3 : vector<16xi32>
        %bitcast3A_751 = vector.bitcast %and3A_750 : vector<16xi32> to vector<16xf32>
        %add3A_752 = arith.addf %add3A_737, %bitcast3A_751 : vector<16xf32>
        %add3A_753 = arith.constant 11 : i32
        %add3A_754 = arith.addi %mul3A_115, %add3A_753 : i32
        %get3A_755 = arith.constant 1 : i32
        %get3A_756 = arith.index_cast %get3A_755 : i32 to index
        %get3A_757 = arith.index_cast %add3A_754 : i32 to index
        %get3A_758 = arith.constant 16 : index
        %get3A_759 = tpu.vector_load %arg6[%get3A_756, %get3A_757, %get3A_758] {strides = array<i32>} : memref<2x128x64xi32, #tpu.memory_space<vmem>>, vector<16xi32>,
        %shift_left3A_760 = arith.constant 16 : i32
        %shift_left3A_761 = vector.broadcast %shift_left3A_760 : i32 to vector<16xi32>
        %shift_left3A_762 = arith.shli %get3A_759, %shift_left3A_761 : vector<16xi32>
        %bitcast3A_763 = vector.bitcast %shift_left3A_762 : vector<16xi32> to vector<16xf32>
        %add3A_764 = arith.addf %add3A_749, %bitcast3A_763 : vector<16xf32>
        %and3A_765 = arith.andi %get3A_759, %broadcast_in_dim3A_3 : vector<16xi32>
        %bitcast3A_766 = vector.bitcast %and3A_765 : vector<16xi32> to vector<16xf32>
        %add3A_767 = arith.addf %add3A_752, %bitcast3A_766 : vector<16xf32>
        %add3A_768 = arith.constant 12 : i32
        %add3A_769 = arith.addi %mul3A_115, %add3A_768 : i32
        %get3A_770 = arith.constant 1 : i32
        %get3A_771 = arith.index_cast %get3A_770 : i32 to index
        %get3A_772 = arith.index_cast %add3A_769 : i32 to index
        %get3A_773 = arith.constant 16 : index
        %get3A_774 = tpu.vector_load %arg6[%get3A_771, %get3A_772, %get3A_773] {strides = array<i32>} : memref<2x128x64xi32, #tpu.memory_space<vmem>>, vector<16xi32>,
        %shift_left3A_775 = arith.constant 16 : i32
        %shift_left3A_776 = vector.broadcast %shift_left3A_775 : i32 to vector<16xi32>
        %shift_left3A_777 = arith.shli %get3A_774, %shift_left3A_776 : vector<16xi32>
        %bitcast3A_778 = vector.bitcast %shift_left3A_777 : vector<16xi32> to vector<16xf32>
        %add3A_779 = arith.addf %add3A_764, %bitcast3A_778 : vector<16xf32>
        %and3A_780 = arith.andi %get3A_774, %broadcast_in_dim3A_3 : vector<16xi32>
        %bitcast3A_781 = vector.bitcast %and3A_780 : vector<16xi32> to vector<16xf32>
        %add3A_782 = arith.addf %add3A_767, %bitcast3A_781 : vector<16xf32>
        %add3A_783 = arith.constant 13 : i32
        %add3A_784 = arith.addi %mul3A_115, %add3A_783 : i32
        %get3A_785 = arith.constant 1 : i32
        %get3A_786 = arith.index_cast %get3A_785 : i32 to index
        %get3A_787 = arith.index_cast %add3A_784 : i32 to index
        %get3A_788 = arith.constant 16 : index
        %get3A_789 = tpu.vector_load %arg6[%get3A_786, %get3A_787, %get3A_788] {strides = array<i32>} : memref<2x128x64xi32, #tpu.memory_space<vmem>>, vector<16xi32>,
        %shift_left3A_790 = arith.constant 16 : i32
        %shift_left3A_791 = vector.broadcast %shift_left3A_790 : i32 to vector<16xi32>
        %shift_left3A_792 = arith.shli %get3A_789, %shift_left3A_791 : vector<16xi32>
        %bitcast3A_793 = vector.bitcast %shift_left3A_792 : vector<16xi32> to vector<16xf32>
        %add3A_794 = arith.addf %add3A_779, %bitcast3A_793 : vector<16xf32>
        %and3A_795 = arith.andi %get3A_789, %broadcast_in_dim3A_3 : vector<16xi32>
        %bitcast3A_796 = vector.bitcast %and3A_795 : vector<16xi32> to vector<16xf32>
        %add3A_797 = arith.addf %add3A_782, %bitcast3A_796 : vector<16xf32>
        %add3A_798 = arith.constant 14 : i32
        %add3A_799 = arith.addi %mul3A_115, %add3A_798 : i32
        %get3A_800 = arith.constant 1 : i32
        %get3A_801 = arith.index_cast %get3A_800 : i32 to index
        %get3A_802 = arith.index_cast %add3A_799 : i32 to index
        %get3A_803 = arith.constant 16 : index
        %get3A_804 = tpu.vector_load %arg6[%get3A_801, %get3A_802, %get3A_803] {strides = array<i32>} : memref<2x128x64xi32, #tpu.memory_space<vmem>>, vector<16xi32>,
        %shift_left3A_805 = arith.constant 16 : i32
        %shift_left3A_806 = vector.broadcast %shift_left3A_805 : i32 to vector<16xi32>
        %shift_left3A_807 = arith.shli %get3A_804, %shift_left3A_806 : vector<16xi32>
        %bitcast3A_808 = vector.bitcast %shift_left3A_807 : vector<16xi32> to vector<16xf32>
        %add3A_809 = arith.addf %add3A_794, %bitcast3A_808 : vector<16xf32>
        %and3A_810 = arith.andi %get3A_804, %broadcast_in_dim3A_3 : vector<16xi32>
        %bitcast3A_811 = vector.bitcast %and3A_810 : vector<16xi32> to vector<16xf32>
        %add3A_812 = arith.addf %add3A_797, %bitcast3A_811 : vector<16xf32>
        %add3A_813 = arith.constant 15 : i32
        %add3A_814 = arith.addi %mul3A_115, %add3A_813 : i32
        %get3A_815 = arith.constant 1 : i32
        %get3A_816 = arith.index_cast %get3A_815 : i32 to index
        %get3A_817 = arith.index_cast %add3A_814 : i32 to index
        %get3A_818 = arith.constant 16 : index
        %get3A_819 = tpu.vector_load %arg6[%get3A_816, %get3A_817, %get3A_818] {strides = array<i32>} : memref<2x128x64xi32, #tpu.memory_space<vmem>>, vector<16xi32>,
        %shift_left3A_820 = arith.constant 16 : i32
        %shift_left3A_821 = vector.broadcast %shift_left3A_820 : i32 to vector<16xi32>
        %shift_left3A_822 = arith.shli %get3A_819, %shift_left3A_821 : vector<16xi32>
        %bitcast3A_823 = vector.bitcast %shift_left3A_822 : vector<16xi32> to vector<16xf32>
        %add3A_824 = arith.addf %add3A_809, %bitcast3A_823 : vector<16xf32>
        %and3A_825 = arith.andi %get3A_819, %broadcast_in_dim3A_3 : vector<16xi32>
        %bitcast3A_826 = vector.bitcast %and3A_825 : vector<16xi32> to vector<16xf32>
        %add3A_827 = arith.addf %add3A_812, %bitcast3A_826 : vector<16xf32>
        %add3A_828 = arith.constant 16 : i32
        %add3A_829 = arith.addi %mul3A_115, %add3A_828 : i32
        %get3A_830 = arith.constant 1 : i32
        %get3A_831 = arith.index_cast %get3A_830 : i32 to index
        %get3A_832 = arith.index_cast %add3A_829 : i32 to index
        %get3A_833 = arith.constant 16 : index
        %get3A_834 = tpu.vector_load %arg6[%get3A_831, %get3A_832, %get3A_833] {strides = array<i32>} : memref<2x128x64xi32, #tpu.memory_space<vmem>>, vector<16xi32>,
        %shift_left3A_835 = arith.constant 16 : i32
        %shift_left3A_836 = vector.broadcast %shift_left3A_835 : i32 to vector<16xi32>
        %shift_left3A_837 = arith.shli %get3A_834, %shift_left3A_836 : vector<16xi32>
        %bitcast3A_838 = vector.bitcast %shift_left3A_837 : vector<16xi32> to vector<16xf32>
        %add3A_839 = arith.addf %add3A_824, %bitcast3A_838 : vector<16xf32>
        %and3A_840 = arith.andi %get3A_834, %broadcast_in_dim3A_3 : vector<16xi32>
        %bitcast3A_841 = vector.bitcast %and3A_840 : vector<16xi32> to vector<16xf32>
        %add3A_842 = arith.addf %add3A_827, %bitcast3A_841 : vector<16xf32>
        %add3A_843 = arith.constant 17 : i32
        %add3A_844 = arith.addi %mul3A_115, %add3A_843 : i32
        %get3A_845 = arith.constant 1 : i32
        %get3A_846 = arith.index_cast %get3A_845 : i32 to index
        %get3A_847 = arith.index_cast %add3A_844 : i32 to index
        %get3A_848 = arith.constant 16 : index
        %get3A_849 = tpu.vector_load %arg6[%get3A_846, %get3A_847, %get3A_848] {strides = array<i32>} : memref<2x128x64xi32, #tpu.memory_space<vmem>>, vector<16xi32>,
        %shift_left3A_850 = arith.constant 16 : i32
        %shift_left3A_851 = vector.broadcast %shift_left3A_850 : i32 to vector<16xi32>
        %shift_left3A_852 = arith.shli %get3A_849, %shift_left3A_851 : vector<16xi32>
        %bitcast3A_853 = vector.bitcast %shift_left3A_852 : vector<16xi32> to vector<16xf32>
        %add3A_854 = arith.addf %add3A_839, %bitcast3A_853 : vector<16xf32>
        %and3A_855 = arith.andi %get3A_849, %broadcast_in_dim3A_3 : vector<16xi32>
        %bitcast3A_856 = vector.bitcast %and3A_855 : vector<16xi32> to vector<16xf32>
        %add3A_857 = arith.addf %add3A_842, %bitcast3A_856 : vector<16xf32>
        %add3A_858 = arith.constant 18 : i32
        %add3A_859 = arith.addi %mul3A_115, %add3A_858 : i32
        %get3A_860 = arith.constant 1 : i32
        %get3A_861 = arith.index_cast %get3A_860 : i32 to index
        %get3A_862 = arith.index_cast %add3A_859 : i32 to index
        %get3A_863 = arith.constant 16 : index
        %get3A_864 = tpu.vector_load %arg6[%get3A_861, %get3A_862, %get3A_863] {strides = array<i32>} : memref<2x128x64xi32, #tpu.memory_space<vmem>>, vector<16xi32>,
        %shift_left3A_865 = arith.constant 16 : i32
        %shift_left3A_866 = vector.broadcast %shift_left3A_865 : i32 to vector<16xi32>
        %shift_left3A_867 = arith.shli %get3A_864, %shift_left3A_866 : vector<16xi32>
        %bitcast3A_868 = vector.bitcast %shift_left3A_867 : vector<16xi32> to vector<16xf32>
        %add3A_869 = arith.addf %add3A_854, %bitcast3A_868 : vector<16xf32>
        %and3A_870 = arith.andi %get3A_864, %broadcast_in_dim3A_3 : vector<16xi32>
        %bitcast3A_871 = vector.bitcast %and3A_870 : vector<16xi32> to vector<16xf32>
        %add3A_872 = arith.addf %add3A_857, %bitcast3A_871 : vector<16xf32>
        %add3A_873 = arith.constant 19 : i32
        %add3A_874 = arith.addi %mul3A_115, %add3A_873 : i32
        %get3A_875 = arith.constant 1 : i32
        %get3A_876 = arith.index_cast %get3A_875 : i32 to index
        %get3A_877 = arith.index_cast %add3A_874 : i32 to index
        %get3A_878 = arith.constant 16 : index
        %get3A_879 = tpu.vector_load %arg6[%get3A_876, %get3A_877, %get3A_878] {strides = array<i32>} : memref<2x128x64xi32, #tpu.memory_space<vmem>>, vector<16xi32>,
        %shift_left3A_880 = arith.constant 16 : i32
        %shift_left3A_881 = vector.broadcast %shift_left3A_880 : i32 to vector<16xi32>
        %shift_left3A_882 = arith.shli %get3A_879, %shift_left3A_881 : vector<16xi32>
        %bitcast3A_883 = vector.bitcast %shift_left3A_882 : vector<16xi32> to vector<16xf32>
        %add3A_884 = arith.addf %add3A_869, %bitcast3A_883 : vector<16xf32>
        %and3A_885 = arith.andi %get3A_879, %broadcast_in_dim3A_3 : vector<16xi32>
        %bitcast3A_886 = vector.bitcast %and3A_885 : vector<16xi32> to vector<16xf32>
        %add3A_887 = arith.addf %add3A_872, %bitcast3A_886 : vector<16xf32>
        %add3A_888 = arith.constant 20 : i32
        %add3A_889 = arith.addi %mul3A_115, %add3A_888 : i32
        %get3A_890 = arith.constant 1 : i32
        %get3A_891 = arith.index_cast %get3A_890 : i32 to index
        %get3A_892 = arith.index_cast %add3A_889 : i32 to index
        %get3A_893 = arith.constant 16 : index
        %get3A_894 = tpu.vector_load %arg6[%get3A_891, %get3A_892, %get3A_893] {strides = array<i32>} : memref<2x128x64xi32, #tpu.memory_space<vmem>>, vector<16xi32>,
        %shift_left3A_895 = arith.constant 16 : i32
        %shift_left3A_896 = vector.broadcast %shift_left3A_895 : i32 to vector<16xi32>
        %shift_left3A_897 = arith.shli %get3A_894, %shift_left3A_896 : vector<16xi32>
        %bitcast3A_898 = vector.bitcast %shift_left3A_897 : vector<16xi32> to vector<16xf32>
        %add3A_899 = arith.addf %add3A_884, %bitcast3A_898 : vector<16xf32>
        %and3A_900 = arith.andi %get3A_894, %broadcast_in_dim3A_3 : vector<16xi32>
        %bitcast3A_901 = vector.bitcast %and3A_900 : vector<16xi32> to vector<16xf32>
        %add3A_902 = arith.addf %add3A_887, %bitcast3A_901 : vector<16xf32>
        %add3A_903 = arith.constant 21 : i32
        %add3A_904 = arith.addi %mul3A_115, %add3A_903 : i32
        %get3A_905 = arith.constant 1 : i32
        %get3A_906 = arith.index_cast %get3A_905 : i32 to index
        %get3A_907 = arith.index_cast %add3A_904 : i32 to index
        %get3A_908 = arith.constant 16 : index
        %get3A_909 = tpu.vector_load %arg6[%get3A_906, %get3A_907, %get3A_908] {strides = array<i32>} : memref<2x128x64xi32, #tpu.memory_space<vmem>>, vector<16xi32>,
        %shift_left3A_910 = arith.constant 16 : i32
        %shift_left3A_911 = vector.broadcast %shift_left3A_910 : i32 to vector<16xi32>
        %shift_left3A_912 = arith.shli %get3A_909, %shift_left3A_911 : vector<16xi32>
        %bitcast3A_913 = vector.bitcast %shift_left3A_912 : vector<16xi32> to vector<16xf32>
        %add3A_914 = arith.addf %add3A_899, %bitcast3A_913 : vector<16xf32>
        %and3A_915 = arith.andi %get3A_909, %broadcast_in_dim3A_3 : vector<16xi32>
        %bitcast3A_916 = vector.bitcast %and3A_915 : vector<16xi32> to vector<16xf32>
        %add3A_917 = arith.addf %add3A_902, %bitcast3A_916 : vector<16xf32>
        %add3A_918 = arith.constant 22 : i32
        %add3A_919 = arith.addi %mul3A_115, %add3A_918 : i32
        %get3A_920 = arith.constant 1 : i32
        %get3A_921 = arith.index_cast %get3A_920 : i32 to index
        %get3A_922 = arith.index_cast %add3A_919 : i32 to index
        %get3A_923 = arith.constant 16 : index
        %get3A_924 = tpu.vector_load %arg6[%get3A_921, %get3A_922, %get3A_923] {strides = array<i32>} : memref<2x128x64xi32, #tpu.memory_space<vmem>>, vector<16xi32>,
        %shift_left3A_925 = arith.constant 16 : i32
        %shift_left3A_926 = vector.broadcast %shift_left3A_925 : i32 to vector<16xi32>
        %shift_left3A_927 = arith.shli %get3A_924, %shift_left3A_926 : vector<16xi32>
        %bitcast3A_928 = vector.bitcast %shift_left3A_927 : vector<16xi32> to vector<16xf32>
        %add3A_929 = arith.addf %add3A_914, %bitcast3A_928 : vector<16xf32>
        %and3A_930 = arith.andi %get3A_924, %broadcast_in_dim3A_3 : vector<16xi32>
        %bitcast3A_931 = vector.bitcast %and3A_930 : vector<16xi32> to vector<16xf32>
        %add3A_932 = arith.addf %add3A_917, %bitcast3A_931 : vector<16xf32>
        %add3A_933 = arith.constant 23 : i32
        %add3A_934 = arith.addi %mul3A_115, %add3A_933 : i32
        %get3A_935 = arith.constant 1 : i32
        %get3A_936 = arith.index_cast %get3A_935 : i32 to index
        %get3A_937 = arith.index_cast %add3A_934 : i32 to index
        %get3A_938 = arith.constant 16 : index
        %get3A_939 = tpu.vector_load %arg6[%get3A_936, %get3A_937, %get3A_938] {strides = array<i32>} : memref<2x128x64xi32, #tpu.memory_space<vmem>>, vector<16xi32>,
        %shift_left3A_940 = arith.constant 16 : i32
        %shift_left3A_941 = vector.broadcast %shift_left3A_940 : i32 to vector<16xi32>
        %shift_left3A_942 = arith.shli %get3A_939, %shift_left3A_941 : vector<16xi32>
        %bitcast3A_943 = vector.bitcast %shift_left3A_942 : vector<16xi32> to vector<16xf32>
        %add3A_944 = arith.addf %add3A_929, %bitcast3A_943 : vector<16xf32>
        %and3A_945 = arith.andi %get3A_939, %broadcast_in_dim3A_3 : vector<16xi32>
        %bitcast3A_946 = vector.bitcast %and3A_945 : vector<16xi32> to vector<16xf32>
        %add3A_947 = arith.addf %add3A_932, %bitcast3A_946 : vector<16xf32>
        %add3A_948 = arith.constant 24 : i32
        %add3A_949 = arith.addi %mul3A_115, %add3A_948 : i32
        %get3A_950 = arith.constant 1 : i32
        %get3A_951 = arith.index_cast %get3A_950 : i32 to index
        %get3A_952 = arith.index_cast %add3A_949 : i32 to index
        %get3A_953 = arith.constant 16 : index
        %get3A_954 = tpu.vector_load %arg6[%get3A_951, %get3A_952, %get3A_953] {strides = array<i32>} : memref<2x128x64xi32, #tpu.memory_space<vmem>>, vector<16xi32>,
        %shift_left3A_955 = arith.constant 16 : i32
        %shift_left3A_956 = vector.broadcast %shift_left3A_955 : i32 to vector<16xi32>
        %shift_left3A_957 = arith.shli %get3A_954, %shift_left3A_956 : vector<16xi32>
        %bitcast3A_958 = vector.bitcast %shift_left3A_957 : vector<16xi32> to vector<16xf32>
        %add3A_959 = arith.addf %add3A_944, %bitcast3A_958 : vector<16xf32>
        %and3A_960 = arith.andi %get3A_954, %broadcast_in_dim3A_3 : vector<16xi32>
        %bitcast3A_961 = vector.bitcast %and3A_960 : vector<16xi32> to vector<16xf32>
        %add3A_962 = arith.addf %add3A_947, %bitcast3A_961 : vector<16xf32>
        %add3A_963 = arith.constant 25 : i32
        %add3A_964 = arith.addi %mul3A_115, %add3A_963 : i32
        %get3A_965 = arith.constant 1 : i32
        %get3A_966 = arith.index_cast %get3A_965 : i32 to index
        %get3A_967 = arith.index_cast %add3A_964 : i32 to index
        %get3A_968 = arith.constant 16 : index
        %get3A_969 = tpu.vector_load %arg6[%get3A_966, %get3A_967, %get3A_968] {strides = array<i32>} : memref<2x128x64xi32, #tpu.memory_space<vmem>>, vector<16xi32>,
        %shift_left3A_970 = arith.constant 16 : i32
        %shift_left3A_971 = vector.broadcast %shift_left3A_970 : i32 to vector<16xi32>
        %shift_left3A_972 = arith.shli %get3A_969, %shift_left3A_971 : vector<16xi32>
        %bitcast3A_973 = vector.bitcast %shift_left3A_972 : vector<16xi32> to vector<16xf32>
        %add3A_974 = arith.addf %add3A_959, %bitcast3A_973 : vector<16xf32>
        %and3A_975 = arith.andi %get3A_969, %broadcast_in_dim3A_3 : vector<16xi32>
        %bitcast3A_976 = vector.bitcast %and3A_975 : vector<16xi32> to vector<16xf32>
        %add3A_977 = arith.addf %add3A_962, %bitcast3A_976 : vector<16xf32>
        %add3A_978 = arith.constant 26 : i32
        %add3A_979 = arith.addi %mul3A_115, %add3A_978 : i32
        %get3A_980 = arith.constant 1 : i32
        %get3A_981 = arith.index_cast %get3A_980 : i32 to index
        %get3A_982 = arith.index_cast %add3A_979 : i32 to index
        %get3A_983 = arith.constant 16 : index
        %get3A_984 = tpu.vector_load %arg6[%get3A_981, %get3A_982, %get3A_983] {strides = array<i32>} : memref<2x128x64xi32, #tpu.memory_space<vmem>>, vector<16xi32>,
        %shift_left3A_985 = arith.constant 16 : i32
        %shift_left3A_986 = vector.broadcast %shift_left3A_985 : i32 to vector<16xi32>
        %shift_left3A_987 = arith.shli %get3A_984, %shift_left3A_986 : vector<16xi32>
        %bitcast3A_988 = vector.bitcast %shift_left3A_987 : vector<16xi32> to vector<16xf32>
        %add3A_989 = arith.addf %add3A_974, %bitcast3A_988 : vector<16xf32>
        %and3A_990 = arith.andi %get3A_984, %broadcast_in_dim3A_3 : vector<16xi32>
        %bitcast3A_991 = vector.bitcast %and3A_990 : vector<16xi32> to vector<16xf32>
        %add3A_992 = arith.addf %add3A_977, %bitcast3A_991 : vector<16xf32>
        %add3A_993 = arith.constant 27 : i32
        %add3A_994 = arith.addi %mul3A_115, %add3A_993 : i32
        %get3A_995 = arith.constant 1 : i32
        %get3A_996 = arith.index_cast %get3A_995 : i32 to index
        %get3A_997 = arith.index_cast %add3A_994 : i32 to index
        %get3A_998 = arith.constant 16 : index
        %get3A_999 = tpu.vector_load %arg6[%get3A_996, %get3A_997, %get3A_998] {strides = array<i32>} : memref<2x128x64xi32, #tpu.memory_space<vmem>>, vector<16xi32>,
        %shift_left3A_1000 = arith.constant 16 : i32
        %shift_left3A_1001 = vector.broadcast %shift_left3A_1000 : i32 to vector<16xi32>
        %shift_left3A_1002 = arith.shli %get3A_999, %shift_left3A_1001 : vector<16xi32>
        %bitcast3A_1003 = vector.bitcast %shift_left3A_1002 : vector<16xi32> to vector<16xf32>
        %add3A_1004 = arith.addf %add3A_989, %bitcast3A_1003 : vector<16xf32>
        %and3A_1005 = arith.andi %get3A_999, %broadcast_in_dim3A_3 : vector<16xi32>
        %bitcast3A_1006 = vector.bitcast %and3A_1005 : vector<16xi32> to vector<16xf32>
        %add3A_1007 = arith.addf %add3A_992, %bitcast3A_1006 : vector<16xf32>
        %add3A_1008 = arith.constant 28 : i32
        %add3A_1009 = arith.addi %mul3A_115, %add3A_1008 : i32
        %get3A_1010 = arith.constant 1 : i32
        %get3A_1011 = arith.index_cast %get3A_1010 : i32 to index
        %get3A_1012 = arith.index_cast %add3A_1009 : i32 to index
        %get3A_1013 = arith.constant 16 : index
        %get3A_1014 = tpu.vector_load %arg6[%get3A_1011, %get3A_1012, %get3A_1013] {strides = array<i32>} : memref<2x128x64xi32, #tpu.memory_space<vmem>>, vector<16xi32>,
        %shift_left3A_1015 = arith.constant 16 : i32
        %shift_left3A_1016 = vector.broadcast %shift_left3A_1015 : i32 to vector<16xi32>
        %shift_left3A_1017 = arith.shli %get3A_1014, %shift_left3A_1016 : vector<16xi32>
        %bitcast3A_1018 = vector.bitcast %shift_left3A_1017 : vector<16xi32> to vector<16xf32>
        %add3A_1019 = arith.addf %add3A_1004, %bitcast3A_1018 : vector<16xf32>
        %and3A_1020 = arith.andi %get3A_1014, %broadcast_in_dim3A_3 : vector<16xi32>
        %bitcast3A_1021 = vector.bitcast %and3A_1020 : vector<16xi32> to vector<16xf32>
        %add3A_1022 = arith.addf %add3A_1007, %bitcast3A_1021 : vector<16xf32>
        %add3A_1023 = arith.constant 29 : i32
        %add3A_1024 = arith.addi %mul3A_115, %add3A_1023 : i32
        %get3A_1025 = arith.constant 1 : i32
        %get3A_1026 = arith.index_cast %get3A_1025 : i32 to index
        %get3A_1027 = arith.index_cast %add3A_1024 : i32 to index
        %get3A_1028 = arith.constant 16 : index
        %get3A_1029 = tpu.vector_load %arg6[%get3A_1026, %get3A_1027, %get3A_1028] {strides = array<i32>} : memref<2x128x64xi32, #tpu.memory_space<vmem>>, vector<16xi32>,
        %shift_left3A_1030 = arith.constant 16 : i32
        %shift_left3A_1031 = vector.broadcast %shift_left3A_1030 : i32 to vector<16xi32>
        %shift_left3A_1032 = arith.shli %get3A_1029, %shift_left3A_1031 : vector<16xi32>
        %bitcast3A_1033 = vector.bitcast %shift_left3A_1032 : vector<16xi32> to vector<16xf32>
        %add3A_1034 = arith.addf %add3A_1019, %bitcast3A_1033 : vector<16xf32>
        %and3A_1035 = arith.andi %get3A_1029, %broadcast_in_dim3A_3 : vector<16xi32>
        %bitcast3A_1036 = vector.bitcast %and3A_1035 : vector<16xi32> to vector<16xf32>
        %add3A_1037 = arith.addf %add3A_1022, %bitcast3A_1036 : vector<16xf32>
        %add3A_1038 = arith.constant 30 : i32
        %add3A_1039 = arith.addi %mul3A_115, %add3A_1038 : i32
        %get3A_1040 = arith.constant 1 : i32
        %get3A_1041 = arith.index_cast %get3A_1040 : i32 to index
        %get3A_1042 = arith.index_cast %add3A_1039 : i32 to index
        %get3A_1043 = arith.constant 16 : index
        %get3A_1044 = tpu.vector_load %arg6[%get3A_1041, %get3A_1042, %get3A_1043] {strides = array<i32>} : memref<2x128x64xi32, #tpu.memory_space<vmem>>, vector<16xi32>,
        %shift_left3A_1045 = arith.constant 16 : i32
        %shift_left3A_1046 = vector.broadcast %shift_left3A_1045 : i32 to vector<16xi32>
        %shift_left3A_1047 = arith.shli %get3A_1044, %shift_left3A_1046 : vector<16xi32>
        %bitcast3A_1048 = vector.bitcast %shift_left3A_1047 : vector<16xi32> to vector<16xf32>
        %add3A_1049 = arith.addf %add3A_1034, %bitcast3A_1048 : vector<16xf32>
        %and3A_1050 = arith.andi %get3A_1044, %broadcast_in_dim3A_3 : vector<16xi32>
        %bitcast3A_1051 = vector.bitcast %and3A_1050 : vector<16xi32> to vector<16xf32>
        %add3A_1052 = arith.addf %add3A_1037, %bitcast3A_1051 : vector<16xf32>
        %add3A_1053 = arith.constant 31 : i32
        %add3A_1054 = arith.addi %mul3A_115, %add3A_1053 : i32
        %get3A_1055 = arith.constant 1 : i32
        %get3A_1056 = arith.index_cast %get3A_1055 : i32 to index
        %get3A_1057 = arith.index_cast %add3A_1054 : i32 to index
        %get3A_1058 = arith.constant 16 : index
        %get3A_1059 = tpu.vector_load %arg6[%get3A_1056, %get3A_1057, %get3A_1058] {strides = array<i32>} : memref<2x128x64xi32, #tpu.memory_space<vmem>>, vector<16xi32>,
        %shift_left3A_1060 = arith.constant 16 : i32
        %shift_left3A_1061 = vector.broadcast %shift_left3A_1060 : i32 to vector<16xi32>
        %shift_left3A_1062 = arith.shli %get3A_1059, %shift_left3A_1061 : vector<16xi32>
        %bitcast3A_1063 = vector.bitcast %shift_left3A_1062 : vector<16xi32> to vector<16xf32>
        %add3A_1064 = arith.addf %add3A_1049, %bitcast3A_1063 : vector<16xf32>
        %and3A_1065 = arith.andi %get3A_1059, %broadcast_in_dim3A_3 : vector<16xi32>
        %bitcast3A_1066 = vector.bitcast %and3A_1065 : vector<16xi32> to vector<16xf32>
        %add3A_1067 = arith.addf %add3A_1052, %bitcast3A_1066 : vector<16xf32>
        tpu.vector_store_idx %arg7[%add3A_9, %broadcast_in_dim3A_119], %add3A_1064 : memref<128x512xf32, #tpu.memory_space<vmem>>[vector<16xi32>, vector<16xi32>], vector<16xf32>,
        tpu.vector_store_idx %arg7[%add3A_21, %broadcast_in_dim3A_119], %add3A_1067 : memref<128x512xf32, #tpu.memory_space<vmem>>[vector<16xi32>, vector<16xi32>], vector<16xf32>,
        %get3A_1068 = arith.constant 1 : i32
        %get3A_1069 = arith.index_cast %get3A_1068 : i32 to index
        %get3A_1070 = arith.index_cast %mul3A_115 : i32 to index
        %get3A_1071 = arith.constant 32 : index
        %get3A_1072 = tpu.vector_load %arg6[%get3A_1069, %get3A_1070, %get3A_1071] {strides = array<i32>} : memref<2x128x64xi32, #tpu.memory_space<vmem>>, vector<16xi32>,
        %shift_left3A_1073 = arith.constant 16 : i32
        %shift_left3A_1074 = vector.broadcast %shift_left3A_1073 : i32 to vector<16xi32>
        %shift_left3A_1075 = arith.shli %get3A_1072, %shift_left3A_1074 : vector<16xi32>
        %bitcast3A_1076 = vector.bitcast %shift_left3A_1075 : vector<16xi32> to vector<16xf32>
        %and3A_1077 = arith.andi %get3A_1072, %broadcast_in_dim3A_3 : vector<16xi32>
        %bitcast3A_1078 = vector.bitcast %and3A_1077 : vector<16xi32> to vector<16xf32>
        %add3A_1079 = arith.constant 1 : i32
        %add3A_1080 = arith.addi %mul3A_115, %add3A_1079 : i32
        %get3A_1081 = arith.constant 1 : i32
        %get3A_1082 = arith.index_cast %get3A_1081 : i32 to index
        %get3A_1083 = arith.index_cast %add3A_1080 : i32 to index
        %get3A_1084 = arith.constant 32 : index
        %get3A_1085 = tpu.vector_load %arg6[%get3A_1082, %get3A_1083, %get3A_1084] {strides = array<i32>} : memref<2x128x64xi32, #tpu.memory_space<vmem>>, vector<16xi32>,
        %shift_left3A_1086 = arith.constant 16 : i32
        %shift_left3A_1087 = vector.broadcast %shift_left3A_1086 : i32 to vector<16xi32>
        %shift_left3A_1088 = arith.shli %get3A_1085, %shift_left3A_1087 : vector<16xi32>
        %bitcast3A_1089 = vector.bitcast %shift_left3A_1088 : vector<16xi32> to vector<16xf32>
        %add3A_1090 = arith.addf %bitcast3A_1076, %bitcast3A_1089 : vector<16xf32>
        %and3A_1091 = arith.andi %get3A_1085, %broadcast_in_dim3A_3 : vector<16xi32>
        %bitcast3A_1092 = vector.bitcast %and3A_1091 : vector<16xi32> to vector<16xf32>
        %add3A_1093 = arith.addf %bitcast3A_1078, %bitcast3A_1092 : vector<16xf32>
        %add3A_1094 = arith.constant 2 : i32
        %add3A_1095 = arith.addi %mul3A_115, %add3A_1094 : i32
        %get3A_1096 = arith.constant 1 : i32
        %get3A_1097 = arith.index_cast %get3A_1096 : i32 to index
        %get3A_1098 = arith.index_cast %add3A_1095 : i32 to index
        %get3A_1099 = arith.constant 32 : index
        %get3A_1100 = tpu.vector_load %arg6[%get3A_1097, %get3A_1098, %get3A_1099] {strides = array<i32>} : memref<2x128x64xi32, #tpu.memory_space<vmem>>, vector<16xi32>,
        %shift_left3A_1101 = arith.constant 16 : i32
        %shift_left3A_1102 = vector.broadcast %shift_left3A_1101 : i32 to vector<16xi32>
        %shift_left3A_1103 = arith.shli %get3A_1100, %shift_left3A_1102 : vector<16xi32>
        %bitcast3A_1104 = vector.bitcast %shift_left3A_1103 : vector<16xi32> to vector<16xf32>
        %add3A_1105 = arith.addf %add3A_1090, %bitcast3A_1104 : vector<16xf32>
        %and3A_1106 = arith.andi %get3A_1100, %broadcast_in_dim3A_3 : vector<16xi32>
        %bitcast3A_1107 = vector.bitcast %and3A_1106 : vector<16xi32> to vector<16xf32>
        %add3A_1108 = arith.addf %add3A_1093, %bitcast3A_1107 : vector<16xf32>
        %add3A_1109 = arith.constant 3 : i32
        %add3A_1110 = arith.addi %mul3A_115, %add3A_1109 : i32
        %get3A_1111 = arith.constant 1 : i32
        %get3A_1112 = arith.index_cast %get3A_1111 : i32 to index
        %get3A_1113 = arith.index_cast %add3A_1110 : i32 to index
        %get3A_1114 = arith.constant 32 : index
        %get3A_1115 = tpu.vector_load %arg6[%get3A_1112, %get3A_1113, %get3A_1114] {strides = array<i32>} : memref<2x128x64xi32, #tpu.memory_space<vmem>>, vector<16xi32>,
        %shift_left3A_1116 = arith.constant 16 : i32
        %shift_left3A_1117 = vector.broadcast %shift_left3A_1116 : i32 to vector<16xi32>
        %shift_left3A_1118 = arith.shli %get3A_1115, %shift_left3A_1117 : vector<16xi32>
        %bitcast3A_1119 = vector.bitcast %shift_left3A_1118 : vector<16xi32> to vector<16xf32>
        %add3A_1120 = arith.addf %add3A_1105, %bitcast3A_1119 : vector<16xf32>
        %and3A_1121 = arith.andi %get3A_1115, %broadcast_in_dim3A_3 : vector<16xi32>
        %bitcast3A_1122 = vector.bitcast %and3A_1121 : vector<16xi32> to vector<16xf32>
        %add3A_1123 = arith.addf %add3A_1108, %bitcast3A_1122 : vector<16xf32>
        %add3A_1124 = arith.constant 4 : i32
        %add3A_1125 = arith.addi %mul3A_115, %add3A_1124 : i32
        %get3A_1126 = arith.constant 1 : i32
        %get3A_1127 = arith.index_cast %get3A_1126 : i32 to index
        %get3A_1128 = arith.index_cast %add3A_1125 : i32 to index
        %get3A_1129 = arith.constant 32 : index
        %get3A_1130 = tpu.vector_load %arg6[%get3A_1127, %get3A_1128, %get3A_1129] {strides = array<i32>} : memref<2x128x64xi32, #tpu.memory_space<vmem>>, vector<16xi32>,
        %shift_left3A_1131 = arith.constant 16 : i32
        %shift_left3A_1132 = vector.broadcast %shift_left3A_1131 : i32 to vector<16xi32>
        %shift_left3A_1133 = arith.shli %get3A_1130, %shift_left3A_1132 : vector<16xi32>
        %bitcast3A_1134 = vector.bitcast %shift_left3A_1133 : vector<16xi32> to vector<16xf32>
        %add3A_1135 = arith.addf %add3A_1120, %bitcast3A_1134 : vector<16xf32>
        %and3A_1136 = arith.andi %get3A_1130, %broadcast_in_dim3A_3 : vector<16xi32>
        %bitcast3A_1137 = vector.bitcast %and3A_1136 : vector<16xi32> to vector<16xf32>
        %add3A_1138 = arith.addf %add3A_1123, %bitcast3A_1137 : vector<16xf32>
        %add3A_1139 = arith.constant 5 : i32
        %add3A_1140 = arith.addi %mul3A_115, %add3A_1139 : i32
        %get3A_1141 = arith.constant 1 : i32
        %get3A_1142 = arith.index_cast %get3A_1141 : i32 to index
        %get3A_1143 = arith.index_cast %add3A_1140 : i32 to index
        %get3A_1144 = arith.constant 32 : index
        %get3A_1145 = tpu.vector_load %arg6[%get3A_1142, %get3A_1143, %get3A_1144] {strides = array<i32>} : memref<2x128x64xi32, #tpu.memory_space<vmem>>, vector<16xi32>,
        %shift_left3A_1146 = arith.constant 16 : i32
        %shift_left3A_1147 = vector.broadcast %shift_left3A_1146 : i32 to vector<16xi32>
        %shift_left3A_1148 = arith.shli %get3A_1145, %shift_left3A_1147 : vector<16xi32>
        %bitcast3A_1149 = vector.bitcast %shift_left3A_1148 : vector<16xi32> to vector<16xf32>
        %add3A_1150 = arith.addf %add3A_1135, %bitcast3A_1149 : vector<16xf32>
        %and3A_1151 = arith.andi %get3A_1145, %broadcast_in_dim3A_3 : vector<16xi32>
        %bitcast3A_1152 = vector.bitcast %and3A_1151 : vector<16xi32> to vector<16xf32>
        %add3A_1153 = arith.addf %add3A_1138, %bitcast3A_1152 : vector<16xf32>
        %add3A_1154 = arith.constant 6 : i32
        %add3A_1155 = arith.addi %mul3A_115, %add3A_1154 : i32
        %get3A_1156 = arith.constant 1 : i32
        %get3A_1157 = arith.index_cast %get3A_1156 : i32 to index
        %get3A_1158 = arith.index_cast %add3A_1155 : i32 to index
        %get3A_1159 = arith.constant 32 : index
        %get3A_1160 = tpu.vector_load %arg6[%get3A_1157, %get3A_1158, %get3A_1159] {strides = array<i32>} : memref<2x128x64xi32, #tpu.memory_space<vmem>>, vector<16xi32>,
        %shift_left3A_1161 = arith.constant 16 : i32
        %shift_left3A_1162 = vector.broadcast %shift_left3A_1161 : i32 to vector<16xi32>
        %shift_left3A_1163 = arith.shli %get3A_1160, %shift_left3A_1162 : vector<16xi32>
        %bitcast3A_1164 = vector.bitcast %shift_left3A_1163 : vector<16xi32> to vector<16xf32>
        %add3A_1165 = arith.addf %add3A_1150, %bitcast3A_1164 : vector<16xf32>
        %and3A_1166 = arith.andi %get3A_1160, %broadcast_in_dim3A_3 : vector<16xi32>
        %bitcast3A_1167 = vector.bitcast %and3A_1166 : vector<16xi32> to vector<16xf32>
        %add3A_1168 = arith.addf %add3A_1153, %bitcast3A_1167 : vector<16xf32>
        %add3A_1169 = arith.constant 7 : i32
        %add3A_1170 = arith.addi %mul3A_115, %add3A_1169 : i32
        %get3A_1171 = arith.constant 1 : i32
        %get3A_1172 = arith.index_cast %get3A_1171 : i32 to index
        %get3A_1173 = arith.index_cast %add3A_1170 : i32 to index
        %get3A_1174 = arith.constant 32 : index
        %get3A_1175 = tpu.vector_load %arg6[%get3A_1172, %get3A_1173, %get3A_1174] {strides = array<i32>} : memref<2x128x64xi32, #tpu.memory_space<vmem>>, vector<16xi32>,
        %shift_left3A_1176 = arith.constant 16 : i32
        %shift_left3A_1177 = vector.broadcast %shift_left3A_1176 : i32 to vector<16xi32>
        %shift_left3A_1178 = arith.shli %get3A_1175, %shift_left3A_1177 : vector<16xi32>
        %bitcast3A_1179 = vector.bitcast %shift_left3A_1178 : vector<16xi32> to vector<16xf32>
        %add3A_1180 = arith.addf %add3A_1165, %bitcast3A_1179 : vector<16xf32>
        %and3A_1181 = arith.andi %get3A_1175, %broadcast_in_dim3A_3 : vector<16xi32>
        %bitcast3A_1182 = vector.bitcast %and3A_1181 : vector<16xi32> to vector<16xf32>
        %add3A_1183 = arith.addf %add3A_1168, %bitcast3A_1182 : vector<16xf32>
        %add3A_1184 = arith.constant 8 : i32
        %add3A_1185 = arith.addi %mul3A_115, %add3A_1184 : i32
        %get3A_1186 = arith.constant 1 : i32
        %get3A_1187 = arith.index_cast %get3A_1186 : i32 to index
        %get3A_1188 = arith.index_cast %add3A_1185 : i32 to index
        %get3A_1189 = arith.constant 32 : index
        %get3A_1190 = tpu.vector_load %arg6[%get3A_1187, %get3A_1188, %get3A_1189] {strides = array<i32>} : memref<2x128x64xi32, #tpu.memory_space<vmem>>, vector<16xi32>,
        %shift_left3A_1191 = arith.constant 16 : i32
        %shift_left3A_1192 = vector.broadcast %shift_left3A_1191 : i32 to vector<16xi32>
        %shift_left3A_1193 = arith.shli %get3A_1190, %shift_left3A_1192 : vector<16xi32>
        %bitcast3A_1194 = vector.bitcast %shift_left3A_1193 : vector<16xi32> to vector<16xf32>
        %add3A_1195 = arith.addf %add3A_1180, %bitcast3A_1194 : vector<16xf32>
        %and3A_1196 = arith.andi %get3A_1190, %broadcast_in_dim3A_3 : vector<16xi32>
        %bitcast3A_1197 = vector.bitcast %and3A_1196 : vector<16xi32> to vector<16xf32>
        %add3A_1198 = arith.addf %add3A_1183, %bitcast3A_1197 : vector<16xf32>
        %add3A_1199 = arith.constant 9 : i32
        %add3A_1200 = arith.addi %mul3A_115, %add3A_1199 : i32
        %get3A_1201 = arith.constant 1 : i32
        %get3A_1202 = arith.index_cast %get3A_1201 : i32 to index
        %get3A_1203 = arith.index_cast %add3A_1200 : i32 to index
        %get3A_1204 = arith.constant 32 : index
        %get3A_1205 = tpu.vector_load %arg6[%get3A_1202, %get3A_1203, %get3A_1204] {strides = array<i32>} : memref<2x128x64xi32, #tpu.memory_space<vmem>>, vector<16xi32>,
        %shift_left3A_1206 = arith.constant 16 : i32
        %shift_left3A_1207 = vector.broadcast %shift_left3A_1206 : i32 to vector<16xi32>
        %shift_left3A_1208 = arith.shli %get3A_1205, %shift_left3A_1207 : vector<16xi32>
        %bitcast3A_1209 = vector.bitcast %shift_left3A_1208 : vector<16xi32> to vector<16xf32>
        %add3A_1210 = arith.addf %add3A_1195, %bitcast3A_1209 : vector<16xf32>
        %and3A_1211 = arith.andi %get3A_1205, %broadcast_in_dim3A_3 : vector<16xi32>
        %bitcast3A_1212 = vector.bitcast %and3A_1211 : vector<16xi32> to vector<16xf32>
        %add3A_1213 = arith.addf %add3A_1198, %bitcast3A_1212 : vector<16xf32>
        %add3A_1214 = arith.constant 10 : i32
        %add3A_1215 = arith.addi %mul3A_115, %add3A_1214 : i32
        %get3A_1216 = arith.constant 1 : i32
        %get3A_1217 = arith.index_cast %get3A_1216 : i32 to index
        %get3A_1218 = arith.index_cast %add3A_1215 : i32 to index
        %get3A_1219 = arith.constant 32 : index
        %get3A_1220 = tpu.vector_load %arg6[%get3A_1217, %get3A_1218, %get3A_1219] {strides = array<i32>} : memref<2x128x64xi32, #tpu.memory_space<vmem>>, vector<16xi32>,
        %shift_left3A_1221 = arith.constant 16 : i32
        %shift_left3A_1222 = vector.broadcast %shift_left3A_1221 : i32 to vector<16xi32>
        %shift_left3A_1223 = arith.shli %get3A_1220, %shift_left3A_1222 : vector<16xi32>
        %bitcast3A_1224 = vector.bitcast %shift_left3A_1223 : vector<16xi32> to vector<16xf32>
        %add3A_1225 = arith.addf %add3A_1210, %bitcast3A_1224 : vector<16xf32>
        %and3A_1226 = arith.andi %get3A_1220, %broadcast_in_dim3A_3 : vector<16xi32>
        %bitcast3A_1227 = vector.bitcast %and3A_1226 : vector<16xi32> to vector<16xf32>
        %add3A_1228 = arith.addf %add3A_1213, %bitcast3A_1227 : vector<16xf32>
        %add3A_1229 = arith.constant 11 : i32
        %add3A_1230 = arith.addi %mul3A_115, %add3A_1229 : i32
        %get3A_1231 = arith.constant 1 : i32
        %get3A_1232 = arith.index_cast %get3A_1231 : i32 to index
        %get3A_1233 = arith.index_cast %add3A_1230 : i32 to index
        %get3A_1234 = arith.constant 32 : index
        %get3A_1235 = tpu.vector_load %arg6[%get3A_1232, %get3A_1233, %get3A_1234] {strides = array<i32>} : memref<2x128x64xi32, #tpu.memory_space<vmem>>, vector<16xi32>,
        %shift_left3A_1236 = arith.constant 16 : i32
        %shift_left3A_1237 = vector.broadcast %shift_left3A_1236 : i32 to vector<16xi32>
        %shift_left3A_1238 = arith.shli %get3A_1235, %shift_left3A_1237 : vector<16xi32>
        %bitcast3A_1239 = vector.bitcast %shift_left3A_1238 : vector<16xi32> to vector<16xf32>
        %add3A_1240 = arith.addf %add3A_1225, %bitcast3A_1239 : vector<16xf32>
        %and3A_1241 = arith.andi %get3A_1235, %broadcast_in_dim3A_3 : vector<16xi32>
        %bitcast3A_1242 = vector.bitcast %and3A_1241 : vector<16xi32> to vector<16xf32>
        %add3A_1243 = arith.addf %add3A_1228, %bitcast3A_1242 : vector<16xf32>
        %add3A_1244 = arith.constant 12 : i32
        %add3A_1245 = arith.addi %mul3A_115, %add3A_1244 : i32
        %get3A_1246 = arith.constant 1 : i32
        %get3A_1247 = arith.index_cast %get3A_1246 : i32 to index
        %get3A_1248 = arith.index_cast %add3A_1245 : i32 to index
        %get3A_1249 = arith.constant 32 : index
        %get3A_1250 = tpu.vector_load %arg6[%get3A_1247, %get3A_1248, %get3A_1249] {strides = array<i32>} : memref<2x128x64xi32, #tpu.memory_space<vmem>>, vector<16xi32>,
        %shift_left3A_1251 = arith.constant 16 : i32
        %shift_left3A_1252 = vector.broadcast %shift_left3A_1251 : i32 to vector<16xi32>
        %shift_left3A_1253 = arith.shli %get3A_1250, %shift_left3A_1252 : vector<16xi32>
        %bitcast3A_1254 = vector.bitcast %shift_left3A_1253 : vector<16xi32> to vector<16xf32>
        %add3A_1255 = arith.addf %add3A_1240, %bitcast3A_1254 : vector<16xf32>
        %and3A_1256 = arith.andi %get3A_1250, %broadcast_in_dim3A_3 : vector<16xi32>
        %bitcast3A_1257 = vector.bitcast %and3A_1256 : vector<16xi32> to vector<16xf32>
        %add3A_1258 = arith.addf %add3A_1243, %bitcast3A_1257 : vector<16xf32>
        %add3A_1259 = arith.constant 13 : i32
        %add3A_1260 = arith.addi %mul3A_115, %add3A_1259 : i32
        %get3A_1261 = arith.constant 1 : i32
        %get3A_1262 = arith.index_cast %get3A_1261 : i32 to index
        %get3A_1263 = arith.index_cast %add3A_1260 : i32 to index
        %get3A_1264 = arith.constant 32 : index
        %get3A_1265 = tpu.vector_load %arg6[%get3A_1262, %get3A_1263, %get3A_1264] {strides = array<i32>} : memref<2x128x64xi32, #tpu.memory_space<vmem>>, vector<16xi32>,
        %shift_left3A_1266 = arith.constant 16 : i32
        %shift_left3A_1267 = vector.broadcast %shift_left3A_1266 : i32 to vector<16xi32>
        %shift_left3A_1268 = arith.shli %get3A_1265, %shift_left3A_1267 : vector<16xi32>
        %bitcast3A_1269 = vector.bitcast %shift_left3A_1268 : vector<16xi32> to vector<16xf32>
        %add3A_1270 = arith.addf %add3A_1255, %bitcast3A_1269 : vector<16xf32>
        %and3A_1271 = arith.andi %get3A_1265, %broadcast_in_dim3A_3 : vector<16xi32>
        %bitcast3A_1272 = vector.bitcast %and3A_1271 : vector<16xi32> to vector<16xf32>
        %add3A_1273 = arith.addf %add3A_1258, %bitcast3A_1272 : vector<16xf32>
        %add3A_1274 = arith.constant 14 : i32
        %add3A_1275 = arith.addi %mul3A_115, %add3A_1274 : i32
        %get3A_1276 = arith.constant 1 : i32
        %get3A_1277 = arith.index_cast %get3A_1276 : i32 to index
        %get3A_1278 = arith.index_cast %add3A_1275 : i32 to index
        %get3A_1279 = arith.constant 32 : index
        %get3A_1280 = tpu.vector_load %arg6[%get3A_1277, %get3A_1278, %get3A_1279] {strides = array<i32>} : memref<2x128x64xi32, #tpu.memory_space<vmem>>, vector<16xi32>,
        %shift_left3A_1281 = arith.constant 16 : i32
        %shift_left3A_1282 = vector.broadcast %shift_left3A_1281 : i32 to vector<16xi32>
        %shift_left3A_1283 = arith.shli %get3A_1280, %shift_left3A_1282 : vector<16xi32>
        %bitcast3A_1284 = vector.bitcast %shift_left3A_1283 : vector<16xi32> to vector<16xf32>
        %add3A_1285 = arith.addf %add3A_1270, %bitcast3A_1284 : vector<16xf32>
        %and3A_1286 = arith.andi %get3A_1280, %broadcast_in_dim3A_3 : vector<16xi32>
        %bitcast3A_1287 = vector.bitcast %and3A_1286 : vector<16xi32> to vector<16xf32>
        %add3A_1288 = arith.addf %add3A_1273, %bitcast3A_1287 : vector<16xf32>
        %add3A_1289 = arith.constant 15 : i32
        %add3A_1290 = arith.addi %mul3A_115, %add3A_1289 : i32
        %get3A_1291 = arith.constant 1 : i32
        %get3A_1292 = arith.index_cast %get3A_1291 : i32 to index
        %get3A_1293 = arith.index_cast %add3A_1290 : i32 to index
        %get3A_1294 = arith.constant 32 : index
        %get3A_1295 = tpu.vector_load %arg6[%get3A_1292, %get3A_1293, %get3A_1294] {strides = array<i32>} : memref<2x128x64xi32, #tpu.memory_space<vmem>>, vector<16xi32>,
        %shift_left3A_1296 = arith.constant 16 : i32
        %shift_left3A_1297 = vector.broadcast %shift_left3A_1296 : i32 to vector<16xi32>
        %shift_left3A_1298 = arith.shli %get3A_1295, %shift_left3A_1297 : vector<16xi32>
        %bitcast3A_1299 = vector.bitcast %shift_left3A_1298 : vector<16xi32> to vector<16xf32>
        %add3A_1300 = arith.addf %add3A_1285, %bitcast3A_1299 : vector<16xf32>
        %and3A_1301 = arith.andi %get3A_1295, %broadcast_in_dim3A_3 : vector<16xi32>
        %bitcast3A_1302 = vector.bitcast %and3A_1301 : vector<16xi32> to vector<16xf32>
        %add3A_1303 = arith.addf %add3A_1288, %bitcast3A_1302 : vector<16xf32>
        %add3A_1304 = arith.constant 16 : i32
        %add3A_1305 = arith.addi %mul3A_115, %add3A_1304 : i32
        %get3A_1306 = arith.constant 1 : i32
        %get3A_1307 = arith.index_cast %get3A_1306 : i32 to index
        %get3A_1308 = arith.index_cast %add3A_1305 : i32 to index
        %get3A_1309 = arith.constant 32 : index
        %get3A_1310 = tpu.vector_load %arg6[%get3A_1307, %get3A_1308, %get3A_1309] {strides = array<i32>} : memref<2x128x64xi32, #tpu.memory_space<vmem>>, vector<16xi32>,
        %shift_left3A_1311 = arith.constant 16 : i32
        %shift_left3A_1312 = vector.broadcast %shift_left3A_1311 : i32 to vector<16xi32>
        %shift_left3A_1313 = arith.shli %get3A_1310, %shift_left3A_1312 : vector<16xi32>
        %bitcast3A_1314 = vector.bitcast %shift_left3A_1313 : vector<16xi32> to vector<16xf32>
        %add3A_1315 = arith.addf %add3A_1300, %bitcast3A_1314 : vector<16xf32>
        %and3A_1316 = arith.andi %get3A_1310, %broadcast_in_dim3A_3 : vector<16xi32>
        %bitcast3A_1317 = vector.bitcast %and3A_1316 : vector<16xi32> to vector<16xf32>
        %add3A_1318 = arith.addf %add3A_1303, %bitcast3A_1317 : vector<16xf32>
        %add3A_1319 = arith.constant 17 : i32
        %add3A_1320 = arith.addi %mul3A_115, %add3A_1319 : i32
        %get3A_1321 = arith.constant 1 : i32
        %get3A_1322 = arith.index_cast %get3A_1321 : i32 to index
        %get3A_1323 = arith.index_cast %add3A_1320 : i32 to index
        %get3A_1324 = arith.constant 32 : index
        %get3A_1325 = tpu.vector_load %arg6[%get3A_1322, %get3A_1323, %get3A_1324] {strides = array<i32>} : memref<2x128x64xi32, #tpu.memory_space<vmem>>, vector<16xi32>,
        %shift_left3A_1326 = arith.constant 16 : i32
        %shift_left3A_1327 = vector.broadcast %shift_left3A_1326 : i32 to vector<16xi32>
        %shift_left3A_1328 = arith.shli %get3A_1325, %shift_left3A_1327 : vector<16xi32>
        %bitcast3A_1329 = vector.bitcast %shift_left3A_1328 : vector<16xi32> to vector<16xf32>
        %add3A_1330 = arith.addf %add3A_1315, %bitcast3A_1329 : vector<16xf32>
        %and3A_1331 = arith.andi %get3A_1325, %broadcast_in_dim3A_3 : vector<16xi32>
        %bitcast3A_1332 = vector.bitcast %and3A_1331 : vector<16xi32> to vector<16xf32>
        %add3A_1333 = arith.addf %add3A_1318, %bitcast3A_1332 : vector<16xf32>
        %add3A_1334 = arith.constant 18 : i32
        %add3A_1335 = arith.addi %mul3A_115, %add3A_1334 : i32
        %get3A_1336 = arith.constant 1 : i32
        %get3A_1337 = arith.index_cast %get3A_1336 : i32 to index
        %get3A_1338 = arith.index_cast %add3A_1335 : i32 to index
        %get3A_1339 = arith.constant 32 : index
        %get3A_1340 = tpu.vector_load %arg6[%get3A_1337, %get3A_1338, %get3A_1339] {strides = array<i32>} : memref<2x128x64xi32, #tpu.memory_space<vmem>>, vector<16xi32>,
        %shift_left3A_1341 = arith.constant 16 : i32
        %shift_left3A_1342 = vector.broadcast %shift_left3A_1341 : i32 to vector<16xi32>
        %shift_left3A_1343 = arith.shli %get3A_1340, %shift_left3A_1342 : vector<16xi32>
        %bitcast3A_1344 = vector.bitcast %shift_left3A_1343 : vector<16xi32> to vector<16xf32>
        %add3A_1345 = arith.addf %add3A_1330, %bitcast3A_1344 : vector<16xf32>
        %and3A_1346 = arith.andi %get3A_1340, %broadcast_in_dim3A_3 : vector<16xi32>
        %bitcast3A_1347 = vector.bitcast %and3A_1346 : vector<16xi32> to vector<16xf32>
        %add3A_1348 = arith.addf %add3A_1333, %bitcast3A_1347 : vector<16xf32>
        %add3A_1349 = arith.constant 19 : i32
        %add3A_1350 = arith.addi %mul3A_115, %add3A_1349 : i32
        %get3A_1351 = arith.constant 1 : i32
        %get3A_1352 = arith.index_cast %get3A_1351 : i32 to index
        %get3A_1353 = arith.index_cast %add3A_1350 : i32 to index
        %get3A_1354 = arith.constant 32 : index
        %get3A_1355 = tpu.vector_load %arg6[%get3A_1352, %get3A_1353, %get3A_1354] {strides = array<i32>} : memref<2x128x64xi32, #tpu.memory_space<vmem>>, vector<16xi32>,
        %shift_left3A_1356 = arith.constant 16 : i32
        %shift_left3A_1357 = vector.broadcast %shift_left3A_1356 : i32 to vector<16xi32>
        %shift_left3A_1358 = arith.shli %get3A_1355, %shift_left3A_1357 : vector<16xi32>
        %bitcast3A_1359 = vector.bitcast %shift_left3A_1358 : vector<16xi32> to vector<16xf32>
        %add3A_1360 = arith.addf %add3A_1345, %bitcast3A_1359 : vector<16xf32>
        %and3A_1361 = arith.andi %get3A_1355, %broadcast_in_dim3A_3 : vector<16xi32>
        %bitcast3A_1362 = vector.bitcast %and3A_1361 : vector<16xi32> to vector<16xf32>
        %add3A_1363 = arith.addf %add3A_1348, %bitcast3A_1362 : vector<16xf32>
        %add3A_1364 = arith.constant 20 : i32
        %add3A_1365 = arith.addi %mul3A_115, %add3A_1364 : i32
        %get3A_1366 = arith.constant 1 : i32
        %get3A_1367 = arith.index_cast %get3A_1366 : i32 to index
        %get3A_1368 = arith.index_cast %add3A_1365 : i32 to index
        %get3A_1369 = arith.constant 32 : index
        %get3A_1370 = tpu.vector_load %arg6[%get3A_1367, %get3A_1368, %get3A_1369] {strides = array<i32>} : memref<2x128x64xi32, #tpu.memory_space<vmem>>, vector<16xi32>,
        %shift_left3A_1371 = arith.constant 16 : i32
        %shift_left3A_1372 = vector.broadcast %shift_left3A_1371 : i32 to vector<16xi32>
        %shift_left3A_1373 = arith.shli %get3A_1370, %shift_left3A_1372 : vector<16xi32>
        %bitcast3A_1374 = vector.bitcast %shift_left3A_1373 : vector<16xi32> to vector<16xf32>
        %add3A_1375 = arith.addf %add3A_1360, %bitcast3A_1374 : vector<16xf32>
        %and3A_1376 = arith.andi %get3A_1370, %broadcast_in_dim3A_3 : vector<16xi32>
        %bitcast3A_1377 = vector.bitcast %and3A_1376 : vector<16xi32> to vector<16xf32>
        %add3A_1378 = arith.addf %add3A_1363, %bitcast3A_1377 : vector<16xf32>
        %add3A_1379 = arith.constant 21 : i32
        %add3A_1380 = arith.addi %mul3A_115, %add3A_1379 : i32
        %get3A_1381 = arith.constant 1 : i32
        %get3A_1382 = arith.index_cast %get3A_1381 : i32 to index
        %get3A_1383 = arith.index_cast %add3A_1380 : i32 to index
        %get3A_1384 = arith.constant 32 : index
        %get3A_1385 = tpu.vector_load %arg6[%get3A_1382, %get3A_1383, %get3A_1384] {strides = array<i32>} : memref<2x128x64xi32, #tpu.memory_space<vmem>>, vector<16xi32>,
        %shift_left3A_1386 = arith.constant 16 : i32
        %shift_left3A_1387 = vector.broadcast %shift_left3A_1386 : i32 to vector<16xi32>
        %shift_left3A_1388 = arith.shli %get3A_1385, %shift_left3A_1387 : vector<16xi32>
        %bitcast3A_1389 = vector.bitcast %shift_left3A_1388 : vector<16xi32> to vector<16xf32>
        %add3A_1390 = arith.addf %add3A_1375, %bitcast3A_1389 : vector<16xf32>
        %and3A_1391 = arith.andi %get3A_1385, %broadcast_in_dim3A_3 : vector<16xi32>
        %bitcast3A_1392 = vector.bitcast %and3A_1391 : vector<16xi32> to vector<16xf32>
        %add3A_1393 = arith.addf %add3A_1378, %bitcast3A_1392 : vector<16xf32>
        %add3A_1394 = arith.constant 22 : i32
        %add3A_1395 = arith.addi %mul3A_115, %add3A_1394 : i32
        %get3A_1396 = arith.constant 1 : i32
        %get3A_1397 = arith.index_cast %get3A_1396 : i32 to index
        %get3A_1398 = arith.index_cast %add3A_1395 : i32 to index
        %get3A_1399 = arith.constant 32 : index
        %get3A_1400 = tpu.vector_load %arg6[%get3A_1397, %get3A_1398, %get3A_1399] {strides = array<i32>} : memref<2x128x64xi32, #tpu.memory_space<vmem>>, vector<16xi32>,
        %shift_left3A_1401 = arith.constant 16 : i32
        %shift_left3A_1402 = vector.broadcast %shift_left3A_1401 : i32 to vector<16xi32>
        %shift_left3A_1403 = arith.shli %get3A_1400, %shift_left3A_1402 : vector<16xi32>
        %bitcast3A_1404 = vector.bitcast %shift_left3A_1403 : vector<16xi32> to vector<16xf32>
        %add3A_1405 = arith.addf %add3A_1390, %bitcast3A_1404 : vector<16xf32>
        %and3A_1406 = arith.andi %get3A_1400, %broadcast_in_dim3A_3 : vector<16xi32>
        %bitcast3A_1407 = vector.bitcast %and3A_1406 : vector<16xi32> to vector<16xf32>
        %add3A_1408 = arith.addf %add3A_1393, %bitcast3A_1407 : vector<16xf32>
        %add3A_1409 = arith.constant 23 : i32
        %add3A_1410 = arith.addi %mul3A_115, %add3A_1409 : i32
        %get3A_1411 = arith.constant 1 : i32
        %get3A_1412 = arith.index_cast %get3A_1411 : i32 to index
        %get3A_1413 = arith.index_cast %add3A_1410 : i32 to index
        %get3A_1414 = arith.constant 32 : index
        %get3A_1415 = tpu.vector_load %arg6[%get3A_1412, %get3A_1413, %get3A_1414] {strides = array<i32>} : memref<2x128x64xi32, #tpu.memory_space<vmem>>, vector<16xi32>,
        %shift_left3A_1416 = arith.constant 16 : i32
        %shift_left3A_1417 = vector.broadcast %shift_left3A_1416 : i32 to vector<16xi32>
        %shift_left3A_1418 = arith.shli %get3A_1415, %shift_left3A_1417 : vector<16xi32>
        %bitcast3A_1419 = vector.bitcast %shift_left3A_1418 : vector<16xi32> to vector<16xf32>
        %add3A_1420 = arith.addf %add3A_1405, %bitcast3A_1419 : vector<16xf32>
        %and3A_1421 = arith.andi %get3A_1415, %broadcast_in_dim3A_3 : vector<16xi32>
        %bitcast3A_1422 = vector.bitcast %and3A_1421 : vector<16xi32> to vector<16xf32>
        %add3A_1423 = arith.addf %add3A_1408, %bitcast3A_1422 : vector<16xf32>
        %add3A_1424 = arith.constant 24 : i32
        %add3A_1425 = arith.addi %mul3A_115, %add3A_1424 : i32
        %get3A_1426 = arith.constant 1 : i32
        %get3A_1427 = arith.index_cast %get3A_1426 : i32 to index
        %get3A_1428 = arith.index_cast %add3A_1425 : i32 to index
        %get3A_1429 = arith.constant 32 : index
        %get3A_1430 = tpu.vector_load %arg6[%get3A_1427, %get3A_1428, %get3A_1429] {strides = array<i32>} : memref<2x128x64xi32, #tpu.memory_space<vmem>>, vector<16xi32>,
        %shift_left3A_1431 = arith.constant 16 : i32
        %shift_left3A_1432 = vector.broadcast %shift_left3A_1431 : i32 to vector<16xi32>
        %shift_left3A_1433 = arith.shli %get3A_1430, %shift_left3A_1432 : vector<16xi32>
        %bitcast3A_1434 = vector.bitcast %shift_left3A_1433 : vector<16xi32> to vector<16xf32>
        %add3A_1435 = arith.addf %add3A_1420, %bitcast3A_1434 : vector<16xf32>
        %and3A_1436 = arith.andi %get3A_1430, %broadcast_in_dim3A_3 : vector<16xi32>
        %bitcast3A_1437 = vector.bitcast %and3A_1436 : vector<16xi32> to vector<16xf32>
        %add3A_1438 = arith.addf %add3A_1423, %bitcast3A_1437 : vector<16xf32>
        %add3A_1439 = arith.constant 25 : i32
        %add3A_1440 = arith.addi %mul3A_115, %add3A_1439 : i32
        %get3A_1441 = arith.constant 1 : i32
        %get3A_1442 = arith.index_cast %get3A_1441 : i32 to index
        %get3A_1443 = arith.index_cast %add3A_1440 : i32 to index
        %get3A_1444 = arith.constant 32 : index
        %get3A_1445 = tpu.vector_load %arg6[%get3A_1442, %get3A_1443, %get3A_1444] {strides = array<i32>} : memref<2x128x64xi32, #tpu.memory_space<vmem>>, vector<16xi32>,
        %shift_left3A_1446 = arith.constant 16 : i32
        %shift_left3A_1447 = vector.broadcast %shift_left3A_1446 : i32 to vector<16xi32>
        %shift_left3A_1448 = arith.shli %get3A_1445, %shift_left3A_1447 : vector<16xi32>
        %bitcast3A_1449 = vector.bitcast %shift_left3A_1448 : vector<16xi32> to vector<16xf32>
        %add3A_1450 = arith.addf %add3A_1435, %bitcast3A_1449 : vector<16xf32>
        %and3A_1451 = arith.andi %get3A_1445, %broadcast_in_dim3A_3 : vector<16xi32>
        %bitcast3A_1452 = vector.bitcast %and3A_1451 : vector<16xi32> to vector<16xf32>
        %add3A_1453 = arith.addf %add3A_1438, %bitcast3A_1452 : vector<16xf32>
        %add3A_1454 = arith.constant 26 : i32
        %add3A_1455 = arith.addi %mul3A_115, %add3A_1454 : i32
        %get3A_1456 = arith.constant 1 : i32
        %get3A_1457 = arith.index_cast %get3A_1456 : i32 to index
        %get3A_1458 = arith.index_cast %add3A_1455 : i32 to index
        %get3A_1459 = arith.constant 32 : index
        %get3A_1460 = tpu.vector_load %arg6[%get3A_1457, %get3A_1458, %get3A_1459] {strides = array<i32>} : memref<2x128x64xi32, #tpu.memory_space<vmem>>, vector<16xi32>,
        %shift_left3A_1461 = arith.constant 16 : i32
        %shift_left3A_1462 = vector.broadcast %shift_left3A_1461 : i32 to vector<16xi32>
        %shift_left3A_1463 = arith.shli %get3A_1460, %shift_left3A_1462 : vector<16xi32>
        %bitcast3A_1464 = vector.bitcast %shift_left3A_1463 : vector<16xi32> to vector<16xf32>
        %add3A_1465 = arith.addf %add3A_1450, %bitcast3A_1464 : vector<16xf32>
        %and3A_1466 = arith.andi %get3A_1460, %broadcast_in_dim3A_3 : vector<16xi32>
        %bitcast3A_1467 = vector.bitcast %and3A_1466 : vector<16xi32> to vector<16xf32>
        %add3A_1468 = arith.addf %add3A_1453, %bitcast3A_1467 : vector<16xf32>
        %add3A_1469 = arith.constant 27 : i32
        %add3A_1470 = arith.addi %mul3A_115, %add3A_1469 : i32
        %get3A_1471 = arith.constant 1 : i32
        %get3A_1472 = arith.index_cast %get3A_1471 : i32 to index
        %get3A_1473 = arith.index_cast %add3A_1470 : i32 to index
        %get3A_1474 = arith.constant 32 : index
        %get3A_1475 = tpu.vector_load %arg6[%get3A_1472, %get3A_1473, %get3A_1474] {strides = array<i32>} : memref<2x128x64xi32, #tpu.memory_space<vmem>>, vector<16xi32>,
        %shift_left3A_1476 = arith.constant 16 : i32
        %shift_left3A_1477 = vector.broadcast %shift_left3A_1476 : i32 to vector<16xi32>
        %shift_left3A_1478 = arith.shli %get3A_1475, %shift_left3A_1477 : vector<16xi32>
        %bitcast3A_1479 = vector.bitcast %shift_left3A_1478 : vector<16xi32> to vector<16xf32>
        %add3A_1480 = arith.addf %add3A_1465, %bitcast3A_1479 : vector<16xf32>
        %and3A_1481 = arith.andi %get3A_1475, %broadcast_in_dim3A_3 : vector<16xi32>
        %bitcast3A_1482 = vector.bitcast %and3A_1481 : vector<16xi32> to vector<16xf32>
        %add3A_1483 = arith.addf %add3A_1468, %bitcast3A_1482 : vector<16xf32>
        %add3A_1484 = arith.constant 28 : i32
        %add3A_1485 = arith.addi %mul3A_115, %add3A_1484 : i32
        %get3A_1486 = arith.constant 1 : i32
        %get3A_1487 = arith.index_cast %get3A_1486 : i32 to index
        %get3A_1488 = arith.index_cast %add3A_1485 : i32 to index
        %get3A_1489 = arith.constant 32 : index
        %get3A_1490 = tpu.vector_load %arg6[%get3A_1487, %get3A_1488, %get3A_1489] {strides = array<i32>} : memref<2x128x64xi32, #tpu.memory_space<vmem>>, vector<16xi32>,
        %shift_left3A_1491 = arith.constant 16 : i32
        %shift_left3A_1492 = vector.broadcast %shift_left3A_1491 : i32 to vector<16xi32>
        %shift_left3A_1493 = arith.shli %get3A_1490, %shift_left3A_1492 : vector<16xi32>
        %bitcast3A_1494 = vector.bitcast %shift_left3A_1493 : vector<16xi32> to vector<16xf32>
        %add3A_1495 = arith.addf %add3A_1480, %bitcast3A_1494 : vector<16xf32>
        %and3A_1496 = arith.andi %get3A_1490, %broadcast_in_dim3A_3 : vector<16xi32>
        %bitcast3A_1497 = vector.bitcast %and3A_1496 : vector<16xi32> to vector<16xf32>
        %add3A_1498 = arith.addf %add3A_1483, %bitcast3A_1497 : vector<16xf32>
        %add3A_1499 = arith.constant 29 : i32
        %add3A_1500 = arith.addi %mul3A_115, %add3A_1499 : i32
        %get3A_1501 = arith.constant 1 : i32
        %get3A_1502 = arith.index_cast %get3A_1501 : i32 to index
        %get3A_1503 = arith.index_cast %add3A_1500 : i32 to index
        %get3A_1504 = arith.constant 32 : index
        %get3A_1505 = tpu.vector_load %arg6[%get3A_1502, %get3A_1503, %get3A_1504] {strides = array<i32>} : memref<2x128x64xi32, #tpu.memory_space<vmem>>, vector<16xi32>,
        %shift_left3A_1506 = arith.constant 16 : i32
        %shift_left3A_1507 = vector.broadcast %shift_left3A_1506 : i32 to vector<16xi32>
        %shift_left3A_1508 = arith.shli %get3A_1505, %shift_left3A_1507 : vector<16xi32>
        %bitcast3A_1509 = vector.bitcast %shift_left3A_1508 : vector<16xi32> to vector<16xf32>
        %add3A_1510 = arith.addf %add3A_1495, %bitcast3A_1509 : vector<16xf32>
        %and3A_1511 = arith.andi %get3A_1505, %broadcast_in_dim3A_3 : vector<16xi32>
        %bitcast3A_1512 = vector.bitcast %and3A_1511 : vector<16xi32> to vector<16xf32>
        %add3A_1513 = arith.addf %add3A_1498, %bitcast3A_1512 : vector<16xf32>
        %add3A_1514 = arith.constant 30 : i32
        %add3A_1515 = arith.addi %mul3A_115, %add3A_1514 : i32
        %get3A_1516 = arith.constant 1 : i32
        %get3A_1517 = arith.index_cast %get3A_1516 : i32 to index
        %get3A_1518 = arith.index_cast %add3A_1515 : i32 to index
        %get3A_1519 = arith.constant 32 : index
        %get3A_1520 = tpu.vector_load %arg6[%get3A_1517, %get3A_1518, %get3A_1519] {strides = array<i32>} : memref<2x128x64xi32, #tpu.memory_space<vmem>>, vector<16xi32>,
        %shift_left3A_1521 = arith.constant 16 : i32
        %shift_left3A_1522 = vector.broadcast %shift_left3A_1521 : i32 to vector<16xi32>
        %shift_left3A_1523 = arith.shli %get3A_1520, %shift_left3A_1522 : vector<16xi32>
        %bitcast3A_1524 = vector.bitcast %shift_left3A_1523 : vector<16xi32> to vector<16xf32>
        %add3A_1525 = arith.addf %add3A_1510, %bitcast3A_1524 : vector<16xf32>
        %and3A_1526 = arith.andi %get3A_1520, %broadcast_in_dim3A_3 : vector<16xi32>
        %bitcast3A_1527 = vector.bitcast %and3A_1526 : vector<16xi32> to vector<16xf32>
        %add3A_1528 = arith.addf %add3A_1513, %bitcast3A_1527 : vector<16xf32>
        %add3A_1529 = arith.constant 31 : i32
        %add3A_1530 = arith.addi %mul3A_115, %add3A_1529 : i32
        %get3A_1531 = arith.constant 1 : i32
        %get3A_1532 = arith.index_cast %get3A_1531 : i32 to index
        %get3A_1533 = arith.index_cast %add3A_1530 : i32 to index
        %get3A_1534 = arith.constant 32 : index
        %get3A_1535 = tpu.vector_load %arg6[%get3A_1532, %get3A_1533, %get3A_1534] {strides = array<i32>} : memref<2x128x64xi32, #tpu.memory_space<vmem>>, vector<16xi32>,
        %shift_left3A_1536 = arith.constant 16 : i32
        %shift_left3A_1537 = vector.broadcast %shift_left3A_1536 : i32 to vector<16xi32>
        %shift_left3A_1538 = arith.shli %get3A_1535, %shift_left3A_1537 : vector<16xi32>
        %bitcast3A_1539 = vector.bitcast %shift_left3A_1538 : vector<16xi32> to vector<16xf32>
        %add3A_1540 = arith.addf %add3A_1525, %bitcast3A_1539 : vector<16xf32>
        %and3A_1541 = arith.andi %get3A_1535, %broadcast_in_dim3A_3 : vector<16xi32>
        %bitcast3A_1542 = vector.bitcast %and3A_1541 : vector<16xi32> to vector<16xf32>
        %add3A_1543 = arith.addf %add3A_1528, %bitcast3A_1542 : vector<16xf32>
        tpu.vector_store_idx %arg7[%add3A_12, %broadcast_in_dim3A_119], %add3A_1540 : memref<128x512xf32, #tpu.memory_space<vmem>>[vector<16xi32>, vector<16xi32>], vector<16xf32>,
        tpu.vector_store_idx %arg7[%add3A_24, %broadcast_in_dim3A_119], %add3A_1543 : memref<128x512xf32, #tpu.memory_space<vmem>>[vector<16xi32>, vector<16xi32>], vector<16xf32>,
        %get3A_1544 = arith.constant 1 : i32
        %get3A_1545 = arith.index_cast %get3A_1544 : i32 to index
        %get3A_1546 = arith.index_cast %mul3A_115 : i32 to index
        %get3A_1547 = arith.constant 48 : index
        %get3A_1548 = tpu.vector_load %arg6[%get3A_1545, %get3A_1546, %get3A_1547] {strides = array<i32>} : memref<2x128x64xi32, #tpu.memory_space<vmem>>, vector<16xi32>,
        %shift_left3A_1549 = arith.constant 16 : i32
        %shift_left3A_1550 = vector.broadcast %shift_left3A_1549 : i32 to vector<16xi32>
        %shift_left3A_1551 = arith.shli %get3A_1548, %shift_left3A_1550 : vector<16xi32>
        %bitcast3A_1552 = vector.bitcast %shift_left3A_1551 : vector<16xi32> to vector<16xf32>
        %and3A_1553 = arith.andi %get3A_1548, %broadcast_in_dim3A_3 : vector<16xi32>
        %bitcast3A_1554 = vector.bitcast %and3A_1553 : vector<16xi32> to vector<16xf32>
        %add3A_1555 = arith.constant 1 : i32
        %add3A_1556 = arith.addi %mul3A_115, %add3A_1555 : i32
        %get3A_1557 = arith.constant 1 : i32
        %get3A_1558 = arith.index_cast %get3A_1557 : i32 to index
        %get3A_1559 = arith.index_cast %add3A_1556 : i32 to index
        %get3A_1560 = arith.constant 48 : index
        %get3A_1561 = tpu.vector_load %arg6[%get3A_1558, %get3A_1559, %get3A_1560] {strides = array<i32>} : memref<2x128x64xi32, #tpu.memory_space<vmem>>, vector<16xi32>,
        %shift_left3A_1562 = arith.constant 16 : i32
        %shift_left3A_1563 = vector.broadcast %shift_left3A_1562 : i32 to vector<16xi32>
        %shift_left3A_1564 = arith.shli %get3A_1561, %shift_left3A_1563 : vector<16xi32>
        %bitcast3A_1565 = vector.bitcast %shift_left3A_1564 : vector<16xi32> to vector<16xf32>
        %add3A_1566 = arith.addf %bitcast3A_1552, %bitcast3A_1565 : vector<16xf32>
        %and3A_1567 = arith.andi %get3A_1561, %broadcast_in_dim3A_3 : vector<16xi32>
        %bitcast3A_1568 = vector.bitcast %and3A_1567 : vector<16xi32> to vector<16xf32>
        %add3A_1569 = arith.addf %bitcast3A_1554, %bitcast3A_1568 : vector<16xf32>
        %add3A_1570 = arith.constant 2 : i32
        %add3A_1571 = arith.addi %mul3A_115, %add3A_1570 : i32
        %get3A_1572 = arith.constant 1 : i32
        %get3A_1573 = arith.index_cast %get3A_1572 : i32 to index
        %get3A_1574 = arith.index_cast %add3A_1571 : i32 to index
        %get3A_1575 = arith.constant 48 : index
        %get3A_1576 = tpu.vector_load %arg6[%get3A_1573, %get3A_1574, %get3A_1575] {strides = array<i32>} : memref<2x128x64xi32, #tpu.memory_space<vmem>>, vector<16xi32>,
        %shift_left3A_1577 = arith.constant 16 : i32
        %shift_left3A_1578 = vector.broadcast %shift_left3A_1577 : i32 to vector<16xi32>
        %shift_left3A_1579 = arith.shli %get3A_1576, %shift_left3A_1578 : vector<16xi32>
        %bitcast3A_1580 = vector.bitcast %shift_left3A_1579 : vector<16xi32> to vector<16xf32>
        %add3A_1581 = arith.addf %add3A_1566, %bitcast3A_1580 : vector<16xf32>
        %and3A_1582 = arith.andi %get3A_1576, %broadcast_in_dim3A_3 : vector<16xi32>
        %bitcast3A_1583 = vector.bitcast %and3A_1582 : vector<16xi32> to vector<16xf32>
        %add3A_1584 = arith.addf %add3A_1569, %bitcast3A_1583 : vector<16xf32>
        %add3A_1585 = arith.constant 3 : i32
        %add3A_1586 = arith.addi %mul3A_115, %add3A_1585 : i32
        %get3A_1587 = arith.constant 1 : i32
        %get3A_1588 = arith.index_cast %get3A_1587 : i32 to index
        %get3A_1589 = arith.index_cast %add3A_1586 : i32 to index
        %get3A_1590 = arith.constant 48 : index
        %get3A_1591 = tpu.vector_load %arg6[%get3A_1588, %get3A_1589, %get3A_1590] {strides = array<i32>} : memref<2x128x64xi32, #tpu.memory_space<vmem>>, vector<16xi32>,
        %shift_left3A_1592 = arith.constant 16 : i32
        %shift_left3A_1593 = vector.broadcast %shift_left3A_1592 : i32 to vector<16xi32>
        %shift_left3A_1594 = arith.shli %get3A_1591, %shift_left3A_1593 : vector<16xi32>
        %bitcast3A_1595 = vector.bitcast %shift_left3A_1594 : vector<16xi32> to vector<16xf32>
        %add3A_1596 = arith.addf %add3A_1581, %bitcast3A_1595 : vector<16xf32>
        %and3A_1597 = arith.andi %get3A_1591, %broadcast_in_dim3A_3 : vector<16xi32>
        %bitcast3A_1598 = vector.bitcast %and3A_1597 : vector<16xi32> to vector<16xf32>
        %add3A_1599 = arith.addf %add3A_1584, %bitcast3A_1598 : vector<16xf32>
        %add3A_1600 = arith.constant 4 : i32
        %add3A_1601 = arith.addi %mul3A_115, %add3A_1600 : i32
        %get3A_1602 = arith.constant 1 : i32
        %get3A_1603 = arith.index_cast %get3A_1602 : i32 to index
        %get3A_1604 = arith.index_cast %add3A_1601 : i32 to index
        %get3A_1605 = arith.constant 48 : index
        %get3A_1606 = tpu.vector_load %arg6[%get3A_1603, %get3A_1604, %get3A_1605] {strides = array<i32>} : memref<2x128x64xi32, #tpu.memory_space<vmem>>, vector<16xi32>,
        %shift_left3A_1607 = arith.constant 16 : i32
        %shift_left3A_1608 = vector.broadcast %shift_left3A_1607 : i32 to vector<16xi32>
        %shift_left3A_1609 = arith.shli %get3A_1606, %shift_left3A_1608 : vector<16xi32>
        %bitcast3A_1610 = vector.bitcast %shift_left3A_1609 : vector<16xi32> to vector<16xf32>
        %add3A_1611 = arith.addf %add3A_1596, %bitcast3A_1610 : vector<16xf32>
        %and3A_1612 = arith.andi %get3A_1606, %broadcast_in_dim3A_3 : vector<16xi32>
        %bitcast3A_1613 = vector.bitcast %and3A_1612 : vector<16xi32> to vector<16xf32>
        %add3A_1614 = arith.addf %add3A_1599, %bitcast3A_1613 : vector<16xf32>
        %add3A_1615 = arith.constant 5 : i32
        %add3A_1616 = arith.addi %mul3A_115, %add3A_1615 : i32
        %get3A_1617 = arith.constant 1 : i32
        %get3A_1618 = arith.index_cast %get3A_1617 : i32 to index
        %get3A_1619 = arith.index_cast %add3A_1616 : i32 to index
        %get3A_1620 = arith.constant 48 : index
        %get3A_1621 = tpu.vector_load %arg6[%get3A_1618, %get3A_1619, %get3A_1620] {strides = array<i32>} : memref<2x128x64xi32, #tpu.memory_space<vmem>>, vector<16xi32>,
        %shift_left3A_1622 = arith.constant 16 : i32
        %shift_left3A_1623 = vector.broadcast %shift_left3A_1622 : i32 to vector<16xi32>
        %shift_left3A_1624 = arith.shli %get3A_1621, %shift_left3A_1623 : vector<16xi32>
        %bitcast3A_1625 = vector.bitcast %shift_left3A_1624 : vector<16xi32> to vector<16xf32>
        %add3A_1626 = arith.addf %add3A_1611, %bitcast3A_1625 : vector<16xf32>
        %and3A_1627 = arith.andi %get3A_1621, %broadcast_in_dim3A_3 : vector<16xi32>
        %bitcast3A_1628 = vector.bitcast %and3A_1627 : vector<16xi32> to vector<16xf32>
        %add3A_1629 = arith.addf %add3A_1614, %bitcast3A_1628 : vector<16xf32>
        %add3A_1630 = arith.constant 6 : i32
        %add3A_1631 = arith.addi %mul3A_115, %add3A_1630 : i32
        %get3A_1632 = arith.constant 1 : i32
        %get3A_1633 = arith.index_cast %get3A_1632 : i32 to index
        %get3A_1634 = arith.index_cast %add3A_1631 : i32 to index
        %get3A_1635 = arith.constant 48 : index
        %get3A_1636 = tpu.vector_load %arg6[%get3A_1633, %get3A_1634, %get3A_1635] {strides = array<i32>} : memref<2x128x64xi32, #tpu.memory_space<vmem>>, vector<16xi32>,
        %shift_left3A_1637 = arith.constant 16 : i32
        %shift_left3A_1638 = vector.broadcast %shift_left3A_1637 : i32 to vector<16xi32>
        %shift_left3A_1639 = arith.shli %get3A_1636, %shift_left3A_1638 : vector<16xi32>
        %bitcast3A_1640 = vector.bitcast %shift_left3A_1639 : vector<16xi32> to vector<16xf32>
        %add3A_1641 = arith.addf %add3A_1626, %bitcast3A_1640 : vector<16xf32>
        %and3A_1642 = arith.andi %get3A_1636, %broadcast_in_dim3A_3 : vector<16xi32>
        %bitcast3A_1643 = vector.bitcast %and3A_1642 : vector<16xi32> to vector<16xf32>
        %add3A_1644 = arith.addf %add3A_1629, %bitcast3A_1643 : vector<16xf32>
        %add3A_1645 = arith.constant 7 : i32
        %add3A_1646 = arith.addi %mul3A_115, %add3A_1645 : i32
        %get3A_1647 = arith.constant 1 : i32
        %get3A_1648 = arith.index_cast %get3A_1647 : i32 to index
        %get3A_1649 = arith.index_cast %add3A_1646 : i32 to index
        %get3A_1650 = arith.constant 48 : index
        %get3A_1651 = tpu.vector_load %arg6[%get3A_1648, %get3A_1649, %get3A_1650] {strides = array<i32>} : memref<2x128x64xi32, #tpu.memory_space<vmem>>, vector<16xi32>,
        %shift_left3A_1652 = arith.constant 16 : i32
        %shift_left3A_1653 = vector.broadcast %shift_left3A_1652 : i32 to vector<16xi32>
        %shift_left3A_1654 = arith.shli %get3A_1651, %shift_left3A_1653 : vector<16xi32>
        %bitcast3A_1655 = vector.bitcast %shift_left3A_1654 : vector<16xi32> to vector<16xf32>
        %add3A_1656 = arith.addf %add3A_1641, %bitcast3A_1655 : vector<16xf32>
        %and3A_1657 = arith.andi %get3A_1651, %broadcast_in_dim3A_3 : vector<16xi32>
        %bitcast3A_1658 = vector.bitcast %and3A_1657 : vector<16xi32> to vector<16xf32>
        %add3A_1659 = arith.addf %add3A_1644, %bitcast3A_1658 : vector<16xf32>
        %add3A_1660 = arith.constant 8 : i32
        %add3A_1661 = arith.addi %mul3A_115, %add3A_1660 : i32
        %get3A_1662 = arith.constant 1 : i32
        %get3A_1663 = arith.index_cast %get3A_1662 : i32 to index
        %get3A_1664 = arith.index_cast %add3A_1661 : i32 to index
        %get3A_1665 = arith.constant 48 : index
        %get3A_1666 = tpu.vector_load %arg6[%get3A_1663, %get3A_1664, %get3A_1665] {strides = array<i32>} : memref<2x128x64xi32, #tpu.memory_space<vmem>>, vector<16xi32>,
        %shift_left3A_1667 = arith.constant 16 : i32
        %shift_left3A_1668 = vector.broadcast %shift_left3A_1667 : i32 to vector<16xi32>
        %shift_left3A_1669 = arith.shli %get3A_1666, %shift_left3A_1668 : vector<16xi32>
        %bitcast3A_1670 = vector.bitcast %shift_left3A_1669 : vector<16xi32> to vector<16xf32>
        %add3A_1671 = arith.addf %add3A_1656, %bitcast3A_1670 : vector<16xf32>
        %and3A_1672 = arith.andi %get3A_1666, %broadcast_in_dim3A_3 : vector<16xi32>
        %bitcast3A_1673 = vector.bitcast %and3A_1672 : vector<16xi32> to vector<16xf32>
        %add3A_1674 = arith.addf %add3A_1659, %bitcast3A_1673 : vector<16xf32>
        %add3A_1675 = arith.constant 9 : i32
        %add3A_1676 = arith.addi %mul3A_115, %add3A_1675 : i32
        %get3A_1677 = arith.constant 1 : i32
        %get3A_1678 = arith.index_cast %get3A_1677 : i32 to index
        %get3A_1679 = arith.index_cast %add3A_1676 : i32 to index
        %get3A_1680 = arith.constant 48 : index
        %get3A_1681 = tpu.vector_load %arg6[%get3A_1678, %get3A_1679, %get3A_1680] {strides = array<i32>} : memref<2x128x64xi32, #tpu.memory_space<vmem>>, vector<16xi32>,
        %shift_left3A_1682 = arith.constant 16 : i32
        %shift_left3A_1683 = vector.broadcast %shift_left3A_1682 : i32 to vector<16xi32>
        %shift_left3A_1684 = arith.shli %get3A_1681, %shift_left3A_1683 : vector<16xi32>
        %bitcast3A_1685 = vector.bitcast %shift_left3A_1684 : vector<16xi32> to vector<16xf32>
        %add3A_1686 = arith.addf %add3A_1671, %bitcast3A_1685 : vector<16xf32>
        %and3A_1687 = arith.andi %get3A_1681, %broadcast_in_dim3A_3 : vector<16xi32>
        %bitcast3A_1688 = vector.bitcast %and3A_1687 : vector<16xi32> to vector<16xf32>
        %add3A_1689 = arith.addf %add3A_1674, %bitcast3A_1688 : vector<16xf32>
        %add3A_1690 = arith.constant 10 : i32
        %add3A_1691 = arith.addi %mul3A_115, %add3A_1690 : i32
        %get3A_1692 = arith.constant 1 : i32
        %get3A_1693 = arith.index_cast %get3A_1692 : i32 to index
        %get3A_1694 = arith.index_cast %add3A_1691 : i32 to index
        %get3A_1695 = arith.constant 48 : index
        %get3A_1696 = tpu.vector_load %arg6[%get3A_1693, %get3A_1694, %get3A_1695] {strides = array<i32>} : memref<2x128x64xi32, #tpu.memory_space<vmem>>, vector<16xi32>,
        %shift_left3A_1697 = arith.constant 16 : i32
        %shift_left3A_1698 = vector.broadcast %shift_left3A_1697 : i32 to vector<16xi32>
        %shift_left3A_1699 = arith.shli %get3A_1696, %shift_left3A_1698 : vector<16xi32>
        %bitcast3A_1700 = vector.bitcast %shift_left3A_1699 : vector<16xi32> to vector<16xf32>
        %add3A_1701 = arith.addf %add3A_1686, %bitcast3A_1700 : vector<16xf32>
        %and3A_1702 = arith.andi %get3A_1696, %broadcast_in_dim3A_3 : vector<16xi32>
        %bitcast3A_1703 = vector.bitcast %and3A_1702 : vector<16xi32> to vector<16xf32>
        %add3A_1704 = arith.addf %add3A_1689, %bitcast3A_1703 : vector<16xf32>
        %add3A_1705 = arith.constant 11 : i32
        %add3A_1706 = arith.addi %mul3A_115, %add3A_1705 : i32
        %get3A_1707 = arith.constant 1 : i32
        %get3A_1708 = arith.index_cast %get3A_1707 : i32 to index
        %get3A_1709 = arith.index_cast %add3A_1706 : i32 to index
        %get3A_1710 = arith.constant 48 : index
        %get3A_1711 = tpu.vector_load %arg6[%get3A_1708, %get3A_1709, %get3A_1710] {strides = array<i32>} : memref<2x128x64xi32, #tpu.memory_space<vmem>>, vector<16xi32>,
        %shift_left3A_1712 = arith.constant 16 : i32
        %shift_left3A_1713 = vector.broadcast %shift_left3A_1712 : i32 to vector<16xi32>
        %shift_left3A_1714 = arith.shli %get3A_1711, %shift_left3A_1713 : vector<16xi32>
        %bitcast3A_1715 = vector.bitcast %shift_left3A_1714 : vector<16xi32> to vector<16xf32>
        %add3A_1716 = arith.addf %add3A_1701, %bitcast3A_1715 : vector<16xf32>
        %and3A_1717 = arith.andi %get3A_1711, %broadcast_in_dim3A_3 : vector<16xi32>
        %bitcast3A_1718 = vector.bitcast %and3A_1717 : vector<16xi32> to vector<16xf32>
        %add3A_1719 = arith.addf %add3A_1704, %bitcast3A_1718 : vector<16xf32>
        %add3A_1720 = arith.constant 12 : i32
        %add3A_1721 = arith.addi %mul3A_115, %add3A_1720 : i32
        %get3A_1722 = arith.constant 1 : i32
        %get3A_1723 = arith.index_cast %get3A_1722 : i32 to index
        %get3A_1724 = arith.index_cast %add3A_1721 : i32 to index
        %get3A_1725 = arith.constant 48 : index
        %get3A_1726 = tpu.vector_load %arg6[%get3A_1723, %get3A_1724, %get3A_1725] {strides = array<i32>} : memref<2x128x64xi32, #tpu.memory_space<vmem>>, vector<16xi32>,
        %shift_left3A_1727 = arith.constant 16 : i32
        %shift_left3A_1728 = vector.broadcast %shift_left3A_1727 : i32 to vector<16xi32>
        %shift_left3A_1729 = arith.shli %get3A_1726, %shift_left3A_1728 : vector<16xi32>
        %bitcast3A_1730 = vector.bitcast %shift_left3A_1729 : vector<16xi32> to vector<16xf32>
        %add3A_1731 = arith.addf %add3A_1716, %bitcast3A_1730 : vector<16xf32>
        %and3A_1732 = arith.andi %get3A_1726, %broadcast_in_dim3A_3 : vector<16xi32>
        %bitcast3A_1733 = vector.bitcast %and3A_1732 : vector<16xi32> to vector<16xf32>
        %add3A_1734 = arith.addf %add3A_1719, %bitcast3A_1733 : vector<16xf32>
        %add3A_1735 = arith.constant 13 : i32
        %add3A_1736 = arith.addi %mul3A_115, %add3A_1735 : i32
        %get3A_1737 = arith.constant 1 : i32
        %get3A_1738 = arith.index_cast %get3A_1737 : i32 to index
        %get3A_1739 = arith.index_cast %add3A_1736 : i32 to index
        %get3A_1740 = arith.constant 48 : index
        %get3A_1741 = tpu.vector_load %arg6[%get3A_1738, %get3A_1739, %get3A_1740] {strides = array<i32>} : memref<2x128x64xi32, #tpu.memory_space<vmem>>, vector<16xi32>,
        %shift_left3A_1742 = arith.constant 16 : i32
        %shift_left3A_1743 = vector.broadcast %shift_left3A_1742 : i32 to vector<16xi32>
        %shift_left3A_1744 = arith.shli %get3A_1741, %shift_left3A_1743 : vector<16xi32>
        %bitcast3A_1745 = vector.bitcast %shift_left3A_1744 : vector<16xi32> to vector<16xf32>
        %add3A_1746 = arith.addf %add3A_1731, %bitcast3A_1745 : vector<16xf32>
        %and3A_1747 = arith.andi %get3A_1741, %broadcast_in_dim3A_3 : vector<16xi32>
        %bitcast3A_1748 = vector.bitcast %and3A_1747 : vector<16xi32> to vector<16xf32>
        %add3A_1749 = arith.addf %add3A_1734, %bitcast3A_1748 : vector<16xf32>
        %add3A_1750 = arith.constant 14 : i32
        %add3A_1751 = arith.addi %mul3A_115, %add3A_1750 : i32
        %get3A_1752 = arith.constant 1 : i32
        %get3A_1753 = arith.index_cast %get3A_1752 : i32 to index
        %get3A_1754 = arith.index_cast %add3A_1751 : i32 to index
        %get3A_1755 = arith.constant 48 : index
        %get3A_1756 = tpu.vector_load %arg6[%get3A_1753, %get3A_1754, %get3A_1755] {strides = array<i32>} : memref<2x128x64xi32, #tpu.memory_space<vmem>>, vector<16xi32>,
        %shift_left3A_1757 = arith.constant 16 : i32
        %shift_left3A_1758 = vector.broadcast %shift_left3A_1757 : i32 to vector<16xi32>
        %shift_left3A_1759 = arith.shli %get3A_1756, %shift_left3A_1758 : vector<16xi32>
        %bitcast3A_1760 = vector.bitcast %shift_left3A_1759 : vector<16xi32> to vector<16xf32>
        %add3A_1761 = arith.addf %add3A_1746, %bitcast3A_1760 : vector<16xf32>
        %and3A_1762 = arith.andi %get3A_1756, %broadcast_in_dim3A_3 : vector<16xi32>
        %bitcast3A_1763 = vector.bitcast %and3A_1762 : vector<16xi32> to vector<16xf32>
        %add3A_1764 = arith.addf %add3A_1749, %bitcast3A_1763 : vector<16xf32>
        %add3A_1765 = arith.constant 15 : i32
        %add3A_1766 = arith.addi %mul3A_115, %add3A_1765 : i32
        %get3A_1767 = arith.constant 1 : i32
        %get3A_1768 = arith.index_cast %get3A_1767 : i32 to index
        %get3A_1769 = arith.index_cast %add3A_1766 : i32 to index
        %get3A_1770 = arith.constant 48 : index
        %get3A_1771 = tpu.vector_load %arg6[%get3A_1768, %get3A_1769, %get3A_1770] {strides = array<i32>} : memref<2x128x64xi32, #tpu.memory_space<vmem>>, vector<16xi32>,
        %shift_left3A_1772 = arith.constant 16 : i32
        %shift_left3A_1773 = vector.broadcast %shift_left3A_1772 : i32 to vector<16xi32>
        %shift_left3A_1774 = arith.shli %get3A_1771, %shift_left3A_1773 : vector<16xi32>
        %bitcast3A_1775 = vector.bitcast %shift_left3A_1774 : vector<16xi32> to vector<16xf32>
        %add3A_1776 = arith.addf %add3A_1761, %bitcast3A_1775 : vector<16xf32>
        %and3A_1777 = arith.andi %get3A_1771, %broadcast_in_dim3A_3 : vector<16xi32>
        %bitcast3A_1778 = vector.bitcast %and3A_1777 : vector<16xi32> to vector<16xf32>
        %add3A_1779 = arith.addf %add3A_1764, %bitcast3A_1778 : vector<16xf32>
        %add3A_1780 = arith.constant 16 : i32
        %add3A_1781 = arith.addi %mul3A_115, %add3A_1780 : i32
        %get3A_1782 = arith.constant 1 : i32
        %get3A_1783 = arith.index_cast %get3A_1782 : i32 to index
        %get3A_1784 = arith.index_cast %add3A_1781 : i32 to index
        %get3A_1785 = arith.constant 48 : index
        %get3A_1786 = tpu.vector_load %arg6[%get3A_1783, %get3A_1784, %get3A_1785] {strides = array<i32>} : memref<2x128x64xi32, #tpu.memory_space<vmem>>, vector<16xi32>,
        %shift_left3A_1787 = arith.constant 16 : i32
        %shift_left3A_1788 = vector.broadcast %shift_left3A_1787 : i32 to vector<16xi32>
        %shift_left3A_1789 = arith.shli %get3A_1786, %shift_left3A_1788 : vector<16xi32>
        %bitcast3A_1790 = vector.bitcast %shift_left3A_1789 : vector<16xi32> to vector<16xf32>
        %add3A_1791 = arith.addf %add3A_1776, %bitcast3A_1790 : vector<16xf32>
        %and3A_1792 = arith.andi %get3A_1786, %broadcast_in_dim3A_3 : vector<16xi32>
        %bitcast3A_1793 = vector.bitcast %and3A_1792 : vector<16xi32> to vector<16xf32>
        %add3A_1794 = arith.addf %add3A_1779, %bitcast3A_1793 : vector<16xf32>
        %add3A_1795 = arith.constant 17 : i32
        %add3A_1796 = arith.addi %mul3A_115, %add3A_1795 : i32
        %get3A_1797 = arith.constant 1 : i32
        %get3A_1798 = arith.index_cast %get3A_1797 : i32 to index
        %get3A_1799 = arith.index_cast %add3A_1796 : i32 to index
        %get3A_1800 = arith.constant 48 : index
        %get3A_1801 = tpu.vector_load %arg6[%get3A_1798, %get3A_1799, %get3A_1800] {strides = array<i32>} : memref<2x128x64xi32, #tpu.memory_space<vmem>>, vector<16xi32>,
        %shift_left3A_1802 = arith.constant 16 : i32
        %shift_left3A_1803 = vector.broadcast %shift_left3A_1802 : i32 to vector<16xi32>
        %shift_left3A_1804 = arith.shli %get3A_1801, %shift_left3A_1803 : vector<16xi32>
        %bitcast3A_1805 = vector.bitcast %shift_left3A_1804 : vector<16xi32> to vector<16xf32>
        %add3A_1806 = arith.addf %add3A_1791, %bitcast3A_1805 : vector<16xf32>
        %and3A_1807 = arith.andi %get3A_1801, %broadcast_in_dim3A_3 : vector<16xi32>
        %bitcast3A_1808 = vector.bitcast %and3A_1807 : vector<16xi32> to vector<16xf32>
        %add3A_1809 = arith.addf %add3A_1794, %bitcast3A_1808 : vector<16xf32>
        %add3A_1810 = arith.constant 18 : i32
        %add3A_1811 = arith.addi %mul3A_115, %add3A_1810 : i32
        %get3A_1812 = arith.constant 1 : i32
        %get3A_1813 = arith.index_cast %get3A_1812 : i32 to index
        %get3A_1814 = arith.index_cast %add3A_1811 : i32 to index
        %get3A_1815 = arith.constant 48 : index
        %get3A_1816 = tpu.vector_load %arg6[%get3A_1813, %get3A_1814, %get3A_1815] {strides = array<i32>} : memref<2x128x64xi32, #tpu.memory_space<vmem>>, vector<16xi32>,
        %shift_left3A_1817 = arith.constant 16 : i32
        %shift_left3A_1818 = vector.broadcast %shift_left3A_1817 : i32 to vector<16xi32>
        %shift_left3A_1819 = arith.shli %get3A_1816, %shift_left3A_1818 : vector<16xi32>
        %bitcast3A_1820 = vector.bitcast %shift_left3A_1819 : vector<16xi32> to vector<16xf32>
        %add3A_1821 = arith.addf %add3A_1806, %bitcast3A_1820 : vector<16xf32>
        %and3A_1822 = arith.andi %get3A_1816, %broadcast_in_dim3A_3 : vector<16xi32>
        %bitcast3A_1823 = vector.bitcast %and3A_1822 : vector<16xi32> to vector<16xf32>
        %add3A_1824 = arith.addf %add3A_1809, %bitcast3A_1823 : vector<16xf32>
        %add3A_1825 = arith.constant 19 : i32
        %add3A_1826 = arith.addi %mul3A_115, %add3A_1825 : i32
        %get3A_1827 = arith.constant 1 : i32
        %get3A_1828 = arith.index_cast %get3A_1827 : i32 to index
        %get3A_1829 = arith.index_cast %add3A_1826 : i32 to index
        %get3A_1830 = arith.constant 48 : index
        %get3A_1831 = tpu.vector_load %arg6[%get3A_1828, %get3A_1829, %get3A_1830] {strides = array<i32>} : memref<2x128x64xi32, #tpu.memory_space<vmem>>, vector<16xi32>,
        %shift_left3A_1832 = arith.constant 16 : i32
        %shift_left3A_1833 = vector.broadcast %shift_left3A_1832 : i32 to vector<16xi32>
        %shift_left3A_1834 = arith.shli %get3A_1831, %shift_left3A_1833 : vector<16xi32>
        %bitcast3A_1835 = vector.bitcast %shift_left3A_1834 : vector<16xi32> to vector<16xf32>
        %add3A_1836 = arith.addf %add3A_1821, %bitcast3A_1835 : vector<16xf32>
        %and3A_1837 = arith.andi %get3A_1831, %broadcast_in_dim3A_3 : vector<16xi32>
        %bitcast3A_1838 = vector.bitcast %and3A_1837 : vector<16xi32> to vector<16xf32>
        %add3A_1839 = arith.addf %add3A_1824, %bitcast3A_1838 : vector<16xf32>
        %add3A_1840 = arith.constant 20 : i32
        %add3A_1841 = arith.addi %mul3A_115, %add3A_1840 : i32
        %get3A_1842 = arith.constant 1 : i32
        %get3A_1843 = arith.index_cast %get3A_1842 : i32 to index
        %get3A_1844 = arith.index_cast %add3A_1841 : i32 to index
        %get3A_1845 = arith.constant 48 : index
        %get3A_1846 = tpu.vector_load %arg6[%get3A_1843, %get3A_1844, %get3A_1845] {strides = array<i32>} : memref<2x128x64xi32, #tpu.memory_space<vmem>>, vector<16xi32>,
        %shift_left3A_1847 = arith.constant 16 : i32
        %shift_left3A_1848 = vector.broadcast %shift_left3A_1847 : i32 to vector<16xi32>
        %shift_left3A_1849 = arith.shli %get3A_1846, %shift_left3A_1848 : vector<16xi32>
        %bitcast3A_1850 = vector.bitcast %shift_left3A_1849 : vector<16xi32> to vector<16xf32>
        %add3A_1851 = arith.addf %add3A_1836, %bitcast3A_1850 : vector<16xf32>
        %and3A_1852 = arith.andi %get3A_1846, %broadcast_in_dim3A_3 : vector<16xi32>
        %bitcast3A_1853 = vector.bitcast %and3A_1852 : vector<16xi32> to vector<16xf32>
        %add3A_1854 = arith.addf %add3A_1839, %bitcast3A_1853 : vector<16xf32>
        %add3A_1855 = arith.constant 21 : i32
        %add3A_1856 = arith.addi %mul3A_115, %add3A_1855 : i32
        %get3A_1857 = arith.constant 1 : i32
        %get3A_1858 = arith.index_cast %get3A_1857 : i32 to index
        %get3A_1859 = arith.index_cast %add3A_1856 : i32 to index
        %get3A_1860 = arith.constant 48 : index
        %get3A_1861 = tpu.vector_load %arg6[%get3A_1858, %get3A_1859, %get3A_1860] {strides = array<i32>} : memref<2x128x64xi32, #tpu.memory_space<vmem>>, vector<16xi32>,
        %shift_left3A_1862 = arith.constant 16 : i32
        %shift_left3A_1863 = vector.broadcast %shift_left3A_1862 : i32 to vector<16xi32>
        %shift_left3A_1864 = arith.shli %get3A_1861, %shift_left3A_1863 : vector<16xi32>
        %bitcast3A_1865 = vector.bitcast %shift_left3A_1864 : vector<16xi32> to vector<16xf32>
        %add3A_1866 = arith.addf %add3A_1851, %bitcast3A_1865 : vector<16xf32>
        %and3A_1867 = arith.andi %get3A_1861, %broadcast_in_dim3A_3 : vector<16xi32>
        %bitcast3A_1868 = vector.bitcast %and3A_1867 : vector<16xi32> to vector<16xf32>
        %add3A_1869 = arith.addf %add3A_1854, %bitcast3A_1868 : vector<16xf32>
        %add3A_1870 = arith.constant 22 : i32
        %add3A_1871 = arith.addi %mul3A_115, %add3A_1870 : i32
        %get3A_1872 = arith.constant 1 : i32
        %get3A_1873 = arith.index_cast %get3A_1872 : i32 to index
        %get3A_1874 = arith.index_cast %add3A_1871 : i32 to index
        %get3A_1875 = arith.constant 48 : index
        %get3A_1876 = tpu.vector_load %arg6[%get3A_1873, %get3A_1874, %get3A_1875] {strides = array<i32>} : memref<2x128x64xi32, #tpu.memory_space<vmem>>, vector<16xi32>,
        %shift_left3A_1877 = arith.constant 16 : i32
        %shift_left3A_1878 = vector.broadcast %shift_left3A_1877 : i32 to vector<16xi32>
        %shift_left3A_1879 = arith.shli %get3A_1876, %shift_left3A_1878 : vector<16xi32>
        %bitcast3A_1880 = vector.bitcast %shift_left3A_1879 : vector<16xi32> to vector<16xf32>
        %add3A_1881 = arith.addf %add3A_1866, %bitcast3A_1880 : vector<16xf32>
        %and3A_1882 = arith.andi %get3A_1876, %broadcast_in_dim3A_3 : vector<16xi32>
        %bitcast3A_1883 = vector.bitcast %and3A_1882 : vector<16xi32> to vector<16xf32>
        %add3A_1884 = arith.addf %add3A_1869, %bitcast3A_1883 : vector<16xf32>
        %add3A_1885 = arith.constant 23 : i32
        %add3A_1886 = arith.addi %mul3A_115, %add3A_1885 : i32
        %get3A_1887 = arith.constant 1 : i32
        %get3A_1888 = arith.index_cast %get3A_1887 : i32 to index
        %get3A_1889 = arith.index_cast %add3A_1886 : i32 to index
        %get3A_1890 = arith.constant 48 : index
        %get3A_1891 = tpu.vector_load %arg6[%get3A_1888, %get3A_1889, %get3A_1890] {strides = array<i32>} : memref<2x128x64xi32, #tpu.memory_space<vmem>>, vector<16xi32>,
        %shift_left3A_1892 = arith.constant 16 : i32
        %shift_left3A_1893 = vector.broadcast %shift_left3A_1892 : i32 to vector<16xi32>
        %shift_left3A_1894 = arith.shli %get3A_1891, %shift_left3A_1893 : vector<16xi32>
        %bitcast3A_1895 = vector.bitcast %shift_left3A_1894 : vector<16xi32> to vector<16xf32>
        %add3A_1896 = arith.addf %add3A_1881, %bitcast3A_1895 : vector<16xf32>
        %and3A_1897 = arith.andi %get3A_1891, %broadcast_in_dim3A_3 : vector<16xi32>
        %bitcast3A_1898 = vector.bitcast %and3A_1897 : vector<16xi32> to vector<16xf32>
        %add3A_1899 = arith.addf %add3A_1884, %bitcast3A_1898 : vector<16xf32>
        %add3A_1900 = arith.constant 24 : i32
        %add3A_1901 = arith.addi %mul3A_115, %add3A_1900 : i32
        %get3A_1902 = arith.constant 1 : i32
        %get3A_1903 = arith.index_cast %get3A_1902 : i32 to index
        %get3A_1904 = arith.index_cast %add3A_1901 : i32 to index
        %get3A_1905 = arith.constant 48 : index
        %get3A_1906 = tpu.vector_load %arg6[%get3A_1903, %get3A_1904, %get3A_1905] {strides = array<i32>} : memref<2x128x64xi32, #tpu.memory_space<vmem>>, vector<16xi32>,
        %shift_left3A_1907 = arith.constant 16 : i32
        %shift_left3A_1908 = vector.broadcast %shift_left3A_1907 : i32 to vector<16xi32>
        %shift_left3A_1909 = arith.shli %get3A_1906, %shift_left3A_1908 : vector<16xi32>
        %bitcast3A_1910 = vector.bitcast %shift_left3A_1909 : vector<16xi32> to vector<16xf32>
        %add3A_1911 = arith.addf %add3A_1896, %bitcast3A_1910 : vector<16xf32>
        %and3A_1912 = arith.andi %get3A_1906, %broadcast_in_dim3A_3 : vector<16xi32>
        %bitcast3A_1913 = vector.bitcast %and3A_1912 : vector<16xi32> to vector<16xf32>
        %add3A_1914 = arith.addf %add3A_1899, %bitcast3A_1913 : vector<16xf32>
        %add3A_1915 = arith.constant 25 : i32
        %add3A_1916 = arith.addi %mul3A_115, %add3A_1915 : i32
        %get3A_1917 = arith.constant 1 : i32
        %get3A_1918 = arith.index_cast %get3A_1917 : i32 to index
        %get3A_1919 = arith.index_cast %add3A_1916 : i32 to index
        %get3A_1920 = arith.constant 48 : index
        %get3A_1921 = tpu.vector_load %arg6[%get3A_1918, %get3A_1919, %get3A_1920] {strides = array<i32>} : memref<2x128x64xi32, #tpu.memory_space<vmem>>, vector<16xi32>,
        %shift_left3A_1922 = arith.constant 16 : i32
        %shift_left3A_1923 = vector.broadcast %shift_left3A_1922 : i32 to vector<16xi32>
        %shift_left3A_1924 = arith.shli %get3A_1921, %shift_left3A_1923 : vector<16xi32>
        %bitcast3A_1925 = vector.bitcast %shift_left3A_1924 : vector<16xi32> to vector<16xf32>
        %add3A_1926 = arith.addf %add3A_1911, %bitcast3A_1925 : vector<16xf32>
        %and3A_1927 = arith.andi %get3A_1921, %broadcast_in_dim3A_3 : vector<16xi32>
        %bitcast3A_1928 = vector.bitcast %and3A_1927 : vector<16xi32> to vector<16xf32>
        %add3A_1929 = arith.addf %add3A_1914, %bitcast3A_1928 : vector<16xf32>
        %add3A_1930 = arith.constant 26 : i32
        %add3A_1931 = arith.addi %mul3A_115, %add3A_1930 : i32
        %get3A_1932 = arith.constant 1 : i32
        %get3A_1933 = arith.index_cast %get3A_1932 : i32 to index
        %get3A_1934 = arith.index_cast %add3A_1931 : i32 to index
        %get3A_1935 = arith.constant 48 : index
        %get3A_1936 = tpu.vector_load %arg6[%get3A_1933, %get3A_1934, %get3A_1935] {strides = array<i32>} : memref<2x128x64xi32, #tpu.memory_space<vmem>>, vector<16xi32>,
        %shift_left3A_1937 = arith.constant 16 : i32
        %shift_left3A_1938 = vector.broadcast %shift_left3A_1937 : i32 to vector<16xi32>
        %shift_left3A_1939 = arith.shli %get3A_1936, %shift_left3A_1938 : vector<16xi32>
        %bitcast3A_1940 = vector.bitcast %shift_left3A_1939 : vector<16xi32> to vector<16xf32>
        %add3A_1941 = arith.addf %add3A_1926, %bitcast3A_1940 : vector<16xf32>
        %and3A_1942 = arith.andi %get3A_1936, %broadcast_in_dim3A_3 : vector<16xi32>
        %bitcast3A_1943 = vector.bitcast %and3A_1942 : vector<16xi32> to vector<16xf32>
        %add3A_1944 = arith.addf %add3A_1929, %bitcast3A_1943 : vector<16xf32>
        %add3A_1945 = arith.constant 27 : i32
        %add3A_1946 = arith.addi %mul3A_115, %add3A_1945 : i32
        %get3A_1947 = arith.constant 1 : i32
        %get3A_1948 = arith.index_cast %get3A_1947 : i32 to index
        %get3A_1949 = arith.index_cast %add3A_1946 : i32 to index
        %get3A_1950 = arith.constant 48 : index
        %get3A_1951 = tpu.vector_load %arg6[%get3A_1948, %get3A_1949, %get3A_1950] {strides = array<i32>} : memref<2x128x64xi32, #tpu.memory_space<vmem>>, vector<16xi32>,
        %shift_left3A_1952 = arith.constant 16 : i32
        %shift_left3A_1953 = vector.broadcast %shift_left3A_1952 : i32 to vector<16xi32>
        %shift_left3A_1954 = arith.shli %get3A_1951, %shift_left3A_1953 : vector<16xi32>
        %bitcast3A_1955 = vector.bitcast %shift_left3A_1954 : vector<16xi32> to vector<16xf32>
        %add3A_1956 = arith.addf %add3A_1941, %bitcast3A_1955 : vector<16xf32>
        %and3A_1957 = arith.andi %get3A_1951, %broadcast_in_dim3A_3 : vector<16xi32>
        %bitcast3A_1958 = vector.bitcast %and3A_1957 : vector<16xi32> to vector<16xf32>
        %add3A_1959 = arith.addf %add3A_1944, %bitcast3A_1958 : vector<16xf32>
        %add3A_1960 = arith.constant 28 : i32
        %add3A_1961 = arith.addi %mul3A_115, %add3A_1960 : i32
        %get3A_1962 = arith.constant 1 : i32
        %get3A_1963 = arith.index_cast %get3A_1962 : i32 to index
        %get3A_1964 = arith.index_cast %add3A_1961 : i32 to index
        %get3A_1965 = arith.constant 48 : index
        %get3A_1966 = tpu.vector_load %arg6[%get3A_1963, %get3A_1964, %get3A_1965] {strides = array<i32>} : memref<2x128x64xi32, #tpu.memory_space<vmem>>, vector<16xi32>,
        %shift_left3A_1967 = arith.constant 16 : i32
        %shift_left3A_1968 = vector.broadcast %shift_left3A_1967 : i32 to vector<16xi32>
        %shift_left3A_1969 = arith.shli %get3A_1966, %shift_left3A_1968 : vector<16xi32>
        %bitcast3A_1970 = vector.bitcast %shift_left3A_1969 : vector<16xi32> to vector<16xf32>
        %add3A_1971 = arith.addf %add3A_1956, %bitcast3A_1970 : vector<16xf32>
        %and3A_1972 = arith.andi %get3A_1966, %broadcast_in_dim3A_3 : vector<16xi32>
        %bitcast3A_1973 = vector.bitcast %and3A_1972 : vector<16xi32> to vector<16xf32>
        %add3A_1974 = arith.addf %add3A_1959, %bitcast3A_1973 : vector<16xf32>
        %add3A_1975 = arith.constant 29 : i32
        %add3A_1976 = arith.addi %mul3A_115, %add3A_1975 : i32
        %get3A_1977 = arith.constant 1 : i32
        %get3A_1978 = arith.index_cast %get3A_1977 : i32 to index
        %get3A_1979 = arith.index_cast %add3A_1976 : i32 to index
        %get3A_1980 = arith.constant 48 : index
        %get3A_1981 = tpu.vector_load %arg6[%get3A_1978, %get3A_1979, %get3A_1980] {strides = array<i32>} : memref<2x128x64xi32, #tpu.memory_space<vmem>>, vector<16xi32>,
        %shift_left3A_1982 = arith.constant 16 : i32
        %shift_left3A_1983 = vector.broadcast %shift_left3A_1982 : i32 to vector<16xi32>
        %shift_left3A_1984 = arith.shli %get3A_1981, %shift_left3A_1983 : vector<16xi32>
        %bitcast3A_1985 = vector.bitcast %shift_left3A_1984 : vector<16xi32> to vector<16xf32>
        %add3A_1986 = arith.addf %add3A_1971, %bitcast3A_1985 : vector<16xf32>
        %and3A_1987 = arith.andi %get3A_1981, %broadcast_in_dim3A_3 : vector<16xi32>
        %bitcast3A_1988 = vector.bitcast %and3A_1987 : vector<16xi32> to vector<16xf32>
        %add3A_1989 = arith.addf %add3A_1974, %bitcast3A_1988 : vector<16xf32>
        %add3A_1990 = arith.constant 30 : i32
        %add3A_1991 = arith.addi %mul3A_115, %add3A_1990 : i32
        %get3A_1992 = arith.constant 1 : i32
        %get3A_1993 = arith.index_cast %get3A_1992 : i32 to index
        %get3A_1994 = arith.index_cast %add3A_1991 : i32 to index
        %get3A_1995 = arith.constant 48 : index
        %get3A_1996 = tpu.vector_load %arg6[%get3A_1993, %get3A_1994, %get3A_1995] {strides = array<i32>} : memref<2x128x64xi32, #tpu.memory_space<vmem>>, vector<16xi32>,
        %shift_left3A_1997 = arith.constant 16 : i32
        %shift_left3A_1998 = vector.broadcast %shift_left3A_1997 : i32 to vector<16xi32>
        %shift_left3A_1999 = arith.shli %get3A_1996, %shift_left3A_1998 : vector<16xi32>
        %bitcast3A_2000 = vector.bitcast %shift_left3A_1999 : vector<16xi32> to vector<16xf32>
        %add3A_2001 = arith.addf %add3A_1986, %bitcast3A_2000 : vector<16xf32>
        %and3A_2002 = arith.andi %get3A_1996, %broadcast_in_dim3A_3 : vector<16xi32>
        %bitcast3A_2003 = vector.bitcast %and3A_2002 : vector<16xi32> to vector<16xf32>
        %add3A_2004 = arith.addf %add3A_1989, %bitcast3A_2003 : vector<16xf32>
        %add3A_2005 = arith.constant 31 : i32
        %add3A_2006 = arith.addi %mul3A_115, %add3A_2005 : i32
        %get3A_2007 = arith.constant 1 : i32
        %get3A_2008 = arith.index_cast %get3A_2007 : i32 to index
        %get3A_2009 = arith.index_cast %add3A_2006 : i32 to index
        %get3A_2010 = arith.constant 48 : index
        %get3A_2011 = tpu.vector_load %arg6[%get3A_2008, %get3A_2009, %get3A_2010] {strides = array<i32>} : memref<2x128x64xi32, #tpu.memory_space<vmem>>, vector<16xi32>,
        %shift_left3A_2012 = arith.constant 16 : i32
        %shift_left3A_2013 = vector.broadcast %shift_left3A_2012 : i32 to vector<16xi32>
        %shift_left3A_2014 = arith.shli %get3A_2011, %shift_left3A_2013 : vector<16xi32>
        %bitcast3A_2015 = vector.bitcast %shift_left3A_2014 : vector<16xi32> to vector<16xf32>
        %add3A_2016 = arith.addf %add3A_2001, %bitcast3A_2015 : vector<16xf32>
        %and3A_2017 = arith.andi %get3A_2011, %broadcast_in_dim3A_3 : vector<16xi32>
        %bitcast3A_2018 = vector.bitcast %and3A_2017 : vector<16xi32> to vector<16xf32>
        %add3A_2019 = arith.addf %add3A_2004, %bitcast3A_2018 : vector<16xf32>
        tpu.vector_store_idx %arg7[%add3A_15, %broadcast_in_dim3A_119], %add3A_2016 : memref<128x512xf32, #tpu.memory_space<vmem>>[vector<16xi32>, vector<16xi32>], vector<16xf32>,
        tpu.vector_store_idx %arg7[%add3A_27, %broadcast_in_dim3A_119], %add3A_2019 : memref<128x512xf32, #tpu.memory_space<vmem>>[vector<16xi32>, vector<16xi32>], vector<16xf32>,
        %scan3A_2020 = arith.constant 0 : i32
        scf.yield %scan3A_2020 : i32
      }
      %scan3A_103 = arith.constant 4 : i32
      %add3A_104 = arith.constant 2 : i32
      %add3A_105 = arith.addi %add3A_85, %add3A_104 : i32
      %lt3A_106 = arith.constant 128 : i32
      %lt3A_107 = arith.cmpi slt, %add3A_105, %lt3A_106 : i32
      %convert_element_type3A_108 = arith.extui %lt3A_107 : i1 to i32
      %cond3A_109 = arith.constant 0 : i32
      %cond3A_110 = arith.cmpi ne, %convert_element_type3A_108, %cond3A_109 : i32
      scf.if %cond3A_110 {
        %add3A_112 = arith.constant 2 : i32
        %add3A_113 = arith.addi %add3A_85, %add3A_112 : i32
        %mul3A_114 = arith.constant 128 : i32
        %mul3A_115 = arith.muli %add3A_113, %mul3A_114 : i32
        %dma_start3A_116 = arith.constant 1 : i32
        %dma_start3A_117 = arith.constant 0 : i32
        %dma_start3A_118 = arith.constant 0 : i32
        %dma_start3A_119 = tpu.memref_slice %arg6[%dma_start3A_116, %dma_start3A_117, %dma_start3A_118] : memref<2x128x64xi32, #tpu.memory_space<vmem>> -> memref<1x128x64xi32, #tpu.memory_space<vmem>>
        %dma_start3A_120 = tpu.memref_squeeze %dma_start3A_119 : memref<1x128x64xi32, #tpu.memory_space<vmem>> -> memref<128x64xi32, #tpu.memory_space<vmem>>
        %dma_start3A_121 = tpu.memref_slice %arg5[%mul3A_115] : memref<16384xi32, #tpu.memory_space<vmem>> -> memref<128xi32, #tpu.memory_space<vmem>>
        %dma_start3A_122 = arith.constant 0 : i32
        %dma_start3A_123 = arith.constant 0 : i32
        %dma_start3A_124 = tpu.memref_slice %arg2[%dma_start3A_122, %dma_start3A_123] : memref<33120x64xi32, #tpu.memory_space<hbm>> -> memref<33120x64xi32, #tpu.memory_space<hbm>>
        tpu.enqueue_indirect_dma source(%dma_start3A_124 : memref<33120x64xi32, #tpu.memory_space<hbm>>) target(%dma_start3A_120 : memref<128x64xi32, #tpu.memory_space<vmem>>) offsets(%dma_start3A_121 : memref<128xi32, #tpu.memory_space<vmem>>) semaphore(%arg9 : memref<!tpu.dma_semaphore, #tpu.memory_space<semaphore_mem>>)
      } else {
      }
      %scan3A_111 = arith.constant 0 : i32
      scf.yield %scan3A_111 : i32
    }
    %scan3A_52 = arith.constant 64 : i32
    %mul3A_53 = arith.constant 512 : i32
    %mul3A_54 = arith.muli %add3A, %mul3A_53 : i32
    "tpu.region"() ({
      %run_scoped3A = tpu.sem_alloc : memref<!tpu.dma_semaphore, #tpu.memory_space<semaphore_mem>>
      %dma_start3A_55 = arith.constant 0 : i32
      %dma_start3A_56 = tpu.memref_slice %arg4[%dma_start3A_55, %mul3A_54] : memref<128x16384xf32, #tpu.memory_space<hbm>> -> memref<128x512xf32, #tpu.memory_space<hbm>>
      %dma_start3A_57 = arith.constant 0 : i32
      %dma_start3A_58 = tpu.memref_slice %arg4[%dma_start3A_57, %mul3A_54] : memref<128x16384xf32, #tpu.memory_space<hbm>> -> memref<128x512xf32, #tpu.memory_space<hbm>>
      tpu.enqueue_dma source(%arg7 : memref<128x512xf32, #tpu.memory_space<vmem>>) target(%dma_start3A_58 : memref<128x512xf32, #tpu.memory_space<hbm>>) target_semaphore(%run_scoped3A : memref<!tpu.dma_semaphore, #tpu.memory_space<semaphore_mem>>)
      %dma_wait3A = arith.constant 0 : i32
      %dma_wait3A_59 = tpu.memref_slice %arg4[%dma_wait3A, %mul3A_54] : memref<128x16384xf32, #tpu.memory_space<hbm>> -> memref<128x512xf32, #tpu.memory_space<hbm>>
      %dma_wait3A_60 = arith.constant 0 : i32
      %dma_wait3A_61 = tpu.memref_slice %arg4[%dma_wait3A_60, %mul3A_54] : memref<128x16384xf32, #tpu.memory_space<hbm>> -> memref<128x512xf32, #tpu.memory_space<hbm>>
      tpu.wait_dma2 semaphore(%run_scoped3A : memref<!tpu.dma_semaphore, #tpu.memory_space<semaphore_mem>>) src(%arg7 : memref<128x512xf32, #tpu.memory_space<vmem>>) dst(%dma_wait3A_61 : memref<128x512xf32, #tpu.memory_space<hbm>>)
      tpu.yield
    }) : () -> ()
    return
  }
}

</mosaic_0001>

<sc_bundles>
// kernel: kernel.3.cloned.1.call-start
scs
__scs_entry_jumppad:
0x0: {  	(pc) =	sbr.rel $0x88, $3  }
0x1: {  	(tag) =	ssettag $0x0;
	lr =	simm.s32 $0x1  }
0x2: {  	[smem:$0x3F9F] =	sst lr;
	_ =	strace $0xD0000000  }
0x3: {  	_ = 	snop  }
0x4: {  	_ = 	snop  }
0x5: {  	_ = 	snop  }
0x6: {  	_ = 	snop  }
0x7: {  	_ = 	snop  }
__scs_overlays_trampoline_lowered:
0x8: {  	[smem:$0x3FAE] =	sst s0  }
0x9: {  	[smem:$0x3FAF] =	sst s1  }
0xa: {  	[smem:$0x3FB0] =	sst s2  }
0xb: {  	[smem:$0x3FB1] =	sst s3  }
0xc: {  	[smem:$0x3FB2] =	sst s4  }
0xd: {  	[smem:$0x3FB3] =	sst s5  }
0xe: {  	[smem:$0x3FB4] =	sst s6  }
0xf: {  	[smem:$0x3FB5] =	sst s7  }
0x10: {  	[smem:$0x3FB6] =	sst s8  }
0x11: {  	[smem:$0x3FB7] =	sst s9;
	s0 =	simm.s32 @!p0 $0x0  }
0x12: {  	s1 =	sld [smem:$0x3F9D];
	s0 =	simm.s32 @p0 $0x1  }
0x13: {  	[smem:$0x3FB8] =	sst s0;
	s0 =	simm.s32 @!p1 $0x0  }
0x14: {  	s2 =	sld [smem:$0x3F9C];
	s0 =	simm.s32 @p1 $0x1  }
0x15: {  	[smem:$0x3FB9] =	sst s0;
	s0 =	simm.s32 @!p2 $0x0  }
0x16: {  	s3 =	sld [smem:$0x3FDB];
	s0 =	simm.s32 @p2 $0x1  }
0x17: {  	s4 =	simm.s32 $0x1BF5;
	[smem:$0x3FBB] =	sst s0  }
0x18: {  	s0 =	sld [smem:$0x3F9E];
	_ =	swait.ge [sflag:s4], $0x0  }
0x19: {  	s7 =	sld [smem:$0x3F9F]  }
0x1a: {  	s8 =	sadd.s32 $0xFFFFE003, lr  }
0x1b: {  	s9 =	sadd.s32 $0xFFFFFEF7, lr;
	s5 =	simm.s32 $0xFFFFFFFF;
	p2 =	slt.u32 s8, $0xFFFFF086  }
0x1c: {  	p1 =	slt.u32 s9, $0xF7A;
	s5 =	simm.s32 @!p2 $0x0  }
0x1d: {  	s5 =	simm.s32 @p1 $0x1;
	p0 =	seq.s32 s7, s2  }
0x1e: {  	s7 =	smul.u32 @!p0 $0xF7A, s2;
	p2 =	seq.s32 @!p0 s5, $0x0  }
0x1f: {  	s9 =	smul.u32 $0xF7A, s1;
	s8 =	simm.s32 @!p0 $0x1BF5;
	p2 =	por !p2, p0  }
0x20: {  	[sflag:s8] =	ssyncset.s32 @!p0 $0xFFFFF086;
	s6 =	sadd.s32 @!p0 s3, s7;
	s7 =	simm.s32 @!p0 $0x108  }
0x21: {  	s3 =	sadd.s32 s3, s9;
	s6 =	sadd.s32 @!p0 $0x88, s6;
	s7 =	simm.s32 @p2 $0x1082  }
0x22: {  	[simem:s7], [sflag:s8] =	dma.local @!p0 [hbm:s6], $0xF7A  }
0x23: {  	s9 =	sor.u32 $0xD0000000, s2;
	s6 =	simm.s32 $0x108;
	_ =	swait.ge @!p0 [sflag:s8], $0x0  }
0x24: {  	s3 =	sadd.s32 $0x88, s3;
	s6 =	simm.s32 @!p1 $0x1082;
	[sflag:s4] =	ssyncset.s32 $0xFFFFF086  }
0x25: {  	[simem:s6], [sflag:s4] =	dma.local [hbm:s3], $0xF7A  }
0x26: {  	[smem:$0x3F9F] =	sst s1;
	(tag) =	ssettag s2;
	_ =	strace s9  }
0x27: {  	s1 =	sld [smem:$0x3FAF]  }
0x28: {  	s2 =	sld [smem:$0x3FB0]  }
0x29: {  	s4 =	sld [smem:$0x3FB2]  }
0x2a: {  	p0 =	seq.s32 s5, $0x0;
	s5 =	sld [smem:$0x3FB3]  }
0x2b: {  	s6 =	sld [smem:$0x3FB4]  }
0x2c: {  	s7 =	sld [smem:$0x3FB5]  }
0x2d: {  	s3 =	simm.s32 $0x108;
	s8 =	sld [smem:$0x3FB6]  }
0x2e: {  	s3 =	simm.s32 @!p0 $0x1082;
	s9 =	sld [smem:$0x3FB7]  }
0x2f: {  	lr =	sadd.s32 s0, s3;
	s0 =	sld [smem:$0x3FAE]  }
0x30: {  	s3 =	sld [smem:$0x3FB1]  }
0x31: {  	[smem:$0x3FBA] =	sst s10  }
0x32: {  	s10 =	sld [smem:$0x3FB8];
	_ =	sdelay $0x3  }
0x33: {  	p0 =	seq.s32 s10, $0x1;
	s10 =	sld [smem:$0x3FBA];
	_ =	sdelay $0x3  }
0x34: {  	[smem:$0x3FBA] =	sst s10  }
0x35: {  	s10 =	sld [smem:$0x3FB9];
	_ =	sdelay $0x3  }
0x36: {  	p1 =	seq.s32 s10, $0x1;
	s10 =	sld [smem:$0x3FBA];
	_ =	sdelay $0x3  }
0x37: {  	[smem:$0x3FBA] =	sst s10  }
0x38: {  	s10 =	sld [smem:$0x3FBB]  }
0x39: {  	_ = 	snop;
	(pc) =	sbr.ind lr, $3  }
0x3a: {  	_ = 	snop  }
0x3b: {  	_ = 	snop  }
0x3c: {  	p2 =	seq.s32 s10, $0x1;
	s10 =	sld [smem:$0x3FBA]  }
0x3d: {  	_ =	shalt  }
0x3e: {  	_ =	shalt  }
0x3f: {  	_ =	shalt  }
0x40: {  	_ =	shalt  }
0x41: {  	_ =	shalt  }
0x42: {  	_ =	shalt  }
0x43: {  	_ =	shalt  }
0x44: {  	_ =	shalt  }
0x45: {  	_ =	shalt  }
0x46: {  	_ =	shalt  }
0x47: {  	_ =	shalt  }
0x48: {  	_ =	shalt  }
0x49: {  	_ =	shalt  }
0x4a: {  	_ =	shalt  }
0x4b: {  	_ =	shalt  }
0x4c: {  	_ =	shalt  }
0x4d: {  	_ =	shalt  }
0x4e: {  	_ =	shalt  }
0x4f: {  	_ =	shalt  }
0x50: {  	_ =	shalt  }
0x51: {  	_ =	shalt  }
0x52: {  	_ =	shalt  }
0x53: {  	_ =	shalt  }
0x54: {  	_ =	shalt  }
0x55: {  	_ =	shalt  }
0x56: {  	_ =	shalt  }
0x57: {  	_ =	shalt  }
0x58: {  	_ =	shalt  }
0x59: {  	_ =	shalt  }
0x5a: {  	_ =	shalt  }
0x5b: {  	_ =	shalt  }
0x5c: {  	_ =	shalt  }
0x5d: {  	_ =	shalt  }
0x5e: {  	_ =	shalt  }
0x5f: {  	_ =	shalt  }
0x60: {  	_ =	shalt  }
0x61: {  	_ =	shalt  }
0x62: {  	_ =	shalt  }
0x63: {  	_ =	shalt  }
0x64: {  	_ =	shalt  }
0x65: {  	_ =	shalt  }
0x66: {  	_ =	shalt  }
0x67: {  	_ =	shalt  }
0x68: {  	_ =	shalt  }
0x69: {  	_ =	shalt  }
0x6a: {  	_ =	shalt  }
0x6b: {  	_ =	shalt  }
0x6c: {  	_ =	shalt  }
0x6d: {  	_ =	shalt  }
0x6e: {  	_ =	shalt  }
0x6f: {  	_ =	shalt  }
0x70: {  	_ =	shalt  }
0x71: {  	_ =	shalt  }
0x72: {  	_ =	shalt  }
0x73: {  	_ =	shalt  }
0x74: {  	_ =	shalt  }
0x75: {  	_ =	shalt  }
0x76: {  	_ =	shalt  }
0x77: {  	_ =	shalt  }
0x78: {  	_ =	shalt  }
0x79: {  	_ =	shalt  }
0x7a: {  	_ =	shalt  }
0x7b: {  	_ =	shalt  }
0x7c: {  	_ =	shalt  }
0x7d: {  	_ =	shalt  }
0x7e: {  	_ =	shalt  }
0x7f: {  	_ =	shalt  }
0x80: {  	_ =	shalt  }
0x81: {  	_ =	shalt  }
0x82: {  	_ =	shalt  }
0x83: {  	_ =	shalt  }
0x84: {  	_ =	shalt  }
0x85: {  	_ =	shalt  }
0x86: {  	_ =	shalt  }
0x87: {  	_ =	shalt  }
.Lfunc_end0:
.L_simem_size_0:
called_computation_lowered:
.L_overlay_start_0:
0x88: {  	s2 =	sld [smem:$0x3FD9]  }
0x89: {  	s3 =	sld [smem:$0x3FFE];
	_ =	sdelay $0x1  }
0x8a: {  	s1 =	srdreg.scid  }
0x8b: {  	s0 =	sand.u32 $0x1, s1  }
0x8c: {  	s17 =	sshll.u32 s0, $0xA;
	s2 =	sadd.s32 s3, s2  }
0x8d: {  	s2 =	sadd.s32 s2, s17  }
0x8e: {  	[smem:$0x3FC6] =	sst s2  }
0x8f: {  	_ = 	snop  }
0x90: {  	s2 =	sld [smem:$0x3FD0];
	(tm) =	ssettm $0x1  }
0x91: {  	s18 =	sld [smem:$0x3FFB];
	_ =	sdelay $0x3  }
0x92: {  	_ =	strace s18  }
0x93: {  	s3 =	sld [smem:$0x3FFC];
	_ =	sdelay $0x3  }
0x94: {  	_ =	strace s3  }
0x95: {  	s3 =	sld [smem:$0x3FFD];
	_ =	sdelay $0x3  }
0x96: {  	_ =	strace s3  }
0x97: {  	_ =	strace $0x8FFFFFFF  }
0x98: {  	s19 =	sld [smem:$0x3FDB];
	_ =	sdelay $0x1  }
0x99: {  	s4 =	simm.s32 $_scs_section_size  }
0x9a: {  	s5 =	simm.s32 $_size__tile_overlayer_lowered;
	s6 =	simm.s32 $_tile_overlayer_lowered  }
0x9b: {  	s22 =	simm.s32 $0x1BFF;
	s21 =	sshll.u32 s6, $0x1;
	s3 =	sadd.s32 s4, s19  }
0x9c: {  	s7 =	simm.s32 $0x0;
	s20 =	sshll.u32 s5, $0x1;
	s5 =	sadd.s32 s21, s3  }
0x9d: {  	[timem:s7], [sflag:s22] =	dma.local [hbm:s5], s20  }
0x9e: {  	_ =	swait.ge [sflag:s22], s20  }
0x9f: {  	s4 =	ssub.s32 $0x0, s20;
	[sflag:s22] =	ssyncset.done $0x0  }
0xa0: {  	[sflag:s22] =	ssyncadd.s32 s4;
	_ =	sdelay $0x1  }
0xa1: {  	s23 =	simm.s32 $0x1B8B  }
0xa2: {  	_ =	swait.ge [sflag:s23], $0x1  }
0xa3: {  	[sflag:s23] =	ssyncset.done $0x0  }
0xa4: {  	s25 =	simm.s32 $0x1B8E;
	s24 =	sld [smem:$0x3FFE];
	[sflag:s23] =	ssyncadd.s32 $0xFFFFFFFF  }
0xa5: {  	s26 =	simm.s32 $execute0_lowered;
	[smem:$0x3FD2] =	sst s25  }
0xa6: {  	s5 =	sshll.u32 s26, $0x1;
	_ =	strace $0x80000046;
	[dreg:$0x1] =	wrdreg $0xFFFFFFFF  }
0xa7: {  	s28 =	simm.s32 $_size_execute0_lowered;
	s3 =	sadd.s32 s3, s5;
	[dreg:$0x0] =	wrdreg $0x0  }
0xa8: {  	s5 =	sshll.u32 s28, $0x1;
	[dreg:$0x2] =	wrdreg s3  }
0xa9: {  	[dreg:$0x3] =	wrdreg s5  }
0xaa: {  	[dreg:$0x4] =	wrdreg $0xC0  }
0xab: {  	_ =	task [dreg:s7], $0x5FFFF  }
0xac: {  	[dreg:$0x1] =	wrdreg $0xFFFFFFFF  }
0xad: {  	[dreg:$0x0] =	wrdreg $0x60  }
0xae: {  	[dreg:$0x2] =	wrdreg s24  }
0xaf: {  	[dreg:$0x3] =	wrdreg s2  }
0xb0: {  	[dreg:$0x4] =	wrdreg $0x9  }
0xb1: {  	_ =	task.clear_ibuf [dreg:s7], $0x5FFFF;
	_ =	strace $0x90000046  }
0xb2: {  	s29 =	simm.s32 $0x9;
	_ =	strace $0x80000048  }
0xb3: {  	_ =	swait.ge [sflag:s29], $0x1  }
0xb4: {  	[sflag:s29] =	ssyncadd.s32 $0xFFFFFFFF  }
0xb5: {  	_ =	strace $0x90000048  }
0xb6: {  	_ =	sfence  }
0xb7: {  	s30 =	sld [smem:$0x0];
	_ =	sdelay $0x2  }
0xb8: {  	s31 =	sshll.u32 s1, $0xD;
	s1 =	sshrl.u32 s1, $0x2  }
0xb9: {  	s3 =	sand.u32 $0x4000, s31;
	s1 =	sadd.s32 s1, s30  }
0xba: {  	s0 =	sor.u32 s3, s0;
	s1 =	sshll.u32 s1, $0x11  }
0xbb: {  	s0 =	sor.u32 s1, s0  }
0xbc: {  	s0 =	sadd.s32 $0x8F2B, s0  }
0xbd: {  	[sflag:s0] =	ssyncadd.remote.s32 $0x1  }
0xbe: {  	_ =	sfence.sel $0xFFFF  }
0xbf: {  	[dreg:$0x0] =	wrdreg $0xFFFFFFFF;
	(pc) =	sbr.abs _section_cstart, $3  }
0xc0: {  	[dreg:$0x1] =	wrdreg $0xFFFFFFFF  }
0xc1: {  	_ =	task.clear_ibuf [dreg:s7], $0x2FFFF;
	_ =	strace $0x9FFFFFFF  }
0xc2: {  	(tm) =	ssettm $0x7FFFFFFF  }
0xc3: {  	_ =	shalt  }
tec
execute0_lowered:
.L_overlay_start_1:
0x0: {  	(tag) =	ssettag $0x1  }
0x1: {  	s4 =	rddreg [dreg:$0x0]  }
0x2: {  	s5 =	rddreg [dreg:$0x1]  }
0x3: {  	s0 =	rddreg [dreg:$0x2];
	s2 =	simm.s32 $0x0  }
0x4: {  	s3 =	srdreg.scid;
	s1 =	stileid.u32;
	s10 =	simm.s32 $0x6000  }
0x5: {  	s11 =	simm.s32 $0x1;
	s12 =	simm.s32 $0x8000;
	s13 =	simm.s32 $0x2  }
0x6: {  	s14 =	simm.s32 $0x200;
	s15 =	simm.s32 $0x0;
	[smem:$0x7FF] =	sst s2  }
0x7: {  	v0 =	vlaneseq.u32;
	s3 =	sand.u32 $0x1, s3;
	s6 =	sshll.u32 s1, $0x1;
	_ =	strace $0x80000047  }
.Ltmp0:
0x8: {  	v0 =	vmul.u32 $0x200, v0;
	s6 =	sor.u32 s3, s6;
	s7 =	ssub.s32 $0x2, s3;
	(pc) =	sbr.rel .LBB2_1-.Ltmp0, $4  }
0x9: {  	s3 =	sadd.s32 $0x600, s4;
	s8 =	sshll.u32 s6, $0xB;
	s9 =	sshrl.u32 s7, $0x1  }
0xa: {  	s6 =	sshll.u32 s6, $0x6;
	v1 =	vor.u32 $0x8000, v0;
	s4 =	sadd.s32 s8, s4;
	s7 =	ssub.s32 s7, s9  }
0xb: {  	v2 =	vor.u32 $0x2000, v0;
	v3 =	vor.u32 $0xA000, v0;
	v4 =	vor.u32 $0x4000, v0;
	s5 =	sadd.s32 s5, s6;
	s8 =	simm.s32 $0x80;
	s9 =	simm.s32 $0x4000  }
0xc: {  	v5 =	vor.u32 $0xC000, v0;
	v6 =	vor.u32 $0x6000, v0;
	v7 =	vor.u32 $0xE000, v0;
	s4 =	sadd.s32 $0x41200, s4;
	s6 =	smax.u32 s7, $0x1;
	s7 =	simm.s32 $0x3  }
.LBB2_8:
0xd: {  	s15 =	sadd.s32 $0x1, s15  }
0xe: {  	p0 =	sne.s32 s15, s6  }
.Ltmp1:
0xf: {  	_ = 	snop;
	(pc) =	sbr.rel @!p0 .LBB2_9-.Ltmp1, $4  }
0x10: {  	[hbm4b:s5+s14] =	stream.strided.scatter [tilespmem:s12], [sflag:$0x3], $0x10000, s9, s14, $0x38;
	[tilespmem:$0x18000] =	vst v63  }
0x11: {  	_ =	swait.ge [sflag:s7], $0x10000  }
0x12: {  	[sflag:s7] =	ssyncset.done $0x0  }
0x13: {  	[sflag:s7] =	ssyncadd.s32 $0xFFFF0000  }
.LBB2_1:
0x14: {  	[tilespmem:s2], [sflag:$0x3] =	stream.linear.gather [hbm4b:s4+s2], $0x4000, $0x38;
	[tilespmem:$0x18000] =	vst v63  }
0x15: {  	_ =	swait.ge [sflag:s7], $0x4000  }
0x16: {  	[sflag:s7] =	ssyncset.done $0x0  }
0x17: {  	[sflag:s7] =	ssyncadd.s32 $0xFFFFC000  }
0x18: {  	[tilespmem:s9], [sflag:$0x1] =	stream.indirect.gather [hbm4b:s3+s8], $0x40, s2, s8, $0xb8;
	[tilespmem:$0x18000] =	vst v63  }
0x19: {  	s16 =	simm.s32 $0x4;
	s17 =	simm.s32 $0x0;
	s18 =	simm.s32 $0x0  }
0x1a: {  	[tilespmem:s10], [sflag:$0x2] =	stream.indirect.gather [hbm4b:s3+s8], $0x40, s8, s8, $0xb8;
	[tilespmem:$0x18000] =	vst v63  }
.LBB2_2:
0x1b: {  	_ =	swait.ge [sflag:s11], $0x2000  }
0x1c: {  	[sflag:s11] =	ssyncset.done $0x0  }
0x1d: {  	s19 =	simm.s32 $0x4400;
	[sflag:s11] =	ssyncadd.s32 $0xFFFFE000  }
0x1e: {  	v8 =	vld [tilespmem:s19+$0xFFFFFC00]  }
0x1f: {  	v9 =	vld [tilespmem:s19+$0xFFFFFC40];
	_ =	sdelay $0x1  }
0x20: {  	v10 =	vld [tilespmem:s19+$0xFFFFFC80];
	_ =	sdelay $0x1  }
0x21: {  	v11 =	vld [tilespmem:s19+$0xFFFFFCC0]  }
0x22: {  	v12 =	vshll.u32 v8, $0x10;
	v13 =	vshll.u32 v9, $0x10  }
0x23: {  	v8 =	vand.u32 $0xFFFF0000, v8;
	v9 =	vand.u32 $0xFFFF0000, v9;
	v12 =	vadd.f32 v13, v12;
	v13 =	vld [tilespmem:s19+$0xFFFFFD00]  }
0x24: {  	v8 =	vadd.f32 v9, v8;
	v9 =	vshll.u32 v10, $0x10  }
0x25: {  	v10 =	vand.u32 $0xFFFF0000, v10;
	v9 =	vadd.f32 v9, v12;
	v12 =	vld [tilespmem:s19+$0xFFFFFD40]  }
0x26: {  	v8 =	vadd.f32 v10, v8;
	v10 =	vshll.u32 v11, $0x10  }
0x27: {  	v11 =	vand.u32 $0xFFFF0000, v11;
	v9 =	vadd.f32 v10, v9;
	v10 =	vld [tilespmem:s19+$0xFFFFFD80]  }
0x28: {  	v8 =	vadd.f32 v11, v8;
	v11 =	vshll.u32 v13, $0x10  }
0x29: {  	v13 =	vand.u32 $0xFFFF0000, v13;
	v9 =	vadd.f32 v11, v9;
	v11 =	vld [tilespmem:s19+$0xFFFFFDC0]  }
0x2a: {  	v8 =	vadd.f32 v13, v8;
	v13 =	vshll.u32 v12, $0x10  }
0x2b: {  	v12 =	vand.u32 $0xFFFF0000, v12;
	v9 =	vadd.f32 v13, v9;
	v13 =	vld [tilespmem:s19+$0xFFFFFE00]  }
0x2c: {  	v8 =	vadd.f32 v12, v8;
	v12 =	vshll.u32 v10, $0x10  }
0x2d: {  	v10 =	vand.u32 $0xFFFF0000, v10;
	v9 =	vadd.f32 v12, v9;
	v12 =	vld [tilespmem:s19+$0xFFFFFE40]  }
0x2e: {  	v8 =	vadd.f32 v10, v8;
	v10 =	vshll.u32 v11, $0x10  }
0x2f: {  	v11 =	vand.u32 $0xFFFF0000, v11;
	v9 =	vadd.f32 v10, v9;
	v10 =	vld [tilespmem:s19+$0xFFFFFE80]  }
0x30: {  	v8 =	vadd.f32 v11, v8;
	v11 =	vshll.u32 v13, $0x10  }
0x31: {  	v13 =	vand.u32 $0xFFFF0000, v13;
	v9 =	vadd.f32 v11, v9;
	v11 =	vld [tilespmem:s19+$0xFFFFFEC0]  }
0x32: {  	v8 =	vadd.f32 v13, v8;
	v13 =	vshll.u32 v12, $0x10  }
0x33: {  	v12 =	vand.u32 $0xFFFF0000, v12;
	v9 =	vadd.f32 v13, v9;
	v13 =	vld [tilespmem:s19+$0xFFFFFF00]  }
0x34: {  	v8 =	vadd.f32 v12, v8;
	v12 =	vshll.u32 v10, $0x10  }
0x35: {  	v10 =	vand.u32 $0xFFFF0000, v10;
	v9 =	vadd.f32 v12, v9;
	v12 =	vld [tilespmem:s19+$0xFFFFFF40]  }
0x36: {  	v8 =	vadd.f32 v10, v8;
	v10 =	vshll.u32 v11, $0x10  }
0x37: {  	v11 =	vand.u32 $0xFFFF0000, v11;
	v9 =	vadd.f32 v10, v9;
	v10 =	vld [tilespmem:s19+$0xFFFFFF80]  }
0x38: {  	v8 =	vadd.f32 v11, v8;
	v11 =	vshll.u32 v13, $0x10  }
0x39: {  	v13 =	vand.u32 $0xFFFF0000, v13;
	v9 =	vadd.f32 v11, v9;
	v11 =	vld [tilespmem:s19+$0xFFFFFFC0]  }
0x3a: {  	v8 =	vadd.f32 v13, v8;
	v13 =	vshll.u32 v12, $0x10  }
0x3b: {  	v12 =	vand.u32 $0xFFFF0000, v12;
	v9 =	vadd.f32 v13, v9;
	v13 =	vld [tilespmem:s19+$0x0]  }
0x3c: {  	v8 =	vadd.f32 v12, v8;
	v12 =	vshll.u32 v10, $0x10  }
0x3d: {  	v10 =	vand.u32 $0xFFFF0000, v10;
	v9 =	vadd.f32 v12, v9;
	v12 =	vld [tilespmem:s19+$0x40]  }
0x3e: {  	v8 =	vadd.f32 v10, v8;
	v10 =	vshll.u32 v11, $0x10  }
0x3f: {  	v11 =	vand.u32 $0xFFFF0000, v11;
	v9 =	vadd.f32 v10, v9;
	v10 =	vld [tilespmem:s19+$0x80]  }
0x40: {  	v8 =	vadd.f32 v11, v8;
	v11 =	vshll.u32 v13, $0x10  }
0x41: {  	v13 =	vand.u32 $0xFFFF0000, v13;
	v9 =	vadd.f32 v11, v9;
	v11 =	vld [tilespmem:s19+$0xC0]  }
0x42: {  	v8 =	vadd.f32 v13, v8;
	v13 =	vshll.u32 v12, $0x10  }
0x43: {  	v12 =	vand.u32 $0xFFFF0000, v12;
	v9 =	vadd.f32 v13, v9;
	v13 =	vld [tilespmem:s19+$0x100]  }
0x44: {  	v8 =	vadd.f32 v12, v8;
	v12 =	vshll.u32 v10, $0x10  }
0x45: {  	v10 =	vand.u32 $0xFFFF0000, v10;
	v9 =	vadd.f32 v12, v9;
	v12 =	vld [tilespmem:s19+$0x140]  }
0x46: {  	v8 =	vadd.f32 v10, v8;
	v10 =	vshll.u32 v11, $0x10  }
0x47: {  	v11 =	vand.u32 $0xFFFF0000, v11;
	v9 =	vadd.f32 v10, v9;
	v10 =	vld [tilespmem:s19+$0x180]  }
0x48: {  	v8 =	vadd.f32 v11, v8;
	v11 =	vshll.u32 v13, $0x10  }
0x49: {  	v13 =	vand.u32 $0xFFFF0000, v13;
	v9 =	vadd.f32 v11, v9;
	v11 =	vld [tilespmem:s19+$0x1C0]  }
0x4a: {  	v8 =	vadd.f32 v13, v8;
	v13 =	vshll.u32 v12, $0x10  }
0x4b: {  	v12 =	vand.u32 $0xFFFF0000, v12;
	v9 =	vadd.f32 v13, v9;
	v13 =	vld [tilespmem:s19+$0x200]  }
0x4c: {  	v8 =	vadd.f32 v12, v8;
	v12 =	vshll.u32 v10, $0x10  }
0x4d: {  	v10 =	vand.u32 $0xFFFF0000, v10;
	v9 =	vadd.f32 v12, v9;
	v12 =	vld [tilespmem:s19+$0x240]  }
0x4e: {  	v8 =	vadd.f32 v10, v8;
	v10 =	vshll.u32 v11, $0x10  }
0x4f: {  	v11 =	vand.u32 $0xFFFF0000, v11;
	v9 =	vadd.f32 v10, v9;
	v10 =	vld [tilespmem:s19+$0x280]  }
0x50: {  	v8 =	vadd.f32 v11, v8;
	v11 =	vshll.u32 v13, $0x10  }
0x51: {  	v13 =	vand.u32 $0xFFFF0000, v13;
	v9 =	vadd.f32 v11, v9;
	v11 =	vld [tilespmem:s19+$0x2C0]  }
0x52: {  	v8 =	vadd.f32 v13, v8;
	v13 =	vshll.u32 v12, $0x10  }
0x53: {  	v12 =	vand.u32 $0xFFFF0000, v12;
	v9 =	vadd.f32 v13, v9;
	v13 =	vld [tilespmem:s19+$0x300]  }
0x54: {  	v8 =	vadd.f32 v12, v8;
	v12 =	vshll.u32 v10, $0x10  }
0x55: {  	v10 =	vand.u32 $0xFFFF0000, v10;
	v9 =	vadd.f32 v12, v9;
	v12 =	vld [tilespmem:s19+$0x340]  }
0x56: {  	v8 =	vadd.f32 v10, v8;
	v10 =	vshll.u32 v11, $0x10  }
0x57: {  	s20 =	sadd.s32 $0x0, s17;
	v11 =	vand.u32 $0xFFFF0000, v11;
	v9 =	vadd.f32 v10, v9;
	v10 =	vld [tilespmem:s19+$0x380]  }
0x58: {  	v8 =	vadd.f32 v11, v8;
	v11 =	vmov s20;
	v14 =	vshll.u32 v13, $0x10  }
0x59: {  	v13 =	vand.u32 $0xFFFF0000, v13;
	v11 =	vand.u32 $0x1FB, v11;
	v9 =	vadd.f32 v14, v9;
	v14 =	vld [tilespmem:s19+$0x3C0]  }
0x5a: {  	v13 =	vadd.f32 v13, v8;
	v8 =	vbroadcast v11, $0x0;
	v15 =	vshll.u32 v12, $0x10  }
0x5b: {  	v11 =	vand.u32 $0xFFFF0000, v12;
	v9 =	vadd.f32 v15, v9  }
0x5c: {  	v11 =	vadd.f32 v11, v13;
	v13 =	vor.u32 v0, v8;
	v12 =	vshll.u32 v10, $0x10  }
0x5d: {  	v10 =	vand.u32 $0xFFFF0000, v10;
	v9 =	vadd.f32 v12, v9;
	v12 =	vor.u32 v1, v8  }
0x5e: {  	v10 =	vadd.f32 v10, v11;
	v11 =	vshll.u32 v14, $0x10  }
0x5f: {  	v9 =	vadd.f32 v11, v9;
	v11 =	vand.u32 $0xFFFF0000, v14  }
0x60: {  	v10 =	vadd.f32 v11, v10  }
0x61: {  	[tilespmem:v13+s12+$0x0] =	vst.idx.msk $0xffff, v9  }
0x62: {  	[tilespmem:v12+s12+$0x0] =	vst.idx.msk $0xffff, v10  }
0x63: {  	v9 =	vld [tilespmem:s19+$0xFFFFFC10]  }
0x64: {  	v10 =	vld [tilespmem:s19+$0xFFFFFC50];
	_ =	sdelay $0x1  }
0x65: {  	v11 =	vld [tilespmem:s19+$0xFFFFFC90];
	_ =	sdelay $0x1  }
0x66: {  	v12 =	vld [tilespmem:s19+$0xFFFFFCD0]  }
0x67: {  	v13 =	vshll.u32 v9, $0x10;
	v14 =	vshll.u32 v10, $0x10  }
0x68: {  	v9 =	vand.u32 $0xFFFF0000, v9;
	v10 =	vand.u32 $0xFFFF0000, v10;
	v13 =	vadd.f32 v14, v13;
	v14 =	vld [tilespmem:s19+$0xFFFFFD10]  }
0x69: {  	v9 =	vadd.f32 v10, v9;
	v10 =	vshll.u32 v11, $0x10  }
0x6a: {  	v11 =	vand.u32 $0xFFFF0000, v11;
	v10 =	vadd.f32 v10, v13;
	v13 =	vld [tilespmem:s19+$0xFFFFFD50]  }
0x6b: {  	v9 =	vadd.f32 v11, v9;
	v11 =	vshll.u32 v12, $0x10  }
0x6c: {  	v12 =	vand.u32 $0xFFFF0000, v12;
	v10 =	vadd.f32 v11, v10;
	v11 =	vld [tilespmem:s19+$0xFFFFFD90]  }
0x6d: {  	v9 =	vadd.f32 v12, v9;
	v12 =	vshll.u32 v14, $0x10  }
0x6e: {  	v14 =	vand.u32 $0xFFFF0000, v14;
	v10 =	vadd.f32 v12, v10;
	v12 =	vld [tilespmem:s19+$0xFFFFFDD0]  }
0x6f: {  	v9 =	vadd.f32 v14, v9;
	v14 =	vshll.u32 v13, $0x10  }
0x70: {  	v13 =	vand.u32 $0xFFFF0000, v13;
	v10 =	vadd.f32 v14, v10;
	v14 =	vld [tilespmem:s19+$0xFFFFFE10]  }
0x71: {  	v9 =	vadd.f32 v13, v9;
	v13 =	vshll.u32 v11, $0x10  }
0x72: {  	v11 =	vand.u32 $0xFFFF0000, v11;
	v10 =	vadd.f32 v13, v10;
	v13 =	vld [tilespmem:s19+$0xFFFFFE50]  }
0x73: {  	v9 =	vadd.f32 v11, v9;
	v11 =	vshll.u32 v12, $0x10  }
0x74: {  	v12 =	vand.u32 $0xFFFF0000, v12;
	v10 =	vadd.f32 v11, v10;
	v11 =	vld [tilespmem:s19+$0xFFFFFE90]  }
0x75: {  	v9 =	vadd.f32 v12, v9;
	v12 =	vshll.u32 v14, $0x10  }
0x76: {  	v14 =	vand.u32 $0xFFFF0000, v14;
	v10 =	vadd.f32 v12, v10;
	v12 =	vld [tilespmem:s19+$0xFFFFFED0]  }
0x77: {  	v9 =	vadd.f32 v14, v9;
	v14 =	vshll.u32 v13, $0x10  }
0x78: {  	v13 =	vand.u32 $0xFFFF0000, v13;
	v10 =	vadd.f32 v14, v10;
	v14 =	vld [tilespmem:s19+$0xFFFFFF10]  }
0x79: {  	v9 =	vadd.f32 v13, v9;
	v13 =	vshll.u32 v11, $0x10  }
0x7a: {  	v11 =	vand.u32 $0xFFFF0000, v11;
	v10 =	vadd.f32 v13, v10;
	v13 =	vld [tilespmem:s19+$0xFFFFFF50]  }
0x7b: {  	v9 =	vadd.f32 v11, v9;
	v11 =	vshll.u32 v12, $0x10  }
0x7c: {  	v12 =	vand.u32 $0xFFFF0000, v12;
	v10 =	vadd.f32 v11, v10;
	v11 =	vld [tilespmem:s19+$0xFFFFFF90]  }
0x7d: {  	v9 =	vadd.f32 v12, v9;
	v12 =	vshll.u32 v14, $0x10  }
0x7e: {  	v14 =	vand.u32 $0xFFFF0000, v14;
	v10 =	vadd.f32 v12, v10;
	v12 =	vld [tilespmem:s19+$0xFFFFFFD0]  }
0x7f: {  	v9 =	vadd.f32 v14, v9;
	v14 =	vshll.u32 v13, $0x10  }
0x80: {  	v13 =	vand.u32 $0xFFFF0000, v13;
	v10 =	vadd.f32 v14, v10;
	v14 =	vld [tilespmem:s19+$0x10]  }
0x81: {  	v9 =	vadd.f32 v13, v9;
	v13 =	vshll.u32 v11, $0x10  }
0x82: {  	v11 =	vand.u32 $0xFFFF0000, v11;
	v10 =	vadd.f32 v13, v10;
	v13 =	vld [tilespmem:s19+$0x50]  }
0x83: {  	v9 =	vadd.f32 v11, v9;
	v11 =	vshll.u32 v12, $0x10  }
0x84: {  	v12 =	vand.u32 $0xFFFF0000, v12;
	v10 =	vadd.f32 v11, v10;
	v11 =	vld [tilespmem:s19+$0x90]  }
0x85: {  	v9 =	vadd.f32 v12, v9;
	v12 =	vshll.u32 v14, $0x10  }
0x86: {  	v14 =	vand.u32 $0xFFFF0000, v14;
	v10 =	vadd.f32 v12, v10;
	v12 =	vld [tilespmem:s19+$0xD0]  }
0x87: {  	v9 =	vadd.f32 v14, v9;
	v14 =	vshll.u32 v13, $0x10  }
0x88: {  	v13 =	vand.u32 $0xFFFF0000, v13;
	v10 =	vadd.f32 v14, v10;
	v14 =	vld [tilespmem:s19+$0x110]  }
0x89: {  	v9 =	vadd.f32 v13, v9;
	v13 =	vshll.u32 v11, $0x10  }
0x8a: {  	v11 =	vand.u32 $0xFFFF0000, v11;
	v10 =	vadd.f32 v13, v10;
	v13 =	vld [tilespmem:s19+$0x150]  }
0x8b: {  	v9 =	vadd.f32 v11, v9;
	v11 =	vshll.u32 v12, $0x10  }
0x8c: {  	v12 =	vand.u32 $0xFFFF0000, v12;
	v10 =	vadd.f32 v11, v10;
	v11 =	vld [tilespmem:s19+$0x190]  }
0x8d: {  	v9 =	vadd.f32 v12, v9;
	v12 =	vshll.u32 v14, $0x10  }
0x8e: {  	v14 =	vand.u32 $0xFFFF0000, v14;
	v10 =	vadd.f32 v12, v10;
	v12 =	vld [tilespmem:s19+$0x1D0]  }
0x8f: {  	v9 =	vadd.f32 v14, v9;
	v14 =	vshll.u32 v13, $0x10  }
0x90: {  	v13 =	vand.u32 $0xFFFF0000, v13;
	v10 =	vadd.f32 v14, v10;
	v14 =	vld [tilespmem:s19+$0x210]  }
0x91: {  	v9 =	vadd.f32 v13, v9;
	v13 =	vshll.u32 v11, $0x10  }
0x92: {  	v11 =	vand.u32 $0xFFFF0000, v11;
	v10 =	vadd.f32 v13, v10;
	v13 =	vld [tilespmem:s19+$0x250]  }
0x93: {  	v9 =	vadd.f32 v11, v9;
	v11 =	vshll.u32 v12, $0x10  }
0x94: {  	v12 =	vand.u32 $0xFFFF0000, v12;
	v10 =	vadd.f32 v11, v10;
	v11 =	vld [tilespmem:s19+$0x290]  }
0x95: {  	v9 =	vadd.f32 v12, v9;
	v12 =	vshll.u32 v14, $0x10  }
0x96: {  	v14 =	vand.u32 $0xFFFF0000, v14;
	v10 =	vadd.f32 v12, v10;
	v12 =	vld [tilespmem:s19+$0x2D0]  }
0x97: {  	v9 =	vadd.f32 v14, v9;
	v14 =	vshll.u32 v13, $0x10  }
0x98: {  	v13 =	vand.u32 $0xFFFF0000, v13;
	v10 =	vadd.f32 v14, v10;
	v14 =	vld [tilespmem:s19+$0x310]  }
0x99: {  	v9 =	vadd.f32 v13, v9;
	v13 =	vshll.u32 v11, $0x10  }
0x9a: {  	v11 =	vand.u32 $0xFFFF0000, v11;
	v10 =	vadd.f32 v13, v10;
	v13 =	vld [tilespmem:s19+$0x350]  }
0x9b: {  	v9 =	vadd.f32 v11, v9;
	v11 =	vshll.u32 v12, $0x10  }
0x9c: {  	v12 =	vand.u32 $0xFFFF0000, v12;
	v10 =	vadd.f32 v11, v10;
	v11 =	vld [tilespmem:s19+$0x390]  }
0x9d: {  	v9 =	vadd.f32 v12, v9;
	v12 =	vshll.u32 v14, $0x10  }
0x9e: {  	v14 =	vand.u32 $0xFFFF0000, v14;
	v10 =	vadd.f32 v12, v10;
	v12 =	vld [tilespmem:s19+$0x3D0]  }
0x9f: {  	v9 =	vadd.f32 v14, v9;
	v14 =	vshll.u32 v13, $0x10  }
0xa0: {  	v13 =	vand.u32 $0xFFFF0000, v13;
	v10 =	vadd.f32 v14, v10  }
0xa1: {  	v9 =	vadd.f32 v13, v9;
	v14 =	vor.u32 v2, v8;
	v13 =	vshll.u32 v11, $0x10  }
0xa2: {  	v11 =	vand.u32 $0xFFFF0000, v11;
	v10 =	vadd.f32 v13, v10;
	v13 =	vor.u32 v3, v8  }
0xa3: {  	v9 =	vadd.f32 v11, v9;
	v11 =	vshll.u32 v12, $0x10  }
0xa4: {  	v10 =	vadd.f32 v11, v10;
	v11 =	vand.u32 $0xFFFF0000, v12  }
0xa5: {  	v9 =	vadd.f32 v11, v9  }
0xa6: {  	[tilespmem:v14+s12+$0x0] =	vst.idx.msk $0xffff, v10  }
0xa7: {  	[tilespmem:v13+s12+$0x0] =	vst.idx.msk $0xffff, v9  }
0xa8: {  	v9 =	vld [tilespmem:s19+$0xFFFFFC20]  }
0xa9: {  	v10 =	vld [tilespmem:s19+$0xFFFFFC60];
	_ =	sdelay $0x1  }
0xaa: {  	v11 =	vld [tilespmem:s19+$0xFFFFFCA0];
	_ =	sdelay $0x1  }
0xab: {  	v12 =	vld [tilespmem:s19+$0xFFFFFCE0]  }
0xac: {  	v13 =	vshll.u32 v9, $0x10;
	v14 =	vshll.u32 v10, $0x10  }
0xad: {  	v9 =	vand.u32 $0xFFFF0000, v9;
	v10 =	vand.u32 $0xFFFF0000, v10;
	v13 =	vadd.f32 v14, v13;
	v14 =	vld [tilespmem:s19+$0xFFFFFD20]  }
0xae: {  	v9 =	vadd.f32 v10, v9;
	v10 =	vshll.u32 v11, $0x10  }
0xaf: {  	v11 =	vand.u32 $0xFFFF0000, v11;
	v10 =	vadd.f32 v10, v13;
	v13 =	vld [tilespmem:s19+$0xFFFFFD60]  }
0xb0: {  	v9 =	vadd.f32 v11, v9;
	v11 =	vshll.u32 v12, $0x10  }
0xb1: {  	v12 =	vand.u32 $0xFFFF0000, v12;
	v10 =	vadd.f32 v11, v10;
	v11 =	vld [tilespmem:s19+$0xFFFFFDA0]  }
0xb2: {  	v9 =	vadd.f32 v12, v9;
	v12 =	vshll.u32 v14, $0x10  }
0xb3: {  	v14 =	vand.u32 $0xFFFF0000, v14;
	v10 =	vadd.f32 v12, v10;
	v12 =	vld [tilespmem:s19+$0xFFFFFDE0]  }
0xb4: {  	v9 =	vadd.f32 v14, v9;
	v14 =	vshll.u32 v13, $0x10  }
0xb5: {  	v13 =	vand.u32 $0xFFFF0000, v13;
	v10 =	vadd.f32 v14, v10;
	v14 =	vld [tilespmem:s19+$0xFFFFFE20]  }
0xb6: {  	v9 =	vadd.f32 v13, v9;
	v13 =	vshll.u32 v11, $0x10  }
0xb7: {  	v11 =	vand.u32 $0xFFFF0000, v11;
	v10 =	vadd.f32 v13, v10;
	v13 =	vld [tilespmem:s19+$0xFFFFFE60]  }
0xb8: {  	v9 =	vadd.f32 v11, v9;
	v11 =	vshll.u32 v12, $0x10  }
0xb9: {  	v12 =	vand.u32 $0xFFFF0000, v12;
	v10 =	vadd.f32 v11, v10;
	v11 =	vld [tilespmem:s19+$0xFFFFFEA0]  }
0xba: {  	v9 =	vadd.f32 v12, v9;
	v12 =	vshll.u32 v14, $0x10  }
0xbb: {  	v14 =	vand.u32 $0xFFFF0000, v14;
	v10 =	vadd.f32 v12, v10;
	v12 =	vld [tilespmem:s19+$0xFFFFFEE0]  }
0xbc: {  	v9 =	vadd.f32 v14, v9;
	v14 =	vshll.u32 v13, $0x10  }
0xbd: {  	v13 =	vand.u32 $0xFFFF0000, v13;
	v10 =	vadd.f32 v14, v10;
	v14 =	vld [tilespmem:s19+$0xFFFFFF20]  }
0xbe: {  	v9 =	vadd.f32 v13, v9;
	v13 =	vshll.u32 v11, $0x10  }
0xbf: {  	v11 =	vand.u32 $0xFFFF0000, v11;
	v10 =	vadd.f32 v13, v10;
	v13 =	vld [tilespmem:s19+$0xFFFFFF60]  }
0xc0: {  	v9 =	vadd.f32 v11, v9;
	v11 =	vshll.u32 v12, $0x10  }
0xc1: {  	v12 =	vand.u32 $0xFFFF0000, v12;
	v10 =	vadd.f32 v11, v10;
	v11 =	vld [tilespmem:s19+$0xFFFFFFA0]  }
0xc2: {  	v9 =	vadd.f32 v12, v9;
	v12 =	vshll.u32 v14, $0x10  }
0xc3: {  	v14 =	vand.u32 $0xFFFF0000, v14;
	v10 =	vadd.f32 v12, v10;
	v12 =	vld [tilespmem:s19+$0xFFFFFFE0]  }
0xc4: {  	v9 =	vadd.f32 v14, v9;
	v14 =	vshll.u32 v13, $0x10  }
0xc5: {  	v13 =	vand.u32 $0xFFFF0000, v13;
	v10 =	vadd.f32 v14, v10;
	v14 =	vld [tilespmem:s19+$0x20]  }
0xc6: {  	v9 =	vadd.f32 v13, v9;
	v13 =	vshll.u32 v11, $0x10  }
0xc7: {  	v11 =	vand.u32 $0xFFFF0000, v11;
	v10 =	vadd.f32 v13, v10;
	v13 =	vld [tilespmem:s19+$0x60]  }
0xc8: {  	v9 =	vadd.f32 v11, v9;
	v11 =	vshll.u32 v12, $0x10  }
0xc9: {  	v12 =	vand.u32 $0xFFFF0000, v12;
	v10 =	vadd.f32 v11, v10;
	v11 =	vld [tilespmem:s19+$0xA0]  }
0xca: {  	v9 =	vadd.f32 v12, v9;
	v12 =	vshll.u32 v14, $0x10  }
0xcb: {  	v14 =	vand.u32 $0xFFFF0000, v14;
	v10 =	vadd.f32 v12, v10;
	v12 =	vld [tilespmem:s19+$0xE0]  }
0xcc: {  	v9 =	vadd.f32 v14, v9;
	v14 =	vshll.u32 v13, $0x10  }
0xcd: {  	v13 =	vand.u32 $0xFFFF0000, v13;
	v10 =	vadd.f32 v14, v10;
	v14 =	vld [tilespmem:s19+$0x120]  }
0xce: {  	v9 =	vadd.f32 v13, v9;
	v13 =	vshll.u32 v11, $0x10  }
0xcf: {  	v11 =	vand.u32 $0xFFFF0000, v11;
	v10 =	vadd.f32 v13, v10;
	v13 =	vld [tilespmem:s19+$0x160]  }
0xd0: {  	v9 =	vadd.f32 v11, v9;
	v11 =	vshll.u32 v12, $0x10  }
0xd1: {  	v12 =	vand.u32 $0xFFFF0000, v12;
	v10 =	vadd.f32 v11, v10;
	v11 =	vld [tilespmem:s19+$0x1A0]  }
0xd2: {  	v9 =	vadd.f32 v12, v9;
	v12 =	vshll.u32 v14, $0x10  }
0xd3: {  	v14 =	vand.u32 $0xFFFF0000, v14;
	v10 =	vadd.f32 v12, v10;
	v12 =	vld [tilespmem:s19+$0x1E0]  }
0xd4: {  	v9 =	vadd.f32 v14, v9;
	v14 =	vshll.u32 v13, $0x10  }
0xd5: {  	v13 =	vand.u32 $0xFFFF0000, v13;
	v10 =	vadd.f32 v14, v10;
	v14 =	vld [tilespmem:s19+$0x220]  }
0xd6: {  	v9 =	vadd.f32 v13, v9;
	v13 =	vshll.u32 v11, $0x10  }
0xd7: {  	v11 =	vand.u32 $0xFFFF0000, v11;
	v10 =	vadd.f32 v13, v10;
	v13 =	vld [tilespmem:s19+$0x260]  }
0xd8: {  	v9 =	vadd.f32 v11, v9;
	v11 =	vshll.u32 v12, $0x10  }
0xd9: {  	v12 =	vand.u32 $0xFFFF0000, v12;
	v10 =	vadd.f32 v11, v10;
	v11 =	vld [tilespmem:s19+$0x2A0]  }
0xda: {  	v9 =	vadd.f32 v12, v9;
	v12 =	vshll.u32 v14, $0x10  }
0xdb: {  	v14 =	vand.u32 $0xFFFF0000, v14;
	v10 =	vadd.f32 v12, v10;
	v12 =	vld [tilespmem:s19+$0x2E0]  }
0xdc: {  	v9 =	vadd.f32 v14, v9;
	v14 =	vshll.u32 v13, $0x10  }
0xdd: {  	v13 =	vand.u32 $0xFFFF0000, v13;
	v10 =	vadd.f32 v14, v10;
	v14 =	vld [tilespmem:s19+$0x320]  }
0xde: {  	v9 =	vadd.f32 v13, v9;
	v13 =	vshll.u32 v11, $0x10  }
0xdf: {  	v11 =	vand.u32 $0xFFFF0000, v11;
	v10 =	vadd.f32 v13, v10;
	v13 =	vld [tilespmem:s19+$0x360]  }
0xe0: {  	v9 =	vadd.f32 v11, v9;
	v11 =	vshll.u32 v12, $0x10  }
0xe1: {  	v12 =	vand.u32 $0xFFFF0000, v12;
	v10 =	vadd.f32 v11, v10;
	v11 =	vld [tilespmem:s19+$0x3A0]  }
0xe2: {  	v9 =	vadd.f32 v12, v9;
	v12 =	vshll.u32 v14, $0x10  }
0xe3: {  	v14 =	vand.u32 $0xFFFF0000, v14;
	v10 =	vadd.f32 v12, v10;
	v12 =	vld [tilespmem:s19+$0x3E0]  }
0xe4: {  	v9 =	vadd.f32 v14, v9;
	v14 =	vshll.u32 v13, $0x10  }
0xe5: {  	v13 =	vand.u32 $0xFFFF0000, v13;
	v10 =	vadd.f32 v14, v10  }
0xe6: {  	v9 =	vadd.f32 v13, v9;
	v14 =	vor.u32 v4, v8;
	v13 =	vshll.u32 v11, $0x10  }
0xe7: {  	v11 =	vand.u32 $0xFFFF0000, v11;
	v10 =	vadd.f32 v13, v10;
	v13 =	vor.u32 v5, v8  }
0xe8: {  	v9 =	vadd.f32 v11, v9;
	v11 =	vshll.u32 v12, $0x10  }
0xe9: {  	v10 =	vadd.f32 v11, v10;
	v11 =	vand.u32 $0xFFFF0000, v12  }
0xea: {  	v9 =	vadd.f32 v11, v9  }
0xeb: {  	[tilespmem:v14+s12+$0x0] =	vst.idx.msk $0xffff, v10  }
0xec: {  	[tilespmem:v13+s12+$0x0] =	vst.idx.msk $0xffff, v9  }
0xed: {  	v9 =	vld [tilespmem:s19+$0xFFFFFC30]  }
0xee: {  	v10 =	vld [tilespmem:s19+$0xFFFFFC70];
	_ =	sdelay $0x1  }
0xef: {  	v11 =	vld [tilespmem:s19+$0xFFFFFCB0];
	_ =	sdelay $0x1  }
0xf0: {  	v12 =	vld [tilespmem:s19+$0xFFFFFCF0];
	v13 =	vshll.u32 v9, $0x10  }
0xf1: {  	v9 =	vand.u32 $0xFFFF0000, v9;
	v14 =	vshll.u32 v10, $0x10;
	v10 =	vand.u32 $0xFFFF0000, v10  }
0xf2: {  	v15 =	vld [tilespmem:s19+$0xFFFFFD30];
	v13 =	vadd.f32 v14, v13;
	v9 =	vadd.f32 v10, v9  }
0xf3: {  	v10 =	vshll.u32 v11, $0x10;
	v11 =	vand.u32 $0xFFFF0000, v11  }
0xf4: {  	v14 =	vld [tilespmem:s19+$0xFFFFFD70];
	v10 =	vadd.f32 v10, v13;
	v9 =	vadd.f32 v11, v9  }
0xf5: {  	v11 =	vshll.u32 v12, $0x10;
	v12 =	vand.u32 $0xFFFF0000, v12  }
0xf6: {  	v13 =	vld [tilespmem:s19+$0xFFFFFDB0];
	v10 =	vadd.f32 v11, v10;
	v9 =	vadd.f32 v12, v9  }
0xf7: {  	v11 =	vshll.u32 v15, $0x10;
	v12 =	vand.u32 $0xFFFF0000, v15  }
0xf8: {  	v15 =	vld [tilespmem:s19+$0xFFFFFDF0];
	v10 =	vadd.f32 v11, v10;
	v9 =	vadd.f32 v12, v9  }
0xf9: {  	v11 =	vshll.u32 v14, $0x10;
	v12 =	vand.u32 $0xFFFF0000, v14  }
0xfa: {  	v14 =	vld [tilespmem:s19+$0xFFFFFE30];
	v10 =	vadd.f32 v11, v10;
	v9 =	vadd.f32 v12, v9  }
0xfb: {  	v11 =	vshll.u32 v13, $0x10;
	v12 =	vand.u32 $0xFFFF0000, v13  }
0xfc: {  	v13 =	vld [tilespmem:s19+$0xFFFFFE70];
	v10 =	vadd.f32 v11, v10;
	v9 =	vadd.f32 v12, v9  }
0xfd: {  	v11 =	vshll.u32 v15, $0x10;
	v12 =	vand.u32 $0xFFFF0000, v15  }
0xfe: {  	v15 =	vld [tilespmem:s19+$0xFFFFFEB0];
	v10 =	vadd.f32 v11, v10;
	v9 =	vadd.f32 v12, v9  }
0xff: {  	v11 =	vshll.u32 v14, $0x10;
	v12 =	vand.u32 $0xFFFF0000, v14  }
0x100: {  	v14 =	vld [tilespmem:s19+$0xFFFFFEF0];
	v10 =	vadd.f32 v11, v10;
	v9 =	vadd.f32 v12, v9  }
0x101: {  	v11 =	vshll.u32 v13, $0x10;
	v12 =	vand.u32 $0xFFFF0000, v13  }
0x102: {  	v13 =	vld [tilespmem:s19+$0xFFFFFF30];
	v10 =	vadd.f32 v11, v10;
	v9 =	vadd.f32 v12, v9  }
0x103: {  	v11 =	vshll.u32 v15, $0x10;
	v12 =	vand.u32 $0xFFFF0000, v15  }
0x104: {  	v15 =	vld [tilespmem:s19+$0xFFFFFF70];
	v10 =	vadd.f32 v11, v10;
	v9 =	vadd.f32 v12, v9  }
0x105: {  	v11 =	vshll.u32 v14, $0x10;
	v12 =	vand.u32 $0xFFFF0000, v14  }
0x106: {  	v14 =	vld [tilespmem:s19+$0xFFFFFFB0];
	v10 =	vadd.f32 v11, v10;
	v9 =	vadd.f32 v12, v9  }
0x107: {  	v11 =	vshll.u32 v13, $0x10;
	v12 =	vand.u32 $0xFFFF0000, v13  }
0x108: {  	v13 =	vld [tilespmem:s19+$0xFFFFFFF0];
	v10 =	vadd.f32 v11, v10;
	v9 =	vadd.f32 v12, v9  }
0x109: {  	v11 =	vshll.u32 v15, $0x10;
	v12 =	vand.u32 $0xFFFF0000, v15  }
0x10a: {  	v15 =	vld [tilespmem:s19+$0x30];
	v10 =	vadd.f32 v11, v10;
	v9 =	vadd.f32 v12, v9  }
0x10b: {  	v11 =	vshll.u32 v14, $0x10;
	v12 =	vand.u32 $0xFFFF0000, v14  }
0x10c: {  	v14 =	vld [tilespmem:s19+$0x70];
	v10 =	vadd.f32 v11, v10;
	v9 =	vadd.f32 v12, v9  }
0x10d: {  	v11 =	vshll.u32 v13, $0x10;
	v12 =	vand.u32 $0xFFFF0000, v13  }
0x10e: {  	v13 =	vld [tilespmem:s19+$0xB0];
	v10 =	vadd.f32 v11, v10;
	v9 =	vadd.f32 v12, v9  }
0x10f: {  	v11 =	vshll.u32 v15, $0x10;
	v12 =	vand.u32 $0xFFFF0000, v15  }
0x110: {  	v15 =	vld [tilespmem:s19+$0xF0];
	v10 =	vadd.f32 v11, v10;
	v9 =	vadd.f32 v12, v9  }
0x111: {  	v11 =	vshll.u32 v14, $0x10;
	v12 =	vand.u32 $0xFFFF0000, v14  }
0x112: {  	v14 =	vld [tilespmem:s19+$0x130];
	v10 =	vadd.f32 v11, v10;
	v9 =	vadd.f32 v12, v9  }
0x113: {  	v11 =	vshll.u32 v13, $0x10;
	v12 =	vand.u32 $0xFFFF0000, v13  }
0x114: {  	v13 =	vld [tilespmem:s19+$0x170];
	v10 =	vadd.f32 v11, v10;
	v9 =	vadd.f32 v12, v9  }
0x115: {  	v11 =	vshll.u32 v15, $0x10;
	v12 =	vand.u32 $0xFFFF0000, v15  }
0x116: {  	v15 =	vld [tilespmem:s19+$0x1B0];
	v10 =	vadd.f32 v11, v10;
	v9 =	vadd.f32 v12, v9  }
0x117: {  	v11 =	vshll.u32 v14, $0x10;
	v12 =	vand.u32 $0xFFFF0000, v14  }
0x118: {  	v14 =	vld [tilespmem:s19+$0x1F0];
	v10 =	vadd.f32 v11, v10;
	v9 =	vadd.f32 v12, v9  }
0x119: {  	v11 =	vshll.u32 v13, $0x10;
	v12 =	vand.u32 $0xFFFF0000, v13  }
0x11a: {  	v13 =	vld [tilespmem:s19+$0x230];
	v10 =	vadd.f32 v11, v10;
	v9 =	vadd.f32 v12, v9  }
0x11b: {  	v11 =	vshll.u32 v15, $0x10;
	v12 =	vand.u32 $0xFFFF0000, v15  }
0x11c: {  	v15 =	vld [tilespmem:s19+$0x270];
	v10 =	vadd.f32 v11, v10;
	v9 =	vadd.f32 v12, v9  }
0x11d: {  	v11 =	vshll.u32 v14, $0x10;
	v12 =	vand.u32 $0xFFFF0000, v14  }
0x11e: {  	v14 =	vld [tilespmem:s19+$0x2B0];
	v10 =	vadd.f32 v11, v10;
	v9 =	vadd.f32 v12, v9  }
0x11f: {  	v11 =	vshll.u32 v13, $0x10;
	v12 =	vand.u32 $0xFFFF0000, v13  }
0x120: {  	v13 =	vld [tilespmem:s19+$0x2F0];
	v10 =	vadd.f32 v11, v10;
	v9 =	vadd.f32 v12, v9  }
0x121: {  	v11 =	vshll.u32 v15, $0x10;
	v12 =	vand.u32 $0xFFFF0000, v15  }
0x122: {  	v15 =	vld [tilespmem:s19+$0x330];
	v10 =	vadd.f32 v11, v10;
	v9 =	vadd.f32 v12, v9  }
0x123: {  	v16 =	vld [tilespmem:s19+$0x3F0];
	v12 =	vshll.u32 v14, $0x10;
	v14 =	vand.u32 $0xFFFF0000, v14  }
0x124: {  	v11 =	vld [tilespmem:s19+$0x370];
	v10 =	vadd.f32 v12, v10;
	v9 =	vadd.f32 v14, v9  }
0x125: {  	v12 =	vshll.u32 v13, $0x10;
	v13 =	vand.u32 $0xFFFF0000, v13  }
0x126: {  	v14 =	vld [tilespmem:s19+$0x3B0];
	v10 =	vadd.f32 v12, v10;
	v9 =	vadd.f32 v13, v9  }
0x127: {  	v12 =	vshll.u32 v15, $0x10;
	v13 =	vand.u32 $0xFFFF0000, v15  }
0x128: {  	v12 =	vadd.f32 v12, v10;
	v13 =	vadd.f32 v13, v9  }
0x129: {  	v15 =	vshll.u32 v11, $0x10;
	v11 =	vand.u32 $0xFFFF0000, v11;
	v9 =	vand.u32 $0xFFFF0000, v16  }
0x12a: {  	v10 =	vor.u32 v6, v8;
	v12 =	vadd.f32 v15, v12;
	v13 =	vadd.f32 v11, v13  }
0x12b: {  	v8 =	vor.u32 v7, v8;
	v11 =	vshll.u32 v14, $0x10;
	v14 =	vand.u32 $0xFFFF0000, v14  }
0x12c: {  	s20 =	simm.s32 $0x1;
	v11 =	vadd.f32 v11, v12;
	v12 =	vadd.f32 v14, v13;
	v13 =	vshll.u32 v16, $0x10  }
.LBB2_3:
0x12d: {  	p0 =	sne.s32 s20, $0x3  }
0x12e: {  	s19 =	sadd.s32 $0x800, s19;
	s21 =	smov.u32 s20;
	s20 =	sadd.s32 $0x1, s20  }
0x12f: {  	v11 =	vadd.f32 v13, v11;
	v9 =	vadd.f32 v9, v12;
	_ =	sdelay $0x1  }
0x130: {  	[tilespmem:v10+s12+$0x0] =	vst.idx.msk $0xffff, v11  }
0x131: {  	[tilespmem:v8+s12+$0x0] =	vst.idx.msk $0xffff, v9  }
0x132: {  	v8 =	vld [tilespmem:s19+$0xFFFFFC00]  }
0x133: {  	v9 =	vld [tilespmem:s19+$0xFFFFFC40];
	_ =	sdelay $0x1  }
0x134: {  	v10 =	vld [tilespmem:s19+$0xFFFFFC80];
	_ =	sdelay $0x1  }
0x135: {  	v11 =	vand.u32 $0xFFFF0000, v8;
	v12 =	vld [tilespmem:s19+$0xFFFFFCC0]  }
0x136: {  	v8 =	vshll.u32 v8, $0x10;
	v13 =	vshll.u32 v9, $0x10;
	v9 =	vand.u32 $0xFFFF0000, v9  }
0x137: {  	v8 =	vadd.f32 v13, v8;
	v9 =	vadd.f32 v9, v11;
	v11 =	vld [tilespmem:s19+$0xFFFFFD00]  }
0x138: {  	v13 =	vshll.u32 v10, $0x10;
	v10 =	vand.u32 $0xFFFF0000, v10  }
0x139: {  	v8 =	vadd.f32 v13, v8;
	v9 =	vadd.f32 v10, v9;
	v10 =	vld [tilespmem:s19+$0xFFFFFD40]  }
0x13a: {  	v13 =	vshll.u32 v12, $0x10;
	v12 =	vand.u32 $0xFFFF0000, v12  }
0x13b: {  	v8 =	vadd.f32 v13, v8;
	v9 =	vadd.f32 v12, v9;
	v12 =	vld [tilespmem:s19+$0xFFFFFD80]  }
0x13c: {  	v13 =	vshll.u32 v11, $0x10;
	v11 =	vand.u32 $0xFFFF0000, v11  }
0x13d: {  	v8 =	vadd.f32 v13, v8;
	v9 =	vadd.f32 v11, v9;
	v11 =	vld [tilespmem:s19+$0xFFFFFDC0]  }
0x13e: {  	v13 =	vshll.u32 v10, $0x10;
	v10 =	vand.u32 $0xFFFF0000, v10  }
0x13f: {  	v8 =	vadd.f32 v13, v8;
	v9 =	vadd.f32 v10, v9;
	v10 =	vld [tilespmem:s19+$0xFFFFFE00]  }
0x140: {  	v13 =	vshll.u32 v12, $0x10;
	v12 =	vand.u32 $0xFFFF0000, v12  }
0x141: {  	v8 =	vadd.f32 v13, v8;
	v9 =	vadd.f32 v12, v9;
	v12 =	vld [tilespmem:s19+$0xFFFFFE40]  }
0x142: {  	v13 =	vshll.u32 v11, $0x10;
	v11 =	vand.u32 $0xFFFF0000, v11  }
0x143: {  	v8 =	vadd.f32 v13, v8;
	v9 =	vadd.f32 v11, v9;
	v11 =	vld [tilespmem:s19+$0xFFFFFE80]  }
0x144: {  	v13 =	vshll.u32 v10, $0x10;
	v10 =	vand.u32 $0xFFFF0000, v10  }
0x145: {  	v8 =	vadd.f32 v13, v8;
	v9 =	vadd.f32 v10, v9;
	v10 =	vld [tilespmem:s19+$0xFFFFFEC0]  }
0x146: {  	v13 =	vshll.u32 v12, $0x10;
	v12 =	vand.u32 $0xFFFF0000, v12  }
0x147: {  	v8 =	vadd.f32 v13, v8;
	v9 =	vadd.f32 v12, v9;
	v12 =	vld [tilespmem:s19+$0xFFFFFF00]  }
0x148: {  	v13 =	vshll.u32 v11, $0x10;
	v11 =	vand.u32 $0xFFFF0000, v11  }
0x149: {  	v8 =	vadd.f32 v13, v8;
	v9 =	vadd.f32 v11, v9;
	v11 =	vld [tilespmem:s19+$0xFFFFFF40]  }
0x14a: {  	v13 =	vshll.u32 v10, $0x10;
	v10 =	vand.u32 $0xFFFF0000, v10  }
0x14b: {  	v8 =	vadd.f32 v13, v8;
	v9 =	vadd.f32 v10, v9;
	v10 =	vld [tilespmem:s19+$0xFFFFFF80]  }
0x14c: {  	v13 =	vshll.u32 v12, $0x10;
	v12 =	vand.u32 $0xFFFF0000, v12  }
0x14d: {  	v8 =	vadd.f32 v13, v8;
	v9 =	vadd.f32 v12, v9;
	v12 =	vld [tilespmem:s19+$0xFFFFFFC0]  }
0x14e: {  	v13 =	vshll.u32 v11, $0x10;
	v11 =	vand.u32 $0xFFFF0000, v11  }
0x14f: {  	v8 =	vadd.f32 v13, v8;
	v9 =	vadd.f32 v11, v9;
	v11 =	vld [tilespmem:s19+$0x0]  }
0x150: {  	v13 =	vshll.u32 v10, $0x10;
	v10 =	vand.u32 $0xFFFF0000, v10  }
0x151: {  	v8 =	vadd.f32 v13, v8;
	v9 =	vadd.f32 v10, v9;
	v10 =	vld [tilespmem:s19+$0x40]  }
0x152: {  	v13 =	vshll.u32 v12, $0x10;
	v12 =	vand.u32 $0xFFFF0000, v12  }
0x153: {  	v8 =	vadd.f32 v13, v8;
	v9 =	vadd.f32 v12, v9;
	v12 =	vld [tilespmem:s19+$0x80]  }
0x154: {  	v13 =	vshll.u32 v11, $0x10;
	v11 =	vand.u32 $0xFFFF0000, v11  }
0x155: {  	v8 =	vadd.f32 v13, v8;
	v9 =	vadd.f32 v11, v9;
	v11 =	vld [tilespmem:s19+$0xC0]  }
0x156: {  	v13 =	vshll.u32 v10, $0x10;
	v10 =	vand.u32 $0xFFFF0000, v10  }
0x157: {  	v8 =	vadd.f32 v13, v8;
	v9 =	vadd.f32 v10, v9;
	v10 =	vld [tilespmem:s19+$0x100]  }
0x158: {  	v13 =	vshll.u32 v12, $0x10;
	v12 =	vand.u32 $0xFFFF0000, v12  }
0x159: {  	v8 =	vadd.f32 v13, v8;
	v9 =	vadd.f32 v12, v9;
	v12 =	vld [tilespmem:s19+$0x140]  }
0x15a: {  	v13 =	vshll.u32 v11, $0x10;
	v11 =	vand.u32 $0xFFFF0000, v11  }
0x15b: {  	v8 =	vadd.f32 v13, v8;
	v9 =	vadd.f32 v11, v9;
	v11 =	vld [tilespmem:s19+$0x180]  }
0x15c: {  	v13 =	vshll.u32 v10, $0x10;
	v10 =	vand.u32 $0xFFFF0000, v10  }
0x15d: {  	v8 =	vadd.f32 v13, v8;
	v9 =	vadd.f32 v10, v9;
	v10 =	vld [tilespmem:s19+$0x1C0]  }
0x15e: {  	v13 =	vshll.u32 v12, $0x10;
	v12 =	vand.u32 $0xFFFF0000, v12  }
0x15f: {  	v8 =	vadd.f32 v13, v8;
	v9 =	vadd.f32 v12, v9;
	v12 =	vld [tilespmem:s19+$0x200]  }
0x160: {  	v13 =	vshll.u32 v11, $0x10;
	v11 =	vand.u32 $0xFFFF0000, v11  }
0x161: {  	v8 =	vadd.f32 v13, v8;
	v9 =	vadd.f32 v11, v9;
	v11 =	vld [tilespmem:s19+$0x240]  }
0x162: {  	v13 =	vshll.u32 v10, $0x10;
	v10 =	vand.u32 $0xFFFF0000, v10  }
0x163: {  	v8 =	vadd.f32 v13, v8;
	v9 =	vadd.f32 v10, v9;
	v10 =	vld [tilespmem:s19+$0x280]  }
0x164: {  	v13 =	vshll.u32 v12, $0x10;
	v12 =	vand.u32 $0xFFFF0000, v12  }
0x165: {  	v8 =	vadd.f32 v13, v8;
	v9 =	vadd.f32 v12, v9;
	v12 =	vld [tilespmem:s19+$0x2C0]  }
0x166: {  	v13 =	vshll.u32 v11, $0x10;
	v11 =	vand.u32 $0xFFFF0000, v11  }
0x167: {  	v8 =	vadd.f32 v13, v8;
	v9 =	vadd.f32 v11, v9;
	v11 =	vld [tilespmem:s19+$0x300]  }
0x168: {  	v13 =	vshll.u32 v10, $0x10;
	v10 =	vand.u32 $0xFFFF0000, v10  }
0x169: {  	v8 =	vadd.f32 v13, v8;
	v9 =	vadd.f32 v10, v9;
	v10 =	vld [tilespmem:s19+$0x340]  }
0x16a: {  	v13 =	vshll.u32 v12, $0x10;
	v12 =	vand.u32 $0xFFFF0000, v12  }
0x16b: {  	s21 =	sadd.s32 s21, s17;
	v8 =	vadd.f32 v13, v8;
	v9 =	vadd.f32 v12, v9;
	v12 =	vld [tilespmem:s19+$0x380]  }
0x16c: {  	v13 =	vmov s21;
	v14 =	vshll.u32 v11, $0x10;
	v11 =	vand.u32 $0xFFFF0000, v11  }
0x16d: {  	v14 =	vadd.f32 v14, v8;
	v9 =	vadd.f32 v11, v9;
	v11 =	vld [tilespmem:s19+$0x3C0];
	v8 =	vand.u32 $0x1FB, v13  }
0x16e: {  	v13 =	vshll.u32 v10, $0x10;
	v10 =	vand.u32 $0xFFFF0000, v10;
	v8 =	vbroadcast v8, $0x0  }
0x16f: {  	v13 =	vadd.f32 v13, v14;
	v9 =	vadd.f32 v10, v9  }
0x170: {  	v10 =	vshll.u32 v12, $0x10;
	v12 =	vand.u32 $0xFFFF0000, v12;
	v14 =	vor.u32 v0, v8  }
0x171: {  	v10 =	vadd.f32 v10, v13;
	v9 =	vadd.f32 v12, v9;
	v12 =	vor.u32 v1, v8  }
0x172: {  	v13 =	vshll.u32 v11, $0x10  }
0x173: {  	v11 =	vand.u32 $0xFFFF0000, v11;
	v10 =	vadd.f32 v13, v10  }
0x174: {  	v9 =	vadd.f32 v11, v9  }
0x175: {  	[tilespmem:v14+s12+$0x0] =	vst.idx.msk $0xffff, v10  }
0x176: {  	[tilespmem:v12+s12+$0x0] =	vst.idx.msk $0xffff, v9  }
0x177: {  	v9 =	vld [tilespmem:s19+$0xFFFFFC10]  }
0x178: {  	v10 =	vld [tilespmem:s19+$0xFFFFFC50];
	_ =	sdelay $0x1  }
0x179: {  	v11 =	vld [tilespmem:s19+$0xFFFFFC90];
	_ =	sdelay $0x1  }
0x17a: {  	v12 =	vand.u32 $0xFFFF0000, v9;
	v13 =	vld [tilespmem:s19+$0xFFFFFCD0]  }
0x17b: {  	v9 =	vshll.u32 v9, $0x10;
	v14 =	vshll.u32 v10, $0x10;
	v10 =	vand.u32 $0xFFFF0000, v10  }
0x17c: {  	v9 =	vadd.f32 v14, v9;
	v10 =	vadd.f32 v10, v12;
	v12 =	vld [tilespmem:s19+$0xFFFFFD10]  }
0x17d: {  	v14 =	vshll.u32 v11, $0x10;
	v11 =	vand.u32 $0xFFFF0000, v11  }
0x17e: {  	v9 =	vadd.f32 v14, v9;
	v10 =	vadd.f32 v11, v10;
	v11 =	vld [tilespmem:s19+$0xFFFFFD50]  }
0x17f: {  	v14 =	vshll.u32 v13, $0x10;
	v13 =	vand.u32 $0xFFFF0000, v13  }
0x180: {  	v9 =	vadd.f32 v14, v9;
	v10 =	vadd.f32 v13, v10;
	v13 =	vld [tilespmem:s19+$0xFFFFFD90]  }
0x181: {  	v14 =	vshll.u32 v12, $0x10;
	v12 =	vand.u32 $0xFFFF0000, v12  }
0x182: {  	v9 =	vadd.f32 v14, v9;
	v10 =	vadd.f32 v12, v10;
	v12 =	vld [tilespmem:s19+$0xFFFFFDD0]  }
0x183: {  	v14 =	vshll.u32 v11, $0x10;
	v11 =	vand.u32 $0xFFFF0000, v11  }
0x184: {  	v9 =	vadd.f32 v14, v9;
	v10 =	vadd.f32 v11, v10;
	v11 =	vld [tilespmem:s19+$0xFFFFFE10]  }
0x185: {  	v14 =	vshll.u32 v13, $0x10;
	v13 =	vand.u32 $0xFFFF0000, v13  }
0x186: {  	v9 =	vadd.f32 v14, v9;
	v10 =	vadd.f32 v13, v10;
	v13 =	vld [tilespmem:s19+$0xFFFFFE50]  }
0x187: {  	v14 =	vshll.u32 v12, $0x10;
	v12 =	vand.u32 $0xFFFF0000, v12  }
0x188: {  	v9 =	vadd.f32 v14, v9;
	v10 =	vadd.f32 v12, v10;
	v12 =	vld [tilespmem:s19+$0xFFFFFE90]  }
0x189: {  	v14 =	vshll.u32 v11, $0x10;
	v11 =	vand.u32 $0xFFFF0000, v11  }
0x18a: {  	v9 =	vadd.f32 v14, v9;
	v10 =	vadd.f32 v11, v10;
	v11 =	vld [tilespmem:s19+$0xFFFFFED0]  }
0x18b: {  	v14 =	vshll.u32 v13, $0x10;
	v13 =	vand.u32 $0xFFFF0000, v13  }
0x18c: {  	v9 =	vadd.f32 v14, v9;
	v10 =	vadd.f32 v13, v10;
	v13 =	vld [tilespmem:s19+$0xFFFFFF10]  }
0x18d: {  	v14 =	vshll.u32 v12, $0x10;
	v12 =	vand.u32 $0xFFFF0000, v12  }
0x18e: {  	v9 =	vadd.f32 v14, v9;
	v10 =	vadd.f32 v12, v10;
	v12 =	vld [tilespmem:s19+$0xFFFFFF50]  }
0x18f: {  	v14 =	vshll.u32 v11, $0x10;
	v11 =	vand.u32 $0xFFFF0000, v11  }
0x190: {  	v9 =	vadd.f32 v14, v9;
	v10 =	vadd.f32 v11, v10;
	v11 =	vld [tilespmem:s19+$0xFFFFFF90]  }
0x191: {  	v14 =	vshll.u32 v13, $0x10;
	v13 =	vand.u32 $0xFFFF0000, v13  }
0x192: {  	v9 =	vadd.f32 v14, v9;
	v10 =	vadd.f32 v13, v10;
	v13 =	vld [tilespmem:s19+$0xFFFFFFD0]  }
0x193: {  	v14 =	vshll.u32 v12, $0x10;
	v12 =	vand.u32 $0xFFFF0000, v12  }
0x194: {  	v9 =	vadd.f32 v14, v9;
	v10 =	vadd.f32 v12, v10;
	v12 =	vld [tilespmem:s19+$0x10]  }
0x195: {  	v14 =	vshll.u32 v11, $0x10;
	v11 =	vand.u32 $0xFFFF0000, v11  }
0x196: {  	v9 =	vadd.f32 v14, v9;
	v10 =	vadd.f32 v11, v10;
	v11 =	vld [tilespmem:s19+$0x50]  }
0x197: {  	v14 =	vshll.u32 v13, $0x10;
	v13 =	vand.u32 $0xFFFF0000, v13  }
0x198: {  	v9 =	vadd.f32 v14, v9;
	v10 =	vadd.f32 v13, v10;
	v13 =	vld [tilespmem:s19+$0x90]  }
0x199: {  	v14 =	vshll.u32 v12, $0x10;
	v12 =	vand.u32 $0xFFFF0000, v12  }
0x19a: {  	v9 =	vadd.f32 v14, v9;
	v10 =	vadd.f32 v12, v10;
	v12 =	vld [tilespmem:s19+$0xD0]  }
0x19b: {  	v14 =	vshll.u32 v11, $0x10;
	v11 =	vand.u32 $0xFFFF0000, v11  }
0x19c: {  	v9 =	vadd.f32 v14, v9;
	v10 =	vadd.f32 v11, v10;
	v11 =	vld [tilespmem:s19+$0x110]  }
0x19d: {  	v14 =	vshll.u32 v13, $0x10;
	v13 =	vand.u32 $0xFFFF0000, v13  }
0x19e: {  	v9 =	vadd.f32 v14, v9;
	v10 =	vadd.f32 v13, v10;
	v13 =	vld [tilespmem:s19+$0x150]  }
0x19f: {  	v14 =	vshll.u32 v12, $0x10;
	v12 =	vand.u32 $0xFFFF0000, v12  }
0x1a0: {  	v9 =	vadd.f32 v14, v9;
	v10 =	vadd.f32 v12, v10;
	v12 =	vld [tilespmem:s19+$0x190]  }
0x1a1: {  	v14 =	vshll.u32 v11, $0x10;
	v11 =	vand.u32 $0xFFFF0000, v11  }
0x1a2: {  	v9 =	vadd.f32 v14, v9;
	v10 =	vadd.f32 v11, v10;
	v11 =	vld [tilespmem:s19+$0x1D0]  }
0x1a3: {  	v14 =	vshll.u32 v13, $0x10;
	v13 =	vand.u32 $0xFFFF0000, v13  }
0x1a4: {  	v9 =	vadd.f32 v14, v9;
	v10 =	vadd.f32 v13, v10;
	v13 =	vld [tilespmem:s19+$0x210]  }
0x1a5: {  	v14 =	vshll.u32 v12, $0x10;
	v12 =	vand.u32 $0xFFFF0000, v12  }
0x1a6: {  	v9 =	vadd.f32 v14, v9;
	v10 =	vadd.f32 v12, v10;
	v12 =	vld [tilespmem:s19+$0x250]  }
0x1a7: {  	v14 =	vshll.u32 v11, $0x10;
	v11 =	vand.u32 $0xFFFF0000, v11  }
0x1a8: {  	v9 =	vadd.f32 v14, v9;
	v10 =	vadd.f32 v11, v10;
	v11 =	vld [tilespmem:s19+$0x290]  }
0x1a9: {  	v14 =	vshll.u32 v13, $0x10;
	v13 =	vand.u32 $0xFFFF0000, v13  }
0x1aa: {  	v9 =	vadd.f32 v14, v9;
	v10 =	vadd.f32 v13, v10;
	v13 =	vld [tilespmem:s19+$0x2D0]  }
0x1ab: {  	v14 =	vshll.u32 v12, $0x10;
	v12 =	vand.u32 $0xFFFF0000, v12  }
0x1ac: {  	v9 =	vadd.f32 v14, v9;
	v10 =	vadd.f32 v12, v10;
	v12 =	vld [tilespmem:s19+$0x310]  }
0x1ad: {  	v14 =	vshll.u32 v11, $0x10;
	v11 =	vand.u32 $0xFFFF0000, v11  }
0x1ae: {  	v9 =	vadd.f32 v14, v9;
	v10 =	vadd.f32 v11, v10;
	v11 =	vld [tilespmem:s19+$0x350]  }
0x1af: {  	v14 =	vshll.u32 v13, $0x10;
	v13 =	vand.u32 $0xFFFF0000, v13  }
0x1b0: {  	v9 =	vadd.f32 v14, v9;
	v10 =	vadd.f32 v13, v10;
	v13 =	vld [tilespmem:s19+$0x390]  }
0x1b1: {  	v14 =	vshll.u32 v12, $0x10;
	v12 =	vand.u32 $0xFFFF0000, v12  }
0x1b2: {  	v9 =	vadd.f32 v14, v9;
	v10 =	vadd.f32 v12, v10;
	v12 =	vld [tilespmem:s19+$0x3D0]  }
0x1b3: {  	v14 =	vshll.u32 v11, $0x10;
	v11 =	vand.u32 $0xFFFF0000, v11  }
0x1b4: {  	v9 =	vadd.f32 v14, v9;
	v10 =	vadd.f32 v11, v10  }
0x1b5: {  	v14 =	vor.u32 v2, v8;
	v11 =	vshll.u32 v13, $0x10;
	v13 =	vand.u32 $0xFFFF0000, v13  }
0x1b6: {  	v9 =	vadd.f32 v11, v9;
	v10 =	vadd.f32 v13, v10;
	v11 =	vor.u32 v3, v8  }
0x1b7: {  	v13 =	vshll.u32 v12, $0x10  }
0x1b8: {  	v12 =	vand.u32 $0xFFFF0000, v12;
	v9 =	vadd.f32 v13, v9  }
0x1b9: {  	v10 =	vadd.f32 v12, v10  }
0x1ba: {  	[tilespmem:v14+s12+$0x0] =	vst.idx.msk $0xffff, v9  }
0x1bb: {  	[tilespmem:v11+s12+$0x0] =	vst.idx.msk $0xffff, v10  }
0x1bc: {  	v9 =	vld [tilespmem:s19+$0xFFFFFC20]  }
0x1bd: {  	v10 =	vld [tilespmem:s19+$0xFFFFFC60];
	_ =	sdelay $0x1  }
0x1be: {  	v11 =	vld [tilespmem:s19+$0xFFFFFCA0];
	_ =	sdelay $0x1  }
0x1bf: {  	v12 =	vshll.u32 v9, $0x10;
	v13 =	vld [tilespmem:s19+$0xFFFFFCE0]  }
0x1c0: {  	v9 =	vand.u32 $0xFFFF0000, v9;
	v14 =	vshll.u32 v10, $0x10;
	v10 =	vand.u32 $0xFFFF0000, v10  }
0x1c1: {  	v12 =	vadd.f32 v14, v12;
	v9 =	vadd.f32 v10, v9;
	v10 =	vld [tilespmem:s19+$0xFFFFFD20]  }
0x1c2: {  	v14 =	vshll.u32 v11, $0x10;
	v11 =	vand.u32 $0xFFFF0000, v11  }
0x1c3: {  	v12 =	vadd.f32 v14, v12;
	v9 =	vadd.f32 v11, v9;
	v11 =	vld [tilespmem:s19+$0xFFFFFD60]  }
0x1c4: {  	v14 =	vshll.u32 v13, $0x10;
	v13 =	vand.u32 $0xFFFF0000, v13  }
0x1c5: {  	v12 =	vadd.f32 v14, v12;
	v9 =	vadd.f32 v13, v9;
	v13 =	vld [tilespmem:s19+$0xFFFFFDA0]  }
0x1c6: {  	v14 =	vshll.u32 v10, $0x10;
	v10 =	vand.u32 $0xFFFF0000, v10  }
0x1c7: {  	v12 =	vadd.f32 v14, v12;
	v9 =	vadd.f32 v10, v9;
	v10 =	vld [tilespmem:s19+$0xFFFFFDE0]  }
0x1c8: {  	v14 =	vshll.u32 v11, $0x10;
	v11 =	vand.u32 $0xFFFF0000, v11  }
0x1c9: {  	v12 =	vadd.f32 v14, v12;
	v9 =	vadd.f32 v11, v9;
	v11 =	vld [tilespmem:s19+$0xFFFFFE20]  }
0x1ca: {  	v14 =	vshll.u32 v13, $0x10;
	v13 =	vand.u32 $0xFFFF0000, v13  }
0x1cb: {  	v12 =	vadd.f32 v14, v12;
	v9 =	vadd.f32 v13, v9;
	v13 =	vld [tilespmem:s19+$0xFFFFFE60]  }
0x1cc: {  	v14 =	vshll.u32 v10, $0x10;
	v10 =	vand.u32 $0xFFFF0000, v10  }
0x1cd: {  	v12 =	vadd.f32 v14, v12;
	v9 =	vadd.f32 v10, v9;
	v10 =	vld [tilespmem:s19+$0xFFFFFEA0]  }
0x1ce: {  	v14 =	vshll.u32 v11, $0x10;
	v11 =	vand.u32 $0xFFFF0000, v11  }
0x1cf: {  	v12 =	vadd.f32 v14, v12;
	v9 =	vadd.f32 v11, v9;
	v11 =	vld [tilespmem:s19+$0xFFFFFEE0]  }
0x1d0: {  	v14 =	vshll.u32 v13, $0x10;
	v13 =	vand.u32 $0xFFFF0000, v13  }
0x1d1: {  	v12 =	vadd.f32 v14, v12;
	v9 =	vadd.f32 v13, v9;
	v13 =	vld [tilespmem:s19+$0xFFFFFF20]  }
0x1d2: {  	v14 =	vshll.u32 v10, $0x10;
	v10 =	vand.u32 $0xFFFF0000, v10  }
0x1d3: {  	v12 =	vadd.f32 v14, v12;
	v9 =	vadd.f32 v10, v9;
	v10 =	vld [tilespmem:s19+$0xFFFFFF60]  }
0x1d4: {  	v14 =	vshll.u32 v11, $0x10;
	v11 =	vand.u32 $0xFFFF0000, v11  }
0x1d5: {  	v12 =	vadd.f32 v14, v12;
	v9 =	vadd.f32 v11, v9;
	v11 =	vld [tilespmem:s19+$0xFFFFFFA0]  }
0x1d6: {  	v14 =	vshll.u32 v13, $0x10;
	v13 =	vand.u32 $0xFFFF0000, v13  }
0x1d7: {  	v12 =	vadd.f32 v14, v12;
	v9 =	vadd.f32 v13, v9;
	v13 =	vld [tilespmem:s19+$0xFFFFFFE0]  }
0x1d8: {  	v14 =	vshll.u32 v10, $0x10;
	v10 =	vand.u32 $0xFFFF0000, v10  }
0x1d9: {  	v12 =	vadd.f32 v14, v12;
	v9 =	vadd.f32 v10, v9;
	v10 =	vld [tilespmem:s19+$0x20]  }
0x1da: {  	v14 =	vshll.u32 v11, $0x10;
	v11 =	vand.u32 $0xFFFF0000, v11  }
0x1db: {  	v12 =	vadd.f32 v14, v12;
	v9 =	vadd.f32 v11, v9;
	v11 =	vld [tilespmem:s19+$0x60]  }
0x1dc: {  	v14 =	vshll.u32 v13, $0x10;
	v13 =	vand.u32 $0xFFFF0000, v13  }
0x1dd: {  	v12 =	vadd.f32 v14, v12;
	v9 =	vadd.f32 v13, v9;
	v13 =	vld [tilespmem:s19+$0xA0]  }
0x1de: {  	v14 =	vshll.u32 v10, $0x10;
	v10 =	vand.u32 $0xFFFF0000, v10  }
0x1df: {  	v12 =	vadd.f32 v14, v12;
	v9 =	vadd.f32 v10, v9;
	v10 =	vld [tilespmem:s19+$0xE0]  }
0x1e0: {  	v14 =	vshll.u32 v11, $0x10;
	v11 =	vand.u32 $0xFFFF0000, v11  }
0x1e1: {  	v12 =	vadd.f32 v14, v12;
	v9 =	vadd.f32 v11, v9;
	v11 =	vld [tilespmem:s19+$0x120]  }
0x1e2: {  	v14 =	vshll.u32 v13, $0x10;
	v13 =	vand.u32 $0xFFFF0000, v13  }
0x1e3: {  	v12 =	vadd.f32 v14, v12;
	v9 =	vadd.f32 v13, v9;
	v13 =	vld [tilespmem:s19+$0x160]  }
0x1e4: {  	v14 =	vshll.u32 v10, $0x10;
	v10 =	vand.u32 $0xFFFF0000, v10  }
0x1e5: {  	v12 =	vadd.f32 v14, v12;
	v9 =	vadd.f32 v10, v9;
	v10 =	vld [tilespmem:s19+$0x1A0]  }
0x1e6: {  	v14 =	vshll.u32 v11, $0x10;
	v11 =	vand.u32 $0xFFFF0000, v11  }
0x1e7: {  	v12 =	vadd.f32 v14, v12;
	v9 =	vadd.f32 v11, v9;
	v11 =	vld [tilespmem:s19+$0x1E0]  }
0x1e8: {  	v14 =	vshll.u32 v13, $0x10;
	v13 =	vand.u32 $0xFFFF0000, v13  }
0x1e9: {  	v12 =	vadd.f32 v14, v12;
	v9 =	vadd.f32 v13, v9;
	v13 =	vld [tilespmem:s19+$0x220]  }
0x1ea: {  	v14 =	vshll.u32 v10, $0x10;
	v10 =	vand.u32 $0xFFFF0000, v10  }
0x1eb: {  	v12 =	vadd.f32 v14, v12;
	v9 =	vadd.f32 v10, v9;
	v10 =	vld [tilespmem:s19+$0x260]  }
0x1ec: {  	v14 =	vshll.u32 v11, $0x10;
	v11 =	vand.u32 $0xFFFF0000, v11  }
0x1ed: {  	v12 =	vadd.f32 v14, v12;
	v9 =	vadd.f32 v11, v9;
	v11 =	vld [tilespmem:s19+$0x2A0]  }
0x1ee: {  	v14 =	vshll.u32 v13, $0x10;
	v13 =	vand.u32 $0xFFFF0000, v13  }
0x1ef: {  	v12 =	vadd.f32 v14, v12;
	v9 =	vadd.f32 v13, v9;
	v13 =	vld [tilespmem:s19+$0x2E0]  }
0x1f0: {  	v14 =	vshll.u32 v10, $0x10;
	v10 =	vand.u32 $0xFFFF0000, v10  }
0x1f1: {  	v12 =	vadd.f32 v14, v12;
	v9 =	vadd.f32 v10, v9;
	v10 =	vld [tilespmem:s19+$0x320]  }
0x1f2: {  	v14 =	vshll.u32 v11, $0x10;
	v11 =	vand.u32 $0xFFFF0000, v11  }
0x1f3: {  	v12 =	vadd.f32 v14, v12;
	v9 =	vadd.f32 v11, v9;
	v11 =	vld [tilespmem:s19+$0x360]  }
0x1f4: {  	v14 =	vshll.u32 v13, $0x10;
	v13 =	vand.u32 $0xFFFF0000, v13  }
0x1f5: {  	v12 =	vadd.f32 v14, v12;
	v9 =	vadd.f32 v13, v9;
	v13 =	vld [tilespmem:s19+$0x3A0]  }
0x1f6: {  	v14 =	vshll.u32 v10, $0x10;
	v10 =	vand.u32 $0xFFFF0000, v10  }
0x1f7: {  	v12 =	vadd.f32 v14, v12;
	v9 =	vadd.f32 v10, v9;
	v10 =	vld [tilespmem:s19+$0x3E0]  }
0x1f8: {  	v14 =	vshll.u32 v11, $0x10;
	v11 =	vand.u32 $0xFFFF0000, v11  }
0x1f9: {  	v12 =	vadd.f32 v14, v12;
	v9 =	vadd.f32 v11, v9  }
0x1fa: {  	v14 =	vor.u32 v4, v8;
	v11 =	vshll.u32 v13, $0x10;
	v13 =	vand.u32 $0xFFFF0000, v13  }
0x1fb: {  	v11 =	vadd.f32 v11, v12;
	v9 =	vadd.f32 v13, v9;
	v12 =	vor.u32 v5, v8  }
0x1fc: {  	v13 =	vshll.u32 v10, $0x10  }
0x1fd: {  	v10 =	vand.u32 $0xFFFF0000, v10;
	v11 =	vadd.f32 v13, v11  }
0x1fe: {  	v9 =	vadd.f32 v10, v9  }
0x1ff: {  	[tilespmem:v14+s12+$0x0] =	vst.idx.msk $0xffff, v11  }
0x200: {  	[tilespmem:v12+s12+$0x0] =	vst.idx.msk $0xffff, v9  }
0x201: {  	v9 =	vld [tilespmem:s19+$0xFFFFFC30]  }
0x202: {  	v10 =	vld [tilespmem:s19+$0xFFFFFC70]  }
0x203: {  	v11 =	vld [tilespmem:s19+$0xFFFFFCB0]  }
0x204: {  	v12 =	vld [tilespmem:s19+$0xFFFFFCF0]  }
0x205: {  	v13 =	vld [tilespmem:s19+$0xFFFFFD30]  }
0x206: {  	v14 =	vshll.u32 v9, $0x10;
	v9 =	vand.u32 $0xFFFF0000, v9;
	v15 =	vld [tilespmem:s19+$0xFFFFFD70]  }
0x207: {  	v16 =	vshll.u32 v10, $0x10;
	v10 =	vand.u32 $0xFFFF0000, v10;
	v17 =	vld [tilespmem:s19+$0xFFFFFDB0]  }
0x208: {  	v14 =	vadd.f32 v16, v14;
	v9 =	vadd.f32 v10, v9;
	v10 =	vshll.u32 v11, $0x10;
	v16 =	vld [tilespmem:s19+$0xFFFFFDF0]  }
0x209: {  	v11 =	vand.u32 $0xFFFF0000, v11;
	v18 =	vld [tilespmem:s19+$0xFFFFFE30]  }
0x20a: {  	v10 =	vadd.f32 v10, v14;
	v9 =	vadd.f32 v11, v9;
	v11 =	vshll.u32 v12, $0x10;
	v14 =	vld [tilespmem:s19+$0xFFFFFE70]  }
0x20b: {  	v12 =	vand.u32 $0xFFFF0000, v12;
	v19 =	vld [tilespmem:s19+$0xFFFFFEB0]  }
0x20c: {  	v10 =	vadd.f32 v11, v10;
	v9 =	vadd.f32 v12, v9;
	v11 =	vshll.u32 v13, $0x10;
	v12 =	vld [tilespmem:s19+$0xFFFFFEF0]  }
0x20d: {  	v13 =	vand.u32 $0xFFFF0000, v13;
	v20 =	vld [tilespmem:s19+$0xFFFFFF30]  }
0x20e: {  	v10 =	vadd.f32 v11, v10;
	v9 =	vadd.f32 v13, v9;
	v11 =	vshll.u32 v15, $0x10;
	v13 =	vld [tilespmem:s19+$0xFFFFFF70]  }
0x20f: {  	v15 =	vand.u32 $0xFFFF0000, v15;
	v21 =	vld [tilespmem:s19+$0xFFFFFFB0]  }
0x210: {  	v10 =	vadd.f32 v11, v10;
	v9 =	vadd.f32 v15, v9;
	v11 =	vshll.u32 v17, $0x10;
	v15 =	vld [tilespmem:s19+$0xFFFFFFF0]  }
0x211: {  	v17 =	vand.u32 $0xFFFF0000, v17;
	v22 =	vld [tilespmem:s19+$0x30]  }
0x212: {  	v10 =	vadd.f32 v11, v10;
	v9 =	vadd.f32 v17, v9;
	v11 =	vshll.u32 v16, $0x10;
	v17 =	vld [tilespmem:s19+$0x70]  }
0x213: {  	v16 =	vand.u32 $0xFFFF0000, v16;
	v23 =	vld [tilespmem:s19+$0xB0]  }
0x214: {  	v10 =	vadd.f32 v11, v10;
	v9 =	vadd.f32 v16, v9;
	v11 =	vshll.u32 v18, $0x10;
	v16 =	vld [tilespmem:s19+$0xF0]  }
0x215: {  	v18 =	vand.u32 $0xFFFF0000, v18;
	v24 =	vld [tilespmem:s19+$0x130]  }
0x216: {  	v10 =	vadd.f32 v11, v10;
	v9 =	vadd.f32 v18, v9;
	v11 =	vshll.u32 v14, $0x10;
	v18 =	vld [tilespmem:s19+$0x170]  }
0x217: {  	v14 =	vand.u32 $0xFFFF0000, v14;
	v25 =	vld [tilespmem:s19+$0x1B0]  }
0x218: {  	v10 =	vadd.f32 v11, v10;
	v9 =	vadd.f32 v14, v9;
	v11 =	vshll.u32 v19, $0x10;
	v14 =	vld [tilespmem:s19+$0x1F0]  }
0x219: {  	v19 =	vand.u32 $0xFFFF0000, v19;
	v26 =	vld [tilespmem:s19+$0x230]  }
0x21a: {  	v10 =	vadd.f32 v11, v10;
	v9 =	vadd.f32 v19, v9;
	v11 =	vshll.u32 v12, $0x10;
	v19 =	vld [tilespmem:s19+$0x270]  }
0x21b: {  	v12 =	vand.u32 $0xFFFF0000, v12;
	v27 =	vld [tilespmem:s19+$0x2B0]  }
0x21c: {  	v10 =	vadd.f32 v11, v10;
	v9 =	vadd.f32 v12, v9;
	v11 =	vshll.u32 v20, $0x10;
	v12 =	vld [tilespmem:s19+$0x2F0]  }
0x21d: {  	v20 =	vand.u32 $0xFFFF0000, v20;
	v28 =	vld [tilespmem:s19+$0x330]  }
0x21e: {  	v10 =	vadd.f32 v11, v10;
	v9 =	vadd.f32 v20, v9;
	v11 =	vshll.u32 v13, $0x10;
	v20 =	vld [tilespmem:s19+$0x370]  }
0x21f: {  	v13 =	vand.u32 $0xFFFF0000, v13;
	v29 =	vld [tilespmem:s19+$0x3B0]  }
0x220: {  	v10 =	vadd.f32 v11, v10;
	v9 =	vadd.f32 v13, v9;
	v11 =	vshll.u32 v21, $0x10;
	v13 =	vld [tilespmem:s19+$0x3F0]  }
0x221: {  	v21 =	vand.u32 $0xFFFF0000, v21  }
0x222: {  	v10 =	vadd.f32 v11, v10;
	v9 =	vadd.f32 v21, v9;
	v11 =	vshll.u32 v15, $0x10  }
0x223: {  	v15 =	vand.u32 $0xFFFF0000, v15  }
0x224: {  	v10 =	vadd.f32 v11, v10;
	v11 =	vadd.f32 v15, v9;
	v15 =	vshll.u32 v22, $0x10  }
0x225: {  	v21 =	vand.u32 $0xFFFF0000, v22;
	v9 =	vand.u32 $0xFFFF0000, v13  }
0x226: {  	v10 =	vadd.f32 v15, v10;
	v11 =	vadd.f32 v21, v11;
	v15 =	vshll.u32 v17, $0x10  }
0x227: {  	v17 =	vand.u32 $0xFFFF0000, v17  }
0x228: {  	v10 =	vadd.f32 v15, v10;
	v11 =	vadd.f32 v17, v11;
	v15 =	vshll.u32 v23, $0x10  }
0x229: {  	v17 =	vand.u32 $0xFFFF0000, v23  }
0x22a: {  	v10 =	vadd.f32 v15, v10;
	v11 =	vadd.f32 v17, v11;
	v15 =	vshll.u32 v16, $0x10  }
0x22b: {  	v16 =	vand.u32 $0xFFFF0000, v16  }
0x22c: {  	v10 =	vadd.f32 v15, v10;
	v11 =	vadd.f32 v16, v11;
	v15 =	vshll.u32 v24, $0x10  }
0x22d: {  	v16 =	vand.u32 $0xFFFF0000, v24  }
0x22e: {  	v10 =	vadd.f32 v15, v10;
	v11 =	vadd.f32 v16, v11;
	v15 =	vshll.u32 v18, $0x10  }
0x22f: {  	v16 =	vand.u32 $0xFFFF0000, v18  }
0x230: {  	v10 =	vadd.f32 v15, v10;
	v11 =	vadd.f32 v16, v11;
	v15 =	vshll.u32 v25, $0x10  }
0x231: {  	v16 =	vand.u32 $0xFFFF0000, v25  }
0x232: {  	v10 =	vadd.f32 v15, v10;
	v11 =	vadd.f32 v16, v11;
	v15 =	vshll.u32 v14, $0x10  }
0x233: {  	v14 =	vand.u32 $0xFFFF0000, v14  }
0x234: {  	v10 =	vadd.f32 v15, v10;
	v11 =	vadd.f32 v14, v11;
	v14 =	vshll.u32 v26, $0x10  }
0x235: {  	v15 =	vand.u32 $0xFFFF0000, v26  }
0x236: {  	v10 =	vadd.f32 v14, v10;
	v11 =	vadd.f32 v15, v11;
	v14 =	vshll.u32 v19, $0x10  }
0x237: {  	v15 =	vand.u32 $0xFFFF0000, v19  }
0x238: {  	v10 =	vadd.f32 v14, v10;
	v11 =	vadd.f32 v15, v11;
	v14 =	vshll.u32 v27, $0x10  }
0x239: {  	v15 =	vand.u32 $0xFFFF0000, v27  }
0x23a: {  	v10 =	vadd.f32 v14, v10;
	v11 =	vadd.f32 v15, v11;
	v14 =	vshll.u32 v12, $0x10  }
0x23b: {  	v12 =	vand.u32 $0xFFFF0000, v12  }
0x23c: {  	v10 =	vadd.f32 v14, v10;
	v11 =	vadd.f32 v12, v11;
	v12 =	vshll.u32 v28, $0x10  }
0x23d: {  	v14 =	vand.u32 $0xFFFF0000, v28  }
.Ltmp2:
0x23e: {  	v12 =	vadd.f32 v12, v10;
	v11 =	vadd.f32 v14, v11;
	v14 =	vshll.u32 v20, $0x10;
	(pc) =	sbr.rel @p0 .LBB2_3-.Ltmp2, $4  }
0x23f: {  	v15 =	vand.u32 $0xFFFF0000, v20;
	v10 =	vor.u32 v6, v8  }
0x240: {  	v12 =	vadd.f32 v14, v12;
	v14 =	vadd.f32 v15, v11;
	v11 =	vshll.u32 v29, $0x10  }
0x241: {  	v8 =	vor.u32 v7, v8;
	v15 =	vand.u32 $0xFFFF0000, v29  }
0x242: {  	v13 =	vshll.u32 v13, $0x10;
	v11 =	vadd.f32 v11, v12;
	v12 =	vadd.f32 v15, v14  }
0x243: {  	_ =	sdelay $0x1  }
0x244: {  	v11 =	vadd.f32 v13, v11  }
0x245: {  	s19 =	sshll.u32 s18, $0xA;
	p0 =	seq.s32 s18, $0x3F;
	v9 =	vadd.f32 v9, v12  }
0x246: {  	s20 =	sshrl.u32 @!p0 s19, $0x2;
	[tilespmem:v10+s12+$0x0] =	vst.idx.msk $0xffff, v11  }
0x247: {  	s21 =	simm.s32 @!p0 $0x80;
	s22 =	simm.s32 @!p0 $0x4000;
	s20 =	sadd.s32 @!p0 $0x100, s20;
	[tilespmem:v8+s12+$0x0] =	vst.idx.msk $0xffff, v9  }
0x248: {  	[tilespmem:s22], [sflag:$0x1] =	stream.indirect.gather @!p0 [hbm4b:s3+s21], $0x40, s20, s21, $0xb8;
	[tilespmem:$0x18000] =	vst v63  }
0x249: {  	_ =	swait.ge [sflag:s13], $0x2000  }
0x24a: {  	[sflag:s13] =	ssyncset.done $0x0  }
0x24b: {  	s20 =	simm.s32 $0x67F0;
	[sflag:s13] =	ssyncadd.s32 $0xFFFFE000  }
0x24c: {  	v8 =	vld [tilespmem:s20+$0xFFFFF810]  }
0x24d: {  	v9 =	vld [tilespmem:s20+$0xFFFFF850];
	_ =	sdelay $0x1  }
0x24e: {  	v10 =	vld [tilespmem:s20+$0xFFFFF890];
	_ =	sdelay $0x1  }
0x24f: {  	v11 =	vld [tilespmem:s20+$0xFFFFF8D0]  }
0x250: {  	v12 =	vshll.u32 v8, $0x10;
	v13 =	vshll.u32 v9, $0x10  }
0x251: {  	v8 =	vand.u32 $0xFFFF0000, v8;
	v9 =	vand.u32 $0xFFFF0000, v9;
	v12 =	vadd.f32 v13, v12;
	v13 =	vld [tilespmem:s20+$0xFFFFF910]  }
0x252: {  	v8 =	vadd.f32 v9, v8;
	v9 =	vshll.u32 v10, $0x10  }
0x253: {  	v10 =	vand.u32 $0xFFFF0000, v10;
	v9 =	vadd.f32 v9, v12;
	v12 =	vld [tilespmem:s20+$0xFFFFF950]  }
0x254: {  	v8 =	vadd.f32 v10, v8;
	v10 =	vshll.u32 v11, $0x10  }
0x255: {  	v11 =	vand.u32 $0xFFFF0000, v11;
	v9 =	vadd.f32 v10, v9;
	v10 =	vld [tilespmem:s20+$0xFFFFF990]  }
0x256: {  	v8 =	vadd.f32 v11, v8;
	v11 =	vshll.u32 v13, $0x10  }
0x257: {  	v13 =	vand.u32 $0xFFFF0000, v13;
	v9 =	vadd.f32 v11, v9;
	v11 =	vld [tilespmem:s20+$0xFFFFF9D0]  }
0x258: {  	v8 =	vadd.f32 v13, v8;
	v13 =	vshll.u32 v12, $0x10  }
0x259: {  	v12 =	vand.u32 $0xFFFF0000, v12;
	v9 =	vadd.f32 v13, v9;
	v13 =	vld [tilespmem:s20+$0xFFFFFA10]  }
0x25a: {  	v8 =	vadd.f32 v12, v8;
	v12 =	vshll.u32 v10, $0x10  }
0x25b: {  	v10 =	vand.u32 $0xFFFF0000, v10;
	v9 =	vadd.f32 v12, v9;
	v12 =	vld [tilespmem:s20+$0xFFFFFA50]  }
0x25c: {  	v8 =	vadd.f32 v10, v8;
	v10 =	vshll.u32 v11, $0x10  }
0x25d: {  	v11 =	vand.u32 $0xFFFF0000, v11;
	v9 =	vadd.f32 v10, v9;
	v10 =	vld [tilespmem:s20+$0xFFFFFA90]  }
0x25e: {  	v8 =	vadd.f32 v11, v8;
	v11 =	vshll.u32 v13, $0x10  }
0x25f: {  	v13 =	vand.u32 $0xFFFF0000, v13;
	v9 =	vadd.f32 v11, v9;
	v11 =	vld [tilespmem:s20+$0xFFFFFAD0]  }
0x260: {  	v8 =	vadd.f32 v13, v8;
	v13 =	vshll.u32 v12, $0x10  }
0x261: {  	v12 =	vand.u32 $0xFFFF0000, v12;
	v9 =	vadd.f32 v13, v9;
	v13 =	vld [tilespmem:s20+$0xFFFFFB10]  }
0x262: {  	v8 =	vadd.f32 v12, v8;
	v12 =	vshll.u32 v10, $0x10  }
0x263: {  	v10 =	vand.u32 $0xFFFF0000, v10;
	v9 =	vadd.f32 v12, v9;
	v12 =	vld [tilespmem:s20+$0xFFFFFB50]  }
0x264: {  	v8 =	vadd.f32 v10, v8;
	v10 =	vshll.u32 v11, $0x10  }
0x265: {  	v11 =	vand.u32 $0xFFFF0000, v11;
	v9 =	vadd.f32 v10, v9;
	v10 =	vld [tilespmem:s20+$0xFFFFFB90]  }
0x266: {  	v8 =	vadd.f32 v11, v8;
	v11 =	vshll.u32 v13, $0x10  }
0x267: {  	v13 =	vand.u32 $0xFFFF0000, v13;
	v9 =	vadd.f32 v11, v9;
	v11 =	vld [tilespmem:s20+$0xFFFFFBD0]  }
0x268: {  	v8 =	vadd.f32 v13, v8;
	v13 =	vshll.u32 v12, $0x10  }
0x269: {  	v12 =	vand.u32 $0xFFFF0000, v12;
	v9 =	vadd.f32 v13, v9;
	v13 =	vld [tilespmem:s20+$0xFFFFFC10]  }
0x26a: {  	v8 =	vadd.f32 v12, v8;
	v12 =	vshll.u32 v10, $0x10  }
0x26b: {  	v10 =	vand.u32 $0xFFFF0000, v10;
	v9 =	vadd.f32 v12, v9;
	v12 =	vld [tilespmem:s20+$0xFFFFFC50]  }
0x26c: {  	v8 =	vadd.f32 v10, v8;
	v10 =	vshll.u32 v11, $0x10  }
0x26d: {  	v11 =	vand.u32 $0xFFFF0000, v11;
	v9 =	vadd.f32 v10, v9;
	v10 =	vld [tilespmem:s20+$0xFFFFFC90]  }
0x26e: {  	v8 =	vadd.f32 v11, v8;
	v11 =	vshll.u32 v13, $0x10  }
0x26f: {  	v13 =	vand.u32 $0xFFFF0000, v13;
	v9 =	vadd.f32 v11, v9;
	v11 =	vld [tilespmem:s20+$0xFFFFFCD0]  }
0x270: {  	v8 =	vadd.f32 v13, v8;
	v13 =	vshll.u32 v12, $0x10  }
0x271: {  	v12 =	vand.u32 $0xFFFF0000, v12;
	v9 =	vadd.f32 v13, v9;
	v13 =	vld [tilespmem:s20+$0xFFFFFD10]  }
0x272: {  	v8 =	vadd.f32 v12, v8;
	v12 =	vshll.u32 v10, $0x10  }
0x273: {  	v10 =	vand.u32 $0xFFFF0000, v10;
	v9 =	vadd.f32 v12, v9;
	v12 =	vld [tilespmem:s20+$0xFFFFFD50]  }
0x274: {  	v8 =	vadd.f32 v10, v8;
	v10 =	vshll.u32 v11, $0x10  }
0x275: {  	v11 =	vand.u32 $0xFFFF0000, v11;
	v9 =	vadd.f32 v10, v9;
	v10 =	vld [tilespmem:s20+$0xFFFFFD90]  }
0x276: {  	v8 =	vadd.f32 v11, v8;
	v11 =	vshll.u32 v13, $0x10  }
0x277: {  	v13 =	vand.u32 $0xFFFF0000, v13;
	v9 =	vadd.f32 v11, v9;
	v11 =	vld [tilespmem:s20+$0xFFFFFDD0]  }
0x278: {  	v8 =	vadd.f32 v13, v8;
	v13 =	vshll.u32 v12, $0x10  }
0x279: {  	v12 =	vand.u32 $0xFFFF0000, v12;
	v9 =	vadd.f32 v13, v9;
	v13 =	vld [tilespmem:s20+$0xFFFFFE10]  }
0x27a: {  	v8 =	vadd.f32 v12, v8;
	v12 =	vshll.u32 v10, $0x10  }
0x27b: {  	v10 =	vand.u32 $0xFFFF0000, v10;
	v9 =	vadd.f32 v12, v9;
	v12 =	vld [tilespmem:s20+$0xFFFFFE50]  }
0x27c: {  	v8 =	vadd.f32 v10, v8;
	v10 =	vshll.u32 v11, $0x10  }
0x27d: {  	v11 =	vand.u32 $0xFFFF0000, v11;
	v9 =	vadd.f32 v10, v9;
	v10 =	vld [tilespmem:s20+$0xFFFFFE90]  }
0x27e: {  	v8 =	vadd.f32 v11, v8;
	v11 =	vshll.u32 v13, $0x10  }
0x27f: {  	v13 =	vand.u32 $0xFFFF0000, v13;
	v9 =	vadd.f32 v11, v9;
	v11 =	vld [tilespmem:s20+$0xFFFFFED0]  }
0x280: {  	v8 =	vadd.f32 v13, v8;
	v13 =	vshll.u32 v12, $0x10  }
0x281: {  	v12 =	vand.u32 $0xFFFF0000, v12;
	v9 =	vadd.f32 v13, v9;
	v13 =	vld [tilespmem:s20+$0xFFFFFF10]  }
0x282: {  	v8 =	vadd.f32 v12, v8;
	v12 =	vshll.u32 v10, $0x10  }
0x283: {  	v10 =	vand.u32 $0xFFFF0000, v10;
	v9 =	vadd.f32 v12, v9;
	v12 =	vld [tilespmem:s20+$0xFFFFFF50]  }
0x284: {  	v8 =	vadd.f32 v10, v8;
	v10 =	vshll.u32 v11, $0x10  }
0x285: {  	s31 =	sadd.s32 $0x0, s16;
	v11 =	vand.u32 $0xFFFF0000, v11;
	v9 =	vadd.f32 v10, v9;
	v10 =	vld [tilespmem:s20+$0xFFFFFF90]  }
0x286: {  	v8 =	vadd.f32 v11, v8;
	v11 =	vmov s31;
	v14 =	vshll.u32 v13, $0x10  }
0x287: {  	v13 =	vand.u32 $0xFFFF0000, v13;
	v11 =	vand.u32 $0x1FF, v11;
	v9 =	vadd.f32 v14, v9;
	v14 =	vld [tilespmem:s20+$0xFFFFFFD0]  }
0x288: {  	v13 =	vadd.f32 v13, v8;
	v8 =	vbroadcast v11, $0x0;
	v15 =	vshll.u32 v12, $0x10  }
0x289: {  	v11 =	vand.u32 $0xFFFF0000, v12;
	v9 =	vadd.f32 v15, v9  }
0x28a: {  	v11 =	vadd.f32 v11, v13;
	v13 =	vor.u32 v0, v8;
	v12 =	vshll.u32 v10, $0x10  }
0x28b: {  	v10 =	vand.u32 $0xFFFF0000, v10;
	v9 =	vadd.f32 v12, v9;
	v12 =	vor.u32 v1, v8  }
0x28c: {  	v10 =	vadd.f32 v10, v11;
	v11 =	vshll.u32 v14, $0x10  }
0x28d: {  	v9 =	vadd.f32 v11, v9;
	v11 =	vand.u32 $0xFFFF0000, v14  }
0x28e: {  	v10 =	vadd.f32 v11, v10  }
0x28f: {  	[tilespmem:v13+s12+$0x0] =	vst.idx.msk $0xffff, v9  }
0x290: {  	[tilespmem:v12+s12+$0x0] =	vst.idx.msk $0xffff, v10  }
0x291: {  	v9 =	vld [tilespmem:s20+$0xFFFFF820]  }
0x292: {  	v10 =	vld [tilespmem:s20+$0xFFFFF860];
	_ =	sdelay $0x1  }
0x293: {  	v11 =	vld [tilespmem:s20+$0xFFFFF8A0];
	_ =	sdelay $0x1  }
0x294: {  	v12 =	vld [tilespmem:s20+$0xFFFFF8E0]  }
0x295: {  	v13 =	vshll.u32 v9, $0x10;
	v14 =	vshll.u32 v10, $0x10  }
0x296: {  	v9 =	vand.u32 $0xFFFF0000, v9;
	v10 =	vand.u32 $0xFFFF0000, v10;
	v13 =	vadd.f32 v14, v13;
	v14 =	vld [tilespmem:s20+$0xFFFFF920]  }
0x297: {  	v9 =	vadd.f32 v10, v9;
	v10 =	vshll.u32 v11, $0x10  }
0x298: {  	v11 =	vand.u32 $0xFFFF0000, v11;
	v10 =	vadd.f32 v10, v13;
	v13 =	vld [tilespmem:s20+$0xFFFFF960]  }
0x299: {  	v9 =	vadd.f32 v11, v9;
	v11 =	vshll.u32 v12, $0x10  }
0x29a: {  	v12 =	vand.u32 $0xFFFF0000, v12;
	v10 =	vadd.f32 v11, v10;
	v11 =	vld [tilespmem:s20+$0xFFFFF9A0]  }
0x29b: {  	v9 =	vadd.f32 v12, v9;
	v12 =	vshll.u32 v14, $0x10  }
0x29c: {  	v14 =	vand.u32 $0xFFFF0000, v14;
	v10 =	vadd.f32 v12, v10;
	v12 =	vld [tilespmem:s20+$0xFFFFF9E0]  }
0x29d: {  	v9 =	vadd.f32 v14, v9;
	v14 =	vshll.u32 v13, $0x10  }
0x29e: {  	v13 =	vand.u32 $0xFFFF0000, v13;
	v10 =	vadd.f32 v14, v10;
	v14 =	vld [tilespmem:s20+$0xFFFFFA20]  }
0x29f: {  	v9 =	vadd.f32 v13, v9;
	v13 =	vshll.u32 v11, $0x10  }
0x2a0: {  	v11 =	vand.u32 $0xFFFF0000, v11;
	v10 =	vadd.f32 v13, v10;
	v13 =	vld [tilespmem:s20+$0xFFFFFA60]  }
0x2a1: {  	v9 =	vadd.f32 v11, v9;
	v11 =	vshll.u32 v12, $0x10  }
0x2a2: {  	v12 =	vand.u32 $0xFFFF0000, v12;
	v10 =	vadd.f32 v11, v10;
	v11 =	vld [tilespmem:s20+$0xFFFFFAA0]  }
0x2a3: {  	v9 =	vadd.f32 v12, v9;
	v12 =	vshll.u32 v14, $0x10  }
0x2a4: {  	v14 =	vand.u32 $0xFFFF0000, v14;
	v10 =	vadd.f32 v12, v10;
	v12 =	vld [tilespmem:s20+$0xFFFFFAE0]  }
0x2a5: {  	v9 =	vadd.f32 v14, v9;
	v14 =	vshll.u32 v13, $0x10  }
0x2a6: {  	v13 =	vand.u32 $0xFFFF0000, v13;
	v10 =	vadd.f32 v14, v10;
	v14 =	vld [tilespmem:s20+$0xFFFFFB20]  }
0x2a7: {  	v9 =	vadd.f32 v13, v9;
	v13 =	vshll.u32 v11, $0x10  }
0x2a8: {  	v11 =	vand.u32 $0xFFFF0000, v11;
	v10 =	vadd.f32 v13, v10;
	v13 =	vld [tilespmem:s20+$0xFFFFFB60]  }
0x2a9: {  	v9 =	vadd.f32 v11, v9;
	v11 =	vshll.u32 v12, $0x10  }
0x2aa: {  	v12 =	vand.u32 $0xFFFF0000, v12;
	v10 =	vadd.f32 v11, v10;
	v11 =	vld [tilespmem:s20+$0xFFFFFBA0]  }
0x2ab: {  	v9 =	vadd.f32 v12, v9;
	v12 =	vshll.u32 v14, $0x10  }
0x2ac: {  	v14 =	vand.u32 $0xFFFF0000, v14;
	v10 =	vadd.f32 v12, v10;
	v12 =	vld [tilespmem:s20+$0xFFFFFBE0]  }
0x2ad: {  	v9 =	vadd.f32 v14, v9;
	v14 =	vshll.u32 v13, $0x10  }
0x2ae: {  	v13 =	vand.u32 $0xFFFF0000, v13;
	v10 =	vadd.f32 v14, v10;
	v14 =	vld [tilespmem:s20+$0xFFFFFC20]  }
0x2af: {  	v9 =	vadd.f32 v13, v9;
	v13 =	vshll.u32 v11, $0x10  }
0x2b0: {  	v11 =	vand.u32 $0xFFFF0000, v11;
	v10 =	vadd.f32 v13, v10;
	v13 =	vld [tilespmem:s20+$0xFFFFFC60]  }
0x2b1: {  	v9 =	vadd.f32 v11, v9;
	v11 =	vshll.u32 v12, $0x10  }
0x2b2: {  	v12 =	vand.u32 $0xFFFF0000, v12;
	v10 =	vadd.f32 v11, v10;
	v11 =	vld [tilespmem:s20+$0xFFFFFCA0]  }
0x2b3: {  	v9 =	vadd.f32 v12, v9;
	v12 =	vshll.u32 v14, $0x10  }
0x2b4: {  	v14 =	vand.u32 $0xFFFF0000, v14;
	v10 =	vadd.f32 v12, v10;
	v12 =	vld [tilespmem:s20+$0xFFFFFCE0]  }
0x2b5: {  	v9 =	vadd.f32 v14, v9;
	v14 =	vshll.u32 v13, $0x10  }
0x2b6: {  	v13 =	vand.u32 $0xFFFF0000, v13;
	v10 =	vadd.f32 v14, v10;
	v14 =	vld [tilespmem:s20+$0xFFFFFD20]  }
0x2b7: {  	v9 =	vadd.f32 v13, v9;
	v13 =	vshll.u32 v11, $0x10  }
0x2b8: {  	v11 =	vand.u32 $0xFFFF0000, v11;
	v10 =	vadd.f32 v13, v10;
	v13 =	vld [tilespmem:s20+$0xFFFFFD60]  }
0x2b9: {  	v9 =	vadd.f32 v11, v9;
	v11 =	vshll.u32 v12, $0x10  }
0x2ba: {  	v12 =	vand.u32 $0xFFFF0000, v12;
	v10 =	vadd.f32 v11, v10;
	v11 =	vld [tilespmem:s20+$0xFFFFFDA0]  }
0x2bb: {  	v9 =	vadd.f32 v12, v9;
	v12 =	vshll.u32 v14, $0x10  }
0x2bc: {  	v14 =	vand.u32 $0xFFFF0000, v14;
	v10 =	vadd.f32 v12, v10;
	v12 =	vld [tilespmem:s20+$0xFFFFFDE0]  }
0x2bd: {  	v9 =	vadd.f32 v14, v9;
	v14 =	vshll.u32 v13, $0x10  }
0x2be: {  	v13 =	vand.u32 $0xFFFF0000, v13;
	v10 =	vadd.f32 v14, v10;
	v14 =	vld [tilespmem:s20+$0xFFFFFE20]  }
0x2bf: {  	v9 =	vadd.f32 v13, v9;
	v13 =	vshll.u32 v11, $0x10  }
0x2c0: {  	v11 =	vand.u32 $0xFFFF0000, v11;
	v10 =	vadd.f32 v13, v10;
	v13 =	vld [tilespmem:s20+$0xFFFFFE60]  }
0x2c1: {  	v9 =	vadd.f32 v11, v9;
	v11 =	vshll.u32 v12, $0x10  }
0x2c2: {  	v12 =	vand.u32 $0xFFFF0000, v12;
	v10 =	vadd.f32 v11, v10;
	v11 =	vld [tilespmem:s20+$0xFFFFFEA0]  }
0x2c3: {  	v9 =	vadd.f32 v12, v9;
	v12 =	vshll.u32 v14, $0x10  }
0x2c4: {  	v14 =	vand.u32 $0xFFFF0000, v14;
	v10 =	vadd.f32 v12, v10;
	v12 =	vld [tilespmem:s20+$0xFFFFFEE0]  }
0x2c5: {  	v9 =	vadd.f32 v14, v9;
	v14 =	vshll.u32 v13, $0x10  }
0x2c6: {  	v13 =	vand.u32 $0xFFFF0000, v13;
	v10 =	vadd.f32 v14, v10;
	v14 =	vld [tilespmem:s20+$0xFFFFFF20]  }
0x2c7: {  	v9 =	vadd.f32 v13, v9;
	v13 =	vshll.u32 v11, $0x10  }
0x2c8: {  	v11 =	vand.u32 $0xFFFF0000, v11;
	v10 =	vadd.f32 v13, v10;
	v13 =	vld [tilespmem:s20+$0xFFFFFF60]  }
0x2c9: {  	v9 =	vadd.f32 v11, v9;
	v11 =	vshll.u32 v12, $0x10  }
0x2ca: {  	v12 =	vand.u32 $0xFFFF0000, v12;
	v10 =	vadd.f32 v11, v10;
	v11 =	vld [tilespmem:s20+$0xFFFFFFA0]  }
0x2cb: {  	v9 =	vadd.f32 v12, v9;
	v12 =	vshll.u32 v14, $0x10  }
0x2cc: {  	v14 =	vand.u32 $0xFFFF0000, v14;
	v10 =	vadd.f32 v12, v10;
	v12 =	vld [tilespmem:s20+$0xFFFFFFE0]  }
0x2cd: {  	v9 =	vadd.f32 v14, v9;
	v14 =	vshll.u32 v13, $0x10  }
0x2ce: {  	v13 =	vand.u32 $0xFFFF0000, v13;
	v10 =	vadd.f32 v14, v10  }
0x2cf: {  	v9 =	vadd.f32 v13, v9;
	v14 =	vor.u32 v2, v8;
	v13 =	vshll.u32 v11, $0x10  }
0x2d0: {  	v11 =	vand.u32 $0xFFFF0000, v11;
	v10 =	vadd.f32 v13, v10;
	v13 =	vor.u32 v3, v8  }
0x2d1: {  	v9 =	vadd.f32 v11, v9;
	v11 =	vshll.u32 v12, $0x10  }
0x2d2: {  	v10 =	vadd.f32 v11, v10;
	v11 =	vand.u32 $0xFFFF0000, v12  }
0x2d3: {  	v9 =	vadd.f32 v11, v9  }
0x2d4: {  	[tilespmem:v14+s12+$0x0] =	vst.idx.msk $0xffff, v10  }
0x2d5: {  	[tilespmem:v13+s12+$0x0] =	vst.idx.msk $0xffff, v9  }
0x2d6: {  	v9 =	vld [tilespmem:s20+$0xFFFFF830]  }
0x2d7: {  	v10 =	vld [tilespmem:s20+$0xFFFFF870];
	_ =	sdelay $0x1  }
0x2d8: {  	v11 =	vld [tilespmem:s20+$0xFFFFF8B0];
	_ =	sdelay $0x1  }
0x2d9: {  	v12 =	vld [tilespmem:s20+$0xFFFFF8F0]  }
0x2da: {  	v13 =	vshll.u32 v9, $0x10;
	v14 =	vshll.u32 v10, $0x10  }
0x2db: {  	v9 =	vand.u32 $0xFFFF0000, v9;
	v10 =	vand.u32 $0xFFFF0000, v10;
	v13 =	vadd.f32 v14, v13;
	v14 =	vld [tilespmem:s20+$0xFFFFF930]  }
0x2dc: {  	v9 =	vadd.f32 v10, v9;
	v10 =	vshll.u32 v11, $0x10  }
0x2dd: {  	v11 =	vand.u32 $0xFFFF0000, v11;
	v10 =	vadd.f32 v10, v13;
	v13 =	vld [tilespmem:s20+$0xFFFFF970]  }
0x2de: {  	v9 =	vadd.f32 v11, v9;
	v11 =	vshll.u32 v12, $0x10  }
0x2df: {  	v12 =	vand.u32 $0xFFFF0000, v12;
	v10 =	vadd.f32 v11, v10;
	v11 =	vld [tilespmem:s20+$0xFFFFF9B0]  }
0x2e0: {  	v9 =	vadd.f32 v12, v9;
	v12 =	vshll.u32 v14, $0x10  }
0x2e1: {  	v14 =	vand.u32 $0xFFFF0000, v14;
	v10 =	vadd.f32 v12, v10;
	v12 =	vld [tilespmem:s20+$0xFFFFF9F0]  }
0x2e2: {  	v9 =	vadd.f32 v14, v9;
	v14 =	vshll.u32 v13, $0x10  }
0x2e3: {  	v13 =	vand.u32 $0xFFFF0000, v13;
	v10 =	vadd.f32 v14, v10;
	v14 =	vld [tilespmem:s20+$0xFFFFFA30]  }
0x2e4: {  	v9 =	vadd.f32 v13, v9;
	v13 =	vshll.u32 v11, $0x10  }
0x2e5: {  	v11 =	vand.u32 $0xFFFF0000, v11;
	v10 =	vadd.f32 v13, v10;
	v13 =	vld [tilespmem:s20+$0xFFFFFA70]  }
0x2e6: {  	v9 =	vadd.f32 v11, v9;
	v11 =	vshll.u32 v12, $0x10  }
0x2e7: {  	v12 =	vand.u32 $0xFFFF0000, v12;
	v10 =	vadd.f32 v11, v10;
	v11 =	vld [tilespmem:s20+$0xFFFFFAB0]  }
0x2e8: {  	v9 =	vadd.f32 v12, v9;
	v12 =	vshll.u32 v14, $0x10  }
0x2e9: {  	v14 =	vand.u32 $0xFFFF0000, v14;
	v10 =	vadd.f32 v12, v10;
	v12 =	vld [tilespmem:s20+$0xFFFFFAF0]  }
0x2ea: {  	v9 =	vadd.f32 v14, v9;
	v14 =	vshll.u32 v13, $0x10  }
0x2eb: {  	v13 =	vand.u32 $0xFFFF0000, v13;
	v10 =	vadd.f32 v14, v10;
	v14 =	vld [tilespmem:s20+$0xFFFFFB30]  }
0x2ec: {  	v9 =	vadd.f32 v13, v9;
	v13 =	vshll.u32 v11, $0x10  }
0x2ed: {  	v11 =	vand.u32 $0xFFFF0000, v11;
	v10 =	vadd.f32 v13, v10;
	v13 =	vld [tilespmem:s20+$0xFFFFFB70]  }
0x2ee: {  	v9 =	vadd.f32 v11, v9;
	v11 =	vshll.u32 v12, $0x10  }
0x2ef: {  	v12 =	vand.u32 $0xFFFF0000, v12;
	v10 =	vadd.f32 v11, v10;
	v11 =	vld [tilespmem:s20+$0xFFFFFBB0]  }
0x2f0: {  	v9 =	vadd.f32 v12, v9;
	v12 =	vshll.u32 v14, $0x10  }
0x2f1: {  	v14 =	vand.u32 $0xFFFF0000, v14;
	v10 =	vadd.f32 v12, v10;
	v12 =	vld [tilespmem:s20+$0xFFFFFBF0]  }
0x2f2: {  	v9 =	vadd.f32 v14, v9;
	v14 =	vshll.u32 v13, $0x10  }
0x2f3: {  	v13 =	vand.u32 $0xFFFF0000, v13;
	v10 =	vadd.f32 v14, v10;
	v14 =	vld [tilespmem:s20+$0xFFFFFC30]  }
0x2f4: {  	v9 =	vadd.f32 v13, v9;
	v13 =	vshll.u32 v11, $0x10  }
0x2f5: {  	v11 =	vand.u32 $0xFFFF0000, v11;
	v10 =	vadd.f32 v13, v10;
	v13 =	vld [tilespmem:s20+$0xFFFFFC70]  }
0x2f6: {  	v9 =	vadd.f32 v11, v9;
	v11 =	vshll.u32 v12, $0x10  }
0x2f7: {  	v12 =	vand.u32 $0xFFFF0000, v12;
	v10 =	vadd.f32 v11, v10;
	v11 =	vld [tilespmem:s20+$0xFFFFFCB0]  }
0x2f8: {  	v9 =	vadd.f32 v12, v9;
	v12 =	vshll.u32 v14, $0x10  }
0x2f9: {  	v14 =	vand.u32 $0xFFFF0000, v14;
	v10 =	vadd.f32 v12, v10;
	v12 =	vld [tilespmem:s20+$0xFFFFFCF0]  }
0x2fa: {  	v9 =	vadd.f32 v14, v9;
	v14 =	vshll.u32 v13, $0x10  }
0x2fb: {  	v13 =	vand.u32 $0xFFFF0000, v13;
	v10 =	vadd.f32 v14, v10;
	v14 =	vld [tilespmem:s20+$0xFFFFFD30]  }
0x2fc: {  	v9 =	vadd.f32 v13, v9;
	v13 =	vshll.u32 v11, $0x10  }
0x2fd: {  	v11 =	vand.u32 $0xFFFF0000, v11;
	v10 =	vadd.f32 v13, v10;
	v13 =	vld [tilespmem:s20+$0xFFFFFD70]  }
0x2fe: {  	v9 =	vadd.f32 v11, v9;
	v11 =	vshll.u32 v12, $0x10  }
0x2ff: {  	v12 =	vand.u32 $0xFFFF0000, v12;
	v10 =	vadd.f32 v11, v10;
	v11 =	vld [tilespmem:s20+$0xFFFFFDB0]  }
0x300: {  	v9 =	vadd.f32 v12, v9;
	v12 =	vshll.u32 v14, $0x10  }
0x301: {  	v14 =	vand.u32 $0xFFFF0000, v14;
	v10 =	vadd.f32 v12, v10;
	v12 =	vld [tilespmem:s20+$0xFFFFFDF0]  }
0x302: {  	v9 =	vadd.f32 v14, v9;
	v14 =	vshll.u32 v13, $0x10  }
0x303: {  	v13 =	vand.u32 $0xFFFF0000, v13;
	v10 =	vadd.f32 v14, v10;
	v14 =	vld [tilespmem:s20+$0xFFFFFE30]  }
0x304: {  	v9 =	vadd.f32 v13, v9;
	v13 =	vshll.u32 v11, $0x10  }
0x305: {  	v11 =	vand.u32 $0xFFFF0000, v11;
	v10 =	vadd.f32 v13, v10;
	v13 =	vld [tilespmem:s20+$0xFFFFFE70]  }
0x306: {  	v9 =	vadd.f32 v11, v9;
	v11 =	vshll.u32 v12, $0x10  }
0x307: {  	v12 =	vand.u32 $0xFFFF0000, v12;
	v10 =	vadd.f32 v11, v10;
	v11 =	vld [tilespmem:s20+$0xFFFFFEB0]  }
0x308: {  	v9 =	vadd.f32 v12, v9;
	v12 =	vshll.u32 v14, $0x10  }
0x309: {  	v14 =	vand.u32 $0xFFFF0000, v14;
	v10 =	vadd.f32 v12, v10;
	v12 =	vld [tilespmem:s20+$0xFFFFFEF0]  }
0x30a: {  	v9 =	vadd.f32 v14, v9;
	v14 =	vshll.u32 v13, $0x10  }
0x30b: {  	v13 =	vand.u32 $0xFFFF0000, v13;
	v10 =	vadd.f32 v14, v10;
	v14 =	vld [tilespmem:s20+$0xFFFFFF30]  }
0x30c: {  	v9 =	vadd.f32 v13, v9;
	v13 =	vshll.u32 v11, $0x10  }
0x30d: {  	v11 =	vand.u32 $0xFFFF0000, v11;
	v10 =	vadd.f32 v13, v10;
	v13 =	vld [tilespmem:s20+$0xFFFFFF70]  }
0x30e: {  	v9 =	vadd.f32 v11, v9;
	v11 =	vshll.u32 v12, $0x10  }
0x30f: {  	v12 =	vand.u32 $0xFFFF0000, v12;
	v10 =	vadd.f32 v11, v10;
	v11 =	vld [tilespmem:s20+$0xFFFFFFB0]  }
0x310: {  	v9 =	vadd.f32 v12, v9;
	v12 =	vshll.u32 v14, $0x10  }
0x311: {  	v14 =	vand.u32 $0xFFFF0000, v14;
	v10 =	vadd.f32 v12, v10;
	v12 =	vld [tilespmem:s20+$0xFFFFFFF0]  }
0x312: {  	v9 =	vadd.f32 v14, v9;
	v14 =	vshll.u32 v13, $0x10  }
0x313: {  	v13 =	vand.u32 $0xFFFF0000, v13;
	v10 =	vadd.f32 v14, v10  }
0x314: {  	v9 =	vadd.f32 v13, v9;
	v14 =	vor.u32 v4, v8;
	v13 =	vshll.u32 v11, $0x10  }
0x315: {  	v11 =	vand.u32 $0xFFFF0000, v11;
	v10 =	vadd.f32 v13, v10;
	v13 =	vor.u32 v5, v8  }
0x316: {  	v9 =	vadd.f32 v11, v9;
	v11 =	vshll.u32 v12, $0x10  }
0x317: {  	v10 =	vadd.f32 v11, v10;
	v11 =	vand.u32 $0xFFFF0000, v12  }
0x318: {  	v9 =	vadd.f32 v11, v9  }
0x319: {  	[tilespmem:v14+s12+$0x0] =	vst.idx.msk $0xffff, v10  }
0x31a: {  	[tilespmem:v13+s12+$0x0] =	vst.idx.msk $0xffff, v9  }
0x31b: {  	v9 =	vld [tilespmem:s20+$0xFFFFF840]  }
0x31c: {  	v10 =	vld [tilespmem:s20+$0xFFFFF880];
	_ =	sdelay $0x1  }
0x31d: {  	v11 =	vld [tilespmem:s20+$0xFFFFF8C0];
	_ =	sdelay $0x1  }
0x31e: {  	v12 =	vld [tilespmem:s20+$0xFFFFF900];
	v13 =	vshll.u32 v9, $0x10  }
0x31f: {  	v9 =	vand.u32 $0xFFFF0000, v9;
	v14 =	vshll.u32 v10, $0x10;
	v10 =	vand.u32 $0xFFFF0000, v10  }
0x320: {  	v15 =	vld [tilespmem:s20+$0xFFFFF940];
	v13 =	vadd.f32 v14, v13;
	v9 =	vadd.f32 v10, v9  }
0x321: {  	v10 =	vshll.u32 v11, $0x10;
	v11 =	vand.u32 $0xFFFF0000, v11  }
0x322: {  	v14 =	vld [tilespmem:s20+$0xFFFFF980];
	v10 =	vadd.f32 v10, v13;
	v9 =	vadd.f32 v11, v9  }
0x323: {  	v11 =	vshll.u32 v12, $0x10;
	v12 =	vand.u32 $0xFFFF0000, v12  }
0x324: {  	v13 =	vld [tilespmem:s20+$0xFFFFF9C0];
	v10 =	vadd.f32 v11, v10;
	v9 =	vadd.f32 v12, v9  }
0x325: {  	v11 =	vshll.u32 v15, $0x10;
	v12 =	vand.u32 $0xFFFF0000, v15  }
0x326: {  	v15 =	vld [tilespmem:s20+$0xFFFFFA00];
	v10 =	vadd.f32 v11, v10;
	v9 =	vadd.f32 v12, v9  }
0x327: {  	v11 =	vshll.u32 v14, $0x10;
	v12 =	vand.u32 $0xFFFF0000, v14  }
0x328: {  	v14 =	vld [tilespmem:s20+$0xFFFFFA40];
	v10 =	vadd.f32 v11, v10;
	v9 =	vadd.f32 v12, v9  }
0x329: {  	v11 =	vshll.u32 v13, $0x10;
	v12 =	vand.u32 $0xFFFF0000, v13  }
0x32a: {  	v13 =	vld [tilespmem:s20+$0xFFFFFA80];
	v10 =	vadd.f32 v11, v10;
	v9 =	vadd.f32 v12, v9  }
0x32b: {  	v11 =	vshll.u32 v15, $0x10;
	v12 =	vand.u32 $0xFFFF0000, v15  }
0x32c: {  	v15 =	vld [tilespmem:s20+$0xFFFFFAC0];
	v10 =	vadd.f32 v11, v10;
	v9 =	vadd.f32 v12, v9  }
0x32d: {  	v11 =	vshll.u32 v14, $0x10;
	v12 =	vand.u32 $0xFFFF0000, v14  }
0x32e: {  	v14 =	vld [tilespmem:s20+$0xFFFFFB00];
	v10 =	vadd.f32 v11, v10;
	v9 =	vadd.f32 v12, v9  }
0x32f: {  	v11 =	vshll.u32 v13, $0x10;
	v12 =	vand.u32 $0xFFFF0000, v13  }
0x330: {  	v13 =	vld [tilespmem:s20+$0xFFFFFB40];
	v10 =	vadd.f32 v11, v10;
	v9 =	vadd.f32 v12, v9  }
0x331: {  	v11 =	vshll.u32 v15, $0x10;
	v12 =	vand.u32 $0xFFFF0000, v15  }
0x332: {  	v15 =	vld [tilespmem:s20+$0xFFFFFB80];
	v10 =	vadd.f32 v11, v10;
	v9 =	vadd.f32 v12, v9  }
0x333: {  	v11 =	vshll.u32 v14, $0x10;
	v12 =	vand.u32 $0xFFFF0000, v14  }
0x334: {  	v14 =	vld [tilespmem:s20+$0xFFFFFBC0];
	v10 =	vadd.f32 v11, v10;
	v9 =	vadd.f32 v12, v9  }
0x335: {  	v11 =	vshll.u32 v13, $0x10;
	v12 =	vand.u32 $0xFFFF0000, v13  }
0x336: {  	v13 =	vld [tilespmem:s20+$0xFFFFFC00];
	v10 =	vadd.f32 v11, v10;
	v9 =	vadd.f32 v12, v9  }
0x337: {  	v11 =	vshll.u32 v15, $0x10;
	v12 =	vand.u32 $0xFFFF0000, v15  }
0x338: {  	v15 =	vld [tilespmem:s20+$0xFFFFFC40];
	v10 =	vadd.f32 v11, v10;
	v9 =	vadd.f32 v12, v9  }
0x339: {  	v11 =	vshll.u32 v14, $0x10;
	v12 =	vand.u32 $0xFFFF0000, v14  }
0x33a: {  	v14 =	vld [tilespmem:s20+$0xFFFFFC80];
	v10 =	vadd.f32 v11, v10;
	v9 =	vadd.f32 v12, v9  }
0x33b: {  	v11 =	vshll.u32 v13, $0x10;
	v12 =	vand.u32 $0xFFFF0000, v13  }
0x33c: {  	v13 =	vld [tilespmem:s20+$0xFFFFFCC0];
	v10 =	vadd.f32 v11, v10;
	v9 =	vadd.f32 v12, v9  }
0x33d: {  	v11 =	vshll.u32 v15, $0x10;
	v12 =	vand.u32 $0xFFFF0000, v15  }
0x33e: {  	v15 =	vld [tilespmem:s20+$0xFFFFFD00];
	v10 =	vadd.f32 v11, v10;
	v9 =	vadd.f32 v12, v9  }
0x33f: {  	v11 =	vshll.u32 v14, $0x10;
	v12 =	vand.u32 $0xFFFF0000, v14  }
0x340: {  	v14 =	vld [tilespmem:s20+$0xFFFFFD40];
	v10 =	vadd.f32 v11, v10;
	v9 =	vadd.f32 v12, v9  }
0x341: {  	v11 =	vshll.u32 v13, $0x10;
	v12 =	vand.u32 $0xFFFF0000, v13  }
0x342: {  	v13 =	vld [tilespmem:s20+$0xFFFFFD80];
	v10 =	vadd.f32 v11, v10;
	v9 =	vadd.f32 v12, v9  }
0x343: {  	v11 =	vshll.u32 v15, $0x10;
	v12 =	vand.u32 $0xFFFF0000, v15  }
0x344: {  	v15 =	vld [tilespmem:s20+$0xFFFFFDC0];
	v10 =	vadd.f32 v11, v10;
	v9 =	vadd.f32 v12, v9  }
0x345: {  	v11 =	vshll.u32 v14, $0x10;
	v12 =	vand.u32 $0xFFFF0000, v14  }
0x346: {  	v14 =	vld [tilespmem:s20+$0xFFFFFE00];
	v10 =	vadd.f32 v11, v10;
	v9 =	vadd.f32 v12, v9  }
0x347: {  	v11 =	vshll.u32 v13, $0x10;
	v12 =	vand.u32 $0xFFFF0000, v13  }
0x348: {  	v13 =	vld [tilespmem:s20+$0xFFFFFE40];
	v10 =	vadd.f32 v11, v10;
	v9 =	vadd.f32 v12, v9  }
0x349: {  	v11 =	vshll.u32 v15, $0x10;
	v12 =	vand.u32 $0xFFFF0000, v15  }
0x34a: {  	v15 =	vld [tilespmem:s20+$0xFFFFFE80];
	v10 =	vadd.f32 v11, v10;
	v9 =	vadd.f32 v12, v9  }
0x34b: {  	v11 =	vshll.u32 v14, $0x10;
	v12 =	vand.u32 $0xFFFF0000, v14  }
0x34c: {  	v14 =	vld [tilespmem:s20+$0xFFFFFEC0];
	v10 =	vadd.f32 v11, v10;
	v9 =	vadd.f32 v12, v9  }
0x34d: {  	v11 =	vshll.u32 v13, $0x10;
	v12 =	vand.u32 $0xFFFF0000, v13  }
0x34e: {  	v13 =	vld [tilespmem:s20+$0xFFFFFF00];
	v10 =	vadd.f32 v11, v10;
	v9 =	vadd.f32 v12, v9  }
0x34f: {  	v11 =	vshll.u32 v15, $0x10;
	v12 =	vand.u32 $0xFFFF0000, v15  }
0x350: {  	v15 =	vld [tilespmem:s20+$0xFFFFFF40];
	v10 =	vadd.f32 v11, v10;
	v9 =	vadd.f32 v12, v9  }
0x351: {  	v16 =	vld [tilespmem:s20+$0x0];
	v12 =	vshll.u32 v14, $0x10;
	v14 =	vand.u32 $0xFFFF0000, v14  }
0x352: {  	v11 =	vld [tilespmem:s20+$0xFFFFFF80];
	v10 =	vadd.f32 v12, v10;
	v9 =	vadd.f32 v14, v9  }
0x353: {  	v12 =	vshll.u32 v13, $0x10;
	v13 =	vand.u32 $0xFFFF0000, v13  }
0x354: {  	v14 =	vld [tilespmem:s20+$0xFFFFFFC0];
	v10 =	vadd.f32 v12, v10;
	v9 =	vadd.f32 v13, v9  }
0x355: {  	v12 =	vshll.u32 v15, $0x10;
	v13 =	vand.u32 $0xFFFF0000, v15  }
0x356: {  	v12 =	vadd.f32 v12, v10;
	v13 =	vadd.f32 v13, v9  }
0x357: {  	v15 =	vshll.u32 v11, $0x10;
	v11 =	vand.u32 $0xFFFF0000, v11;
	v9 =	vand.u32 $0xFFFF0000, v16  }
0x358: {  	v10 =	vor.u32 v6, v8;
	v12 =	vadd.f32 v15, v12;
	v13 =	vadd.f32 v11, v13  }
0x359: {  	v8 =	vor.u32 v7, v8;
	v11 =	vshll.u32 v14, $0x10;
	v14 =	vand.u32 $0xFFFF0000, v14  }
0x35a: {  	s21 =	simm.s32 $0x1;
	v11 =	vadd.f32 v11, v12;
	v12 =	vadd.f32 v14, v13;
	v13 =	vshll.u32 v16, $0x10  }
.LBB2_5:
0x35b: {  	p1 =	sne.s32 s21, $0x3  }
0x35c: {  	s20 =	sadd.s32 $0x800, s20;
	s22 =	smov.u32 s21;
	s21 =	sadd.s32 $0x1, s21  }
0x35d: {  	v11 =	vadd.f32 v13, v11;
	v9 =	vadd.f32 v9, v12;
	_ =	sdelay $0x1  }
0x35e: {  	[tilespmem:v10+s12+$0x0] =	vst.idx.msk $0xffff, v11  }
0x35f: {  	[tilespmem:v8+s12+$0x0] =	vst.idx.msk $0xffff, v9  }
0x360: {  	v8 =	vld [tilespmem:s20+$0xFFFFF810]  }
0x361: {  	v9 =	vld [tilespmem:s20+$0xFFFFF850];
	_ =	sdelay $0x1  }
0x362: {  	v10 =	vld [tilespmem:s20+$0xFFFFF890];
	_ =	sdelay $0x1  }
0x363: {  	v11 =	vand.u32 $0xFFFF0000, v8;
	v12 =	vld [tilespmem:s20+$0xFFFFF8D0]  }
0x364: {  	v8 =	vshll.u32 v8, $0x10;
	v13 =	vshll.u32 v9, $0x10;
	v9 =	vand.u32 $0xFFFF0000, v9  }
0x365: {  	v8 =	vadd.f32 v13, v8;
	v9 =	vadd.f32 v9, v11;
	v11 =	vld [tilespmem:s20+$0xFFFFF910]  }
0x366: {  	v13 =	vshll.u32 v10, $0x10;
	v10 =	vand.u32 $0xFFFF0000, v10  }
0x367: {  	v8 =	vadd.f32 v13, v8;
	v9 =	vadd.f32 v10, v9;
	v10 =	vld [tilespmem:s20+$0xFFFFF950]  }
0x368: {  	v13 =	vshll.u32 v12, $0x10;
	v12 =	vand.u32 $0xFFFF0000, v12  }
0x369: {  	v8 =	vadd.f32 v13, v8;
	v9 =	vadd.f32 v12, v9;
	v12 =	vld [tilespmem:s20+$0xFFFFF990]  }
0x36a: {  	v13 =	vshll.u32 v11, $0x10;
	v11 =	vand.u32 $0xFFFF0000, v11  }
0x36b: {  	v8 =	vadd.f32 v13, v8;
	v9 =	vadd.f32 v11, v9;
	v11 =	vld [tilespmem:s20+$0xFFFFF9D0]  }
0x36c: {  	v13 =	vshll.u32 v10, $0x10;
	v10 =	vand.u32 $0xFFFF0000, v10  }
0x36d: {  	v8 =	vadd.f32 v13, v8;
	v9 =	vadd.f32 v10, v9;
	v10 =	vld [tilespmem:s20+$0xFFFFFA10]  }
0x36e: {  	v13 =	vshll.u32 v12, $0x10;
	v12 =	vand.u32 $0xFFFF0000, v12  }
0x36f: {  	v8 =	vadd.f32 v13, v8;
	v9 =	vadd.f32 v12, v9;
	v12 =	vld [tilespmem:s20+$0xFFFFFA50]  }
0x370: {  	v13 =	vshll.u32 v11, $0x10;
	v11 =	vand.u32 $0xFFFF0000, v11  }
0x371: {  	v8 =	vadd.f32 v13, v8;
	v9 =	vadd.f32 v11, v9;
	v11 =	vld [tilespmem:s20+$0xFFFFFA90]  }
0x372: {  	v13 =	vshll.u32 v10, $0x10;
	v10 =	vand.u32 $0xFFFF0000, v10  }
0x373: {  	v8 =	vadd.f32 v13, v8;
	v9 =	vadd.f32 v10, v9;
	v10 =	vld [tilespmem:s20+$0xFFFFFAD0]  }
0x374: {  	v13 =	vshll.u32 v12, $0x10;
	v12 =	vand.u32 $0xFFFF0000, v12  }
0x375: {  	v8 =	vadd.f32 v13, v8;
	v9 =	vadd.f32 v12, v9;
	v12 =	vld [tilespmem:s20+$0xFFFFFB10]  }
0x376: {  	v13 =	vshll.u32 v11, $0x10;
	v11 =	vand.u32 $0xFFFF0000, v11  }
0x377: {  	v8 =	vadd.f32 v13, v8;
	v9 =	vadd.f32 v11, v9;
	v11 =	vld [tilespmem:s20+$0xFFFFFB50]  }
0x378: {  	v13 =	vshll.u32 v10, $0x10;
	v10 =	vand.u32 $0xFFFF0000, v10  }
0x379: {  	v8 =	vadd.f32 v13, v8;
	v9 =	vadd.f32 v10, v9;
	v10 =	vld [tilespmem:s20+$0xFFFFFB90]  }
0x37a: {  	v13 =	vshll.u32 v12, $0x10;
	v12 =	vand.u32 $0xFFFF0000, v12  }
0x37b: {  	v8 =	vadd.f32 v13, v8;
	v9 =	vadd.f32 v12, v9;
	v12 =	vld [tilespmem:s20+$0xFFFFFBD0]  }
0x37c: {  	v13 =	vshll.u32 v11, $0x10;
	v11 =	vand.u32 $0xFFFF0000, v11  }
0x37d: {  	v8 =	vadd.f32 v13, v8;
	v9 =	vadd.f32 v11, v9;
	v11 =	vld [tilespmem:s20+$0xFFFFFC10]  }
0x37e: {  	v13 =	vshll.u32 v10, $0x10;
	v10 =	vand.u32 $0xFFFF0000, v10  }
0x37f: {  	v8 =	vadd.f32 v13, v8;
	v9 =	vadd.f32 v10, v9;
	v10 =	vld [tilespmem:s20+$0xFFFFFC50]  }
0x380: {  	v13 =	vshll.u32 v12, $0x10;
	v12 =	vand.u32 $0xFFFF0000, v12  }
0x381: {  	v8 =	vadd.f32 v13, v8;
	v9 =	vadd.f32 v12, v9;
	v12 =	vld [tilespmem:s20+$0xFFFFFC90]  }
0x382: {  	v13 =	vshll.u32 v11, $0x10;
	v11 =	vand.u32 $0xFFFF0000, v11  }
0x383: {  	v8 =	vadd.f32 v13, v8;
	v9 =	vadd.f32 v11, v9;
	v11 =	vld [tilespmem:s20+$0xFFFFFCD0]  }
0x384: {  	v13 =	vshll.u32 v10, $0x10;
	v10 =	vand.u32 $0xFFFF0000, v10  }
0x385: {  	v8 =	vadd.f32 v13, v8;
	v9 =	vadd.f32 v10, v9;
	v10 =	vld [tilespmem:s20+$0xFFFFFD10]  }
0x386: {  	v13 =	vshll.u32 v12, $0x10;
	v12 =	vand.u32 $0xFFFF0000, v12  }
0x387: {  	v8 =	vadd.f32 v13, v8;
	v9 =	vadd.f32 v12, v9;
	v12 =	vld [tilespmem:s20+$0xFFFFFD50]  }
0x388: {  	v13 =	vshll.u32 v11, $0x10;
	v11 =	vand.u32 $0xFFFF0000, v11  }
0x389: {  	v8 =	vadd.f32 v13, v8;
	v9 =	vadd.f32 v11, v9;
	v11 =	vld [tilespmem:s20+$0xFFFFFD90]  }
0x38a: {  	v13 =	vshll.u32 v10, $0x10;
	v10 =	vand.u32 $0xFFFF0000, v10  }
0x38b: {  	v8 =	vadd.f32 v13, v8;
	v9 =	vadd.f32 v10, v9;
	v10 =	vld [tilespmem:s20+$0xFFFFFDD0]  }
0x38c: {  	v13 =	vshll.u32 v12, $0x10;
	v12 =	vand.u32 $0xFFFF0000, v12  }
0x38d: {  	v8 =	vadd.f32 v13, v8;
	v9 =	vadd.f32 v12, v9;
	v12 =	vld [tilespmem:s20+$0xFFFFFE10]  }
0x38e: {  	v13 =	vshll.u32 v11, $0x10;
	v11 =	vand.u32 $0xFFFF0000, v11  }
0x38f: {  	v8 =	vadd.f32 v13, v8;
	v9 =	vadd.f32 v11, v9;
	v11 =	vld [tilespmem:s20+$0xFFFFFE50]  }
0x390: {  	v13 =	vshll.u32 v10, $0x10;
	v10 =	vand.u32 $0xFFFF0000, v10  }
0x391: {  	v8 =	vadd.f32 v13, v8;
	v9 =	vadd.f32 v10, v9;
	v10 =	vld [tilespmem:s20+$0xFFFFFE90]  }
0x392: {  	v13 =	vshll.u32 v12, $0x10;
	v12 =	vand.u32 $0xFFFF0000, v12  }
0x393: {  	v8 =	vadd.f32 v13, v8;
	v9 =	vadd.f32 v12, v9;
	v12 =	vld [tilespmem:s20+$0xFFFFFED0]  }
0x394: {  	v13 =	vshll.u32 v11, $0x10;
	v11 =	vand.u32 $0xFFFF0000, v11  }
0x395: {  	v8 =	vadd.f32 v13, v8;
	v9 =	vadd.f32 v11, v9;
	v11 =	vld [tilespmem:s20+$0xFFFFFF10]  }
0x396: {  	v13 =	vshll.u32 v10, $0x10;
	v10 =	vand.u32 $0xFFFF0000, v10  }
0x397: {  	v8 =	vadd.f32 v13, v8;
	v9 =	vadd.f32 v10, v9;
	v10 =	vld [tilespmem:s20+$0xFFFFFF50]  }
0x398: {  	v13 =	vshll.u32 v12, $0x10;
	v12 =	vand.u32 $0xFFFF0000, v12  }
0x399: {  	s22 =	sadd.s32 s22, s16;
	v8 =	vadd.f32 v13, v8;
	v9 =	vadd.f32 v12, v9;
	v12 =	vld [tilespmem:s20+$0xFFFFFF90]  }
0x39a: {  	v13 =	vmov s22;
	v14 =	vshll.u32 v11, $0x10;
	v11 =	vand.u32 $0xFFFF0000, v11  }
0x39b: {  	v14 =	vadd.f32 v14, v8;
	v9 =	vadd.f32 v11, v9;
	v11 =	vld [tilespmem:s20+$0xFFFFFFD0];
	v8 =	vand.u32 $0x1FF, v13  }
0x39c: {  	v13 =	vshll.u32 v10, $0x10;
	v10 =	vand.u32 $0xFFFF0000, v10;
	v8 =	vbroadcast v8, $0x0  }
0x39d: {  	v13 =	vadd.f32 v13, v14;
	v9 =	vadd.f32 v10, v9  }
0x39e: {  	v10 =	vshll.u32 v12, $0x10;
	v12 =	vand.u32 $0xFFFF0000, v12;
	v14 =	vor.u32 v0, v8  }
0x39f: {  	v10 =	vadd.f32 v10, v13;
	v9 =	vadd.f32 v12, v9;
	v12 =	vor.u32 v1, v8  }
0x3a0: {  	v13 =	vshll.u32 v11, $0x10  }
0x3a1: {  	v11 =	vand.u32 $0xFFFF0000, v11;
	v10 =	vadd.f32 v13, v10  }
0x3a2: {  	v9 =	vadd.f32 v11, v9  }
0x3a3: {  	[tilespmem:v14+s12+$0x0] =	vst.idx.msk $0xffff, v10  }
0x3a4: {  	[tilespmem:v12+s12+$0x0] =	vst.idx.msk $0xffff, v9  }
0x3a5: {  	v9 =	vld [tilespmem:s20+$0xFFFFF820]  }
0x3a6: {  	v10 =	vld [tilespmem:s20+$0xFFFFF860];
	_ =	sdelay $0x1  }
0x3a7: {  	v11 =	vld [tilespmem:s20+$0xFFFFF8A0];
	_ =	sdelay $0x1  }
0x3a8: {  	v12 =	vand.u32 $0xFFFF0000, v9;
	v13 =	vld [tilespmem:s20+$0xFFFFF8E0]  }
0x3a9: {  	v9 =	vshll.u32 v9, $0x10;
	v14 =	vshll.u32 v10, $0x10;
	v10 =	vand.u32 $0xFFFF0000, v10  }
0x3aa: {  	v9 =	vadd.f32 v14, v9;
	v10 =	vadd.f32 v10, v12;
	v12 =	vld [tilespmem:s20+$0xFFFFF920]  }
0x3ab: {  	v14 =	vshll.u32 v11, $0x10;
	v11 =	vand.u32 $0xFFFF0000, v11  }
0x3ac: {  	v9 =	vadd.f32 v14, v9;
	v10 =	vadd.f32 v11, v10;
	v11 =	vld [tilespmem:s20+$0xFFFFF960]  }
0x3ad: {  	v14 =	vshll.u32 v13, $0x10;
	v13 =	vand.u32 $0xFFFF0000, v13  }
0x3ae: {  	v9 =	vadd.f32 v14, v9;
	v10 =	vadd.f32 v13, v10;
	v13 =	vld [tilespmem:s20+$0xFFFFF9A0]  }
0x3af: {  	v14 =	vshll.u32 v12, $0x10;
	v12 =	vand.u32 $0xFFFF0000, v12  }
0x3b0: {  	v9 =	vadd.f32 v14, v9;
	v10 =	vadd.f32 v12, v10;
	v12 =	vld [tilespmem:s20+$0xFFFFF9E0]  }
0x3b1: {  	v14 =	vshll.u32 v11, $0x10;
	v11 =	vand.u32 $0xFFFF0000, v11  }
0x3b2: {  	v9 =	vadd.f32 v14, v9;
	v10 =	vadd.f32 v11, v10;
	v11 =	vld [tilespmem:s20+$0xFFFFFA20]  }
0x3b3: {  	v14 =	vshll.u32 v13, $0x10;
	v13 =	vand.u32 $0xFFFF0000, v13  }
0x3b4: {  	v9 =	vadd.f32 v14, v9;
	v10 =	vadd.f32 v13, v10;
	v13 =	vld [tilespmem:s20+$0xFFFFFA60]  }
0x3b5: {  	v14 =	vshll.u32 v12, $0x10;
	v12 =	vand.u32 $0xFFFF0000, v12  }
0x3b6: {  	v9 =	vadd.f32 v14, v9;
	v10 =	vadd.f32 v12, v10;
	v12 =	vld [tilespmem:s20+$0xFFFFFAA0]  }
0x3b7: {  	v14 =	vshll.u32 v11, $0x10;
	v11 =	vand.u32 $0xFFFF0000, v11  }
0x3b8: {  	v9 =	vadd.f32 v14, v9;
	v10 =	vadd.f32 v11, v10;
	v11 =	vld [tilespmem:s20+$0xFFFFFAE0]  }
0x3b9: {  	v14 =	vshll.u32 v13, $0x10;
	v13 =	vand.u32 $0xFFFF0000, v13  }
0x3ba: {  	v9 =	vadd.f32 v14, v9;
	v10 =	vadd.f32 v13, v10;
	v13 =	vld [tilespmem:s20+$0xFFFFFB20]  }
0x3bb: {  	v14 =	vshll.u32 v12, $0x10;
	v12 =	vand.u32 $0xFFFF0000, v12  }
0x3bc: {  	v9 =	vadd.f32 v14, v9;
	v10 =	vadd.f32 v12, v10;
	v12 =	vld [tilespmem:s20+$0xFFFFFB60]  }
0x3bd: {  	v14 =	vshll.u32 v11, $0x10;
	v11 =	vand.u32 $0xFFFF0000, v11  }
0x3be: {  	v9 =	vadd.f32 v14, v9;
	v10 =	vadd.f32 v11, v10;
	v11 =	vld [tilespmem:s20+$0xFFFFFBA0]  }
0x3bf: {  	v14 =	vshll.u32 v13, $0x10;
	v13 =	vand.u32 $0xFFFF0000, v13  }
0x3c0: {  	v9 =	vadd.f32 v14, v9;
	v10 =	vadd.f32 v13, v10;
	v13 =	vld [tilespmem:s20+$0xFFFFFBE0]  }
0x3c1: {  	v14 =	vshll.u32 v12, $0x10;
	v12 =	vand.u32 $0xFFFF0000, v12  }
0x3c2: {  	v9 =	vadd.f32 v14, v9;
	v10 =	vadd.f32 v12, v10;
	v12 =	vld [tilespmem:s20+$0xFFFFFC20]  }
0x3c3: {  	v14 =	vshll.u32 v11, $0x10;
	v11 =	vand.u32 $0xFFFF0000, v11  }
0x3c4: {  	v9 =	vadd.f32 v14, v9;
	v10 =	vadd.f32 v11, v10;
	v11 =	vld [tilespmem:s20+$0xFFFFFC60]  }
0x3c5: {  	v14 =	vshll.u32 v13, $0x10;
	v13 =	vand.u32 $0xFFFF0000, v13  }
0x3c6: {  	v9 =	vadd.f32 v14, v9;
	v10 =	vadd.f32 v13, v10;
	v13 =	vld [tilespmem:s20+$0xFFFFFCA0]  }
0x3c7: {  	v14 =	vshll.u32 v12, $0x10;
	v12 =	vand.u32 $0xFFFF0000, v12  }
0x3c8: {  	v9 =	vadd.f32 v14, v9;
	v10 =	vadd.f32 v12, v10;
	v12 =	vld [tilespmem:s20+$0xFFFFFCE0]  }
0x3c9: {  	v14 =	vshll.u32 v11, $0x10;
	v11 =	vand.u32 $0xFFFF0000, v11  }
0x3ca: {  	v9 =	vadd.f32 v14, v9;
	v10 =	vadd.f32 v11, v10;
	v11 =	vld [tilespmem:s20+$0xFFFFFD20]  }
0x3cb: {  	v14 =	vshll.u32 v13, $0x10;
	v13 =	vand.u32 $0xFFFF0000, v13  }
0x3cc: {  	v9 =	vadd.f32 v14, v9;
	v10 =	vadd.f32 v13, v10;
	v13 =	vld [tilespmem:s20+$0xFFFFFD60]  }
0x3cd: {  	v14 =	vshll.u32 v12, $0x10;
	v12 =	vand.u32 $0xFFFF0000, v12  }
0x3ce: {  	v9 =	vadd.f32 v14, v9;
	v10 =	vadd.f32 v12, v10;
	v12 =	vld [tilespmem:s20+$0xFFFFFDA0]  }
0x3cf: {  	v14 =	vshll.u32 v11, $0x10;
	v11 =	vand.u32 $0xFFFF0000, v11  }
0x3d0: {  	v9 =	vadd.f32 v14, v9;
	v10 =	vadd.f32 v11, v10;
	v11 =	vld [tilespmem:s20+$0xFFFFFDE0]  }
0x3d1: {  	v14 =	vshll.u32 v13, $0x10;
	v13 =	vand.u32 $0xFFFF0000, v13  }
0x3d2: {  	v9 =	vadd.f32 v14, v9;
	v10 =	vadd.f32 v13, v10;
	v13 =	vld [tilespmem:s20+$0xFFFFFE20]  }
0x3d3: {  	v14 =	vshll.u32 v12, $0x10;
	v12 =	vand.u32 $0xFFFF0000, v12  }
0x3d4: {  	v9 =	vadd.f32 v14, v9;
	v10 =	vadd.f32 v12, v10;
	v12 =	vld [tilespmem:s20+$0xFFFFFE60]  }
0x3d5: {  	v14 =	vshll.u32 v11, $0x10;
	v11 =	vand.u32 $0xFFFF0000, v11  }
0x3d6: {  	v9 =	vadd.f32 v14, v9;
	v10 =	vadd.f32 v11, v10;
	v11 =	vld [tilespmem:s20+$0xFFFFFEA0]  }
0x3d7: {  	v14 =	vshll.u32 v13, $0x10;
	v13 =	vand.u32 $0xFFFF0000, v13  }
0x3d8: {  	v9 =	vadd.f32 v14, v9;
	v10 =	vadd.f32 v13, v10;
	v13 =	vld [tilespmem:s20+$0xFFFFFEE0]  }
0x3d9: {  	v14 =	vshll.u32 v12, $0x10;
	v12 =	vand.u32 $0xFFFF0000, v12  }
0x3da: {  	v9 =	vadd.f32 v14, v9;
	v10 =	vadd.f32 v12, v10;
	v12 =	vld [tilespmem:s20+$0xFFFFFF20]  }
0x3db: {  	v14 =	vshll.u32 v11, $0x10;
	v11 =	vand.u32 $0xFFFF0000, v11  }
0x3dc: {  	v9 =	vadd.f32 v14, v9;
	v10 =	vadd.f32 v11, v10;
	v11 =	vld [tilespmem:s20+$0xFFFFFF60]  }
0x3dd: {  	v14 =	vshll.u32 v13, $0x10;
	v13 =	vand.u32 $0xFFFF0000, v13  }
0x3de: {  	v9 =	vadd.f32 v14, v9;
	v10 =	vadd.f32 v13, v10;
	v13 =	vld [tilespmem:s20+$0xFFFFFFA0]  }
0x3df: {  	v14 =	vshll.u32 v12, $0x10;
	v12 =	vand.u32 $0xFFFF0000, v12  }
0x3e0: {  	v9 =	vadd.f32 v14, v9;
	v10 =	vadd.f32 v12, v10;
	v12 =	vld [tilespmem:s20+$0xFFFFFFE0]  }
0x3e1: {  	v14 =	vshll.u32 v11, $0x10;
	v11 =	vand.u32 $0xFFFF0000, v11  }
0x3e2: {  	v9 =	vadd.f32 v14, v9;
	v10 =	vadd.f32 v11, v10  }
0x3e3: {  	v14 =	vor.u32 v2, v8;
	v11 =	vshll.u32 v13, $0x10;
	v13 =	vand.u32 $0xFFFF0000, v13  }
0x3e4: {  	v9 =	vadd.f32 v11, v9;
	v10 =	vadd.f32 v13, v10;
	v11 =	vor.u32 v3, v8  }
0x3e5: {  	v13 =	vshll.u32 v12, $0x10  }
0x3e6: {  	v12 =	vand.u32 $0xFFFF0000, v12;
	v9 =	vadd.f32 v13, v9  }
0x3e7: {  	v10 =	vadd.f32 v12, v10  }
0x3e8: {  	[tilespmem:v14+s12+$0x0] =	vst.idx.msk $0xffff, v9  }
0x3e9: {  	[tilespmem:v11+s12+$0x0] =	vst.idx.msk $0xffff, v10  }
0x3ea: {  	v9 =	vld [tilespmem:s20+$0xFFFFF830]  }
0x3eb: {  	v10 =	vld [tilespmem:s20+$0xFFFFF870];
	_ =	sdelay $0x1  }
0x3ec: {  	v11 =	vld [tilespmem:s20+$0xFFFFF8B0];
	_ =	sdelay $0x1  }
0x3ed: {  	v12 =	vshll.u32 v9, $0x10;
	v13 =	vld [tilespmem:s20+$0xFFFFF8F0]  }
0x3ee: {  	v9 =	vand.u32 $0xFFFF0000, v9;
	v14 =	vshll.u32 v10, $0x10;
	v10 =	vand.u32 $0xFFFF0000, v10  }
0x3ef: {  	v12 =	vadd.f32 v14, v12;
	v9 =	vadd.f32 v10, v9;
	v10 =	vld [tilespmem:s20+$0xFFFFF930]  }
0x3f0: {  	v14 =	vshll.u32 v11, $0x10;
	v11 =	vand.u32 $0xFFFF0000, v11  }
0x3f1: {  	v12 =	vadd.f32 v14, v12;
	v9 =	vadd.f32 v11, v9;
	v11 =	vld [tilespmem:s20+$0xFFFFF970]  }
0x3f2: {  	v14 =	vshll.u32 v13, $0x10;
	v13 =	vand.u32 $0xFFFF0000, v13  }
0x3f3: {  	v12 =	vadd.f32 v14, v12;
	v9 =	vadd.f32 v13, v9;
	v13 =	vld [tilespmem:s20+$0xFFFFF9B0]  }
0x3f4: {  	v14 =	vshll.u32 v10, $0x10;
	v10 =	vand.u32 $0xFFFF0000, v10  }
0x3f5: {  	v12 =	vadd.f32 v14, v12;
	v9 =	vadd.f32 v10, v9;
	v10 =	vld [tilespmem:s20+$0xFFFFF9F0]  }
0x3f6: {  	v14 =	vshll.u32 v11, $0x10;
	v11 =	vand.u32 $0xFFFF0000, v11  }
0x3f7: {  	v12 =	vadd.f32 v14, v12;
	v9 =	vadd.f32 v11, v9;
	v11 =	vld [tilespmem:s20+$0xFFFFFA30]  }
0x3f8: {  	v14 =	vshll.u32 v13, $0x10;
	v13 =	vand.u32 $0xFFFF0000, v13  }
0x3f9: {  	v12 =	vadd.f32 v14, v12;
	v9 =	vadd.f32 v13, v9;
	v13 =	vld [tilespmem:s20+$0xFFFFFA70]  }
0x3fa: {  	v14 =	vshll.u32 v10, $0x10;
	v10 =	vand.u32 $0xFFFF0000, v10  }
0x3fb: {  	v12 =	vadd.f32 v14, v12;
	v9 =	vadd.f32 v10, v9;
	v10 =	vld [tilespmem:s20+$0xFFFFFAB0]  }
0x3fc: {  	v14 =	vshll.u32 v11, $0x10;
	v11 =	vand.u32 $0xFFFF0000, v11  }
0x3fd: {  	v12 =	vadd.f32 v14, v12;
	v9 =	vadd.f32 v11, v9;
	v11 =	vld [tilespmem:s20+$0xFFFFFAF0]  }
0x3fe: {  	v14 =	vshll.u32 v13, $0x10;
	v13 =	vand.u32 $0xFFFF0000, v13  }
0x3ff: {  	v12 =	vadd.f32 v14, v12;
	v9 =	vadd.f32 v13, v9;
	v13 =	vld [tilespmem:s20+$0xFFFFFB30]  }
0x400: {  	v14 =	vshll.u32 v10, $0x10;
	v10 =	vand.u32 $0xFFFF0000, v10  }
0x401: {  	v12 =	vadd.f32 v14, v12;
	v9 =	vadd.f32 v10, v9;
	v10 =	vld [tilespmem:s20+$0xFFFFFB70]  }
0x402: {  	v14 =	vshll.u32 v11, $0x10;
	v11 =	vand.u32 $0xFFFF0000, v11  }
0x403: {  	v12 =	vadd.f32 v14, v12;
	v9 =	vadd.f32 v11, v9;
	v11 =	vld [tilespmem:s20+$0xFFFFFBB0]  }
0x404: {  	v14 =	vshll.u32 v13, $0x10;
	v13 =	vand.u32 $0xFFFF0000, v13  }
0x405: {  	v12 =	vadd.f32 v14, v12;
	v9 =	vadd.f32 v13, v9;
	v13 =	vld [tilespmem:s20+$0xFFFFFBF0]  }
0x406: {  	v14 =	vshll.u32 v10, $0x10;
	v10 =	vand.u32 $0xFFFF0000, v10  }
0x407: {  	v12 =	vadd.f32 v14, v12;
	v9 =	vadd.f32 v10, v9;
	v10 =	vld [tilespmem:s20+$0xFFFFFC30]  }
0x408: {  	v14 =	vshll.u32 v11, $0x10;
	v11 =	vand.u32 $0xFFFF0000, v11  }
0x409: {  	v12 =	vadd.f32 v14, v12;
	v9 =	vadd.f32 v11, v9;
	v11 =	vld [tilespmem:s20+$0xFFFFFC70]  }
0x40a: {  	v14 =	vshll.u32 v13, $0x10;
	v13 =	vand.u32 $0xFFFF0000, v13  }
0x40b: {  	v12 =	vadd.f32 v14, v12;
	v9 =	vadd.f32 v13, v9;
	v13 =	vld [tilespmem:s20+$0xFFFFFCB0]  }
0x40c: {  	v14 =	vshll.u32 v10, $0x10;
	v10 =	vand.u32 $0xFFFF0000, v10  }
0x40d: {  	v12 =	vadd.f32 v14, v12;
	v9 =	vadd.f32 v10, v9;
	v10 =	vld [tilespmem:s20+$0xFFFFFCF0]  }
0x40e: {  	v14 =	vshll.u32 v11, $0x10;
	v11 =	vand.u32 $0xFFFF0000, v11  }
0x40f: {  	v12 =	vadd.f32 v14, v12;
	v9 =	vadd.f32 v11, v9;
	v11 =	vld [tilespmem:s20+$0xFFFFFD30]  }
0x410: {  	v14 =	vshll.u32 v13, $0x10;
	v13 =	vand.u32 $0xFFFF0000, v13  }
0x411: {  	v12 =	vadd.f32 v14, v12;
	v9 =	vadd.f32 v13, v9;
	v13 =	vld [tilespmem:s20+$0xFFFFFD70]  }
0x412: {  	v14 =	vshll.u32 v10, $0x10;
	v10 =	vand.u32 $0xFFFF0000, v10  }
0x413: {  	v12 =	vadd.f32 v14, v12;
	v9 =	vadd.f32 v10, v9;
	v10 =	vld [tilespmem:s20+$0xFFFFFDB0]  }
0x414: {  	v14 =	vshll.u32 v11, $0x10;
	v11 =	vand.u32 $0xFFFF0000, v11  }
0x415: {  	v12 =	vadd.f32 v14, v12;
	v9 =	vadd.f32 v11, v9;
	v11 =	vld [tilespmem:s20+$0xFFFFFDF0]  }
0x416: {  	v14 =	vshll.u32 v13, $0x10;
	v13 =	vand.u32 $0xFFFF0000, v13  }
0x417: {  	v12 =	vadd.f32 v14, v12;
	v9 =	vadd.f32 v13, v9;
	v13 =	vld [tilespmem:s20+$0xFFFFFE30]  }
0x418: {  	v14 =	vshll.u32 v10, $0x10;
	v10 =	vand.u32 $0xFFFF0000, v10  }
0x419: {  	v12 =	vadd.f32 v14, v12;
	v9 =	vadd.f32 v10, v9;
	v10 =	vld [tilespmem:s20+$0xFFFFFE70]  }
0x41a: {  	v14 =	vshll.u32 v11, $0x10;
	v11 =	vand.u32 $0xFFFF0000, v11  }
0x41b: {  	v12 =	vadd.f32 v14, v12;
	v9 =	vadd.f32 v11, v9;
	v11 =	vld [tilespmem:s20+$0xFFFFFEB0]  }
0x41c: {  	v14 =	vshll.u32 v13, $0x10;
	v13 =	vand.u32 $0xFFFF0000, v13  }
0x41d: {  	v12 =	vadd.f32 v14, v12;
	v9 =	vadd.f32 v13, v9;
	v13 =	vld [tilespmem:s20+$0xFFFFFEF0]  }
0x41e: {  	v14 =	vshll.u32 v10, $0x10;
	v10 =	vand.u32 $0xFFFF0000, v10  }
0x41f: {  	v12 =	vadd.f32 v14, v12;
	v9 =	vadd.f32 v10, v9;
	v10 =	vld [tilespmem:s20+$0xFFFFFF30]  }
0x420: {  	v14 =	vshll.u32 v11, $0x10;
	v11 =	vand.u32 $0xFFFF0000, v11  }
0x421: {  	v12 =	vadd.f32 v14, v12;
	v9 =	vadd.f32 v11, v9;
	v11 =	vld [tilespmem:s20+$0xFFFFFF70]  }
0x422: {  	v14 =	vshll.u32 v13, $0x10;
	v13 =	vand.u32 $0xFFFF0000, v13  }
0x423: {  	v12 =	vadd.f32 v14, v12;
	v9 =	vadd.f32 v13, v9;
	v13 =	vld [tilespmem:s20+$0xFFFFFFB0]  }
0x424: {  	v14 =	vshll.u32 v10, $0x10;
	v10 =	vand.u32 $0xFFFF0000, v10  }
0x425: {  	v12 =	vadd.f32 v14, v12;
	v9 =	vadd.f32 v10, v9;
	v10 =	vld [tilespmem:s20+$0xFFFFFFF0]  }
0x426: {  	v14 =	vshll.u32 v11, $0x10;
	v11 =	vand.u32 $0xFFFF0000, v11  }
0x427: {  	v12 =	vadd.f32 v14, v12;
	v9 =	vadd.f32 v11, v9  }
0x428: {  	v14 =	vor.u32 v4, v8;
	v11 =	vshll.u32 v13, $0x10;
	v13 =	vand.u32 $0xFFFF0000, v13  }
0x429: {  	v11 =	vadd.f32 v11, v12;
	v9 =	vadd.f32 v13, v9;
	v12 =	vor.u32 v5, v8  }
0x42a: {  	v13 =	vshll.u32 v10, $0x10  }
0x42b: {  	v10 =	vand.u32 $0xFFFF0000, v10;
	v11 =	vadd.f32 v13, v11  }
0x42c: {  	v9 =	vadd.f32 v10, v9  }
0x42d: {  	[tilespmem:v14+s12+$0x0] =	vst.idx.msk $0xffff, v11  }
0x42e: {  	[tilespmem:v12+s12+$0x0] =	vst.idx.msk $0xffff, v9  }
0x42f: {  	v9 =	vld [tilespmem:s20+$0xFFFFF840]  }
0x430: {  	v10 =	vld [tilespmem:s20+$0xFFFFF880]  }
0x431: {  	v11 =	vld [tilespmem:s20+$0xFFFFF8C0]  }
0x432: {  	v12 =	vld [tilespmem:s20+$0xFFFFF900]  }
0x433: {  	v13 =	vld [tilespmem:s20+$0xFFFFF940]  }
0x434: {  	v14 =	vshll.u32 v9, $0x10;
	v9 =	vand.u32 $0xFFFF0000, v9;
	v15 =	vld [tilespmem:s20+$0xFFFFF980]  }
0x435: {  	v16 =	vshll.u32 v10, $0x10;
	v10 =	vand.u32 $0xFFFF0000, v10;
	v17 =	vld [tilespmem:s20+$0xFFFFF9C0]  }
0x436: {  	v14 =	vadd.f32 v16, v14;
	v9 =	vadd.f32 v10, v9;
	v10 =	vshll.u32 v11, $0x10;
	v16 =	vld [tilespmem:s20+$0xFFFFFA00]  }
0x437: {  	v11 =	vand.u32 $0xFFFF0000, v11;
	v18 =	vld [tilespmem:s20+$0xFFFFFA40]  }
0x438: {  	v10 =	vadd.f32 v10, v14;
	v9 =	vadd.f32 v11, v9;
	v11 =	vshll.u32 v12, $0x10;
	v14 =	vld [tilespmem:s20+$0xFFFFFA80]  }
0x439: {  	v12 =	vand.u32 $0xFFFF0000, v12;
	v19 =	vld [tilespmem:s20+$0xFFFFFAC0]  }
0x43a: {  	v10 =	vadd.f32 v11, v10;
	v9 =	vadd.f32 v12, v9;
	v11 =	vshll.u32 v13, $0x10;
	v12 =	vld [tilespmem:s20+$0xFFFFFB00]  }
0x43b: {  	v13 =	vand.u32 $0xFFFF0000, v13;
	v20 =	vld [tilespmem:s20+$0xFFFFFB40]  }
0x43c: {  	v10 =	vadd.f32 v11, v10;
	v9 =	vadd.f32 v13, v9;
	v11 =	vshll.u32 v15, $0x10;
	v13 =	vld [tilespmem:s20+$0xFFFFFB80]  }
0x43d: {  	v15 =	vand.u32 $0xFFFF0000, v15;
	v21 =	vld [tilespmem:s20+$0xFFFFFBC0]  }
0x43e: {  	v10 =	vadd.f32 v11, v10;
	v9 =	vadd.f32 v15, v9;
	v11 =	vshll.u32 v17, $0x10;
	v15 =	vld [tilespmem:s20+$0xFFFFFC00]  }
0x43f: {  	v17 =	vand.u32 $0xFFFF0000, v17;
	v22 =	vld [tilespmem:s20+$0xFFFFFC40]  }
0x440: {  	v10 =	vadd.f32 v11, v10;
	v9 =	vadd.f32 v17, v9;
	v11 =	vshll.u32 v16, $0x10;
	v17 =	vld [tilespmem:s20+$0xFFFFFC80]  }
0x441: {  	v16 =	vand.u32 $0xFFFF0000, v16;
	v23 =	vld [tilespmem:s20+$0xFFFFFCC0]  }
0x442: {  	v10 =	vadd.f32 v11, v10;
	v9 =	vadd.f32 v16, v9;
	v11 =	vshll.u32 v18, $0x10;
	v16 =	vld [tilespmem:s20+$0xFFFFFD00]  }
0x443: {  	v18 =	vand.u32 $0xFFFF0000, v18;
	v24 =	vld [tilespmem:s20+$0xFFFFFD40]  }
0x444: {  	v10 =	vadd.f32 v11, v10;
	v9 =	vadd.f32 v18, v9;
	v11 =	vshll.u32 v14, $0x10;
	v18 =	vld [tilespmem:s20+$0xFFFFFD80]  }
0x445: {  	v14 =	vand.u32 $0xFFFF0000, v14;
	v25 =	vld [tilespmem:s20+$0xFFFFFDC0]  }
0x446: {  	v10 =	vadd.f32 v11, v10;
	v9 =	vadd.f32 v14, v9;
	v11 =	vshll.u32 v19, $0x10;
	v14 =	vld [tilespmem:s20+$0xFFFFFE00]  }
0x447: {  	v19 =	vand.u32 $0xFFFF0000, v19;
	v26 =	vld [tilespmem:s20+$0xFFFFFE40]  }
0x448: {  	v10 =	vadd.f32 v11, v10;
	v9 =	vadd.f32 v19, v9;
	v11 =	vshll.u32 v12, $0x10;
	v19 =	vld [tilespmem:s20+$0xFFFFFE80]  }
0x449: {  	v12 =	vand.u32 $0xFFFF0000, v12;
	v27 =	vld [tilespmem:s20+$0xFFFFFEC0]  }
0x44a: {  	v10 =	vadd.f32 v11, v10;
	v9 =	vadd.f32 v12, v9;
	v11 =	vshll.u32 v20, $0x10;
	v12 =	vld [tilespmem:s20+$0xFFFFFF00]  }
0x44b: {  	v20 =	vand.u32 $0xFFFF0000, v20;
	v28 =	vld [tilespmem:s20+$0xFFFFFF40]  }
0x44c: {  	v10 =	vadd.f32 v11, v10;
	v9 =	vadd.f32 v20, v9;
	v11 =	vshll.u32 v13, $0x10;
	v20 =	vld [tilespmem:s20+$0xFFFFFF80]  }
0x44d: {  	v13 =	vand.u32 $0xFFFF0000, v13;
	v29 =	vld [tilespmem:s20+$0xFFFFFFC0]  }
0x44e: {  	v10 =	vadd.f32 v11, v10;
	v9 =	vadd.f32 v13, v9;
	v11 =	vshll.u32 v21, $0x10;
	v13 =	vld [tilespmem:s20+$0x0]  }
0x44f: {  	v21 =	vand.u32 $0xFFFF0000, v21  }
0x450: {  	v10 =	vadd.f32 v11, v10;
	v9 =	vadd.f32 v21, v9;
	v11 =	vshll.u32 v15, $0x10  }
0x451: {  	v15 =	vand.u32 $0xFFFF0000, v15  }
0x452: {  	v10 =	vadd.f32 v11, v10;
	v11 =	vadd.f32 v15, v9;
	v15 =	vshll.u32 v22, $0x10  }
0x453: {  	v21 =	vand.u32 $0xFFFF0000, v22;
	v9 =	vand.u32 $0xFFFF0000, v13  }
0x454: {  	v10 =	vadd.f32 v15, v10;
	v11 =	vadd.f32 v21, v11;
	v15 =	vshll.u32 v17, $0x10  }
0x455: {  	v17 =	vand.u32 $0xFFFF0000, v17  }
0x456: {  	v10 =	vadd.f32 v15, v10;
	v11 =	vadd.f32 v17, v11;
	v15 =	vshll.u32 v23, $0x10  }
0x457: {  	v17 =	vand.u32 $0xFFFF0000, v23  }
0x458: {  	v10 =	vadd.f32 v15, v10;
	v11 =	vadd.f32 v17, v11;
	v15 =	vshll.u32 v16, $0x10  }
0x459: {  	v16 =	vand.u32 $0xFFFF0000, v16  }
0x45a: {  	v10 =	vadd.f32 v15, v10;
	v11 =	vadd.f32 v16, v11;
	v15 =	vshll.u32 v24, $0x10  }
0x45b: {  	v16 =	vand.u32 $0xFFFF0000, v24  }
0x45c: {  	v10 =	vadd.f32 v15, v10;
	v11 =	vadd.f32 v16, v11;
	v15 =	vshll.u32 v18, $0x10  }
0x45d: {  	v16 =	vand.u32 $0xFFFF0000, v18  }
0x45e: {  	v10 =	vadd.f32 v15, v10;
	v11 =	vadd.f32 v16, v11;
	v15 =	vshll.u32 v25, $0x10  }
0x45f: {  	v16 =	vand.u32 $0xFFFF0000, v25  }
0x460: {  	v10 =	vadd.f32 v15, v10;
	v11 =	vadd.f32 v16, v11;
	v15 =	vshll.u32 v14, $0x10  }
0x461: {  	v14 =	vand.u32 $0xFFFF0000, v14  }
0x462: {  	v10 =	vadd.f32 v15, v10;
	v11 =	vadd.f32 v14, v11;
	v14 =	vshll.u32 v26, $0x10  }
0x463: {  	v15 =	vand.u32 $0xFFFF0000, v26  }
0x464: {  	v10 =	vadd.f32 v14, v10;
	v11 =	vadd.f32 v15, v11;
	v14 =	vshll.u32 v19, $0x10  }
0x465: {  	v15 =	vand.u32 $0xFFFF0000, v19  }
0x466: {  	v10 =	vadd.f32 v14, v10;
	v11 =	vadd.f32 v15, v11;
	v14 =	vshll.u32 v27, $0x10  }
0x467: {  	v15 =	vand.u32 $0xFFFF0000, v27  }
0x468: {  	v10 =	vadd.f32 v14, v10;
	v11 =	vadd.f32 v15, v11;
	v14 =	vshll.u32 v12, $0x10  }
0x469: {  	v12 =	vand.u32 $0xFFFF0000, v12  }
0x46a: {  	v10 =	vadd.f32 v14, v10;
	v11 =	vadd.f32 v12, v11;
	v12 =	vshll.u32 v28, $0x10  }
0x46b: {  	v14 =	vand.u32 $0xFFFF0000, v28  }
.Ltmp3:
0x46c: {  	v12 =	vadd.f32 v12, v10;
	v11 =	vadd.f32 v14, v11;
	v14 =	vshll.u32 v20, $0x10;
	(pc) =	sbr.rel @p1 .LBB2_5-.Ltmp3, $4  }
0x46d: {  	v15 =	vand.u32 $0xFFFF0000, v20;
	v10 =	vor.u32 v6, v8  }
0x46e: {  	v12 =	vadd.f32 v14, v12;
	v14 =	vadd.f32 v15, v11;
	v11 =	vshll.u32 v29, $0x10  }
0x46f: {  	v8 =	vor.u32 v7, v8;
	v15 =	vand.u32 $0xFFFF0000, v29  }
0x470: {  	v13 =	vshll.u32 v13, $0x10;
	v11 =	vadd.f32 v11, v12;
	v12 =	vadd.f32 v15, v14  }
0x471: {  	_ = 	snop  }
.Ltmp4:
0x472: {  	_ = 	snop;
	(pc) =	sbr.rel @p0 .LBB2_8-.Ltmp4, $4  }
0x473: {  	v11 =	vadd.f32 v13, v11  }
0x474: {  	v9 =	vadd.f32 v9, v12  }
0x475: {  	[tilespmem:v10+s12+$0x0] =	vst.idx.msk $0xffff, v11  }
0x476: {  	[tilespmem:v8+s12+$0x0] =	vst.idx.msk $0xffff, v9  }
.Ltmp5:
0x477: {  	(pc) =	sbr.rel .LBB2_2-.Ltmp5, $4  }
0x478: {  	_ = 	snop  }
0x479: {  	s19 =	sshrl.u32 s19, $0x2;
	s18 =	sadd.s32 $0x1, s18  }
0x47a: {  	s17 =	sadd.s32 $0x8, s17;
	s16 =	sadd.s32 $0x8, s16;
	s19 =	sadd.s32 $0x180, s19  }
0x47b: {  	[tilespmem:s10], [sflag:$0x2] =	stream.indirect.gather [hbm4b:s3+s8], $0x40, s19, s8, $0xb8;
	[tilespmem:$0x18000] =	vst v63  }
.LBB2_9:
0x47c: {  	_ =	sfence.sel $0x180000  }
0x47d: {  	[bflag:$0x0] =	sbarrier.arrive $0xFFFF  }
0x47e: {  	p0 =	sne.s32 s1, $0x0;
	_ =	strace $0x90000047  }
0x47f: {  	s0 =	sadd.s32 @!p0 $0x100000, s0;
	[bflag:$0x2] =	sbarrier.arrive $0xFFFF  }
0x480: {  	[sflag:s0] =	ssyncadd.tile.s32 @!p0 $0x1;
	_ =	shalt  }
.Lfunc_end2:
_tile_overlayer_lowered:
.L_overlay_start_2:
0x481: {  	(tag) =	ssettag $0x2  }
0x482: {  	s0 =	rddreg [dreg:$0x0];
	s2 =	stileid.u32  }
0x483: {  	s1 =	rddreg [dreg:$0x1];
	p0 =	sne.s32 s2, $0x0  }
0x484: {  	s3 =	rddreg [dreg:$0x2];
	[bflag:$0x3] =	sbarrier.arrive $0xFFFF;
	s2 =	simm.s32 @!p0 $0x1C03  }
0x485: {  	[timem:s3], [sflag:s2] =	dma.local @!p0 [hbm:s0], s1  }
0x486: {  	s0 =	simm.s32 @!p0 $0x3  }
0x487: {  	_ =	swait.ge @!p0 [sflag:s0], s1  }
0x488: {  	s1 =	ssub.s32 @!p0 $0x0, s1;
	[sflag:s0] =	ssyncset.done @!p0 $0x0  }
0x489: {  	[sflag:s0] =	ssyncadd.s32 @!p0 s1  }
0x48a: {  	[bflag:$0x3] =	sbarrier.arrive $0xFFFF  }
0x48b: {  	_ =	shalt  }

</sc_bundles>
